<compile_context>
chip_gen: v7x
topology: tpu7x:2x2x1
jax: 0.10.2.dev20260603
libtpu: 0.0.44.dev20260713+nightly
codegen_flags: <defaults>
</compile_context>

<pallas_src>
import functools

import jax
import jax.numpy as jnp
from jax import lax
from jax.experimental import pallas as pl
from jax.experimental.pallas import tpu as pltpu
from jax.experimental.pallas import tpu_sc as plsc

N = 10000
D = 128
G = 64
NC, NS = 2, 16
NW = NC * NS
CHUNK = 112
CPT = 90
NB = 3
NT = CPT // NB
EPT = CHUNK * CPT
E_PAD = NW * EPT
WIN = 6
NWIN = CPT // WIN
SLOTS = 2 * WIN
N_PAD = 10240
RPT = N_PAD // NS
BLK = 256
NGRID = N_PAD // BLK


def _sc_deg_body(dstr, zeros1, dcnt, acc, idx_all, ones_v, s0, s1, s2):
    c = lax.axis_index("c")
    s = lax.axis_index("s")
    w = c * NS + s
    r0 = s * RPT
    sems = [s0, s1, s2]
    pltpu.sync_copy(zeros1.at[pl.ds(r0, RPT)], acc.at[pl.ds(r0, RPT)])
    pltpu.sync_copy(dstr.at[w], idx_all)
    offs = list(range(0, CHUNK - 15, 16))
    if CHUNK % 16:
        offs.append(CHUNK - 16)
    for o in offs:
        ones_v[pl.ds(o, 16)] = jnp.ones((16,), jnp.float32)
    plsc.subcore_barrier()

    def body(t, carry):
        g0 = t * NB
        for p in range(NB):
            q = g0 + p
            pltpu.make_async_copy(ones_v, acc.at[idx_all.at[q // WIN, lax.rem(q, WIN)]],
                                  sems[p]).start(add=True)
        for p in range(NB):
            q = g0 + p
            pltpu.make_async_copy(ones_v, acc.at[idx_all.at[q // WIN, lax.rem(q, WIN)]],
                                  sems[p]).wait()
        return carry

    lax.fori_loop(0, NT, body, 0)
    plsc.subcore_barrier()
    pltpu.sync_copy(acc.at[pl.ds(r0, RPT)], dcnt.at[c, pl.ds(r0, RPT)])


@functools.cache
def _sc_deg_kernel():
    mesh = plsc.VectorSubcoreMesh(core_axis_name="c", subcore_axis_name="s")
    return pl.kernel(
        _sc_deg_body,
        out_type=jax.ShapeDtypeStruct((NC, N_PAD), jnp.float32),
        mesh=mesh,
        scratch_types=[
            pltpu.VMEM_SHARED((N_PAD,), jnp.float32),
            pltpu.VMEM((NWIN, WIN, CHUNK), jnp.int32),
            pltpu.VMEM((CHUNK,), jnp.float32),
            pltpu.SemaphoreType.DMA,
            pltpu.SemaphoreType.DMA,
            pltpu.SemaphoreType.DMA,
        ],
    )




def _sc_agg_body(hp, srcr, dstr, zeros2, out, acc, idx_s, idx_d,
                 r0b, r1b, r2b, g0s, g1s, g2s, s0s, s1s, s2s, isem):
    c = lax.axis_index("c")
    s = lax.axis_index("s")
    w = c * NS + s
    r0 = s * RPT
    rows = [r0b, r1b, r2b]
    gsem = [g0s, g1s, g2s]
    ssem = [s0s, s1s, s2s]

    @pl.when(c == 0)
    def _():
        pltpu.make_async_copy(hp.at[pl.ds(r0, RPT), :],
                              acc.at[pl.ds(r0, RPT), :], isem).start()

    @pl.when(c != 0)
    def _():
        pltpu.make_async_copy(zeros2.at[pl.ds(r0, RPT), :],
                              acc.at[pl.ds(r0, RPT), :], isem).start()

    pltpu.sync_copy(srcr.at[w, pl.ds(0, 2)], idx_s)
    pltpu.sync_copy(dstr.at[w, pl.ds(0, 2)], idx_d)

    @pl.when(c == 0)
    def _():
        pltpu.make_async_copy(hp.at[pl.ds(r0, RPT), :],
                              acc.at[pl.ds(r0, RPT), :], isem).wait()

    @pl.when(c != 0)
    def _():
        pltpu.make_async_copy(zeros2.at[pl.ds(r0, RPT), :],
                              acc.at[pl.ds(r0, RPT), :], isem).wait()

    plsc.subcore_barrier()

    def win_pref_wait():
        pltpu.make_async_copy(srcr.at[w, 0], idx_s.at[0], isem).wait()
        pltpu.make_async_copy(dstr.at[w, 0], idx_d.at[0], isem).wait()

    def win_pref_start(win):
        h = lax.rem(win, 2)
        pltpu.make_async_copy(srcr.at[w, win], idx_s.at[h], isem).start()
        pltpu.make_async_copy(dstr.at[w, win], idx_d.at[h], isem).start()

    for p in range(3):
        pltpu.make_async_copy(hp.at[idx_s.at[0, p]], rows[p], gsem[p]).start()

    def step(g, j):
        pltpu.make_async_copy(hp.at[idx_s.at[lax.rem(g // WIN, 2), lax.rem(g, WIN)]], rows[j],
                              gsem[j]).wait()
        pltpu.make_async_copy(rows[j], acc.at[idx_d.at[lax.rem(g // WIN, 2), lax.rem(g, WIN)]],
                              ssem[j]).start(add=True)

        jp = (j + 2) % 3

        @pl.when(jnp.logical_and(g >= 1, g + 2 <= CPT - 1))
        def _():
            pltpu.make_async_copy(rows[jp],
                                  acc.at[idx_d.at[lax.rem((g - 1) // WIN, 2), lax.rem(g - 1, WIN)]],
                                  ssem[jp]).wait()

            @pl.when(
                jnp.logical_and(lax.rem(g + 2, WIN) == 0, (g + 2) // WIN >= 2))
            def _():
                win_pref_wait()

            pltpu.make_async_copy(hp.at[idx_s.at[lax.rem((g + 2) // WIN, 2), lax.rem(g + 2, WIN)]],
                                  rows[jp], gsem[jp]).start()

        @pl.when(jnp.logical_and(lax.rem(g, WIN) == 0,
                                 jnp.logical_and(g >= WIN,
                                                 g // WIN + 1 <= NWIN - 1)))
        def _():
            win_pref_start(g // WIN + 1)

    def body(m, carry):
        for j in range(3):
            step(3 * m + j, j)
        return carry

    lax.fori_loop(0, CPT // 3, body, 0)
    for j in range(3):
        g = CPT - 3 + j
        pltpu.make_async_copy(
            rows[j], acc.at[idx_d.at[lax.rem(g // WIN, 2), lax.rem(g, WIN)]],
            ssem[j]).wait()
    plsc.subcore_barrier()
    pltpu.sync_copy(acc.at[pl.ds(r0, RPT), :], out.at[c, pl.ds(r0, RPT), :])


@functools.cache
def _sc_agg_kernel():
    mesh = plsc.VectorSubcoreMesh(core_axis_name="c", subcore_axis_name="s")
    return pl.kernel(
        _sc_agg_body,
        out_type=jax.ShapeDtypeStruct((NC, N_PAD, D), jnp.float32),
        mesh=mesh,
        scratch_types=[
            pltpu.VMEM_SHARED((N_PAD, D), jnp.float32),
            pltpu.VMEM((2, WIN, CHUNK), jnp.int32),
            pltpu.VMEM((2, WIN, CHUNK), jnp.int32),
            pltpu.VMEM((CHUNK, D), jnp.float32),
            pltpu.VMEM((CHUNK, D), jnp.float32),
            pltpu.VMEM((CHUNK, D), jnp.float32),
            pltpu.SemaphoreType.DMA,
            pltpu.SemaphoreType.DMA,
            pltpu.SemaphoreType.DMA,
            pltpu.SemaphoreType.DMA,
            pltpu.SemaphoreType.DMA,
            pltpu.SemaphoreType.DMA,
            pltpu.SemaphoreType.DMA,
        ],
    )


def _dis(d0, d1):
    deg = d0 + d1 + 1.0
    return jnp.where(deg > 0, lax.rsqrt(jnp.maximum(deg, 1e-12)), 0.0)


def _tc_first_body(x_ref, w_ref, d0_ref, d1_ref, o_ref):
    dis = _dis(d0_ref[...], d1_ref[...])
    o_ref[...] = dis * jnp.dot(
        x_ref[...], w_ref[...], preferred_element_type=jnp.float32
    )


def _tc_first(xp, W0, d0, d1):
    return pl.pallas_call(
        _tc_first_body,
        out_shape=jax.ShapeDtypeStruct((N_PAD, D), jnp.float32),
        grid=(NGRID,),
        in_specs=[
            pl.BlockSpec((BLK, D), lambda i: (i, 0)),
            pl.BlockSpec((D, D), lambda i: (0, 0)),
            pl.BlockSpec((BLK, 1), lambda i: (i, 0)),
            pl.BlockSpec((BLK, 1), lambda i: (i, 0)),
        ],
        out_specs=pl.BlockSpec((BLK, D), lambda i: (i, 0)),
    )(xp, W0, d0, d1)


def _tc_mid_body(p_ref, d0_ref, d1_ref, b_ref, w_ref, o_ref):
    dis = _dis(d0_ref[...], d1_ref[...])
    y = dis * (p_ref[0] + p_ref[1]) + b_ref[...]
    y = jnp.where(y >= 0, y, 0.01 * y)
    o_ref[...] = dis * jnp.dot(y, w_ref[...], preferred_element_type=jnp.float32)


def _tc_mid(p, d0, d1, b, W):
    return pl.pallas_call(
        _tc_mid_body,
        out_shape=jax.ShapeDtypeStruct((N_PAD, D), jnp.float32),
        grid=(NGRID,),
        in_specs=[
            pl.BlockSpec((NC, BLK, D), lambda i: (0, i, 0)),
            pl.BlockSpec((BLK, 1), lambda i: (i, 0)),
            pl.BlockSpec((BLK, 1), lambda i: (i, 0)),
            pl.BlockSpec((1, D), lambda i: (0, 0)),
            pl.BlockSpec((D, D), lambda i: (0, 0)),
        ],
        out_specs=pl.BlockSpec((BLK, D), lambda i: (i, 0)),
    )(p, d0, d1, b, W)


def _tc_final_body(p_ref, d0_ref, d1_ref, b_ref, batch_ref, o_ref, acc, cnt):
    i = pl.program_id(0)

    @pl.when(i == 0)
    def _():
        acc[...] = jnp.zeros_like(acc)
        cnt[...] = jnp.zeros_like(cnt)

    dis = _dis(d0_ref[...], d1_ref[...])
    y = dis * (p_ref[0] + p_ref[1]) + b_ref[...]
    y = jnp.where(y >= 0, y, 0.01 * y)
    gids = lax.broadcasted_iota(jnp.int32, (BLK, G), 1)
    oh = (gids == batch_ref[...]).astype(jnp.float32)
    acc[...] += lax.dot_general(
        oh, y, (((0,), (0,)), ((), ())), preferred_element_type=jnp.float32
    )
    cnt[...] += lax.dot_general(
        oh,
        jnp.ones((BLK, 1), jnp.float32),
        (((0,), (0,)), ((), ())),
        preferred_element_type=jnp.float32,
    )

    @pl.when(i == NGRID - 1)
    def _():
        o_ref[...] = acc[...] / jnp.maximum(cnt[...], 1.0)


def _tc_final(p, d0, d1, b, batchp):
    return pl.pallas_call(
        _tc_final_body,
        out_shape=jax.ShapeDtypeStruct((G, D), jnp.float32),
        grid=(NGRID,),
        in_specs=[
            pl.BlockSpec((NC, BLK, D), lambda i: (0, i, 0)),
            pl.BlockSpec((BLK, 1), lambda i: (i, 0)),
            pl.BlockSpec((BLK, 1), lambda i: (i, 0)),
            pl.BlockSpec((1, D), lambda i: (0, 0)),
            pl.BlockSpec((BLK, 1), lambda i: (i, 0)),
        ],
        out_specs=pl.BlockSpec((G, D), lambda i: (0, 0)),
        scratch_shapes=[
            pltpu.VMEM((G, D), jnp.float32),
            pltpu.VMEM((G, 1), jnp.float32),
        ],
    )(p, d0, d1, b, batchp)


def kernel(x, edge_index, batch, W0, b0, W1, b1, W2, b2):
    src = edge_index[0].astype(jnp.int32)
    dst = edge_index[1].astype(jnp.int32)
    e = src.shape[0]
    pad = E_PAD - e
    pidx = jnp.arange(pad, dtype=jnp.int32)
    npad = N_PAD - N
    srcr = jnp.concatenate(
        [src, N + (pidx % npad)]).reshape(NW, NWIN, WIN, CHUNK)
    dstr = jnp.concatenate(
        [dst, N + ((pidx * 7 + 3) % npad)]).reshape(NW, NWIN, WIN, CHUNK)
    xp = jnp.pad(x, ((0, npad), (0, 0)))
    batchp = jnp.pad(
        batch.astype(jnp.int32), ((0, npad),), constant_values=G
    )[:, None]
    zeros1 = jnp.zeros((N_PAD,), jnp.float32)
    zeros2 = jnp.zeros((N_PAD, D), jnp.float32)

    dcnt = _sc_deg_kernel()(dstr, zeros1)
    d0 = dcnt[0][:, None]
    d1 = dcnt[1][:, None]

    hp = _tc_first(xp, W0, d0, d1)
    p = _sc_agg_kernel()(hp, srcr, dstr, zeros2)
    hp = _tc_mid(p, d0, d1, b0.reshape(1, D), W1)
    p = _sc_agg_kernel()(hp, srcr, dstr, zeros2)
    hp = _tc_mid(p, d0, d1, b1.reshape(1, D), W2)
    p = _sc_agg_kernel()(hp, srcr, dstr, zeros2)
    feat = _tc_final(p, d0, d1, b2.reshape(1, D), batchp)
    return (feat, jnp.float32(0.0))

# --- scband reference (transcript-rebuilt; emitter-appended) ---
"""Pipeline reference for scband-base-line-38019050504559 (READ-ONLY COPY).

The authoritative reference and input builder live on the scoring server;
editing this copy changes nothing except your own understanding.
"""

import jax, jax.numpy as jnp
import numpy as np

N = 10000
E = 320000
D = 128
G = 64


def setup_inputs(seed: int = 0) -> dict:
    key = jax.random.key(seed)
    ks = jax.random.split(key, 10)
    x = jax.random.normal(ks[0], (N, D), dtype=jnp.float32)
    edge_index = jax.random.randint(ks[1], (2, E), 0, N)
    batch = jnp.sort(jax.random.randint(ks[2], (N,), 0, G))
    W0 = jax.random.normal(ks[3], (D, D), dtype=jnp.float32) * 0.05
    b0 = jnp.zeros((D,), dtype=jnp.float32)
    W1 = jax.random.normal(ks[4], (D, D), dtype=jnp.float32) * 0.05
    b1 = jnp.zeros((D,), dtype=jnp.float32)
    W2 = jax.random.normal(ks[5], (D, D), dtype=jnp.float32) * 0.05
    b2 = jnp.zeros((D,), dtype=jnp.float32)
    return {"x": x, "edge_index": edge_index, "batch": batch,
            "W0": W0, "b0": b0, "W1": W1, "b1": b1, "W2": W2, "b2": b2}


def reference(x, edge_index, batch, W0, b0, W1, b1, W2, b2):
    n = x.shape[0]
    # GCN normalization with added self-loops: A_hat = D^{-1/2} (A + I) D^{-1/2}
    src = jnp.concatenate([edge_index[0], jnp.arange(n)])
    dst = jnp.concatenate([edge_index[1], jnp.arange(n)])
    deg = jax.ops.segment_sum(jnp.ones_like(src, dtype=x.dtype), dst, num_segments=n)
    dis = jnp.where(deg > 0, jax.lax.rsqrt(jnp.maximum(deg, 1e-12)), 0.0)
    norm = dis[src] * dis[dst]
    counts = jax.ops.segment_sum(jnp.ones((n,), x.dtype), batch, num_segments=G)
    counts = jnp.maximum(counts, 1.0)

    def gcn_conv(h, W, b):
        h = h @ W
        msg = h[src] * norm[:, None]
        return jax.ops.segment_sum(msg, dst, num_segments=n) + b

    feat = None
    for (W, b) in ((W0, b0), (W1, b1), (W2, b2)):
        x = gcn_conv(x, W, b)
        x = jax.nn.leaky_relu(x, negative_slope=0.01)
        feat = jax.ops.segment_sum(x, batch, num_segments=G) / counts[:, None]
    return (feat, jnp.float32(0.0))

if __name__ == "__main__":
    import jax
    _d = setup_inputs()
    print(jax.jit(kernel)(*tuple(_d.values())))

</pallas_src>

<mosaic_0001>
#map = affine_map<(d0, d1) -> (0, 0)>
#map1 = affine_map<(d0, d1) -> (0, 0, 0, 0)>
#map2 = affine_map<(d0, d1) -> (0, 0, 0)>
module attributes {stable_mosaic.version = 14 : i64} {
  func.func @_sc_agg_body(%arg0: i32, %arg1: i32, %arg2: memref<10240x128xf32, #tpu.memory_space<hbm>>, %arg3: memref<32x15x6x112xi32, #tpu.memory_space<hbm>>, %arg4: memref<32x15x6x112xi32, #tpu.memory_space<hbm>>, %arg5: memref<10240x128xf32, #tpu.memory_space<hbm>>, %arg6: memref<2x10240x128xf32, #tpu.memory_space<hbm>>, %arg7: memref<10240x128xf32, #tpu.memory_space<vmem_shared>>, %arg8: memref<2x6x112xi32, #tpu.memory_space<vmem>>, %arg9: memref<2x6x112xi32, #tpu.memory_space<vmem>>, %arg10: memref<112x128xf32, #tpu.memory_space<vmem>>, %arg11: memref<112x128xf32, #tpu.memory_space<vmem>>, %arg12: memref<112x128xf32, #tpu.memory_space<vmem>>, %arg13: memref<!tpu.dma_semaphore, #tpu.memory_space<semaphore_mem>>, %arg14: memref<!tpu.dma_semaphore, #tpu.memory_space<semaphore_mem>>, %arg15: memref<!tpu.dma_semaphore, #tpu.memory_space<semaphore_mem>>, %arg16: memref<!tpu.dma_semaphore, #tpu.memory_space<semaphore_mem>>, %arg17: memref<!tpu.dma_semaphore, #tpu.memory_space<semaphore_mem>>, %arg18: memref<!tpu.dma_semaphore, #tpu.memory_space<semaphore_mem>>, %arg19: memref<!tpu.dma_semaphore, #tpu.memory_space<semaphore_mem>>) attributes {dimension_semantics = [#tpu.dimension_semantics<core_parallel>, #tpu.dimension_semantics<subcore_parallel>], iteration_bounds = array<i64: 2, 16>, scalar_prefetch = 0 : i64, scratch_operands = 13 : i64, tpu.core_type = #tpu.core_type<sc_vector_subcore>, window_params = [{transform_indices = #map}, {transform_indices = #map1}, {transform_indices = #map1}, {transform_indices = #map}, {transform_indices = #map2}]} {
    %mul3A = arith.constant 16 : i32
    %mul3A_0 = arith.muli %arg0, %mul3A : i32
    %add3A = arith.addi %mul3A_0, %arg1 : i32
    %mul3A_1 = arith.constant 640 : i32
    %mul3A_2 = arith.muli %arg1, %mul3A_1 : i32
    %eq3A = arith.constant 0 : i32
    %eq3A_3 = arith.cmpi eq, %arg0, %eq3A : i32
    %convert_element_type3A = arith.extui %eq3A_3 : i1 to i32
    %cond3A = arith.constant 0 : i32
    %cond3A_4 = arith.cmpi ne, %convert_element_type3A, %cond3A : i32
    scf.if %cond3A_4 {
      %dma_start3A_82 = arith.constant 0 : i32
      %dma_start3A_83 = tpu.memref_slice %arg7[%mul3A_2, %dma_start3A_82] : memref<10240x128xf32, #tpu.memory_space<vmem_shared>> -> memref<640x128xf32, #tpu.memory_space<vmem_shared>>
      %dma_start3A_84 = arith.constant 0 : i32
      %dma_start3A_85 = tpu.memref_slice %arg2[%mul3A_2, %dma_start3A_84] : memref<10240x128xf32, #tpu.memory_space<hbm>> -> memref<640x128xf32, #tpu.memory_space<hbm>>
      tpu.enqueue_dma source(%dma_start3A_85 : memref<640x128xf32, #tpu.memory_space<hbm>>) target(%dma_start3A_83 : memref<640x128xf32, #tpu.memory_space<vmem_shared>>) target_semaphore(%arg19 : memref<!tpu.dma_semaphore, #tpu.memory_space<semaphore_mem>>)
    } else {
    }
    %ne3A = arith.constant 0 : i32
    %ne3A_5 = arith.cmpi ne, %arg0, %ne3A : i32
    %convert_element_type3A_6 = arith.extui %ne3A_5 : i1 to i32
    %cond3A_7 = arith.constant 0 : i32
    %cond3A_8 = arith.cmpi ne, %convert_element_type3A_6, %cond3A_7 : i32
    scf.if %cond3A_8 {
      %dma_start3A_82 = arith.constant 0 : i32
      %dma_start3A_83 = tpu.memref_slice %arg7[%mul3A_2, %dma_start3A_82] : memref<10240x128xf32, #tpu.memory_space<vmem_shared>> -> memref<640x128xf32, #tpu.memory_space<vmem_shared>>
      %dma_start3A_84 = arith.constant 0 : i32
      %dma_start3A_85 = tpu.memref_slice %arg5[%mul3A_2, %dma_start3A_84] : memref<10240x128xf32, #tpu.memory_space<hbm>> -> memref<640x128xf32, #tpu.memory_space<hbm>>
      tpu.enqueue_dma source(%dma_start3A_85 : memref<640x128xf32, #tpu.memory_space<hbm>>) target(%dma_start3A_83 : memref<640x128xf32, #tpu.memory_space<vmem_shared>>) target_semaphore(%arg19 : memref<!tpu.dma_semaphore, #tpu.memory_space<semaphore_mem>>)
    } else {
    }
    "tpu.region"() ({
      %run_scoped3A = tpu.sem_alloc : memref<!tpu.dma_semaphore, #tpu.memory_space<semaphore_mem>>
      %dma_start3A_82 = arith.constant 0 : i32
      %dma_start3A_83 = arith.constant 0 : i32
      %dma_start3A_84 = arith.constant 0 : i32
      %dma_start3A_85 = tpu.memref_slice %arg3[%add3A, %dma_start3A_82, %dma_start3A_83, %dma_start3A_84] : memref<32x15x6x112xi32, #tpu.memory_space<hbm>> -> memref<1x2x6x112xi32, #tpu.memory_space<hbm>>
      %dma_start3A_86 = tpu.memref_squeeze %dma_start3A_85 : memref<1x2x6x112xi32, #tpu.memory_space<hbm>> -> memref<2x6x112xi32, #tpu.memory_space<hbm>>
      %dma_start3A_87 = arith.constant 0 : i32
      %dma_start3A_88 = arith.constant 0 : i32
      %dma_start3A_89 = arith.constant 0 : i32
      %dma_start3A_90 = tpu.memref_slice %arg3[%add3A, %dma_start3A_87, %dma_start3A_88, %dma_start3A_89] : memref<32x15x6x112xi32, #tpu.memory_space<hbm>> -> memref<1x2x6x112xi32, #tpu.memory_space<hbm>>
      %dma_start3A_91 = tpu.memref_squeeze %dma_start3A_90 : memref<1x2x6x112xi32, #tpu.memory_space<hbm>> -> memref<2x6x112xi32, #tpu.memory_space<hbm>>
      tpu.enqueue_dma source(%dma_start3A_91 : memref<2x6x112xi32, #tpu.memory_space<hbm>>) target(%arg8 : memref<2x6x112xi32, #tpu.memory_space<vmem>>) target_semaphore(%run_scoped3A : memref<!tpu.dma_semaphore, #tpu.memory_space<semaphore_mem>>)
      %dma_wait3A_92 = arith.constant 0 : i32
      %dma_wait3A_93 = arith.constant 0 : i32
      %dma_wait3A_94 = arith.constant 0 : i32
      %dma_wait3A_95 = tpu.memref_slice %arg3[%add3A, %dma_wait3A_92, %dma_wait3A_93, %dma_wait3A_94] : memref<32x15x6x112xi32, #tpu.memory_space<hbm>> -> memref<1x2x6x112xi32, #tpu.memory_space<hbm>>
      %dma_wait3A_96 = tpu.memref_squeeze %dma_wait3A_95 : memref<1x2x6x112xi32, #tpu.memory_space<hbm>> -> memref<2x6x112xi32, #tpu.memory_space<hbm>>
      %dma_wait3A_97 = arith.constant 0 : i32
      %dma_wait3A_98 = arith.constant 0 : i32
      %dma_wait3A_99 = arith.constant 0 : i32
      %dma_wait3A_100 = tpu.memref_slice %arg3[%add3A, %dma_wait3A_97, %dma_wait3A_98, %dma_wait3A_99] : memref<32x15x6x112xi32, #tpu.memory_space<hbm>> -> memref<1x2x6x112xi32, #tpu.memory_space<hbm>>
      %dma_wait3A_101 = tpu.memref_squeeze %dma_wait3A_100 : memref<1x2x6x112xi32, #tpu.memory_space<hbm>> -> memref<2x6x112xi32, #tpu.memory_space<hbm>>
      tpu.wait_dma2 semaphore(%run_scoped3A : memref<!tpu.dma_semaphore, #tpu.memory_space<semaphore_mem>>) src(%dma_wait3A_101 : memref<2x6x112xi32, #tpu.memory_space<hbm>>) dst(%arg8 : memref<2x6x112xi32, #tpu.memory_space<vmem>>)
      tpu.yield
    }) : () -> ()
    "tpu.region"() ({
      %run_scoped3A = tpu.sem_alloc : memref<!tpu.dma_semaphore, #tpu.memory_space<semaphore_mem>>
      %dma_start3A_82 = arith.constant 0 : i32
      %dma_start3A_83 = arith.constant 0 : i32
      %dma_start3A_84 = arith.constant 0 : i32
      %dma_start3A_85 = tpu.memref_slice %arg4[%add3A, %dma_start3A_82, %dma_start3A_83, %dma_start3A_84] : memref<32x15x6x112xi32, #tpu.memory_space<hbm>> -> memref<1x2x6x112xi32, #tpu.memory_space<hbm>>
      %dma_start3A_86 = tpu.memref_squeeze %dma_start3A_85 : memref<1x2x6x112xi32, #tpu.memory_space<hbm>> -> memref<2x6x112xi32, #tpu.memory_space<hbm>>
      %dma_start3A_87 = arith.constant 0 : i32
      %dma_start3A_88 = arith.constant 0 : i32
      %dma_start3A_89 = arith.constant 0 : i32
      %dma_start3A_90 = tpu.memref_slice %arg4[%add3A, %dma_start3A_87, %dma_start3A_88, %dma_start3A_89] : memref<32x15x6x112xi32, #tpu.memory_space<hbm>> -> memref<1x2x6x112xi32, #tpu.memory_space<hbm>>
      %dma_start3A_91 = tpu.memref_squeeze %dma_start3A_90 : memref<1x2x6x112xi32, #tpu.memory_space<hbm>> -> memref<2x6x112xi32, #tpu.memory_space<hbm>>
      tpu.enqueue_dma source(%dma_start3A_91 : memref<2x6x112xi32, #tpu.memory_space<hbm>>) target(%arg9 : memref<2x6x112xi32, #tpu.memory_space<vmem>>) target_semaphore(%run_scoped3A : memref<!tpu.dma_semaphore, #tpu.memory_space<semaphore_mem>>)
      %dma_wait3A_92 = arith.constant 0 : i32
      %dma_wait3A_93 = arith.constant 0 : i32
      %dma_wait3A_94 = arith.constant 0 : i32
      %dma_wait3A_95 = tpu.memref_slice %arg4[%add3A, %dma_wait3A_92, %dma_wait3A_93, %dma_wait3A_94] : memref<32x15x6x112xi32, #tpu.memory_space<hbm>> -> memref<1x2x6x112xi32, #tpu.memory_space<hbm>>
      %dma_wait3A_96 = tpu.memref_squeeze %dma_wait3A_95 : memref<1x2x6x112xi32, #tpu.memory_space<hbm>> -> memref<2x6x112xi32, #tpu.memory_space<hbm>>
      %dma_wait3A_97 = arith.constant 0 : i32
      %dma_wait3A_98 = arith.constant 0 : i32
      %dma_wait3A_99 = arith.constant 0 : i32
      %dma_wait3A_100 = tpu.memref_slice %arg4[%add3A, %dma_wait3A_97, %dma_wait3A_98, %dma_wait3A_99] : memref<32x15x6x112xi32, #tpu.memory_space<hbm>> -> memref<1x2x6x112xi32, #tpu.memory_space<hbm>>
      %dma_wait3A_101 = tpu.memref_squeeze %dma_wait3A_100 : memref<1x2x6x112xi32, #tpu.memory_space<hbm>> -> memref<2x6x112xi32, #tpu.memory_space<hbm>>
      tpu.wait_dma2 semaphore(%run_scoped3A : memref<!tpu.dma_semaphore, #tpu.memory_space<semaphore_mem>>) src(%dma_wait3A_101 : memref<2x6x112xi32, #tpu.memory_space<hbm>>) dst(%arg9 : memref<2x6x112xi32, #tpu.memory_space<vmem>>)
      tpu.yield
    }) : () -> ()
    %eq3A_9 = arith.constant 0 : i32
    %eq3A_10 = arith.cmpi eq, %arg0, %eq3A_9 : i32
    %convert_element_type3A_11 = arith.extui %eq3A_10 : i1 to i32
    %cond3A_12 = arith.constant 0 : i32
    %cond3A_13 = arith.cmpi ne, %convert_element_type3A_11, %cond3A_12 : i32
    scf.if %cond3A_13 {
      %dma_wait3A_82 = arith.constant 0 : i32
      %dma_wait3A_83 = tpu.memref_slice %arg7[%mul3A_2, %dma_wait3A_82] : memref<10240x128xf32, #tpu.memory_space<vmem_shared>> -> memref<640x128xf32, #tpu.memory_space<vmem_shared>>
      %dma_wait3A_84 = arith.constant 0 : i32
      %dma_wait3A_85 = tpu.memref_slice %arg2[%mul3A_2, %dma_wait3A_84] : memref<10240x128xf32, #tpu.memory_space<hbm>> -> memref<640x128xf32, #tpu.memory_space<hbm>>
      tpu.wait_dma2 semaphore(%arg19 : memref<!tpu.dma_semaphore, #tpu.memory_space<semaphore_mem>>) src(%dma_wait3A_85 : memref<640x128xf32, #tpu.memory_space<hbm>>) dst(%dma_wait3A_83 : memref<640x128xf32, #tpu.memory_space<vmem_shared>>)
    } else {
    }
    %ne3A_14 = arith.constant 0 : i32
    %ne3A_15 = arith.cmpi ne, %arg0, %ne3A_14 : i32
    %convert_element_type3A_16 = arith.extui %ne3A_15 : i1 to i32
    %cond3A_17 = arith.constant 0 : i32
    %cond3A_18 = arith.cmpi ne, %convert_element_type3A_16, %cond3A_17 : i32
    scf.if %cond3A_18 {
      %dma_wait3A_82 = arith.constant 0 : i32
      %dma_wait3A_83 = tpu.memref_slice %arg7[%mul3A_2, %dma_wait3A_82] : memref<10240x128xf32, #tpu.memory_space<vmem_shared>> -> memref<640x128xf32, #tpu.memory_space<vmem_shared>>
      %dma_wait3A_84 = arith.constant 0 : i32
      %dma_wait3A_85 = tpu.memref_slice %arg5[%mul3A_2, %dma_wait3A_84] : memref<10240x128xf32, #tpu.memory_space<hbm>> -> memref<640x128xf32, #tpu.memory_space<hbm>>
      tpu.wait_dma2 semaphore(%arg19 : memref<!tpu.dma_semaphore, #tpu.memory_space<semaphore_mem>>) src(%dma_wait3A_85 : memref<640x128xf32, #tpu.memory_space<hbm>>) dst(%dma_wait3A_83 : memref<640x128xf32, #tpu.memory_space<vmem_shared>>)
    } else {
    }
    %barrier3A = arith.constant 0 : index
    tpu.barrier barrier_id(%barrier3A)
    %dma_start3A = arith.constant 0 : i32
    %dma_start3A_19 = arith.constant 0 : i32
    %dma_start3A_20 = arith.constant 0 : i32
    %dma_start3A_21 = tpu.memref_slice %arg8[%dma_start3A, %dma_start3A_19, %dma_start3A_20] : memref<2x6x112xi32, #tpu.memory_space<vmem>> -> memref<1x1x112xi32, #tpu.memory_space<vmem>>
    %dma_start3A_22 = tpu.memref_squeeze %dma_start3A_21 : memref<1x1x112xi32, #tpu.memory_space<vmem>> -> memref<112xi32, #tpu.memory_space<vmem>>
    %dma_start3A_23 = arith.constant 0 : i32
    %dma_start3A_24 = arith.constant 0 : i32
    %dma_start3A_25 = tpu.memref_slice %arg2[%dma_start3A_23, %dma_start3A_24] : memref<10240x128xf32, #tpu.memory_space<hbm>> -> memref<10240x128xf32, #tpu.memory_space<hbm>>
    tpu.enqueue_indirect_dma source(%dma_start3A_25 : memref<10240x128xf32, #tpu.memory_space<hbm>>) target(%arg10 : memref<112x128xf32, #tpu.memory_space<vmem>>) offsets(%dma_start3A_22 : memref<112xi32, #tpu.memory_space<vmem>>) semaphore(%arg13 : memref<!tpu.dma_semaphore, #tpu.memory_space<semaphore_mem>>)
    %dma_start3A_26 = arith.constant 0 : i32
    %dma_start3A_27 = arith.constant 1 : i32
    %dma_start3A_28 = arith.constant 0 : i32
    %dma_start3A_29 = tpu.memref_slice %arg8[%dma_start3A_26, %dma_start3A_27, %dma_start3A_28] : memref<2x6x112xi32, #tpu.memory_space<vmem>> -> memref<1x1x112xi32, #tpu.memory_space<vmem>>
    %dma_start3A_30 = tpu.memref_squeeze %dma_start3A_29 : memref<1x1x112xi32, #tpu.memory_space<vmem>> -> memref<112xi32, #tpu.memory_space<vmem>>
    %dma_start3A_31 = arith.constant 0 : i32
    %dma_start3A_32 = arith.constant 0 : i32
    %dma_start3A_33 = tpu.memref_slice %arg2[%dma_start3A_31, %dma_start3A_32] : memref<10240x128xf32, #tpu.memory_space<hbm>> -> memref<10240x128xf32, #tpu.memory_space<hbm>>
    tpu.enqueue_indirect_dma source(%dma_start3A_33 : memref<10240x128xf32, #tpu.memory_space<hbm>>) target(%arg11 : memref<112x128xf32, #tpu.memory_space<vmem>>) offsets(%dma_start3A_30 : memref<112xi32, #tpu.memory_space<vmem>>) semaphore(%arg14 : memref<!tpu.dma_semaphore, #tpu.memory_space<semaphore_mem>>)
    %dma_start3A_34 = arith.constant 0 : i32
    %dma_start3A_35 = arith.constant 2 : i32
    %dma_start3A_36 = arith.constant 0 : i32
    %dma_start3A_37 = tpu.memref_slice %arg8[%dma_start3A_34, %dma_start3A_35, %dma_start3A_36] : memref<2x6x112xi32, #tpu.memory_space<vmem>> -> memref<1x1x112xi32, #tpu.memory_space<vmem>>
    %dma_start3A_38 = tpu.memref_squeeze %dma_start3A_37 : memref<1x1x112xi32, #tpu.memory_space<vmem>> -> memref<112xi32, #tpu.memory_space<vmem>>
    %dma_start3A_39 = arith.constant 0 : i32
    %dma_start3A_40 = arith.constant 0 : i32
    %dma_start3A_41 = tpu.memref_slice %arg2[%dma_start3A_39, %dma_start3A_40] : memref<10240x128xf32, #tpu.memory_space<hbm>> -> memref<10240x128xf32, #tpu.memory_space<hbm>>
    tpu.enqueue_indirect_dma source(%dma_start3A_41 : memref<10240x128xf32, #tpu.memory_space<hbm>>) target(%arg12 : memref<112x128xf32, #tpu.memory_space<vmem>>) offsets(%dma_start3A_38 : memref<112xi32, #tpu.memory_space<vmem>>) semaphore(%arg15 : memref<!tpu.dma_semaphore, #tpu.memory_space<semaphore_mem>>)
    %scan3A = arith.constant 0 : i32
    %scan3A_42 = arith.constant 0 : i32
    %scan3A_43 = arith.constant 30 : i32
    %scan3A_44 = arith.addi %scan3A_42, %scan3A_43 : i32
    %scan3A_45 = arith.constant 1 : i32
    scf.for %scan3A_82 = %scan3A_42 to %scan3A_44 step %scan3A_45  : i32 {
      %mul3A_83 = arith.constant 3 : i32
      %mul3A_84 = arith.muli %mul3A_83, %scan3A_82 : i32
      %add3A_85 = arith.constant 0 : i32
      %add3A_86 = arith.addi %mul3A_84, %add3A_85 : i32
      %jit3A = arith.constant 6 : i32
      %div3A = arith.divsi %add3A_86, %jit3A : i32
      %sign3A = arith.constant 0 : i32
      %sign3A_87 = arith.cmpi sgt, %add3A_86, %sign3A : i32
      %sign3A_88 = arith.extui %sign3A_87 : i1 to i32
      %sign3A_89 = arith.constant 0 : i32
      %sign3A_90 = arith.cmpi slt, %add3A_86, %sign3A_89 : i32
      %sign3A_91 = arith.extui %sign3A_90 : i1 to i32
      %sign3A_92 = arith.subi %sign3A_88, %sign3A_91 : i32
      %sign3A_93 = arith.constant 0 : i32
      %sign3A_94 = arith.cmpi sgt, %jit3A, %sign3A_93 : i32
      %sign3A_95 = arith.extui %sign3A_94 : i1 to i32
      %sign3A_96 = arith.constant 0 : i32
      %sign3A_97 = arith.cmpi slt, %jit3A, %sign3A_96 : i32
      %sign3A_98 = arith.extui %sign3A_97 : i1 to i32
      %sign3A_99 = arith.subi %sign3A_95, %sign3A_98 : i32
      %ne3A_100 = arith.cmpi ne, %sign3A_92, %sign3A_99 : i32
      %rem3A_101 = arith.remsi %add3A_86, %jit3A : i32
      %ne3A_102 = arith.constant 0 : i32
      %ne3A_103 = arith.cmpi ne, %rem3A_101, %ne3A_102 : i32
      %and3A = arith.andi %ne3A_100, %ne3A_103 : i1
      %sub3A = arith.constant 1 : i32
      %sub3A_104 = arith.subi %div3A, %sub3A : i32
      %select_n3A = arith.select %and3A, %sub3A_104, %div3A : i32
      %rem3A_105 = arith.constant 2 : i32
      %rem3A_106 = arith.remsi %select_n3A, %rem3A_105 : i32
      %rem3A_107 = arith.constant 6 : i32
      %rem3A_108 = arith.remsi %add3A_86, %rem3A_107 : i32
      %dma_wait3A_109 = arith.constant 0 : i32
      %dma_wait3A_110 = tpu.memref_slice %arg8[%rem3A_106, %rem3A_108, %dma_wait3A_109] : memref<2x6x112xi32, #tpu.memory_space<vmem>> -> memref<1x1x112xi32, #tpu.memory_space<vmem>>
      %dma_wait3A_111 = tpu.memref_squeeze %dma_wait3A_110 : memref<1x1x112xi32, #tpu.memory_space<vmem>> -> memref<112xi32, #tpu.memory_space<vmem>>
      %dma_wait3A_112 = arith.constant 0 : i32
      %dma_wait3A_113 = arith.constant 0 : i32
      %dma_wait3A_114 = tpu.memref_slice %arg2[%dma_wait3A_112, %dma_wait3A_113] : memref<10240x128xf32, #tpu.memory_space<hbm>> -> memref<10240x128xf32, #tpu.memory_space<hbm>>
      tpu.wait_indirect_dma semaphore(%arg13 : memref<!tpu.dma_semaphore, #tpu.memory_space<semaphore_mem>>) src(%dma_wait3A_114 : memref<10240x128xf32, #tpu.memory_space<hbm>>) dst(%arg10 : memref<112x128xf32, #tpu.memory_space<vmem>>)
      %jit3A_115 = arith.constant 6 : i32
      %div3A_116 = arith.divsi %add3A_86, %jit3A_115 : i32
      %sign3A_117 = arith.constant 0 : i32
      %sign3A_118 = arith.cmpi sgt, %add3A_86, %sign3A_117 : i32
      %sign3A_119 = arith.extui %sign3A_118 : i1 to i32
      %sign3A_120 = arith.constant 0 : i32
      %sign3A_121 = arith.cmpi slt, %add3A_86, %sign3A_120 : i32
      %sign3A_122 = arith.extui %sign3A_121 : i1 to i32
      %sign3A_123 = arith.subi %sign3A_119, %sign3A_122 : i32
      %sign3A_124 = arith.constant 0 : i32
      %sign3A_125 = arith.cmpi sgt, %jit3A_115, %sign3A_124 : i32
      %sign3A_126 = arith.extui %sign3A_125 : i1 to i32
      %sign3A_127 = arith.constant 0 : i32
      %sign3A_128 = arith.cmpi slt, %jit3A_115, %sign3A_127 : i32
      %sign3A_129 = arith.extui %sign3A_128 : i1 to i32
      %sign3A_130 = arith.subi %sign3A_126, %sign3A_129 : i32
      %ne3A_131 = arith.cmpi ne, %sign3A_123, %sign3A_130 : i32
      %rem3A_132 = arith.remsi %add3A_86, %jit3A_115 : i32
      %ne3A_133 = arith.constant 0 : i32
      %ne3A_134 = arith.cmpi ne, %rem3A_132, %ne3A_133 : i32
      %and3A_135 = arith.andi %ne3A_131, %ne3A_134 : i1
      %sub3A_136 = arith.constant 1 : i32
      %sub3A_137 = arith.subi %div3A_116, %sub3A_136 : i32
      %select_n3A_138 = arith.select %and3A_135, %sub3A_137, %div3A_116 : i32
      %rem3A_139 = arith.constant 2 : i32
      %rem3A_140 = arith.remsi %select_n3A_138, %rem3A_139 : i32
      %rem3A_141 = arith.constant 6 : i32
      %rem3A_142 = arith.remsi %add3A_86, %rem3A_141 : i32
      %dma_start3A_143 = arith.constant 0 : i32
      %dma_start3A_144 = tpu.memref_slice %arg9[%rem3A_140, %rem3A_142, %dma_start3A_143] : memref<2x6x112xi32, #tpu.memory_space<vmem>> -> memref<1x1x112xi32, #tpu.memory_space<vmem>>
      %dma_start3A_145 = tpu.memref_squeeze %dma_start3A_144 : memref<1x1x112xi32, #tpu.memory_space<vmem>> -> memref<112xi32, #tpu.memory_space<vmem>>
      %dma_start3A_146 = arith.constant 0 : i32
      %dma_start3A_147 = arith.constant 0 : i32
      %dma_start3A_148 = tpu.memref_slice %arg7[%dma_start3A_146, %dma_start3A_147] : memref<10240x128xf32, #tpu.memory_space<vmem_shared>> -> memref<10240x128xf32, #tpu.memory_space<vmem_shared>>
      tpu.enqueue_indirect_dma source(%arg10 : memref<112x128xf32, #tpu.memory_space<vmem>>) target(%dma_start3A_148 : memref<10240x128xf32, #tpu.memory_space<vmem_shared>>) offsets(%dma_start3A_145 : memref<112xi32, #tpu.memory_space<vmem>>) semaphore(%arg16 : memref<!tpu.dma_semaphore, #tpu.memory_space<semaphore_mem>>) {add = true}
      %ge3A = arith.constant 1 : i32
      %ge3A_149 = arith.cmpi sge, %add3A_86, %ge3A : i32
      %add3A_150 = arith.constant 2 : i32
      %add3A_151 = arith.addi %add3A_86, %add3A_150 : i32
      %le3A = arith.constant 89 : i32
      %le3A_152 = arith.cmpi sle, %add3A_151, %le3A : i32
      %and3A_153 = arith.andi %ge3A_149, %le3A_152 : i1
      %convert_element_type3A_154 = arith.extui %and3A_153 : i1 to i32
      %cond3A_155 = arith.constant 0 : i32
      %cond3A_156 = arith.cmpi ne, %convert_element_type3A_154, %cond3A_155 : i32
      scf.if %cond3A_156 {
        %sub3A_438 = arith.constant 1 : i32
        %sub3A_439 = arith.subi %add3A_86, %sub3A_438 : i32
        %jit3A_440 = arith.constant 6 : i32
        %div3A_441 = arith.divsi %sub3A_439, %jit3A_440 : i32
        %sign3A_442 = arith.constant 0 : i32
        %sign3A_443 = arith.cmpi sgt, %sub3A_439, %sign3A_442 : i32
        %sign3A_444 = arith.extui %sign3A_443 : i1 to i32
        %sign3A_445 = arith.constant 0 : i32
        %sign3A_446 = arith.cmpi slt, %sub3A_439, %sign3A_445 : i32
        %sign3A_447 = arith.extui %sign3A_446 : i1 to i32
        %sign3A_448 = arith.subi %sign3A_444, %sign3A_447 : i32
        %sign3A_449 = arith.constant 0 : i32
        %sign3A_450 = arith.cmpi sgt, %jit3A_440, %sign3A_449 : i32
        %sign3A_451 = arith.extui %sign3A_450 : i1 to i32
        %sign3A_452 = arith.constant 0 : i32
        %sign3A_453 = arith.cmpi slt, %jit3A_440, %sign3A_452 : i32
        %sign3A_454 = arith.extui %sign3A_453 : i1 to i32
        %sign3A_455 = arith.subi %sign3A_451, %sign3A_454 : i32
        %ne3A_456 = arith.cmpi ne, %sign3A_448, %sign3A_455 : i32
        %rem3A_457 = arith.remsi %sub3A_439, %jit3A_440 : i32
        %ne3A_458 = arith.constant 0 : i32
        %ne3A_459 = arith.cmpi ne, %rem3A_457, %ne3A_458 : i32
        %and3A_460 = arith.andi %ne3A_456, %ne3A_459 : i1
        %sub3A_461 = arith.constant 1 : i32
        %sub3A_462 = arith.subi %div3A_441, %sub3A_461 : i32
        %select_n3A_463 = arith.select %and3A_460, %sub3A_462, %div3A_441 : i32
        %rem3A_464 = arith.constant 2 : i32
        %rem3A_465 = arith.remsi %select_n3A_463, %rem3A_464 : i32
        %sub3A_466 = arith.constant 1 : i32
        %sub3A_467 = arith.subi %add3A_86, %sub3A_466 : i32
        %rem3A_468 = arith.constant 6 : i32
        %rem3A_469 = arith.remsi %sub3A_467, %rem3A_468 : i32
        %dma_wait3A_470 = arith.constant 0 : i32
        %dma_wait3A_471 = tpu.memref_slice %arg9[%rem3A_465, %rem3A_469, %dma_wait3A_470] : memref<2x6x112xi32, #tpu.memory_space<vmem>> -> memref<1x1x112xi32, #tpu.memory_space<vmem>>
        %dma_wait3A_472 = tpu.memref_squeeze %dma_wait3A_471 : memref<1x1x112xi32, #tpu.memory_space<vmem>> -> memref<112xi32, #tpu.memory_space<vmem>>
        %dma_wait3A_473 = arith.constant 0 : i32
        %dma_wait3A_474 = arith.constant 0 : i32
        %dma_wait3A_475 = tpu.memref_slice %arg7[%dma_wait3A_473, %dma_wait3A_474] : memref<10240x128xf32, #tpu.memory_space<vmem_shared>> -> memref<10240x128xf32, #tpu.memory_space<vmem_shared>>
        tpu.wait_indirect_dma semaphore(%arg18 : memref<!tpu.dma_semaphore, #tpu.memory_space<semaphore_mem>>) src(%arg12 : memref<112x128xf32, #tpu.memory_space<vmem>>) dst(%dma_wait3A_475 : memref<10240x128xf32, #tpu.memory_space<vmem_shared>>)
        %add3A_476 = arith.constant 2 : i32
        %add3A_477 = arith.addi %add3A_86, %add3A_476 : i32
        %rem3A_478 = arith.constant 6 : i32
        %rem3A_479 = arith.remsi %add3A_477, %rem3A_478 : i32
        %eq3A_480 = arith.constant 0 : i32
        %eq3A_481 = arith.cmpi eq, %rem3A_479, %eq3A_480 : i32
        %add3A_482 = arith.constant 2 : i32
        %add3A_483 = arith.addi %add3A_86, %add3A_482 : i32
        %jit3A_484 = arith.constant 6 : i32
        %div3A_485 = arith.divsi %add3A_483, %jit3A_484 : i32
        %sign3A_486 = arith.constant 0 : i32
        %sign3A_487 = arith.cmpi sgt, %add3A_483, %sign3A_486 : i32
        %sign3A_488 = arith.extui %sign3A_487 : i1 to i32
        %sign3A_489 = arith.constant 0 : i32
        %sign3A_490 = arith.cmpi slt, %add3A_483, %sign3A_489 : i32
        %sign3A_491 = arith.extui %sign3A_490 : i1 to i32
        %sign3A_492 = arith.subi %sign3A_488, %sign3A_491 : i32
        %sign3A_493 = arith.constant 0 : i32
        %sign3A_494 = arith.cmpi sgt, %jit3A_484, %sign3A_493 : i32
        %sign3A_495 = arith.extui %sign3A_494 : i1 to i32
        %sign3A_496 = arith.constant 0 : i32
        %sign3A_497 = arith.cmpi slt, %jit3A_484, %sign3A_496 : i32
        %sign3A_498 = arith.extui %sign3A_497 : i1 to i32
        %sign3A_499 = arith.subi %sign3A_495, %sign3A_498 : i32
        %ne3A_500 = arith.cmpi ne, %sign3A_492, %sign3A_499 : i32
        %rem3A_501 = arith.remsi %add3A_483, %jit3A_484 : i32
        %ne3A_502 = arith.constant 0 : i32
        %ne3A_503 = arith.cmpi ne, %rem3A_501, %ne3A_502 : i32
        %and3A_504 = arith.andi %ne3A_500, %ne3A_503 : i1
        %sub3A_505 = arith.constant 1 : i32
        %sub3A_506 = arith.subi %div3A_485, %sub3A_505 : i32
        %select_n3A_507 = arith.select %and3A_504, %sub3A_506, %div3A_485 : i32
        %ge3A_508 = arith.constant 2 : i32
        %ge3A_509 = arith.cmpi sge, %select_n3A_507, %ge3A_508 : i32
        %and3A_510 = arith.andi %eq3A_481, %ge3A_509 : i1
        %convert_element_type3A_511 = arith.extui %and3A_510 : i1 to i32
        %cond3A_512 = arith.constant 0 : i32
        %cond3A_513 = arith.cmpi ne, %convert_element_type3A_511, %cond3A_512 : i32
        scf.if %cond3A_513 {
          %dma_wait3A_552 = arith.constant 0 : i32
          %dma_wait3A_553 = arith.constant 0 : i32
          %dma_wait3A_554 = arith.constant 0 : i32
          %dma_wait3A_555 = arith.constant 0 : i32
          %dma_wait3A_556 = tpu.memref_slice %arg8[%dma_wait3A_553, %dma_wait3A_554, %dma_wait3A_555] : memref<2x6x112xi32, #tpu.memory_space<vmem>> -> memref<1x6x112xi32, #tpu.memory_space<vmem>>
          %dma_wait3A_557 = tpu.memref_squeeze %dma_wait3A_556 : memref<1x6x112xi32, #tpu.memory_space<vmem>> -> memref<6x112xi32, #tpu.memory_space<vmem>>
          %dma_wait3A_558 = arith.constant 0 : i32
          %dma_wait3A_559 = arith.constant 0 : i32
          %dma_wait3A_560 = tpu.memref_slice %arg3[%add3A, %dma_wait3A_552, %dma_wait3A_558, %dma_wait3A_559] : memref<32x15x6x112xi32, #tpu.memory_space<hbm>> -> memref<1x1x6x112xi32, #tpu.memory_space<hbm>>
          %dma_wait3A_561 = tpu.memref_squeeze %dma_wait3A_560 : memref<1x1x6x112xi32, #tpu.memory_space<hbm>> -> memref<6x112xi32, #tpu.memory_space<hbm>>
          %dma_wait3A_562 = arith.constant 0 : i32
          %dma_wait3A_563 = arith.constant 0 : i32
          %dma_wait3A_564 = tpu.memref_slice %arg8[%dma_wait3A_553, %dma_wait3A_562, %dma_wait3A_563] : memref<2x6x112xi32, #tpu.memory_space<vmem>> -> memref<1x6x112xi32, #tpu.memory_space<vmem>>
          %dma_wait3A_565 = tpu.memref_squeeze %dma_wait3A_564 : memref<1x6x112xi32, #tpu.memory_space<vmem>> -> memref<6x112xi32, #tpu.memory_space<vmem>>
          %dma_wait3A_566 = arith.constant 0 : i32
          %dma_wait3A_567 = arith.constant 0 : i32
          %dma_wait3A_568 = tpu.memref_slice %arg3[%add3A, %dma_wait3A_552, %dma_wait3A_566, %dma_wait3A_567] : memref<32x15x6x112xi32, #tpu.memory_space<hbm>> -> memref<1x1x6x112xi32, #tpu.memory_space<hbm>>
          %dma_wait3A_569 = tpu.memref_squeeze %dma_wait3A_568 : memref<1x1x6x112xi32, #tpu.memory_space<hbm>> -> memref<6x112xi32, #tpu.memory_space<hbm>>
          tpu.wait_dma2 semaphore(%arg19 : memref<!tpu.dma_semaphore, #tpu.memory_space<semaphore_mem>>) src(%dma_wait3A_569 : memref<6x112xi32, #tpu.memory_space<hbm>>) dst(%dma_wait3A_565 : memref<6x112xi32, #tpu.memory_space<vmem>>)
          %dma_wait3A_570 = arith.constant 0 : i32
          %dma_wait3A_571 = arith.constant 0 : i32
          %dma_wait3A_572 = arith.constant 0 : i32
          %dma_wait3A_573 = arith.constant 0 : i32
          %dma_wait3A_574 = tpu.memref_slice %arg9[%dma_wait3A_571, %dma_wait3A_572, %dma_wait3A_573] : memref<2x6x112xi32, #tpu.memory_space<vmem>> -> memref<1x6x112xi32, #tpu.memory_space<vmem>>
          %dma_wait3A_575 = tpu.memref_squeeze %dma_wait3A_574 : memref<1x6x112xi32, #tpu.memory_space<vmem>> -> memref<6x112xi32, #tpu.memory_space<vmem>>
          %dma_wait3A_576 = arith.constant 0 : i32
          %dma_wait3A_577 = arith.constant 0 : i32
          %dma_wait3A_578 = tpu.memref_slice %arg4[%add3A, %dma_wait3A_570, %dma_wait3A_576, %dma_wait3A_577] : memref<32x15x6x112xi32, #tpu.memory_space<hbm>> -> memref<1x1x6x112xi32, #tpu.memory_space<hbm>>
          %dma_wait3A_579 = tpu.memref_squeeze %dma_wait3A_578 : memref<1x1x6x112xi32, #tpu.memory_space<hbm>> -> memref<6x112xi32, #tpu.memory_space<hbm>>
          %dma_wait3A_580 = arith.constant 0 : i32
          %dma_wait3A_581 = arith.constant 0 : i32
          %dma_wait3A_582 = tpu.memref_slice %arg9[%dma_wait3A_571, %dma_wait3A_580, %dma_wait3A_581] : memref<2x6x112xi32, #tpu.memory_space<vmem>> -> memref<1x6x112xi32, #tpu.memory_space<vmem>>
          %dma_wait3A_583 = tpu.memref_squeeze %dma_wait3A_582 : memref<1x6x112xi32, #tpu.memory_space<vmem>> -> memref<6x112xi32, #tpu.memory_space<vmem>>
          %dma_wait3A_584 = arith.constant 0 : i32
          %dma_wait3A_585 = arith.constant 0 : i32
          %dma_wait3A_586 = tpu.memref_slice %arg4[%add3A, %dma_wait3A_570, %dma_wait3A_584, %dma_wait3A_585] : memref<32x15x6x112xi32, #tpu.memory_space<hbm>> -> memref<1x1x6x112xi32, #tpu.memory_space<hbm>>
          %dma_wait3A_587 = tpu.memref_squeeze %dma_wait3A_586 : memref<1x1x6x112xi32, #tpu.memory_space<hbm>> -> memref<6x112xi32, #tpu.memory_space<hbm>>
          tpu.wait_dma2 semaphore(%arg19 : memref<!tpu.dma_semaphore, #tpu.memory_space<semaphore_mem>>) src(%dma_wait3A_587 : memref<6x112xi32, #tpu.memory_space<hbm>>) dst(%dma_wait3A_583 : memref<6x112xi32, #tpu.memory_space<vmem>>)
        } else {
        }
        %add3A_514 = arith.constant 2 : i32
        %add3A_515 = arith.addi %add3A_86, %add3A_514 : i32
        %jit3A_516 = arith.constant 6 : i32
        %div3A_517 = arith.divsi %add3A_515, %jit3A_516 : i32
        %sign3A_518 = arith.constant 0 : i32
        %sign3A_519 = arith.cmpi sgt, %add3A_515, %sign3A_518 : i32
        %sign3A_520 = arith.extui %sign3A_519 : i1 to i32
        %sign3A_521 = arith.constant 0 : i32
        %sign3A_522 = arith.cmpi slt, %add3A_515, %sign3A_521 : i32
        %sign3A_523 = arith.extui %sign3A_522 : i1 to i32
        %sign3A_524 = arith.subi %sign3A_520, %sign3A_523 : i32
        %sign3A_525 = arith.constant 0 : i32
        %sign3A_526 = arith.cmpi sgt, %jit3A_516, %sign3A_525 : i32
        %sign3A_527 = arith.extui %sign3A_526 : i1 to i32
        %sign3A_528 = arith.constant 0 : i32
        %sign3A_529 = arith.cmpi slt, %jit3A_516, %sign3A_528 : i32
        %sign3A_530 = arith.extui %sign3A_529 : i1 to i32
        %sign3A_531 = arith.subi %sign3A_527, %sign3A_530 : i32
        %ne3A_532 = arith.cmpi ne, %sign3A_524, %sign3A_531 : i32
        %rem3A_533 = arith.remsi %add3A_515, %jit3A_516 : i32
        %ne3A_534 = arith.constant 0 : i32
        %ne3A_535 = arith.cmpi ne, %rem3A_533, %ne3A_534 : i32
        %and3A_536 = arith.andi %ne3A_532, %ne3A_535 : i1
        %sub3A_537 = arith.constant 1 : i32
        %sub3A_538 = arith.subi %div3A_517, %sub3A_537 : i32
        %select_n3A_539 = arith.select %and3A_536, %sub3A_538, %div3A_517 : i32
        %rem3A_540 = arith.constant 2 : i32
        %rem3A_541 = arith.remsi %select_n3A_539, %rem3A_540 : i32
        %add3A_542 = arith.constant 2 : i32
        %add3A_543 = arith.addi %add3A_86, %add3A_542 : i32
        %rem3A_544 = arith.constant 6 : i32
        %rem3A_545 = arith.remsi %add3A_543, %rem3A_544 : i32
        %dma_start3A_546 = arith.constant 0 : i32
        %dma_start3A_547 = tpu.memref_slice %arg8[%rem3A_541, %rem3A_545, %dma_start3A_546] : memref<2x6x112xi32, #tpu.memory_space<vmem>> -> memref<1x1x112xi32, #tpu.memory_space<vmem>>
        %dma_start3A_548 = tpu.memref_squeeze %dma_start3A_547 : memref<1x1x112xi32, #tpu.memory_space<vmem>> -> memref<112xi32, #tpu.memory_space<vmem>>
        %dma_start3A_549 = arith.constant 0 : i32
        %dma_start3A_550 = arith.constant 0 : i32
        %dma_start3A_551 = tpu.memref_slice %arg2[%dma_start3A_549, %dma_start3A_550] : memref<10240x128xf32, #tpu.memory_space<hbm>> -> memref<10240x128xf32, #tpu.memory_space<hbm>>
        tpu.enqueue_indirect_dma source(%dma_start3A_551 : memref<10240x128xf32, #tpu.memory_space<hbm>>) target(%arg12 : memref<112x128xf32, #tpu.memory_space<vmem>>) offsets(%dma_start3A_548 : memref<112xi32, #tpu.memory_space<vmem>>) semaphore(%arg15 : memref<!tpu.dma_semaphore, #tpu.memory_space<semaphore_mem>>)
      } else {
      }
      %rem3A_157 = arith.constant 6 : i32
      %rem3A_158 = arith.remsi %add3A_86, %rem3A_157 : i32
      %eq3A_159 = arith.constant 0 : i32
      %eq3A_160 = arith.cmpi eq, %rem3A_158, %eq3A_159 : i32
      %ge3A_161 = arith.constant 6 : i32
      %ge3A_162 = arith.cmpi sge, %add3A_86, %ge3A_161 : i32
      %jit3A_163 = arith.constant 6 : i32
      %div3A_164 = arith.divsi %add3A_86, %jit3A_163 : i32
      %sign3A_165 = arith.constant 0 : i32
      %sign3A_166 = arith.cmpi sgt, %add3A_86, %sign3A_165 : i32
      %sign3A_167 = arith.extui %sign3A_166 : i1 to i32
      %sign3A_168 = arith.constant 0 : i32
      %sign3A_169 = arith.cmpi slt, %add3A_86, %sign3A_168 : i32
      %sign3A_170 = arith.extui %sign3A_169 : i1 to i32
      %sign3A_171 = arith.subi %sign3A_167, %sign3A_170 : i32
      %sign3A_172 = arith.constant 0 : i32
      %sign3A_173 = arith.cmpi sgt, %jit3A_163, %sign3A_172 : i32
      %sign3A_174 = arith.extui %sign3A_173 : i1 to i32
      %sign3A_175 = arith.constant 0 : i32
      %sign3A_176 = arith.cmpi slt, %jit3A_163, %sign3A_175 : i32
      %sign3A_177 = arith.extui %sign3A_176 : i1 to i32
      %sign3A_178 = arith.subi %sign3A_174, %sign3A_177 : i32
      %ne3A_179 = arith.cmpi ne, %sign3A_171, %sign3A_178 : i32
      %rem3A_180 = arith.remsi %add3A_86, %jit3A_163 : i32
      %ne3A_181 = arith.constant 0 : i32
      %ne3A_182 = arith.cmpi ne, %rem3A_180, %ne3A_181 : i32
      %and3A_183 = arith.andi %ne3A_179, %ne3A_182 : i1
      %sub3A_184 = arith.constant 1 : i32
      %sub3A_185 = arith.subi %div3A_164, %sub3A_184 : i32
      %select_n3A_186 = arith.select %and3A_183, %sub3A_185, %div3A_164 : i32
      %add3A_187 = arith.constant 1 : i32
      %add3A_188 = arith.addi %select_n3A_186, %add3A_187 : i32
      %le3A_189 = arith.constant 14 : i32
      %le3A_190 = arith.cmpi sle, %add3A_188, %le3A_189 : i32
      %and3A_191 = arith.andi %ge3A_162, %le3A_190 : i1
      %and3A_192 = arith.andi %eq3A_160, %and3A_191 : i1
      %convert_element_type3A_193 = arith.extui %and3A_192 : i1 to i32
      %cond3A_194 = arith.constant 0 : i32
      %cond3A_195 = arith.cmpi ne, %convert_element_type3A_193, %cond3A_194 : i32
      scf.if %cond3A_195 {
        %jit3A_438 = arith.constant 6 : i32
        %div3A_439 = arith.divsi %add3A_86, %jit3A_438 : i32
        %sign3A_440 = arith.constant 0 : i32
        %sign3A_441 = arith.cmpi sgt, %add3A_86, %sign3A_440 : i32
        %sign3A_442 = arith.extui %sign3A_441 : i1 to i32
        %sign3A_443 = arith.constant 0 : i32
        %sign3A_444 = arith.cmpi slt, %add3A_86, %sign3A_443 : i32
        %sign3A_445 = arith.extui %sign3A_444 : i1 to i32
        %sign3A_446 = arith.subi %sign3A_442, %sign3A_445 : i32
        %sign3A_447 = arith.constant 0 : i32
        %sign3A_448 = arith.cmpi sgt, %jit3A_438, %sign3A_447 : i32
        %sign3A_449 = arith.extui %sign3A_448 : i1 to i32
        %sign3A_450 = arith.constant 0 : i32
        %sign3A_451 = arith.cmpi slt, %jit3A_438, %sign3A_450 : i32
        %sign3A_452 = arith.extui %sign3A_451 : i1 to i32
        %sign3A_453 = arith.subi %sign3A_449, %sign3A_452 : i32
        %ne3A_454 = arith.cmpi ne, %sign3A_446, %sign3A_453 : i32
        %rem3A_455 = arith.remsi %add3A_86, %jit3A_438 : i32
        %ne3A_456 = arith.constant 0 : i32
        %ne3A_457 = arith.cmpi ne, %rem3A_455, %ne3A_456 : i32
        %and3A_458 = arith.andi %ne3A_454, %ne3A_457 : i1
        %sub3A_459 = arith.constant 1 : i32
        %sub3A_460 = arith.subi %div3A_439, %sub3A_459 : i32
        %select_n3A_461 = arith.select %and3A_458, %sub3A_460, %div3A_439 : i32
        %add3A_462 = arith.constant 1 : i32
        %add3A_463 = arith.addi %select_n3A_461, %add3A_462 : i32
        %rem3A_464 = arith.constant 2 : i32
        %rem3A_465 = arith.remsi %add3A_463, %rem3A_464 : i32
        %dma_start3A_466 = arith.constant 0 : i32
        %dma_start3A_467 = arith.constant 0 : i32
        %dma_start3A_468 = tpu.memref_slice %arg8[%rem3A_465, %dma_start3A_466, %dma_start3A_467] : memref<2x6x112xi32, #tpu.memory_space<vmem>> -> memref<1x6x112xi32, #tpu.memory_space<vmem>>
        %dma_start3A_469 = tpu.memref_squeeze %dma_start3A_468 : memref<1x6x112xi32, #tpu.memory_space<vmem>> -> memref<6x112xi32, #tpu.memory_space<vmem>>
        %dma_start3A_470 = arith.constant 0 : i32
        %dma_start3A_471 = arith.constant 0 : i32
        %dma_start3A_472 = tpu.memref_slice %arg3[%add3A, %add3A_463, %dma_start3A_470, %dma_start3A_471] : memref<32x15x6x112xi32, #tpu.memory_space<hbm>> -> memref<1x1x6x112xi32, #tpu.memory_space<hbm>>
        %dma_start3A_473 = tpu.memref_squeeze %dma_start3A_472 : memref<1x1x6x112xi32, #tpu.memory_space<hbm>> -> memref<6x112xi32, #tpu.memory_space<hbm>>
        %dma_start3A_474 = arith.constant 0 : i32
        %dma_start3A_475 = arith.constant 0 : i32
        %dma_start3A_476 = tpu.memref_slice %arg8[%rem3A_465, %dma_start3A_474, %dma_start3A_475] : memref<2x6x112xi32, #tpu.memory_space<vmem>> -> memref<1x6x112xi32, #tpu.memory_space<vmem>>
        %dma_start3A_477 = tpu.memref_squeeze %dma_start3A_476 : memref<1x6x112xi32, #tpu.memory_space<vmem>> -> memref<6x112xi32, #tpu.memory_space<vmem>>
        %dma_start3A_478 = arith.constant 0 : i32
        %dma_start3A_479 = arith.constant 0 : i32
        %dma_start3A_480 = tpu.memref_slice %arg3[%add3A, %add3A_463, %dma_start3A_478, %dma_start3A_479] : memref<32x15x6x112xi32, #tpu.memory_space<hbm>> -> memref<1x1x6x112xi32, #tpu.memory_space<hbm>>
        %dma_start3A_481 = tpu.memref_squeeze %dma_start3A_480 : memref<1x1x6x112xi32, #tpu.memory_space<hbm>> -> memref<6x112xi32, #tpu.memory_space<hbm>>
        tpu.enqueue_dma source(%dma_start3A_481 : memref<6x112xi32, #tpu.memory_space<hbm>>) target(%dma_start3A_477 : memref<6x112xi32, #tpu.memory_space<vmem>>) target_semaphore(%arg19 : memref<!tpu.dma_semaphore, #tpu.memory_space<semaphore_mem>>)
        %dma_start3A_482 = arith.constant 0 : i32
        %dma_start3A_483 = arith.constant 0 : i32
        %dma_start3A_484 = tpu.memref_slice %arg9[%rem3A_465, %dma_start3A_482, %dma_start3A_483] : memref<2x6x112xi32, #tpu.memory_space<vmem>> -> memref<1x6x112xi32, #tpu.memory_space<vmem>>
        %dma_start3A_485 = tpu.memref_squeeze %dma_start3A_484 : memref<1x6x112xi32, #tpu.memory_space<vmem>> -> memref<6x112xi32, #tpu.memory_space<vmem>>
        %dma_start3A_486 = arith.constant 0 : i32
        %dma_start3A_487 = arith.constant 0 : i32
        %dma_start3A_488 = tpu.memref_slice %arg4[%add3A, %add3A_463, %dma_start3A_486, %dma_start3A_487] : memref<32x15x6x112xi32, #tpu.memory_space<hbm>> -> memref<1x1x6x112xi32, #tpu.memory_space<hbm>>
        %dma_start3A_489 = tpu.memref_squeeze %dma_start3A_488 : memref<1x1x6x112xi32, #tpu.memory_space<hbm>> -> memref<6x112xi32, #tpu.memory_space<hbm>>
        %dma_start3A_490 = arith.constant 0 : i32
        %dma_start3A_491 = arith.constant 0 : i32
        %dma_start3A_492 = tpu.memref_slice %arg9[%rem3A_465, %dma_start3A_490, %dma_start3A_491] : memref<2x6x112xi32, #tpu.memory_space<vmem>> -> memref<1x6x112xi32, #tpu.memory_space<vmem>>
        %dma_start3A_493 = tpu.memref_squeeze %dma_start3A_492 : memref<1x6x112xi32, #tpu.memory_space<vmem>> -> memref<6x112xi32, #tpu.memory_space<vmem>>
        %dma_start3A_494 = arith.constant 0 : i32
        %dma_start3A_495 = arith.constant 0 : i32
        %dma_start3A_496 = tpu.memref_slice %arg4[%add3A, %add3A_463, %dma_start3A_494, %dma_start3A_495] : memref<32x15x6x112xi32, #tpu.memory_space<hbm>> -> memref<1x1x6x112xi32, #tpu.memory_space<hbm>>
        %dma_start3A_497 = tpu.memref_squeeze %dma_start3A_496 : memref<1x1x6x112xi32, #tpu.memory_space<hbm>> -> memref<6x112xi32, #tpu.memory_space<hbm>>
        tpu.enqueue_dma source(%dma_start3A_497 : memref<6x112xi32, #tpu.memory_space<hbm>>) target(%dma_start3A_493 : memref<6x112xi32, #tpu.memory_space<vmem>>) target_semaphore(%arg19 : memref<!tpu.dma_semaphore, #tpu.memory_space<semaphore_mem>>)
      } else {
      }
      %mul3A_196 = arith.constant 3 : i32
      %mul3A_197 = arith.muli %mul3A_196, %scan3A_82 : i32
      %add3A_198 = arith.constant 1 : i32
      %add3A_199 = arith.addi %mul3A_197, %add3A_198 : i32
      %jit3A_200 = arith.constant 6 : i32
      %div3A_201 = arith.divsi %add3A_199, %jit3A_200 : i32
      %sign3A_202 = arith.constant 0 : i32
      %sign3A_203 = arith.cmpi sgt, %add3A_199, %sign3A_202 : i32
      %sign3A_204 = arith.extui %sign3A_203 : i1 to i32
      %sign3A_205 = arith.constant 0 : i32
      %sign3A_206 = arith.cmpi slt, %add3A_199, %sign3A_205 : i32
      %sign3A_207 = arith.extui %sign3A_206 : i1 to i32
      %sign3A_208 = arith.subi %sign3A_204, %sign3A_207 : i32
      %sign3A_209 = arith.constant 0 : i32
      %sign3A_210 = arith.cmpi sgt, %jit3A_200, %sign3A_209 : i32
      %sign3A_211 = arith.extui %sign3A_210 : i1 to i32
      %sign3A_212 = arith.constant 0 : i32
      %sign3A_213 = arith.cmpi slt, %jit3A_200, %sign3A_212 : i32
      %sign3A_214 = arith.extui %sign3A_213 : i1 to i32
      %sign3A_215 = arith.subi %sign3A_211, %sign3A_214 : i32
      %ne3A_216 = arith.cmpi ne, %sign3A_208, %sign3A_215 : i32
      %rem3A_217 = arith.remsi %add3A_199, %jit3A_200 : i32
      %ne3A_218 = arith.constant 0 : i32
      %ne3A_219 = arith.cmpi ne, %rem3A_217, %ne3A_218 : i32
      %and3A_220 = arith.andi %ne3A_216, %ne3A_219 : i1
      %sub3A_221 = arith.constant 1 : i32
      %sub3A_222 = arith.subi %div3A_201, %sub3A_221 : i32
      %select_n3A_223 = arith.select %and3A_220, %sub3A_222, %div3A_201 : i32
      %rem3A_224 = arith.constant 2 : i32
      %rem3A_225 = arith.remsi %select_n3A_223, %rem3A_224 : i32
      %rem3A_226 = arith.constant 6 : i32
      %rem3A_227 = arith.remsi %add3A_199, %rem3A_226 : i32
      %dma_wait3A_228 = arith.constant 0 : i32
      %dma_wait3A_229 = tpu.memref_slice %arg8[%rem3A_225, %rem3A_227, %dma_wait3A_228] : memref<2x6x112xi32, #tpu.memory_space<vmem>> -> memref<1x1x112xi32, #tpu.memory_space<vmem>>
      %dma_wait3A_230 = tpu.memref_squeeze %dma_wait3A_229 : memref<1x1x112xi32, #tpu.memory_space<vmem>> -> memref<112xi32, #tpu.memory_space<vmem>>
      %dma_wait3A_231 = arith.constant 0 : i32
      %dma_wait3A_232 = arith.constant 0 : i32
      %dma_wait3A_233 = tpu.memref_slice %arg2[%dma_wait3A_231, %dma_wait3A_232] : memref<10240x128xf32, #tpu.memory_space<hbm>> -> memref<10240x128xf32, #tpu.memory_space<hbm>>
      tpu.wait_indirect_dma semaphore(%arg14 : memref<!tpu.dma_semaphore, #tpu.memory_space<semaphore_mem>>) src(%dma_wait3A_233 : memref<10240x128xf32, #tpu.memory_space<hbm>>) dst(%arg11 : memref<112x128xf32, #tpu.memory_space<vmem>>)
      %jit3A_234 = arith.constant 6 : i32
      %div3A_235 = arith.divsi %add3A_199, %jit3A_234 : i32
      %sign3A_236 = arith.constant 0 : i32
      %sign3A_237 = arith.cmpi sgt, %add3A_199, %sign3A_236 : i32
      %sign3A_238 = arith.extui %sign3A_237 : i1 to i32
      %sign3A_239 = arith.constant 0 : i32
      %sign3A_240 = arith.cmpi slt, %add3A_199, %sign3A_239 : i32
      %sign3A_241 = arith.extui %sign3A_240 : i1 to i32
      %sign3A_242 = arith.subi %sign3A_238, %sign3A_241 : i32
      %sign3A_243 = arith.constant 0 : i32
      %sign3A_244 = arith.cmpi sgt, %jit3A_234, %sign3A_243 : i32
      %sign3A_245 = arith.extui %sign3A_244 : i1 to i32
      %sign3A_246 = arith.constant 0 : i32
      %sign3A_247 = arith.cmpi slt, %jit3A_234, %sign3A_246 : i32
      %sign3A_248 = arith.extui %sign3A_247 : i1 to i32
      %sign3A_249 = arith.subi %sign3A_245, %sign3A_248 : i32
      %ne3A_250 = arith.cmpi ne, %sign3A_242, %sign3A_249 : i32
      %rem3A_251 = arith.remsi %add3A_199, %jit3A_234 : i32
      %ne3A_252 = arith.constant 0 : i32
      %ne3A_253 = arith.cmpi ne, %rem3A_251, %ne3A_252 : i32
      %and3A_254 = arith.andi %ne3A_250, %ne3A_253 : i1
      %sub3A_255 = arith.constant 1 : i32
      %sub3A_256 = arith.subi %div3A_235, %sub3A_255 : i32
      %select_n3A_257 = arith.select %and3A_254, %sub3A_256, %div3A_235 : i32
      %rem3A_258 = arith.constant 2 : i32
      %rem3A_259 = arith.remsi %select_n3A_257, %rem3A_258 : i32
      %rem3A_260 = arith.constant 6 : i32
      %rem3A_261 = arith.remsi %add3A_199, %rem3A_260 : i32
      %dma_start3A_262 = arith.constant 0 : i32
      %dma_start3A_263 = tpu.memref_slice %arg9[%rem3A_259, %rem3A_261, %dma_start3A_262] : memref<2x6x112xi32, #tpu.memory_space<vmem>> -> memref<1x1x112xi32, #tpu.memory_space<vmem>>
      %dma_start3A_264 = tpu.memref_squeeze %dma_start3A_263 : memref<1x1x112xi32, #tpu.memory_space<vmem>> -> memref<112xi32, #tpu.memory_space<vmem>>
      %dma_start3A_265 = arith.constant 0 : i32
      %dma_start3A_266 = arith.constant 0 : i32
      %dma_start3A_267 = tpu.memref_slice %arg7[%dma_start3A_265, %dma_start3A_266] : memref<10240x128xf32, #tpu.memory_space<vmem_shared>> -> memref<10240x128xf32, #tpu.memory_space<vmem_shared>>
      tpu.enqueue_indirect_dma source(%arg11 : memref<112x128xf32, #tpu.memory_space<vmem>>) target(%dma_start3A_267 : memref<10240x128xf32, #tpu.memory_space<vmem_shared>>) offsets(%dma_start3A_264 : memref<112xi32, #tpu.memory_space<vmem>>) semaphore(%arg17 : memref<!tpu.dma_semaphore, #tpu.memory_space<semaphore_mem>>) {add = true}
      %ge3A_268 = arith.constant 1 : i32
      %ge3A_269 = arith.cmpi sge, %add3A_199, %ge3A_268 : i32
      %add3A_270 = arith.constant 2 : i32
      %add3A_271 = arith.addi %add3A_199, %add3A_270 : i32
      %le3A_272 = arith.constant 89 : i32
      %le3A_273 = arith.cmpi sle, %add3A_271, %le3A_272 : i32
      %and3A_274 = arith.andi %ge3A_269, %le3A_273 : i1
      %convert_element_type3A_275 = arith.extui %and3A_274 : i1 to i32
      %cond3A_276 = arith.constant 0 : i32
      %cond3A_277 = arith.cmpi ne, %convert_element_type3A_275, %cond3A_276 : i32
      scf.if %cond3A_277 {
        %sub3A_438 = arith.constant 1 : i32
        %sub3A_439 = arith.subi %add3A_199, %sub3A_438 : i32
        %jit3A_440 = arith.constant 6 : i32
        %div3A_441 = arith.divsi %sub3A_439, %jit3A_440 : i32
        %sign3A_442 = arith.constant 0 : i32
        %sign3A_443 = arith.cmpi sgt, %sub3A_439, %sign3A_442 : i32
        %sign3A_444 = arith.extui %sign3A_443 : i1 to i32
        %sign3A_445 = arith.constant 0 : i32
        %sign3A_446 = arith.cmpi slt, %sub3A_439, %sign3A_445 : i32
        %sign3A_447 = arith.extui %sign3A_446 : i1 to i32
        %sign3A_448 = arith.subi %sign3A_444, %sign3A_447 : i32
        %sign3A_449 = arith.constant 0 : i32
        %sign3A_450 = arith.cmpi sgt, %jit3A_440, %sign3A_449 : i32
        %sign3A_451 = arith.extui %sign3A_450 : i1 to i32
        %sign3A_452 = arith.constant 0 : i32
        %sign3A_453 = arith.cmpi slt, %jit3A_440, %sign3A_452 : i32
        %sign3A_454 = arith.extui %sign3A_453 : i1 to i32
        %sign3A_455 = arith.subi %sign3A_451, %sign3A_454 : i32
        %ne3A_456 = arith.cmpi ne, %sign3A_448, %sign3A_455 : i32
        %rem3A_457 = arith.remsi %sub3A_439, %jit3A_440 : i32
        %ne3A_458 = arith.constant 0 : i32
        %ne3A_459 = arith.cmpi ne, %rem3A_457, %ne3A_458 : i32
        %and3A_460 = arith.andi %ne3A_456, %ne3A_459 : i1
        %sub3A_461 = arith.constant 1 : i32
        %sub3A_462 = arith.subi %div3A_441, %sub3A_461 : i32
        %select_n3A_463 = arith.select %and3A_460, %sub3A_462, %div3A_441 : i32
        %rem3A_464 = arith.constant 2 : i32
        %rem3A_465 = arith.remsi %select_n3A_463, %rem3A_464 : i32
        %sub3A_466 = arith.constant 1 : i32
        %sub3A_467 = arith.subi %add3A_199, %sub3A_466 : i32
        %rem3A_468 = arith.constant 6 : i32
        %rem3A_469 = arith.remsi %sub3A_467, %rem3A_468 : i32
        %dma_wait3A_470 = arith.constant 0 : i32
        %dma_wait3A_471 = tpu.memref_slice %arg9[%rem3A_465, %rem3A_469, %dma_wait3A_470] : memref<2x6x112xi32, #tpu.memory_space<vmem>> -> memref<1x1x112xi32, #tpu.memory_space<vmem>>
        %dma_wait3A_472 = tpu.memref_squeeze %dma_wait3A_471 : memref<1x1x112xi32, #tpu.memory_space<vmem>> -> memref<112xi32, #tpu.memory_space<vmem>>
        %dma_wait3A_473 = arith.constant 0 : i32
        %dma_wait3A_474 = arith.constant 0 : i32
        %dma_wait3A_475 = tpu.memref_slice %arg7[%dma_wait3A_473, %dma_wait3A_474] : memref<10240x128xf32, #tpu.memory_space<vmem_shared>> -> memref<10240x128xf32, #tpu.memory_space<vmem_shared>>
        tpu.wait_indirect_dma semaphore(%arg16 : memref<!tpu.dma_semaphore, #tpu.memory_space<semaphore_mem>>) src(%arg10 : memref<112x128xf32, #tpu.memory_space<vmem>>) dst(%dma_wait3A_475 : memref<10240x128xf32, #tpu.memory_space<vmem_shared>>)
        %add3A_476 = arith.constant 2 : i32
        %add3A_477 = arith.addi %add3A_199, %add3A_476 : i32
        %rem3A_478 = arith.constant 6 : i32
        %rem3A_479 = arith.remsi %add3A_477, %rem3A_478 : i32
        %eq3A_480 = arith.constant 0 : i32
        %eq3A_481 = arith.cmpi eq, %rem3A_479, %eq3A_480 : i32
        %add3A_482 = arith.constant 2 : i32
        %add3A_483 = arith.addi %add3A_199, %add3A_482 : i32
        %jit3A_484 = arith.constant 6 : i32
        %div3A_485 = arith.divsi %add3A_483, %jit3A_484 : i32
        %sign3A_486 = arith.constant 0 : i32
        %sign3A_487 = arith.cmpi sgt, %add3A_483, %sign3A_486 : i32
        %sign3A_488 = arith.extui %sign3A_487 : i1 to i32
        %sign3A_489 = arith.constant 0 : i32
        %sign3A_490 = arith.cmpi slt, %add3A_483, %sign3A_489 : i32
        %sign3A_491 = arith.extui %sign3A_490 : i1 to i32
        %sign3A_492 = arith.subi %sign3A_488, %sign3A_491 : i32
        %sign3A_493 = arith.constant 0 : i32
        %sign3A_494 = arith.cmpi sgt, %jit3A_484, %sign3A_493 : i32
        %sign3A_495 = arith.extui %sign3A_494 : i1 to i32
        %sign3A_496 = arith.constant 0 : i32
        %sign3A_497 = arith.cmpi slt, %jit3A_484, %sign3A_496 : i32
        %sign3A_498 = arith.extui %sign3A_497 : i1 to i32
        %sign3A_499 = arith.subi %sign3A_495, %sign3A_498 : i32
        %ne3A_500 = arith.cmpi ne, %sign3A_492, %sign3A_499 : i32
        %rem3A_501 = arith.remsi %add3A_483, %jit3A_484 : i32
        %ne3A_502 = arith.constant 0 : i32
        %ne3A_503 = arith.cmpi ne, %rem3A_501, %ne3A_502 : i32
        %and3A_504 = arith.andi %ne3A_500, %ne3A_503 : i1
        %sub3A_505 = arith.constant 1 : i32
        %sub3A_506 = arith.subi %div3A_485, %sub3A_505 : i32
        %select_n3A_507 = arith.select %and3A_504, %sub3A_506, %div3A_485 : i32
        %ge3A_508 = arith.constant 2 : i32
        %ge3A_509 = arith.cmpi sge, %select_n3A_507, %ge3A_508 : i32
        %and3A_510 = arith.andi %eq3A_481, %ge3A_509 : i1
        %convert_element_type3A_511 = arith.extui %and3A_510 : i1 to i32
        %cond3A_512 = arith.constant 0 : i32
        %cond3A_513 = arith.cmpi ne, %convert_element_type3A_511, %cond3A_512 : i32
        scf.if %cond3A_513 {
          %dma_wait3A_552 = arith.constant 0 : i32
          %dma_wait3A_553 = arith.constant 0 : i32
          %dma_wait3A_554 = arith.constant 0 : i32
          %dma_wait3A_555 = arith.constant 0 : i32
          %dma_wait3A_556 = tpu.memref_slice %arg8[%dma_wait3A_553, %dma_wait3A_554, %dma_wait3A_555] : memref<2x6x112xi32, #tpu.memory_space<vmem>> -> memref<1x6x112xi32, #tpu.memory_space<vmem>>
          %dma_wait3A_557 = tpu.memref_squeeze %dma_wait3A_556 : memref<1x6x112xi32, #tpu.memory_space<vmem>> -> memref<6x112xi32, #tpu.memory_space<vmem>>
          %dma_wait3A_558 = arith.constant 0 : i32
          %dma_wait3A_559 = arith.constant 0 : i32
          %dma_wait3A_560 = tpu.memref_slice %arg3[%add3A, %dma_wait3A_552, %dma_wait3A_558, %dma_wait3A_559] : memref<32x15x6x112xi32, #tpu.memory_space<hbm>> -> memref<1x1x6x112xi32, #tpu.memory_space<hbm>>
          %dma_wait3A_561 = tpu.memref_squeeze %dma_wait3A_560 : memref<1x1x6x112xi32, #tpu.memory_space<hbm>> -> memref<6x112xi32, #tpu.memory_space<hbm>>
          %dma_wait3A_562 = arith.constant 0 : i32
          %dma_wait3A_563 = arith.constant 0 : i32
          %dma_wait3A_564 = tpu.memref_slice %arg8[%dma_wait3A_553, %dma_wait3A_562, %dma_wait3A_563] : memref<2x6x112xi32, #tpu.memory_space<vmem>> -> memref<1x6x112xi32, #tpu.memory_space<vmem>>
          %dma_wait3A_565 = tpu.memref_squeeze %dma_wait3A_564 : memref<1x6x112xi32, #tpu.memory_space<vmem>> -> memref<6x112xi32, #tpu.memory_space<vmem>>
          %dma_wait3A_566 = arith.constant 0 : i32
          %dma_wait3A_567 = arith.constant 0 : i32
          %dma_wait3A_568 = tpu.memref_slice %arg3[%add3A, %dma_wait3A_552, %dma_wait3A_566, %dma_wait3A_567] : memref<32x15x6x112xi32, #tpu.memory_space<hbm>> -> memref<1x1x6x112xi32, #tpu.memory_space<hbm>>
          %dma_wait3A_569 = tpu.memref_squeeze %dma_wait3A_568 : memref<1x1x6x112xi32, #tpu.memory_space<hbm>> -> memref<6x112xi32, #tpu.memory_space<hbm>>
          tpu.wait_dma2 semaphore(%arg19 : memref<!tpu.dma_semaphore, #tpu.memory_space<semaphore_mem>>) src(%dma_wait3A_569 : memref<6x112xi32, #tpu.memory_space<hbm>>) dst(%dma_wait3A_565 : memref<6x112xi32, #tpu.memory_space<vmem>>)
          %dma_wait3A_570 = arith.constant 0 : i32
          %dma_wait3A_571 = arith.constant 0 : i32
          %dma_wait3A_572 = arith.constant 0 : i32
          %dma_wait3A_573 = arith.constant 0 : i32
          %dma_wait3A_574 = tpu.memref_slice %arg9[%dma_wait3A_571, %dma_wait3A_572, %dma_wait3A_573] : memref<2x6x112xi32, #tpu.memory_space<vmem>> -> memref<1x6x112xi32, #tpu.memory_space<vmem>>
          %dma_wait3A_575 = tpu.memref_squeeze %dma_wait3A_574 : memref<1x6x112xi32, #tpu.memory_space<vmem>> -> memref<6x112xi32, #tpu.memory_space<vmem>>
          %dma_wait3A_576 = arith.constant 0 : i32
          %dma_wait3A_577 = arith.constant 0 : i32
          %dma_wait3A_578 = tpu.memref_slice %arg4[%add3A, %dma_wait3A_570, %dma_wait3A_576, %dma_wait3A_577] : memref<32x15x6x112xi32, #tpu.memory_space<hbm>> -> memref<1x1x6x112xi32, #tpu.memory_space<hbm>>
          %dma_wait3A_579 = tpu.memref_squeeze %dma_wait3A_578 : memref<1x1x6x112xi32, #tpu.memory_space<hbm>> -> memref<6x112xi32, #tpu.memory_space<hbm>>
          %dma_wait3A_580 = arith.constant 0 : i32
          %dma_wait3A_581 = arith.constant 0 : i32
          %dma_wait3A_582 = tpu.memref_slice %arg9[%dma_wait3A_571, %dma_wait3A_580, %dma_wait3A_581] : memref<2x6x112xi32, #tpu.memory_space<vmem>> -> memref<1x6x112xi32, #tpu.memory_space<vmem>>
          %dma_wait3A_583 = tpu.memref_squeeze %dma_wait3A_582 : memref<1x6x112xi32, #tpu.memory_space<vmem>> -> memref<6x112xi32, #tpu.memory_space<vmem>>
          %dma_wait3A_584 = arith.constant 0 : i32
          %dma_wait3A_585 = arith.constant 0 : i32
          %dma_wait3A_586 = tpu.memref_slice %arg4[%add3A, %dma_wait3A_570, %dma_wait3A_584, %dma_wait3A_585] : memref<32x15x6x112xi32, #tpu.memory_space<hbm>> -> memref<1x1x6x112xi32, #tpu.memory_space<hbm>>
          %dma_wait3A_587 = tpu.memref_squeeze %dma_wait3A_586 : memref<1x1x6x112xi32, #tpu.memory_space<hbm>> -> memref<6x112xi32, #tpu.memory_space<hbm>>
          tpu.wait_dma2 semaphore(%arg19 : memref<!tpu.dma_semaphore, #tpu.memory_space<semaphore_mem>>) src(%dma_wait3A_587 : memref<6x112xi32, #tpu.memory_space<hbm>>) dst(%dma_wait3A_583 : memref<6x112xi32, #tpu.memory_space<vmem>>)
        } else {
        }
        %add3A_514 = arith.constant 2 : i32
        %add3A_515 = arith.addi %add3A_199, %add3A_514 : i32
        %jit3A_516 = arith.constant 6 : i32
        %div3A_517 = arith.divsi %add3A_515, %jit3A_516 : i32
        %sign3A_518 = arith.constant 0 : i32
        %sign3A_519 = arith.cmpi sgt, %add3A_515, %sign3A_518 : i32
        %sign3A_520 = arith.extui %sign3A_519 : i1 to i32
        %sign3A_521 = arith.constant 0 : i32
        %sign3A_522 = arith.cmpi slt, %add3A_515, %sign3A_521 : i32
        %sign3A_523 = arith.extui %sign3A_522 : i1 to i32
        %sign3A_524 = arith.subi %sign3A_520, %sign3A_523 : i32
        %sign3A_525 = arith.constant 0 : i32
        %sign3A_526 = arith.cmpi sgt, %jit3A_516, %sign3A_525 : i32
        %sign3A_527 = arith.extui %sign3A_526 : i1 to i32
        %sign3A_528 = arith.constant 0 : i32
        %sign3A_529 = arith.cmpi slt, %jit3A_516, %sign3A_528 : i32
        %sign3A_530 = arith.extui %sign3A_529 : i1 to i32
        %sign3A_531 = arith.subi %sign3A_527, %sign3A_530 : i32
        %ne3A_532 = arith.cmpi ne, %sign3A_524, %sign3A_531 : i32
        %rem3A_533 = arith.remsi %add3A_515, %jit3A_516 : i32
        %ne3A_534 = arith.constant 0 : i32
        %ne3A_535 = arith.cmpi ne, %rem3A_533, %ne3A_534 : i32
        %and3A_536 = arith.andi %ne3A_532, %ne3A_535 : i1
        %sub3A_537 = arith.constant 1 : i32
        %sub3A_538 = arith.subi %div3A_517, %sub3A_537 : i32
        %select_n3A_539 = arith.select %and3A_536, %sub3A_538, %div3A_517 : i32
        %rem3A_540 = arith.constant 2 : i32
        %rem3A_541 = arith.remsi %select_n3A_539, %rem3A_540 : i32
        %add3A_542 = arith.constant 2 : i32
        %add3A_543 = arith.addi %add3A_199, %add3A_542 : i32
        %rem3A_544 = arith.constant 6 : i32
        %rem3A_545 = arith.remsi %add3A_543, %rem3A_544 : i32
        %dma_start3A_546 = arith.constant 0 : i32
        %dma_start3A_547 = tpu.memref_slice %arg8[%rem3A_541, %rem3A_545, %dma_start3A_546] : memref<2x6x112xi32, #tpu.memory_space<vmem>> -> memref<1x1x112xi32, #tpu.memory_space<vmem>>
        %dma_start3A_548 = tpu.memref_squeeze %dma_start3A_547 : memref<1x1x112xi32, #tpu.memory_space<vmem>> -> memref<112xi32, #tpu.memory_space<vmem>>
        %dma_start3A_549 = arith.constant 0 : i32
        %dma_start3A_550 = arith.constant 0 : i32
        %dma_start3A_551 = tpu.memref_slice %arg2[%dma_start3A_549, %dma_start3A_550] : memref<10240x128xf32, #tpu.memory_space<hbm>> -> memref<10240x128xf32, #tpu.memory_space<hbm>>
        tpu.enqueue_indirect_dma source(%dma_start3A_551 : memref<10240x128xf32, #tpu.memory_space<hbm>>) target(%arg10 : memref<112x128xf32, #tpu.memory_space<vmem>>) offsets(%dma_start3A_548 : memref<112xi32, #tpu.memory_space<vmem>>) semaphore(%arg13 : memref<!tpu.dma_semaphore, #tpu.memory_space<semaphore_mem>>)
      } else {
      }
      %rem3A_278 = arith.constant 6 : i32
      %rem3A_279 = arith.remsi %add3A_199, %rem3A_278 : i32
      %eq3A_280 = arith.constant 0 : i32
      %eq3A_281 = arith.cmpi eq, %rem3A_279, %eq3A_280 : i32
      %ge3A_282 = arith.constant 6 : i32
      %ge3A_283 = arith.cmpi sge, %add3A_199, %ge3A_282 : i32
      %jit3A_284 = arith.constant 6 : i32
      %div3A_285 = arith.divsi %add3A_199, %jit3A_284 : i32
      %sign3A_286 = arith.constant 0 : i32
      %sign3A_287 = arith.cmpi sgt, %add3A_199, %sign3A_286 : i32
      %sign3A_288 = arith.extui %sign3A_287 : i1 to i32
      %sign3A_289 = arith.constant 0 : i32
      %sign3A_290 = arith.cmpi slt, %add3A_199, %sign3A_289 : i32
      %sign3A_291 = arith.extui %sign3A_290 : i1 to i32
      %sign3A_292 = arith.subi %sign3A_288, %sign3A_291 : i32
      %sign3A_293 = arith.constant 0 : i32
      %sign3A_294 = arith.cmpi sgt, %jit3A_284, %sign3A_293 : i32
      %sign3A_295 = arith.extui %sign3A_294 : i1 to i32
      %sign3A_296 = arith.constant 0 : i32
      %sign3A_297 = arith.cmpi slt, %jit3A_284, %sign3A_296 : i32
      %sign3A_298 = arith.extui %sign3A_297 : i1 to i32
      %sign3A_299 = arith.subi %sign3A_295, %sign3A_298 : i32
      %ne3A_300 = arith.cmpi ne, %sign3A_292, %sign3A_299 : i32
      %rem3A_301 = arith.remsi %add3A_199, %jit3A_284 : i32
      %ne3A_302 = arith.constant 0 : i32
      %ne3A_303 = arith.cmpi ne, %rem3A_301, %ne3A_302 : i32
      %and3A_304 = arith.andi %ne3A_300, %ne3A_303 : i1
      %sub3A_305 = arith.constant 1 : i32
      %sub3A_306 = arith.subi %div3A_285, %sub3A_305 : i32
      %select_n3A_307 = arith.select %and3A_304, %sub3A_306, %div3A_285 : i32
      %add3A_308 = arith.constant 1 : i32
      %add3A_309 = arith.addi %select_n3A_307, %add3A_308 : i32
      %le3A_310 = arith.constant 14 : i32
      %le3A_311 = arith.cmpi sle, %add3A_309, %le3A_310 : i32
      %and3A_312 = arith.andi %ge3A_283, %le3A_311 : i1
      %and3A_313 = arith.andi %eq3A_281, %and3A_312 : i1
      %convert_element_type3A_314 = arith.extui %and3A_313 : i1 to i32
      %cond3A_315 = arith.constant 0 : i32
      %cond3A_316 = arith.cmpi ne, %convert_element_type3A_314, %cond3A_315 : i32
      scf.if %cond3A_316 {
        %jit3A_438 = arith.constant 6 : i32
        %div3A_439 = arith.divsi %add3A_199, %jit3A_438 : i32
        %sign3A_440 = arith.constant 0 : i32
        %sign3A_441 = arith.cmpi sgt, %add3A_199, %sign3A_440 : i32
        %sign3A_442 = arith.extui %sign3A_441 : i1 to i32
        %sign3A_443 = arith.constant 0 : i32
        %sign3A_444 = arith.cmpi slt, %add3A_199, %sign3A_443 : i32
        %sign3A_445 = arith.extui %sign3A_444 : i1 to i32
        %sign3A_446 = arith.subi %sign3A_442, %sign3A_445 : i32
        %sign3A_447 = arith.constant 0 : i32
        %sign3A_448 = arith.cmpi sgt, %jit3A_438, %sign3A_447 : i32
        %sign3A_449 = arith.extui %sign3A_448 : i1 to i32
        %sign3A_450 = arith.constant 0 : i32
        %sign3A_451 = arith.cmpi slt, %jit3A_438, %sign3A_450 : i32
        %sign3A_452 = arith.extui %sign3A_451 : i1 to i32
        %sign3A_453 = arith.subi %sign3A_449, %sign3A_452 : i32
        %ne3A_454 = arith.cmpi ne, %sign3A_446, %sign3A_453 : i32
        %rem3A_455 = arith.remsi %add3A_199, %jit3A_438 : i32
        %ne3A_456 = arith.constant 0 : i32
        %ne3A_457 = arith.cmpi ne, %rem3A_455, %ne3A_456 : i32
        %and3A_458 = arith.andi %ne3A_454, %ne3A_457 : i1
        %sub3A_459 = arith.constant 1 : i32
        %sub3A_460 = arith.subi %div3A_439, %sub3A_459 : i32
        %select_n3A_461 = arith.select %and3A_458, %sub3A_460, %div3A_439 : i32
        %add3A_462 = arith.constant 1 : i32
        %add3A_463 = arith.addi %select_n3A_461, %add3A_462 : i32
        %rem3A_464 = arith.constant 2 : i32
        %rem3A_465 = arith.remsi %add3A_463, %rem3A_464 : i32
        %dma_start3A_466 = arith.constant 0 : i32
        %dma_start3A_467 = arith.constant 0 : i32
        %dma_start3A_468 = tpu.memref_slice %arg8[%rem3A_465, %dma_start3A_466, %dma_start3A_467] : memref<2x6x112xi32, #tpu.memory_space<vmem>> -> memref<1x6x112xi32, #tpu.memory_space<vmem>>
        %dma_start3A_469 = tpu.memref_squeeze %dma_start3A_468 : memref<1x6x112xi32, #tpu.memory_space<vmem>> -> memref<6x112xi32, #tpu.memory_space<vmem>>
        %dma_start3A_470 = arith.constant 0 : i32
        %dma_start3A_471 = arith.constant 0 : i32
        %dma_start3A_472 = tpu.memref_slice %arg3[%add3A, %add3A_463, %dma_start3A_470, %dma_start3A_471] : memref<32x15x6x112xi32, #tpu.memory_space<hbm>> -> memref<1x1x6x112xi32, #tpu.memory_space<hbm>>
        %dma_start3A_473 = tpu.memref_squeeze %dma_start3A_472 : memref<1x1x6x112xi32, #tpu.memory_space<hbm>> -> memref<6x112xi32, #tpu.memory_space<hbm>>
        %dma_start3A_474 = arith.constant 0 : i32
        %dma_start3A_475 = arith.constant 0 : i32
        %dma_start3A_476 = tpu.memref_slice %arg8[%rem3A_465, %dma_start3A_474, %dma_start3A_475] : memref<2x6x112xi32, #tpu.memory_space<vmem>> -> memref<1x6x112xi32, #tpu.memory_space<vmem>>
        %dma_start3A_477 = tpu.memref_squeeze %dma_start3A_476 : memref<1x6x112xi32, #tpu.memory_space<vmem>> -> memref<6x112xi32, #tpu.memory_space<vmem>>
        %dma_start3A_478 = arith.constant 0 : i32
        %dma_start3A_479 = arith.constant 0 : i32
        %dma_start3A_480 = tpu.memref_slice %arg3[%add3A, %add3A_463, %dma_start3A_478, %dma_start3A_479] : memref<32x15x6x112xi32, #tpu.memory_space<hbm>> -> memref<1x1x6x112xi32, #tpu.memory_space<hbm>>
        %dma_start3A_481 = tpu.memref_squeeze %dma_start3A_480 : memref<1x1x6x112xi32, #tpu.memory_space<hbm>> -> memref<6x112xi32, #tpu.memory_space<hbm>>
        tpu.enqueue_dma source(%dma_start3A_481 : memref<6x112xi32, #tpu.memory_space<hbm>>) target(%dma_start3A_477 : memref<6x112xi32, #tpu.memory_space<vmem>>) target_semaphore(%arg19 : memref<!tpu.dma_semaphore, #tpu.memory_space<semaphore_mem>>)
        %dma_start3A_482 = arith.constant 0 : i32
        %dma_start3A_483 = arith.constant 0 : i32
        %dma_start3A_484 = tpu.memref_slice %arg9[%rem3A_465, %dma_start3A_482, %dma_start3A_483] : memref<2x6x112xi32, #tpu.memory_space<vmem>> -> memref<1x6x112xi32, #tpu.memory_space<vmem>>
        %dma_start3A_485 = tpu.memref_squeeze %dma_start3A_484 : memref<1x6x112xi32, #tpu.memory_space<vmem>> -> memref<6x112xi32, #tpu.memory_space<vmem>>
        %dma_start3A_486 = arith.constant 0 : i32
        %dma_start3A_487 = arith.constant 0 : i32
        %dma_start3A_488 = tpu.memref_slice %arg4[%add3A, %add3A_463, %dma_start3A_486, %dma_start3A_487] : memref<32x15x6x112xi32, #tpu.memory_space<hbm>> -> memref<1x1x6x112xi32, #tpu.memory_space<hbm>>
        %dma_start3A_489 = tpu.memref_squeeze %dma_start3A_488 : memref<1x1x6x112xi32, #tpu.memory_space<hbm>> -> memref<6x112xi32, #tpu.memory_space<hbm>>
        %dma_start3A_490 = arith.constant 0 : i32
        %dma_start3A_491 = arith.constant 0 : i32
        %dma_start3A_492 = tpu.memref_slice %arg9[%rem3A_465, %dma_start3A_490, %dma_start3A_491] : memref<2x6x112xi32, #tpu.memory_space<vmem>> -> memref<1x6x112xi32, #tpu.memory_space<vmem>>
        %dma_start3A_493 = tpu.memref_squeeze %dma_start3A_492 : memref<1x6x112xi32, #tpu.memory_space<vmem>> -> memref<6x112xi32, #tpu.memory_space<vmem>>
        %dma_start3A_494 = arith.constant 0 : i32
        %dma_start3A_495 = arith.constant 0 : i32
        %dma_start3A_496 = tpu.memref_slice %arg4[%add3A, %add3A_463, %dma_start3A_494, %dma_start3A_495] : memref<32x15x6x112xi32, #tpu.memory_space<hbm>> -> memref<1x1x6x112xi32, #tpu.memory_space<hbm>>
        %dma_start3A_497 = tpu.memref_squeeze %dma_start3A_496 : memref<1x1x6x112xi32, #tpu.memory_space<hbm>> -> memref<6x112xi32, #tpu.memory_space<hbm>>
        tpu.enqueue_dma source(%dma_start3A_497 : memref<6x112xi32, #tpu.memory_space<hbm>>) target(%dma_start3A_493 : memref<6x112xi32, #tpu.memory_space<vmem>>) target_semaphore(%arg19 : memref<!tpu.dma_semaphore, #tpu.memory_space<semaphore_mem>>)
      } else {
      }
      %mul3A_317 = arith.constant 3 : i32
      %mul3A_318 = arith.muli %mul3A_317, %scan3A_82 : i32
      %add3A_319 = arith.constant 2 : i32
      %add3A_320 = arith.addi %mul3A_318, %add3A_319 : i32
      %jit3A_321 = arith.constant 6 : i32
      %div3A_322 = arith.divsi %add3A_320, %jit3A_321 : i32
      %sign3A_323 = arith.constant 0 : i32
      %sign3A_324 = arith.cmpi sgt, %add3A_320, %sign3A_323 : i32
      %sign3A_325 = arith.extui %sign3A_324 : i1 to i32
      %sign3A_326 = arith.constant 0 : i32
      %sign3A_327 = arith.cmpi slt, %add3A_320, %sign3A_326 : i32
      %sign3A_328 = arith.extui %sign3A_327 : i1 to i32
      %sign3A_329 = arith.subi %sign3A_325, %sign3A_328 : i32
      %sign3A_330 = arith.constant 0 : i32
      %sign3A_331 = arith.cmpi sgt, %jit3A_321, %sign3A_330 : i32
      %sign3A_332 = arith.extui %sign3A_331 : i1 to i32
      %sign3A_333 = arith.constant 0 : i32
      %sign3A_334 = arith.cmpi slt, %jit3A_321, %sign3A_333 : i32
      %sign3A_335 = arith.extui %sign3A_334 : i1 to i32
      %sign3A_336 = arith.subi %sign3A_332, %sign3A_335 : i32
      %ne3A_337 = arith.cmpi ne, %sign3A_329, %sign3A_336 : i32
      %rem3A_338 = arith.remsi %add3A_320, %jit3A_321 : i32
      %ne3A_339 = arith.constant 0 : i32
      %ne3A_340 = arith.cmpi ne, %rem3A_338, %ne3A_339 : i32
      %and3A_341 = arith.andi %ne3A_337, %ne3A_340 : i1
      %sub3A_342 = arith.constant 1 : i32
      %sub3A_343 = arith.subi %div3A_322, %sub3A_342 : i32
      %select_n3A_344 = arith.select %and3A_341, %sub3A_343, %div3A_322 : i32
      %rem3A_345 = arith.constant 2 : i32
      %rem3A_346 = arith.remsi %select_n3A_344, %rem3A_345 : i32
      %rem3A_347 = arith.constant 6 : i32
      %rem3A_348 = arith.remsi %add3A_320, %rem3A_347 : i32
      %dma_wait3A_349 = arith.constant 0 : i32
      %dma_wait3A_350 = tpu.memref_slice %arg8[%rem3A_346, %rem3A_348, %dma_wait3A_349] : memref<2x6x112xi32, #tpu.memory_space<vmem>> -> memref<1x1x112xi32, #tpu.memory_space<vmem>>
      %dma_wait3A_351 = tpu.memref_squeeze %dma_wait3A_350 : memref<1x1x112xi32, #tpu.memory_space<vmem>> -> memref<112xi32, #tpu.memory_space<vmem>>
      %dma_wait3A_352 = arith.constant 0 : i32
      %dma_wait3A_353 = arith.constant 0 : i32
      %dma_wait3A_354 = tpu.memref_slice %arg2[%dma_wait3A_352, %dma_wait3A_353] : memref<10240x128xf32, #tpu.memory_space<hbm>> -> memref<10240x128xf32, #tpu.memory_space<hbm>>
      tpu.wait_indirect_dma semaphore(%arg15 : memref<!tpu.dma_semaphore, #tpu.memory_space<semaphore_mem>>) src(%dma_wait3A_354 : memref<10240x128xf32, #tpu.memory_space<hbm>>) dst(%arg12 : memref<112x128xf32, #tpu.memory_space<vmem>>)
      %jit3A_355 = arith.constant 6 : i32
      %div3A_356 = arith.divsi %add3A_320, %jit3A_355 : i32
      %sign3A_357 = arith.constant 0 : i32
      %sign3A_358 = arith.cmpi sgt, %add3A_320, %sign3A_357 : i32
      %sign3A_359 = arith.extui %sign3A_358 : i1 to i32
      %sign3A_360 = arith.constant 0 : i32
      %sign3A_361 = arith.cmpi slt, %add3A_320, %sign3A_360 : i32
      %sign3A_362 = arith.extui %sign3A_361 : i1 to i32
      %sign3A_363 = arith.subi %sign3A_359, %sign3A_362 : i32
      %sign3A_364 = arith.constant 0 : i32
      %sign3A_365 = arith.cmpi sgt, %jit3A_355, %sign3A_364 : i32
      %sign3A_366 = arith.extui %sign3A_365 : i1 to i32
      %sign3A_367 = arith.constant 0 : i32
      %sign3A_368 = arith.cmpi slt, %jit3A_355, %sign3A_367 : i32
      %sign3A_369 = arith.extui %sign3A_368 : i1 to i32
      %sign3A_370 = arith.subi %sign3A_366, %sign3A_369 : i32
      %ne3A_371 = arith.cmpi ne, %sign3A_363, %sign3A_370 : i32
      %rem3A_372 = arith.remsi %add3A_320, %jit3A_355 : i32
      %ne3A_373 = arith.constant 0 : i32
      %ne3A_374 = arith.cmpi ne, %rem3A_372, %ne3A_373 : i32
      %and3A_375 = arith.andi %ne3A_371, %ne3A_374 : i1
      %sub3A_376 = arith.constant 1 : i32
      %sub3A_377 = arith.subi %div3A_356, %sub3A_376 : i32
      %select_n3A_378 = arith.select %and3A_375, %sub3A_377, %div3A_356 : i32
      %rem3A_379 = arith.constant 2 : i32
      %rem3A_380 = arith.remsi %select_n3A_378, %rem3A_379 : i32
      %rem3A_381 = arith.constant 6 : i32
      %rem3A_382 = arith.remsi %add3A_320, %rem3A_381 : i32
      %dma_start3A_383 = arith.constant 0 : i32
      %dma_start3A_384 = tpu.memref_slice %arg9[%rem3A_380, %rem3A_382, %dma_start3A_383] : memref<2x6x112xi32, #tpu.memory_space<vmem>> -> memref<1x1x112xi32, #tpu.memory_space<vmem>>
      %dma_start3A_385 = tpu.memref_squeeze %dma_start3A_384 : memref<1x1x112xi32, #tpu.memory_space<vmem>> -> memref<112xi32, #tpu.memory_space<vmem>>
      %dma_start3A_386 = arith.constant 0 : i32
      %dma_start3A_387 = arith.constant 0 : i32
      %dma_start3A_388 = tpu.memref_slice %arg7[%dma_start3A_386, %dma_start3A_387] : memref<10240x128xf32, #tpu.memory_space<vmem_shared>> -> memref<10240x128xf32, #tpu.memory_space<vmem_shared>>
      tpu.enqueue_indirect_dma source(%arg12 : memref<112x128xf32, #tpu.memory_space<vmem>>) target(%dma_start3A_388 : memref<10240x128xf32, #tpu.memory_space<vmem_shared>>) offsets(%dma_start3A_385 : memref<112xi32, #tpu.memory_space<vmem>>) semaphore(%arg18 : memref<!tpu.dma_semaphore, #tpu.memory_space<semaphore_mem>>) {add = true}
      %ge3A_389 = arith.constant 1 : i32
      %ge3A_390 = arith.cmpi sge, %add3A_320, %ge3A_389 : i32
      %add3A_391 = arith.constant 2 : i32
      %add3A_392 = arith.addi %add3A_320, %add3A_391 : i32
      %le3A_393 = arith.constant 89 : i32
      %le3A_394 = arith.cmpi sle, %add3A_392, %le3A_393 : i32
      %and3A_395 = arith.andi %ge3A_390, %le3A_394 : i1
      %convert_element_type3A_396 = arith.extui %and3A_395 : i1 to i32
      %cond3A_397 = arith.constant 0 : i32
      %cond3A_398 = arith.cmpi ne, %convert_element_type3A_396, %cond3A_397 : i32
      scf.if %cond3A_398 {
        %sub3A_438 = arith.constant 1 : i32
        %sub3A_439 = arith.subi %add3A_320, %sub3A_438 : i32
        %jit3A_440 = arith.constant 6 : i32
        %div3A_441 = arith.divsi %sub3A_439, %jit3A_440 : i32
        %sign3A_442 = arith.constant 0 : i32
        %sign3A_443 = arith.cmpi sgt, %sub3A_439, %sign3A_442 : i32
        %sign3A_444 = arith.extui %sign3A_443 : i1 to i32
        %sign3A_445 = arith.constant 0 : i32
        %sign3A_446 = arith.cmpi slt, %sub3A_439, %sign3A_445 : i32
        %sign3A_447 = arith.extui %sign3A_446 : i1 to i32
        %sign3A_448 = arith.subi %sign3A_444, %sign3A_447 : i32
        %sign3A_449 = arith.constant 0 : i32
        %sign3A_450 = arith.cmpi sgt, %jit3A_440, %sign3A_449 : i32
        %sign3A_451 = arith.extui %sign3A_450 : i1 to i32
        %sign3A_452 = arith.constant 0 : i32
        %sign3A_453 = arith.cmpi slt, %jit3A_440, %sign3A_452 : i32
        %sign3A_454 = arith.extui %sign3A_453 : i1 to i32
        %sign3A_455 = arith.subi %sign3A_451, %sign3A_454 : i32
        %ne3A_456 = arith.cmpi ne, %sign3A_448, %sign3A_455 : i32
        %rem3A_457 = arith.remsi %sub3A_439, %jit3A_440 : i32
        %ne3A_458 = arith.constant 0 : i32
        %ne3A_459 = arith.cmpi ne, %rem3A_457, %ne3A_458 : i32
        %and3A_460 = arith.andi %ne3A_456, %ne3A_459 : i1
        %sub3A_461 = arith.constant 1 : i32
        %sub3A_462 = arith.subi %div3A_441, %sub3A_461 : i32
        %select_n3A_463 = arith.select %and3A_460, %sub3A_462, %div3A_441 : i32
        %rem3A_464 = arith.constant 2 : i32
        %rem3A_465 = arith.remsi %select_n3A_463, %rem3A_464 : i32
        %sub3A_466 = arith.constant 1 : i32
        %sub3A_467 = arith.subi %add3A_320, %sub3A_466 : i32
        %rem3A_468 = arith.constant 6 : i32
        %rem3A_469 = arith.remsi %sub3A_467, %rem3A_468 : i32
        %dma_wait3A_470 = arith.constant 0 : i32
        %dma_wait3A_471 = tpu.memref_slice %arg9[%rem3A_465, %rem3A_469, %dma_wait3A_470] : memref<2x6x112xi32, #tpu.memory_space<vmem>> -> memref<1x1x112xi32, #tpu.memory_space<vmem>>
        %dma_wait3A_472 = tpu.memref_squeeze %dma_wait3A_471 : memref<1x1x112xi32, #tpu.memory_space<vmem>> -> memref<112xi32, #tpu.memory_space<vmem>>
        %dma_wait3A_473 = arith.constant 0 : i32
        %dma_wait3A_474 = arith.constant 0 : i32
        %dma_wait3A_475 = tpu.memref_slice %arg7[%dma_wait3A_473, %dma_wait3A_474] : memref<10240x128xf32, #tpu.memory_space<vmem_shared>> -> memref<10240x128xf32, #tpu.memory_space<vmem_shared>>
        tpu.wait_indirect_dma semaphore(%arg17 : memref<!tpu.dma_semaphore, #tpu.memory_space<semaphore_mem>>) src(%arg11 : memref<112x128xf32, #tpu.memory_space<vmem>>) dst(%dma_wait3A_475 : memref<10240x128xf32, #tpu.memory_space<vmem_shared>>)
        %add3A_476 = arith.constant 2 : i32
        %add3A_477 = arith.addi %add3A_320, %add3A_476 : i32
        %rem3A_478 = arith.constant 6 : i32
        %rem3A_479 = arith.remsi %add3A_477, %rem3A_478 : i32
        %eq3A_480 = arith.constant 0 : i32
        %eq3A_481 = arith.cmpi eq, %rem3A_479, %eq3A_480 : i32
        %add3A_482 = arith.constant 2 : i32
        %add3A_483 = arith.addi %add3A_320, %add3A_482 : i32
        %jit3A_484 = arith.constant 6 : i32
        %div3A_485 = arith.divsi %add3A_483, %jit3A_484 : i32
        %sign3A_486 = arith.constant 0 : i32
        %sign3A_487 = arith.cmpi sgt, %add3A_483, %sign3A_486 : i32
        %sign3A_488 = arith.extui %sign3A_487 : i1 to i32
        %sign3A_489 = arith.constant 0 : i32
        %sign3A_490 = arith.cmpi slt, %add3A_483, %sign3A_489 : i32
        %sign3A_491 = arith.extui %sign3A_490 : i1 to i32
        %sign3A_492 = arith.subi %sign3A_488, %sign3A_491 : i32
        %sign3A_493 = arith.constant 0 : i32
        %sign3A_494 = arith.cmpi sgt, %jit3A_484, %sign3A_493 : i32
        %sign3A_495 = arith.extui %sign3A_494 : i1 to i32
        %sign3A_496 = arith.constant 0 : i32
        %sign3A_497 = arith.cmpi slt, %jit3A_484, %sign3A_496 : i32
        %sign3A_498 = arith.extui %sign3A_497 : i1 to i32
        %sign3A_499 = arith.subi %sign3A_495, %sign3A_498 : i32
        %ne3A_500 = arith.cmpi ne, %sign3A_492, %sign3A_499 : i32
        %rem3A_501 = arith.remsi %add3A_483, %jit3A_484 : i32
        %ne3A_502 = arith.constant 0 : i32
        %ne3A_503 = arith.cmpi ne, %rem3A_501, %ne3A_502 : i32
        %and3A_504 = arith.andi %ne3A_500, %ne3A_503 : i1
        %sub3A_505 = arith.constant 1 : i32
        %sub3A_506 = arith.subi %div3A_485, %sub3A_505 : i32
        %select_n3A_507 = arith.select %and3A_504, %sub3A_506, %div3A_485 : i32
        %ge3A_508 = arith.constant 2 : i32
        %ge3A_509 = arith.cmpi sge, %select_n3A_507, %ge3A_508 : i32
        %and3A_510 = arith.andi %eq3A_481, %ge3A_509 : i1
        %convert_element_type3A_511 = arith.extui %and3A_510 : i1 to i32
        %cond3A_512 = arith.constant 0 : i32
        %cond3A_513 = arith.cmpi ne, %convert_element_type3A_511, %cond3A_512 : i32
        scf.if %cond3A_513 {
          %dma_wait3A_552 = arith.constant 0 : i32
          %dma_wait3A_553 = arith.constant 0 : i32
          %dma_wait3A_554 = arith.constant 0 : i32
          %dma_wait3A_555 = arith.constant 0 : i32
          %dma_wait3A_556 = tpu.memref_slice %arg8[%dma_wait3A_553, %dma_wait3A_554, %dma_wait3A_555] : memref<2x6x112xi32, #tpu.memory_space<vmem>> -> memref<1x6x112xi32, #tpu.memory_space<vmem>>
          %dma_wait3A_557 = tpu.memref_squeeze %dma_wait3A_556 : memref<1x6x112xi32, #tpu.memory_space<vmem>> -> memref<6x112xi32, #tpu.memory_space<vmem>>
          %dma_wait3A_558 = arith.constant 0 : i32
          %dma_wait3A_559 = arith.constant 0 : i32
          %dma_wait3A_560 = tpu.memref_slice %arg3[%add3A, %dma_wait3A_552, %dma_wait3A_558, %dma_wait3A_559] : memref<32x15x6x112xi32, #tpu.memory_space<hbm>> -> memref<1x1x6x112xi32, #tpu.memory_space<hbm>>
          %dma_wait3A_561 = tpu.memref_squeeze %dma_wait3A_560 : memref<1x1x6x112xi32, #tpu.memory_space<hbm>> -> memref<6x112xi32, #tpu.memory_space<hbm>>
          %dma_wait3A_562 = arith.constant 0 : i32
          %dma_wait3A_563 = arith.constant 0 : i32
          %dma_wait3A_564 = tpu.memref_slice %arg8[%dma_wait3A_553, %dma_wait3A_562, %dma_wait3A_563] : memref<2x6x112xi32, #tpu.memory_space<vmem>> -> memref<1x6x112xi32, #tpu.memory_space<vmem>>
          %dma_wait3A_565 = tpu.memref_squeeze %dma_wait3A_564 : memref<1x6x112xi32, #tpu.memory_space<vmem>> -> memref<6x112xi32, #tpu.memory_space<vmem>>
          %dma_wait3A_566 = arith.constant 0 : i32
          %dma_wait3A_567 = arith.constant 0 : i32
          %dma_wait3A_568 = tpu.memref_slice %arg3[%add3A, %dma_wait3A_552, %dma_wait3A_566, %dma_wait3A_567] : memref<32x15x6x112xi32, #tpu.memory_space<hbm>> -> memref<1x1x6x112xi32, #tpu.memory_space<hbm>>
          %dma_wait3A_569 = tpu.memref_squeeze %dma_wait3A_568 : memref<1x1x6x112xi32, #tpu.memory_space<hbm>> -> memref<6x112xi32, #tpu.memory_space<hbm>>
          tpu.wait_dma2 semaphore(%arg19 : memref<!tpu.dma_semaphore, #tpu.memory_space<semaphore_mem>>) src(%dma_wait3A_569 : memref<6x112xi32, #tpu.memory_space<hbm>>) dst(%dma_wait3A_565 : memref<6x112xi32, #tpu.memory_space<vmem>>)
          %dma_wait3A_570 = arith.constant 0 : i32
          %dma_wait3A_571 = arith.constant 0 : i32
          %dma_wait3A_572 = arith.constant 0 : i32
          %dma_wait3A_573 = arith.constant 0 : i32
          %dma_wait3A_574 = tpu.memref_slice %arg9[%dma_wait3A_571, %dma_wait3A_572, %dma_wait3A_573] : memref<2x6x112xi32, #tpu.memory_space<vmem>> -> memref<1x6x112xi32, #tpu.memory_space<vmem>>
          %dma_wait3A_575 = tpu.memref_squeeze %dma_wait3A_574 : memref<1x6x112xi32, #tpu.memory_space<vmem>> -> memref<6x112xi32, #tpu.memory_space<vmem>>
          %dma_wait3A_576 = arith.constant 0 : i32
          %dma_wait3A_577 = arith.constant 0 : i32
          %dma_wait3A_578 = tpu.memref_slice %arg4[%add3A, %dma_wait3A_570, %dma_wait3A_576, %dma_wait3A_577] : memref<32x15x6x112xi32, #tpu.memory_space<hbm>> -> memref<1x1x6x112xi32, #tpu.memory_space<hbm>>
          %dma_wait3A_579 = tpu.memref_squeeze %dma_wait3A_578 : memref<1x1x6x112xi32, #tpu.memory_space<hbm>> -> memref<6x112xi32, #tpu.memory_space<hbm>>
          %dma_wait3A_580 = arith.constant 0 : i32
          %dma_wait3A_581 = arith.constant 0 : i32
          %dma_wait3A_582 = tpu.memref_slice %arg9[%dma_wait3A_571, %dma_wait3A_580, %dma_wait3A_581] : memref<2x6x112xi32, #tpu.memory_space<vmem>> -> memref<1x6x112xi32, #tpu.memory_space<vmem>>
          %dma_wait3A_583 = tpu.memref_squeeze %dma_wait3A_582 : memref<1x6x112xi32, #tpu.memory_space<vmem>> -> memref<6x112xi32, #tpu.memory_space<vmem>>
          %dma_wait3A_584 = arith.constant 0 : i32
          %dma_wait3A_585 = arith.constant 0 : i32
          %dma_wait3A_586 = tpu.memref_slice %arg4[%add3A, %dma_wait3A_570, %dma_wait3A_584, %dma_wait3A_585] : memref<32x15x6x112xi32, #tpu.memory_space<hbm>> -> memref<1x1x6x112xi32, #tpu.memory_space<hbm>>
          %dma_wait3A_587 = tpu.memref_squeeze %dma_wait3A_586 : memref<1x1x6x112xi32, #tpu.memory_space<hbm>> -> memref<6x112xi32, #tpu.memory_space<hbm>>
          tpu.wait_dma2 semaphore(%arg19 : memref<!tpu.dma_semaphore, #tpu.memory_space<semaphore_mem>>) src(%dma_wait3A_587 : memref<6x112xi32, #tpu.memory_space<hbm>>) dst(%dma_wait3A_583 : memref<6x112xi32, #tpu.memory_space<vmem>>)
        } else {
        }
        %add3A_514 = arith.constant 2 : i32
        %add3A_515 = arith.addi %add3A_320, %add3A_514 : i32
        %jit3A_516 = arith.constant 6 : i32
        %div3A_517 = arith.divsi %add3A_515, %jit3A_516 : i32
        %sign3A_518 = arith.constant 0 : i32
        %sign3A_519 = arith.cmpi sgt, %add3A_515, %sign3A_518 : i32
        %sign3A_520 = arith.extui %sign3A_519 : i1 to i32
        %sign3A_521 = arith.constant 0 : i32
        %sign3A_522 = arith.cmpi slt, %add3A_515, %sign3A_521 : i32
        %sign3A_523 = arith.extui %sign3A_522 : i1 to i32
        %sign3A_524 = arith.subi %sign3A_520, %sign3A_523 : i32
        %sign3A_525 = arith.constant 0 : i32
        %sign3A_526 = arith.cmpi sgt, %jit3A_516, %sign3A_525 : i32
        %sign3A_527 = arith.extui %sign3A_526 : i1 to i32
        %sign3A_528 = arith.constant 0 : i32
        %sign3A_529 = arith.cmpi slt, %jit3A_516, %sign3A_528 : i32
        %sign3A_530 = arith.extui %sign3A_529 : i1 to i32
        %sign3A_531 = arith.subi %sign3A_527, %sign3A_530 : i32
        %ne3A_532 = arith.cmpi ne, %sign3A_524, %sign3A_531 : i32
        %rem3A_533 = arith.remsi %add3A_515, %jit3A_516 : i32
        %ne3A_534 = arith.constant 0 : i32
        %ne3A_535 = arith.cmpi ne, %rem3A_533, %ne3A_534 : i32
        %and3A_536 = arith.andi %ne3A_532, %ne3A_535 : i1
        %sub3A_537 = arith.constant 1 : i32
        %sub3A_538 = arith.subi %div3A_517, %sub3A_537 : i32
        %select_n3A_539 = arith.select %and3A_536, %sub3A_538, %div3A_517 : i32
        %rem3A_540 = arith.constant 2 : i32
        %rem3A_541 = arith.remsi %select_n3A_539, %rem3A_540 : i32
        %add3A_542 = arith.constant 2 : i32
        %add3A_543 = arith.addi %add3A_320, %add3A_542 : i32
        %rem3A_544 = arith.constant 6 : i32
        %rem3A_545 = arith.remsi %add3A_543, %rem3A_544 : i32
        %dma_start3A_546 = arith.constant 0 : i32
        %dma_start3A_547 = tpu.memref_slice %arg8[%rem3A_541, %rem3A_545, %dma_start3A_546] : memref<2x6x112xi32, #tpu.memory_space<vmem>> -> memref<1x1x112xi32, #tpu.memory_space<vmem>>
        %dma_start3A_548 = tpu.memref_squeeze %dma_start3A_547 : memref<1x1x112xi32, #tpu.memory_space<vmem>> -> memref<112xi32, #tpu.memory_space<vmem>>
        %dma_start3A_549 = arith.constant 0 : i32
        %dma_start3A_550 = arith.constant 0 : i32
        %dma_start3A_551 = tpu.memref_slice %arg2[%dma_start3A_549, %dma_start3A_550] : memref<10240x128xf32, #tpu.memory_space<hbm>> -> memref<10240x128xf32, #tpu.memory_space<hbm>>
        tpu.enqueue_indirect_dma source(%dma_start3A_551 : memref<10240x128xf32, #tpu.memory_space<hbm>>) target(%arg11 : memref<112x128xf32, #tpu.memory_space<vmem>>) offsets(%dma_start3A_548 : memref<112xi32, #tpu.memory_space<vmem>>) semaphore(%arg14 : memref<!tpu.dma_semaphore, #tpu.memory_space<semaphore_mem>>)
      } else {
      }
      %rem3A_399 = arith.constant 6 : i32
      %rem3A_400 = arith.remsi %add3A_320, %rem3A_399 : i32
      %eq3A_401 = arith.constant 0 : i32
      %eq3A_402 = arith.cmpi eq, %rem3A_400, %eq3A_401 : i32
      %ge3A_403 = arith.constant 6 : i32
      %ge3A_404 = arith.cmpi sge, %add3A_320, %ge3A_403 : i32
      %jit3A_405 = arith.constant 6 : i32
      %div3A_406 = arith.divsi %add3A_320, %jit3A_405 : i32
      %sign3A_407 = arith.constant 0 : i32
      %sign3A_408 = arith.cmpi sgt, %add3A_320, %sign3A_407 : i32
      %sign3A_409 = arith.extui %sign3A_408 : i1 to i32
      %sign3A_410 = arith.constant 0 : i32
      %sign3A_411 = arith.cmpi slt, %add3A_320, %sign3A_410 : i32
      %sign3A_412 = arith.extui %sign3A_411 : i1 to i32
      %sign3A_413 = arith.subi %sign3A_409, %sign3A_412 : i32
      %sign3A_414 = arith.constant 0 : i32
      %sign3A_415 = arith.cmpi sgt, %jit3A_405, %sign3A_414 : i32
      %sign3A_416 = arith.extui %sign3A_415 : i1 to i32
      %sign3A_417 = arith.constant 0 : i32
      %sign3A_418 = arith.cmpi slt, %jit3A_405, %sign3A_417 : i32
      %sign3A_419 = arith.extui %sign3A_418 : i1 to i32
      %sign3A_420 = arith.subi %sign3A_416, %sign3A_419 : i32
      %ne3A_421 = arith.cmpi ne, %sign3A_413, %sign3A_420 : i32
      %rem3A_422 = arith.remsi %add3A_320, %jit3A_405 : i32
      %ne3A_423 = arith.constant 0 : i32
      %ne3A_424 = arith.cmpi ne, %rem3A_422, %ne3A_423 : i32
      %and3A_425 = arith.andi %ne3A_421, %ne3A_424 : i1
      %sub3A_426 = arith.constant 1 : i32
      %sub3A_427 = arith.subi %div3A_406, %sub3A_426 : i32
      %select_n3A_428 = arith.select %and3A_425, %sub3A_427, %div3A_406 : i32
      %add3A_429 = arith.constant 1 : i32
      %add3A_430 = arith.addi %select_n3A_428, %add3A_429 : i32
      %le3A_431 = arith.constant 14 : i32
      %le3A_432 = arith.cmpi sle, %add3A_430, %le3A_431 : i32
      %and3A_433 = arith.andi %ge3A_404, %le3A_432 : i1
      %and3A_434 = arith.andi %eq3A_402, %and3A_433 : i1
      %convert_element_type3A_435 = arith.extui %and3A_434 : i1 to i32
      %cond3A_436 = arith.constant 0 : i32
      %cond3A_437 = arith.cmpi ne, %convert_element_type3A_435, %cond3A_436 : i32
      scf.if %cond3A_437 {
        %jit3A_438 = arith.constant 6 : i32
        %div3A_439 = arith.divsi %add3A_320, %jit3A_438 : i32
        %sign3A_440 = arith.constant 0 : i32
        %sign3A_441 = arith.cmpi sgt, %add3A_320, %sign3A_440 : i32
        %sign3A_442 = arith.extui %sign3A_441 : i1 to i32
        %sign3A_443 = arith.constant 0 : i32
        %sign3A_444 = arith.cmpi slt, %add3A_320, %sign3A_443 : i32
        %sign3A_445 = arith.extui %sign3A_444 : i1 to i32
        %sign3A_446 = arith.subi %sign3A_442, %sign3A_445 : i32
        %sign3A_447 = arith.constant 0 : i32
        %sign3A_448 = arith.cmpi sgt, %jit3A_438, %sign3A_447 : i32
        %sign3A_449 = arith.extui %sign3A_448 : i1 to i32
        %sign3A_450 = arith.constant 0 : i32
        %sign3A_451 = arith.cmpi slt, %jit3A_438, %sign3A_450 : i32
        %sign3A_452 = arith.extui %sign3A_451 : i1 to i32
        %sign3A_453 = arith.subi %sign3A_449, %sign3A_452 : i32
        %ne3A_454 = arith.cmpi ne, %sign3A_446, %sign3A_453 : i32
        %rem3A_455 = arith.remsi %add3A_320, %jit3A_438 : i32
        %ne3A_456 = arith.constant 0 : i32
        %ne3A_457 = arith.cmpi ne, %rem3A_455, %ne3A_456 : i32
        %and3A_458 = arith.andi %ne3A_454, %ne3A_457 : i1
        %sub3A_459 = arith.constant 1 : i32
        %sub3A_460 = arith.subi %div3A_439, %sub3A_459 : i32
        %select_n3A_461 = arith.select %and3A_458, %sub3A_460, %div3A_439 : i32
        %add3A_462 = arith.constant 1 : i32
        %add3A_463 = arith.addi %select_n3A_461, %add3A_462 : i32
        %rem3A_464 = arith.constant 2 : i32
        %rem3A_465 = arith.remsi %add3A_463, %rem3A_464 : i32
        %dma_start3A_466 = arith.constant 0 : i32
        %dma_start3A_467 = arith.constant 0 : i32
        %dma_start3A_468 = tpu.memref_slice %arg8[%rem3A_465, %dma_start3A_466, %dma_start3A_467] : memref<2x6x112xi32, #tpu.memory_space<vmem>> -> memref<1x6x112xi32, #tpu.memory_space<vmem>>
        %dma_start3A_469 = tpu.memref_squeeze %dma_start3A_468 : memref<1x6x112xi32, #tpu.memory_space<vmem>> -> memref<6x112xi32, #tpu.memory_space<vmem>>
        %dma_start3A_470 = arith.constant 0 : i32
        %dma_start3A_471 = arith.constant 0 : i32
        %dma_start3A_472 = tpu.memref_slice %arg3[%add3A, %add3A_463, %dma_start3A_470, %dma_start3A_471] : memref<32x15x6x112xi32, #tpu.memory_space<hbm>> -> memref<1x1x6x112xi32, #tpu.memory_space<hbm>>
        %dma_start3A_473 = tpu.memref_squeeze %dma_start3A_472 : memref<1x1x6x112xi32, #tpu.memory_space<hbm>> -> memref<6x112xi32, #tpu.memory_space<hbm>>
        %dma_start3A_474 = arith.constant 0 : i32
        %dma_start3A_475 = arith.constant 0 : i32
        %dma_start3A_476 = tpu.memref_slice %arg8[%rem3A_465, %dma_start3A_474, %dma_start3A_475] : memref<2x6x112xi32, #tpu.memory_space<vmem>> -> memref<1x6x112xi32, #tpu.memory_space<vmem>>
        %dma_start3A_477 = tpu.memref_squeeze %dma_start3A_476 : memref<1x6x112xi32, #tpu.memory_space<vmem>> -> memref<6x112xi32, #tpu.memory_space<vmem>>
        %dma_start3A_478 = arith.constant 0 : i32
        %dma_start3A_479 = arith.constant 0 : i32
        %dma_start3A_480 = tpu.memref_slice %arg3[%add3A, %add3A_463, %dma_start3A_478, %dma_start3A_479] : memref<32x15x6x112xi32, #tpu.memory_space<hbm>> -> memref<1x1x6x112xi32, #tpu.memory_space<hbm>>
        %dma_start3A_481 = tpu.memref_squeeze %dma_start3A_480 : memref<1x1x6x112xi32, #tpu.memory_space<hbm>> -> memref<6x112xi32, #tpu.memory_space<hbm>>
        tpu.enqueue_dma source(%dma_start3A_481 : memref<6x112xi32, #tpu.memory_space<hbm>>) target(%dma_start3A_477 : memref<6x112xi32, #tpu.memory_space<vmem>>) target_semaphore(%arg19 : memref<!tpu.dma_semaphore, #tpu.memory_space<semaphore_mem>>)
        %dma_start3A_482 = arith.constant 0 : i32
        %dma_start3A_483 = arith.constant 0 : i32
        %dma_start3A_484 = tpu.memref_slice %arg9[%rem3A_465, %dma_start3A_482, %dma_start3A_483] : memref<2x6x112xi32, #tpu.memory_space<vmem>> -> memref<1x6x112xi32, #tpu.memory_space<vmem>>
        %dma_start3A_485 = tpu.memref_squeeze %dma_start3A_484 : memref<1x6x112xi32, #tpu.memory_space<vmem>> -> memref<6x112xi32, #tpu.memory_space<vmem>>
        %dma_start3A_486 = arith.constant 0 : i32
        %dma_start3A_487 = arith.constant 0 : i32
        %dma_start3A_488 = tpu.memref_slice %arg4[%add3A, %add3A_463, %dma_start3A_486, %dma_start3A_487] : memref<32x15x6x112xi32, #tpu.memory_space<hbm>> -> memref<1x1x6x112xi32, #tpu.memory_space<hbm>>
        %dma_start3A_489 = tpu.memref_squeeze %dma_start3A_488 : memref<1x1x6x112xi32, #tpu.memory_space<hbm>> -> memref<6x112xi32, #tpu.memory_space<hbm>>
        %dma_start3A_490 = arith.constant 0 : i32
        %dma_start3A_491 = arith.constant 0 : i32
        %dma_start3A_492 = tpu.memref_slice %arg9[%rem3A_465, %dma_start3A_490, %dma_start3A_491] : memref<2x6x112xi32, #tpu.memory_space<vmem>> -> memref<1x6x112xi32, #tpu.memory_space<vmem>>
        %dma_start3A_493 = tpu.memref_squeeze %dma_start3A_492 : memref<1x6x112xi32, #tpu.memory_space<vmem>> -> memref<6x112xi32, #tpu.memory_space<vmem>>
        %dma_start3A_494 = arith.constant 0 : i32
        %dma_start3A_495 = arith.constant 0 : i32
        %dma_start3A_496 = tpu.memref_slice %arg4[%add3A, %add3A_463, %dma_start3A_494, %dma_start3A_495] : memref<32x15x6x112xi32, #tpu.memory_space<hbm>> -> memref<1x1x6x112xi32, #tpu.memory_space<hbm>>
        %dma_start3A_497 = tpu.memref_squeeze %dma_start3A_496 : memref<1x1x6x112xi32, #tpu.memory_space<hbm>> -> memref<6x112xi32, #tpu.memory_space<hbm>>
        tpu.enqueue_dma source(%dma_start3A_497 : memref<6x112xi32, #tpu.memory_space<hbm>>) target(%dma_start3A_493 : memref<6x112xi32, #tpu.memory_space<vmem>>) target_semaphore(%arg19 : memref<!tpu.dma_semaphore, #tpu.memory_space<semaphore_mem>>)
      } else {
      }
    }
    %scan3A_46 = arith.constant 30 : i32
    %rem3A = arith.constant 14 : i32
    %rem3A_47 = arith.constant 2 : i32
    %rem3A_48 = arith.remsi %rem3A, %rem3A_47 : i32
    %rem3A_49 = arith.constant 87 : i32
    %rem3A_50 = arith.constant 6 : i32
    %rem3A_51 = arith.remsi %rem3A_49, %rem3A_50 : i32
    %dma_wait3A = arith.constant 0 : i32
    %dma_wait3A_52 = tpu.memref_slice %arg9[%rem3A_48, %rem3A_51, %dma_wait3A] : memref<2x6x112xi32, #tpu.memory_space<vmem>> -> memref<1x1x112xi32, #tpu.memory_space<vmem>>
    %dma_wait3A_53 = tpu.memref_squeeze %dma_wait3A_52 : memref<1x1x112xi32, #tpu.memory_space<vmem>> -> memref<112xi32, #tpu.memory_space<vmem>>
    %dma_wait3A_54 = arith.constant 0 : i32
    %dma_wait3A_55 = arith.constant 0 : i32
    %dma_wait3A_56 = tpu.memref_slice %arg7[%dma_wait3A_54, %dma_wait3A_55] : memref<10240x128xf32, #tpu.memory_space<vmem_shared>> -> memref<10240x128xf32, #tpu.memory_space<vmem_shared>>
    tpu.wait_indirect_dma semaphore(%arg16 : memref<!tpu.dma_semaphore, #tpu.memory_space<semaphore_mem>>) src(%arg10 : memref<112x128xf32, #tpu.memory_space<vmem>>) dst(%dma_wait3A_56 : memref<10240x128xf32, #tpu.memory_space<vmem_shared>>)
    %rem3A_57 = arith.constant 14 : i32
    %rem3A_58 = arith.constant 2 : i32
    %rem3A_59 = arith.remsi %rem3A_57, %rem3A_58 : i32
    %rem3A_60 = arith.constant 88 : i32
    %rem3A_61 = arith.constant 6 : i32
    %rem3A_62 = arith.remsi %rem3A_60, %rem3A_61 : i32
    %dma_wait3A_63 = arith.constant 0 : i32
    %dma_wait3A_64 = tpu.memref_slice %arg9[%rem3A_59, %rem3A_62, %dma_wait3A_63] : memref<2x6x112xi32, #tpu.memory_space<vmem>> -> memref<1x1x112xi32, #tpu.memory_space<vmem>>
    %dma_wait3A_65 = tpu.memref_squeeze %dma_wait3A_64 : memref<1x1x112xi32, #tpu.memory_space<vmem>> -> memref<112xi32, #tpu.memory_space<vmem>>
    %dma_wait3A_66 = arith.constant 0 : i32
    %dma_wait3A_67 = arith.constant 0 : i32
    %dma_wait3A_68 = tpu.memref_slice %arg7[%dma_wait3A_66, %dma_wait3A_67] : memref<10240x128xf32, #tpu.memory_space<vmem_shared>> -> memref<10240x128xf32, #tpu.memory_space<vmem_shared>>
    tpu.wait_indirect_dma semaphore(%arg17 : memref<!tpu.dma_semaphore, #tpu.memory_space<semaphore_mem>>) src(%arg11 : memref<112x128xf32, #tpu.memory_space<vmem>>) dst(%dma_wait3A_68 : memref<10240x128xf32, #tpu.memory_space<vmem_shared>>)
    %rem3A_69 = arith.constant 14 : i32
    %rem3A_70 = arith.constant 2 : i32
    %rem3A_71 = arith.remsi %rem3A_69, %rem3A_70 : i32
    %rem3A_72 = arith.constant 89 : i32
    %rem3A_73 = arith.constant 6 : i32
    %rem3A_74 = arith.remsi %rem3A_72, %rem3A_73 : i32
    %dma_wait3A_75 = arith.constant 0 : i32
    %dma_wait3A_76 = tpu.memref_slice %arg9[%rem3A_71, %rem3A_74, %dma_wait3A_75] : memref<2x6x112xi32, #tpu.memory_space<vmem>> -> memref<1x1x112xi32, #tpu.memory_space<vmem>>
    %dma_wait3A_77 = tpu.memref_squeeze %dma_wait3A_76 : memref<1x1x112xi32, #tpu.memory_space<vmem>> -> memref<112xi32, #tpu.memory_space<vmem>>
    %dma_wait3A_78 = arith.constant 0 : i32
    %dma_wait3A_79 = arith.constant 0 : i32
    %dma_wait3A_80 = tpu.memref_slice %arg7[%dma_wait3A_78, %dma_wait3A_79] : memref<10240x128xf32, #tpu.memory_space<vmem_shared>> -> memref<10240x128xf32, #tpu.memory_space<vmem_shared>>
    tpu.wait_indirect_dma semaphore(%arg18 : memref<!tpu.dma_semaphore, #tpu.memory_space<semaphore_mem>>) src(%arg12 : memref<112x128xf32, #tpu.memory_space<vmem>>) dst(%dma_wait3A_80 : memref<10240x128xf32, #tpu.memory_space<vmem_shared>>)
    %barrier3A_81 = arith.constant 0 : index
    tpu.barrier barrier_id(%barrier3A_81)
    "tpu.region"() ({
      %run_scoped3A = tpu.sem_alloc : memref<!tpu.dma_semaphore, #tpu.memory_space<semaphore_mem>>
      %dma_start3A_82 = arith.constant 0 : i32
      %dma_start3A_83 = tpu.memref_slice %arg6[%arg0, %mul3A_2, %dma_start3A_82] : memref<2x10240x128xf32, #tpu.memory_space<hbm>> -> memref<1x640x128xf32, #tpu.memory_space<hbm>>
      %dma_start3A_84 = tpu.memref_squeeze %dma_start3A_83 : memref<1x640x128xf32, #tpu.memory_space<hbm>> -> memref<640x128xf32, #tpu.memory_space<hbm>>
      %dma_start3A_85 = arith.constant 0 : i32
      %dma_start3A_86 = tpu.memref_slice %arg7[%mul3A_2, %dma_start3A_85] : memref<10240x128xf32, #tpu.memory_space<vmem_shared>> -> memref<640x128xf32, #tpu.memory_space<vmem_shared>>
      tpu.enqueue_dma source(%dma_start3A_86 : memref<640x128xf32, #tpu.memory_space<vmem_shared>>) target(%dma_start3A_84 : memref<640x128xf32, #tpu.memory_space<hbm>>) target_semaphore(%run_scoped3A : memref<!tpu.dma_semaphore, #tpu.memory_space<semaphore_mem>>)
      %dma_wait3A_87 = arith.constant 0 : i32
      %dma_wait3A_88 = tpu.memref_slice %arg6[%arg0, %mul3A_2, %dma_wait3A_87] : memref<2x10240x128xf32, #tpu.memory_space<hbm>> -> memref<1x640x128xf32, #tpu.memory_space<hbm>>
      %dma_wait3A_89 = tpu.memref_squeeze %dma_wait3A_88 : memref<1x640x128xf32, #tpu.memory_space<hbm>> -> memref<640x128xf32, #tpu.memory_space<hbm>>
      %dma_wait3A_90 = arith.constant 0 : i32
      %dma_wait3A_91 = tpu.memref_slice %arg7[%mul3A_2, %dma_wait3A_90] : memref<10240x128xf32, #tpu.memory_space<vmem_shared>> -> memref<640x128xf32, #tpu.memory_space<vmem_shared>>
      tpu.wait_dma2 semaphore(%run_scoped3A : memref<!tpu.dma_semaphore, #tpu.memory_space<semaphore_mem>>) src(%dma_wait3A_91 : memref<640x128xf32, #tpu.memory_space<vmem_shared>>) dst(%dma_wait3A_89 : memref<640x128xf32, #tpu.memory_space<hbm>>)
      tpu.yield
    }) : () -> ()
    return
  }
}

#map = affine_map<(d0, d1) -> (0, 0, 0, 0)>
#map1 = affine_map<(d0, d1) -> (0)>
#map2 = affine_map<(d0, d1) -> (0, 0)>
module attributes {stable_mosaic.version = 14 : i64} {
  func.func @_sc_deg_body(%arg0: i32, %arg1: i32, %arg2: memref<32x15x6x112xi32, #tpu.memory_space<hbm>>, %arg3: memref<10240xf32, #tpu.memory_space<hbm>>, %arg4: memref<2x10240xf32, #tpu.memory_space<hbm>>, %arg5: memref<10240xf32, #tpu.memory_space<vmem_shared>>, %arg6: memref<15x6x112xi32, #tpu.memory_space<vmem>>, %arg7: memref<112xf32, #tpu.memory_space<vmem>>, %arg8: memref<!tpu.dma_semaphore, #tpu.memory_space<semaphore_mem>>, %arg9: memref<!tpu.dma_semaphore, #tpu.memory_space<semaphore_mem>>, %arg10: memref<!tpu.dma_semaphore, #tpu.memory_space<semaphore_mem>>) attributes {dimension_semantics = [#tpu.dimension_semantics<core_parallel>, #tpu.dimension_semantics<subcore_parallel>], iteration_bounds = array<i64: 2, 16>, scalar_prefetch = 0 : i64, scratch_operands = 6 : i64, tpu.core_type = #tpu.core_type<sc_vector_subcore>, window_params = [{transform_indices = #map}, {transform_indices = #map1}, {transform_indices = #map2}]} {
    %mul3A = arith.constant 16 : i32
    %mul3A_0 = arith.muli %arg0, %mul3A : i32
    %add3A = arith.addi %mul3A_0, %arg1 : i32
    %mul3A_1 = arith.constant 640 : i32
    %mul3A_2 = arith.muli %arg1, %mul3A_1 : i32
    "tpu.region"() ({
      %run_scoped3A = tpu.sem_alloc : memref<!tpu.dma_semaphore, #tpu.memory_space<semaphore_mem>>
      %dma_start3A = tpu.memref_slice %arg5[%mul3A_2] : memref<10240xf32, #tpu.memory_space<vmem_shared>> -> memref<640xf32, #tpu.memory_space<vmem_shared>>
      %dma_start3A_49 = tpu.memref_slice %arg3[%mul3A_2] : memref<10240xf32, #tpu.memory_space<hbm>> -> memref<640xf32, #tpu.memory_space<hbm>>
      tpu.enqueue_dma source(%dma_start3A_49 : memref<640xf32, #tpu.memory_space<hbm>>) target(%dma_start3A : memref<640xf32, #tpu.memory_space<vmem_shared>>) target_semaphore(%run_scoped3A : memref<!tpu.dma_semaphore, #tpu.memory_space<semaphore_mem>>)
      %dma_wait3A = tpu.memref_slice %arg5[%mul3A_2] : memref<10240xf32, #tpu.memory_space<vmem_shared>> -> memref<640xf32, #tpu.memory_space<vmem_shared>>
      %dma_wait3A_50 = tpu.memref_slice %arg3[%mul3A_2] : memref<10240xf32, #tpu.memory_space<hbm>> -> memref<640xf32, #tpu.memory_space<hbm>>
      tpu.wait_dma2 semaphore(%run_scoped3A : memref<!tpu.dma_semaphore, #tpu.memory_space<semaphore_mem>>) src(%dma_wait3A_50 : memref<640xf32, #tpu.memory_space<hbm>>) dst(%dma_wait3A : memref<640xf32, #tpu.memory_space<vmem_shared>>)
      tpu.yield
    }) : () -> ()
    "tpu.region"() ({
      %run_scoped3A = tpu.sem_alloc : memref<!tpu.dma_semaphore, #tpu.memory_space<semaphore_mem>>
      %dma_start3A = arith.constant 0 : i32
      %dma_start3A_49 = arith.constant 0 : i32
      %dma_start3A_50 = arith.constant 0 : i32
      %dma_start3A_51 = tpu.memref_slice %arg2[%add3A, %dma_start3A, %dma_start3A_49, %dma_start3A_50] : memref<32x15x6x112xi32, #tpu.memory_space<hbm>> -> memref<1x15x6x112xi32, #tpu.memory_space<hbm>>
      %dma_start3A_52 = tpu.memref_squeeze %dma_start3A_51 : memref<1x15x6x112xi32, #tpu.memory_space<hbm>> -> memref<15x6x112xi32, #tpu.memory_space<hbm>>
      %dma_start3A_53 = arith.constant 0 : i32
      %dma_start3A_54 = arith.constant 0 : i32
      %dma_start3A_55 = arith.constant 0 : i32
      %dma_start3A_56 = tpu.memref_slice %arg2[%add3A, %dma_start3A_53, %dma_start3A_54, %dma_start3A_55] : memref<32x15x6x112xi32, #tpu.memory_space<hbm>> -> memref<1x15x6x112xi32, #tpu.memory_space<hbm>>
      %dma_start3A_57 = tpu.memref_squeeze %dma_start3A_56 : memref<1x15x6x112xi32, #tpu.memory_space<hbm>> -> memref<15x6x112xi32, #tpu.memory_space<hbm>>
      tpu.enqueue_dma source(%dma_start3A_57 : memref<15x6x112xi32, #tpu.memory_space<hbm>>) target(%arg6 : memref<15x6x112xi32, #tpu.memory_space<vmem>>) target_semaphore(%run_scoped3A : memref<!tpu.dma_semaphore, #tpu.memory_space<semaphore_mem>>)
      %dma_wait3A = arith.constant 0 : i32
      %dma_wait3A_58 = arith.constant 0 : i32
      %dma_wait3A_59 = arith.constant 0 : i32
      %dma_wait3A_60 = tpu.memref_slice %arg2[%add3A, %dma_wait3A, %dma_wait3A_58, %dma_wait3A_59] : memref<32x15x6x112xi32, #tpu.memory_space<hbm>> -> memref<1x15x6x112xi32, #tpu.memory_space<hbm>>
      %dma_wait3A_61 = tpu.memref_squeeze %dma_wait3A_60 : memref<1x15x6x112xi32, #tpu.memory_space<hbm>> -> memref<15x6x112xi32, #tpu.memory_space<hbm>>
      %dma_wait3A_62 = arith.constant 0 : i32
      %dma_wait3A_63 = arith.constant 0 : i32
      %dma_wait3A_64 = arith.constant 0 : i32
      %dma_wait3A_65 = tpu.memref_slice %arg2[%add3A, %dma_wait3A_62, %dma_wait3A_63, %dma_wait3A_64] : memref<32x15x6x112xi32, #tpu.memory_space<hbm>> -> memref<1x15x6x112xi32, #tpu.memory_space<hbm>>
      %dma_wait3A_66 = tpu.memref_squeeze %dma_wait3A_65 : memref<1x15x6x112xi32, #tpu.memory_space<hbm>> -> memref<15x6x112xi32, #tpu.memory_space<hbm>>
      tpu.wait_dma2 semaphore(%run_scoped3A : memref<!tpu.dma_semaphore, #tpu.memory_space<semaphore_mem>>) src(%dma_wait3A_66 : memref<15x6x112xi32, #tpu.memory_space<hbm>>) dst(%arg6 : memref<15x6x112xi32, #tpu.memory_space<vmem>>)
      tpu.yield
    }) : () -> ()
    %broadcast_in_dim3A = arith.constant 1.000000e+00 : f32
    %broadcast_in_dim3A_3 = vector.broadcast %broadcast_in_dim3A : f32 to vector<16xf32>
    %swap3A = arith.constant 0 : index
    %swap3A_4 = tpu.vector_load %arg7[%swap3A] {strides = array<i32>} : memref<112xf32, #tpu.memory_space<vmem>>, vector<16xf32>,
    %swap3A_5 = vector.shape_cast %swap3A_4 : vector<16xf32> to vector<16xf32>
    %swap3A_6 = vector.shape_cast %broadcast_in_dim3A_3 : vector<16xf32> to vector<16xf32>
    tpu.vector_store %arg7[%swap3A], %swap3A_6 {strides = array<i32>} : memref<112xf32, #tpu.memory_space<vmem>>, vector<16xf32>,
    %broadcast_in_dim3A_7 = arith.constant 1.000000e+00 : f32
    %broadcast_in_dim3A_8 = vector.broadcast %broadcast_in_dim3A_7 : f32 to vector<16xf32>
    %swap3A_9 = arith.constant 16 : index
    %swap3A_10 = tpu.vector_load %arg7[%swap3A_9] {strides = array<i32>} : memref<112xf32, #tpu.memory_space<vmem>>, vector<16xf32>,
    %swap3A_11 = vector.shape_cast %swap3A_10 : vector<16xf32> to vector<16xf32>
    %swap3A_12 = vector.shape_cast %broadcast_in_dim3A_8 : vector<16xf32> to vector<16xf32>
    tpu.vector_store %arg7[%swap3A_9], %swap3A_12 {strides = array<i32>} : memref<112xf32, #tpu.memory_space<vmem>>, vector<16xf32>,
    %broadcast_in_dim3A_13 = arith.constant 1.000000e+00 : f32
    %broadcast_in_dim3A_14 = vector.broadcast %broadcast_in_dim3A_13 : f32 to vector<16xf32>
    %swap3A_15 = arith.constant 32 : index
    %swap3A_16 = tpu.vector_load %arg7[%swap3A_15] {strides = array<i32>} : memref<112xf32, #tpu.memory_space<vmem>>, vector<16xf32>,
    %swap3A_17 = vector.shape_cast %swap3A_16 : vector<16xf32> to vector<16xf32>
    %swap3A_18 = vector.shape_cast %broadcast_in_dim3A_14 : vector<16xf32> to vector<16xf32>
    tpu.vector_store %arg7[%swap3A_15], %swap3A_18 {strides = array<i32>} : memref<112xf32, #tpu.memory_space<vmem>>, vector<16xf32>,
    %broadcast_in_dim3A_19 = arith.constant 1.000000e+00 : f32
    %broadcast_in_dim3A_20 = vector.broadcast %broadcast_in_dim3A_19 : f32 to vector<16xf32>
    %swap3A_21 = arith.constant 48 : index
    %swap3A_22 = tpu.vector_load %arg7[%swap3A_21] {strides = array<i32>} : memref<112xf32, #tpu.memory_space<vmem>>, vector<16xf32>,
    %swap3A_23 = vector.shape_cast %swap3A_22 : vector<16xf32> to vector<16xf32>
    %swap3A_24 = vector.shape_cast %broadcast_in_dim3A_20 : vector<16xf32> to vector<16xf32>
    tpu.vector_store %arg7[%swap3A_21], %swap3A_24 {strides = array<i32>} : memref<112xf32, #tpu.memory_space<vmem>>, vector<16xf32>,
    %broadcast_in_dim3A_25 = arith.constant 1.000000e+00 : f32
    %broadcast_in_dim3A_26 = vector.broadcast %broadcast_in_dim3A_25 : f32 to vector<16xf32>
    %swap3A_27 = arith.constant 64 : index
    %swap3A_28 = tpu.vector_load %arg7[%swap3A_27] {strides = array<i32>} : memref<112xf32, #tpu.memory_space<vmem>>, vector<16xf32>,
    %swap3A_29 = vector.shape_cast %swap3A_28 : vector<16xf32> to vector<16xf32>
    %swap3A_30 = vector.shape_cast %broadcast_in_dim3A_26 : vector<16xf32> to vector<16xf32>
    tpu.vector_store %arg7[%swap3A_27], %swap3A_30 {strides = array<i32>} : memref<112xf32, #tpu.memory_space<vmem>>, vector<16xf32>,
    %broadcast_in_dim3A_31 = arith.constant 1.000000e+00 : f32
    %broadcast_in_dim3A_32 = vector.broadcast %broadcast_in_dim3A_31 : f32 to vector<16xf32>
    %swap3A_33 = arith.constant 80 : index
    %swap3A_34 = tpu.vector_load %arg7[%swap3A_33] {strides = array<i32>} : memref<112xf32, #tpu.memory_space<vmem>>, vector<16xf32>,
    %swap3A_35 = vector.shape_cast %swap3A_34 : vector<16xf32> to vector<16xf32>
    %swap3A_36 = vector.shape_cast %broadcast_in_dim3A_32 : vector<16xf32> to vector<16xf32>
    tpu.vector_store %arg7[%swap3A_33], %swap3A_36 {strides = array<i32>} : memref<112xf32, #tpu.memory_space<vmem>>, vector<16xf32>,
    %broadcast_in_dim3A_37 = arith.constant 1.000000e+00 : f32
    %broadcast_in_dim3A_38 = vector.broadcast %broadcast_in_dim3A_37 : f32 to vector<16xf32>
    %swap3A_39 = arith.constant 96 : index
    %swap3A_40 = tpu.vector_load %arg7[%swap3A_39] {strides = array<i32>} : memref<112xf32, #tpu.memory_space<vmem>>, vector<16xf32>,
    %swap3A_41 = vector.shape_cast %swap3A_40 : vector<16xf32> to vector<16xf32>
    %swap3A_42 = vector.shape_cast %broadcast_in_dim3A_38 : vector<16xf32> to vector<16xf32>
    tpu.vector_store %arg7[%swap3A_39], %swap3A_42 {strides = array<i32>} : memref<112xf32, #tpu.memory_space<vmem>>, vector<16xf32>,
    %barrier3A = arith.constant 0 : index
    tpu.barrier barrier_id(%barrier3A)
    %scan3A = arith.constant 0 : i32
    %scan3A_43 = arith.constant 0 : i32
    %scan3A_44 = arith.constant 30 : i32
    %scan3A_45 = arith.addi %scan3A_43, %scan3A_44 : i32
    %scan3A_46 = arith.constant 1 : i32
    scf.for %scan3A_49 = %scan3A_43 to %scan3A_45 step %scan3A_46  : i32 {
      %mul3A_50 = arith.constant 3 : i32
      %mul3A_51 = arith.muli %scan3A_49, %mul3A_50 : i32
      %add3A_52 = arith.constant 0 : i32
      %add3A_53 = arith.addi %mul3A_51, %add3A_52 : i32
      %jit3A = arith.constant 6 : i32
      %div3A = arith.divsi %add3A_53, %jit3A : i32
      %sign3A = arith.constant 0 : i32
      %sign3A_54 = arith.cmpi sgt, %add3A_53, %sign3A : i32
      %sign3A_55 = arith.extui %sign3A_54 : i1 to i32
      %sign3A_56 = arith.constant 0 : i32
      %sign3A_57 = arith.cmpi slt, %add3A_53, %sign3A_56 : i32
      %sign3A_58 = arith.extui %sign3A_57 : i1 to i32
      %sign3A_59 = arith.subi %sign3A_55, %sign3A_58 : i32
      %sign3A_60 = arith.constant 0 : i32
      %sign3A_61 = arith.cmpi sgt, %jit3A, %sign3A_60 : i32
      %sign3A_62 = arith.extui %sign3A_61 : i1 to i32
      %sign3A_63 = arith.constant 0 : i32
      %sign3A_64 = arith.cmpi slt, %jit3A, %sign3A_63 : i32
      %sign3A_65 = arith.extui %sign3A_64 : i1 to i32
      %sign3A_66 = arith.subi %sign3A_62, %sign3A_65 : i32
      %ne3A = arith.cmpi ne, %sign3A_59, %sign3A_66 : i32
      %rem3A = arith.remsi %add3A_53, %jit3A : i32
      %ne3A_67 = arith.constant 0 : i32
      %ne3A_68 = arith.cmpi ne, %rem3A, %ne3A_67 : i32
      %and3A = arith.andi %ne3A, %ne3A_68 : i1
      %sub3A = arith.constant 1 : i32
      %sub3A_69 = arith.subi %div3A, %sub3A : i32
      %select_n3A = arith.select %and3A, %sub3A_69, %div3A : i32
      %rem3A_70 = arith.constant 6 : i32
      %rem3A_71 = arith.remsi %add3A_53, %rem3A_70 : i32
      %dma_start3A = arith.constant 0 : i32
      %dma_start3A_72 = tpu.memref_slice %arg6[%select_n3A, %rem3A_71, %dma_start3A] : memref<15x6x112xi32, #tpu.memory_space<vmem>> -> memref<1x1x112xi32, #tpu.memory_space<vmem>>
      %dma_start3A_73 = tpu.memref_squeeze %dma_start3A_72 : memref<1x1x112xi32, #tpu.memory_space<vmem>> -> memref<112xi32, #tpu.memory_space<vmem>>
      %dma_start3A_74 = arith.constant 0 : i32
      %dma_start3A_75 = tpu.memref_slice %arg5[%dma_start3A_74] : memref<10240xf32, #tpu.memory_space<vmem_shared>> -> memref<10240xf32, #tpu.memory_space<vmem_shared>>
      tpu.enqueue_indirect_dma source(%arg7 : memref<112xf32, #tpu.memory_space<vmem>>) target(%dma_start3A_75 : memref<10240xf32, #tpu.memory_space<vmem_shared>>) offsets(%dma_start3A_73 : memref<112xi32, #tpu.memory_space<vmem>>) semaphore(%arg8 : memref<!tpu.dma_semaphore, #tpu.memory_space<semaphore_mem>>) {add = true}
      %add3A_76 = arith.constant 1 : i32
      %add3A_77 = arith.addi %mul3A_51, %add3A_76 : i32
      %jit3A_78 = arith.constant 6 : i32
      %div3A_79 = arith.divsi %add3A_77, %jit3A_78 : i32
      %sign3A_80 = arith.constant 0 : i32
      %sign3A_81 = arith.cmpi sgt, %add3A_77, %sign3A_80 : i32
      %sign3A_82 = arith.extui %sign3A_81 : i1 to i32
      %sign3A_83 = arith.constant 0 : i32
      %sign3A_84 = arith.cmpi slt, %add3A_77, %sign3A_83 : i32
      %sign3A_85 = arith.extui %sign3A_84 : i1 to i32
      %sign3A_86 = arith.subi %sign3A_82, %sign3A_85 : i32
      %sign3A_87 = arith.constant 0 : i32
      %sign3A_88 = arith.cmpi sgt, %jit3A_78, %sign3A_87 : i32
      %sign3A_89 = arith.extui %sign3A_88 : i1 to i32
      %sign3A_90 = arith.constant 0 : i32
      %sign3A_91 = arith.cmpi slt, %jit3A_78, %sign3A_90 : i32
      %sign3A_92 = arith.extui %sign3A_91 : i1 to i32
      %sign3A_93 = arith.subi %sign3A_89, %sign3A_92 : i32
      %ne3A_94 = arith.cmpi ne, %sign3A_86, %sign3A_93 : i32
      %rem3A_95 = arith.remsi %add3A_77, %jit3A_78 : i32
      %ne3A_96 = arith.constant 0 : i32
      %ne3A_97 = arith.cmpi ne, %rem3A_95, %ne3A_96 : i32
      %and3A_98 = arith.andi %ne3A_94, %ne3A_97 : i1
      %sub3A_99 = arith.constant 1 : i32
      %sub3A_100 = arith.subi %div3A_79, %sub3A_99 : i32
      %select_n3A_101 = arith.select %and3A_98, %sub3A_100, %div3A_79 : i32
      %rem3A_102 = arith.constant 6 : i32
      %rem3A_103 = arith.remsi %add3A_77, %rem3A_102 : i32
      %dma_start3A_104 = arith.constant 0 : i32
      %dma_start3A_105 = tpu.memref_slice %arg6[%select_n3A_101, %rem3A_103, %dma_start3A_104] : memref<15x6x112xi32, #tpu.memory_space<vmem>> -> memref<1x1x112xi32, #tpu.memory_space<vmem>>
      %dma_start3A_106 = tpu.memref_squeeze %dma_start3A_105 : memref<1x1x112xi32, #tpu.memory_space<vmem>> -> memref<112xi32, #tpu.memory_space<vmem>>
      %dma_start3A_107 = arith.constant 0 : i32
      %dma_start3A_108 = tpu.memref_slice %arg5[%dma_start3A_107] : memref<10240xf32, #tpu.memory_space<vmem_shared>> -> memref<10240xf32, #tpu.memory_space<vmem_shared>>
      tpu.enqueue_indirect_dma source(%arg7 : memref<112xf32, #tpu.memory_space<vmem>>) target(%dma_start3A_108 : memref<10240xf32, #tpu.memory_space<vmem_shared>>) offsets(%dma_start3A_106 : memref<112xi32, #tpu.memory_space<vmem>>) semaphore(%arg9 : memref<!tpu.dma_semaphore, #tpu.memory_space<semaphore_mem>>) {add = true}
      %add3A_109 = arith.constant 2 : i32
      %add3A_110 = arith.addi %mul3A_51, %add3A_109 : i32
      %jit3A_111 = arith.constant 6 : i32
      %div3A_112 = arith.divsi %add3A_110, %jit3A_111 : i32
      %sign3A_113 = arith.constant 0 : i32
      %sign3A_114 = arith.cmpi sgt, %add3A_110, %sign3A_113 : i32
      %sign3A_115 = arith.extui %sign3A_114 : i1 to i32
      %sign3A_116 = arith.constant 0 : i32
      %sign3A_117 = arith.cmpi slt, %add3A_110, %sign3A_116 : i32
      %sign3A_118 = arith.extui %sign3A_117 : i1 to i32
      %sign3A_119 = arith.subi %sign3A_115, %sign3A_118 : i32
      %sign3A_120 = arith.constant 0 : i32
      %sign3A_121 = arith.cmpi sgt, %jit3A_111, %sign3A_120 : i32
      %sign3A_122 = arith.extui %sign3A_121 : i1 to i32
      %sign3A_123 = arith.constant 0 : i32
      %sign3A_124 = arith.cmpi slt, %jit3A_111, %sign3A_123 : i32
      %sign3A_125 = arith.extui %sign3A_124 : i1 to i32
      %sign3A_126 = arith.subi %sign3A_122, %sign3A_125 : i32
      %ne3A_127 = arith.cmpi ne, %sign3A_119, %sign3A_126 : i32
      %rem3A_128 = arith.remsi %add3A_110, %jit3A_111 : i32
      %ne3A_129 = arith.constant 0 : i32
      %ne3A_130 = arith.cmpi ne, %rem3A_128, %ne3A_129 : i32
      %and3A_131 = arith.andi %ne3A_127, %ne3A_130 : i1
      %sub3A_132 = arith.constant 1 : i32
      %sub3A_133 = arith.subi %div3A_112, %sub3A_132 : i32
      %select_n3A_134 = arith.select %and3A_131, %sub3A_133, %div3A_112 : i32
      %rem3A_135 = arith.constant 6 : i32
      %rem3A_136 = arith.remsi %add3A_110, %rem3A_135 : i32
      %dma_start3A_137 = arith.constant 0 : i32
      %dma_start3A_138 = tpu.memref_slice %arg6[%select_n3A_134, %rem3A_136, %dma_start3A_137] : memref<15x6x112xi32, #tpu.memory_space<vmem>> -> memref<1x1x112xi32, #tpu.memory_space<vmem>>
      %dma_start3A_139 = tpu.memref_squeeze %dma_start3A_138 : memref<1x1x112xi32, #tpu.memory_space<vmem>> -> memref<112xi32, #tpu.memory_space<vmem>>
      %dma_start3A_140 = arith.constant 0 : i32
      %dma_start3A_141 = tpu.memref_slice %arg5[%dma_start3A_140] : memref<10240xf32, #tpu.memory_space<vmem_shared>> -> memref<10240xf32, #tpu.memory_space<vmem_shared>>
      tpu.enqueue_indirect_dma source(%arg7 : memref<112xf32, #tpu.memory_space<vmem>>) target(%dma_start3A_141 : memref<10240xf32, #tpu.memory_space<vmem_shared>>) offsets(%dma_start3A_139 : memref<112xi32, #tpu.memory_space<vmem>>) semaphore(%arg10 : memref<!tpu.dma_semaphore, #tpu.memory_space<semaphore_mem>>) {add = true}
      %add3A_142 = arith.constant 0 : i32
      %add3A_143 = arith.addi %mul3A_51, %add3A_142 : i32
      %jit3A_144 = arith.constant 6 : i32
      %div3A_145 = arith.divsi %add3A_143, %jit3A_144 : i32
      %sign3A_146 = arith.constant 0 : i32
      %sign3A_147 = arith.cmpi sgt, %add3A_143, %sign3A_146 : i32
      %sign3A_148 = arith.extui %sign3A_147 : i1 to i32
      %sign3A_149 = arith.constant 0 : i32
      %sign3A_150 = arith.cmpi slt, %add3A_143, %sign3A_149 : i32
      %sign3A_151 = arith.extui %sign3A_150 : i1 to i32
      %sign3A_152 = arith.subi %sign3A_148, %sign3A_151 : i32
      %sign3A_153 = arith.constant 0 : i32
      %sign3A_154 = arith.cmpi sgt, %jit3A_144, %sign3A_153 : i32
      %sign3A_155 = arith.extui %sign3A_154 : i1 to i32
      %sign3A_156 = arith.constant 0 : i32
      %sign3A_157 = arith.cmpi slt, %jit3A_144, %sign3A_156 : i32
      %sign3A_158 = arith.extui %sign3A_157 : i1 to i32
      %sign3A_159 = arith.subi %sign3A_155, %sign3A_158 : i32
      %ne3A_160 = arith.cmpi ne, %sign3A_152, %sign3A_159 : i32
      %rem3A_161 = arith.remsi %add3A_143, %jit3A_144 : i32
      %ne3A_162 = arith.constant 0 : i32
      %ne3A_163 = arith.cmpi ne, %rem3A_161, %ne3A_162 : i32
      %and3A_164 = arith.andi %ne3A_160, %ne3A_163 : i1
      %sub3A_165 = arith.constant 1 : i32
      %sub3A_166 = arith.subi %div3A_145, %sub3A_165 : i32
      %select_n3A_167 = arith.select %and3A_164, %sub3A_166, %div3A_145 : i32
      %rem3A_168 = arith.constant 6 : i32
      %rem3A_169 = arith.remsi %add3A_143, %rem3A_168 : i32
      %dma_wait3A = arith.constant 0 : i32
      %dma_wait3A_170 = tpu.memref_slice %arg6[%select_n3A_167, %rem3A_169, %dma_wait3A] : memref<15x6x112xi32, #tpu.memory_space<vmem>> -> memref<1x1x112xi32, #tpu.memory_space<vmem>>
      %dma_wait3A_171 = tpu.memref_squeeze %dma_wait3A_170 : memref<1x1x112xi32, #tpu.memory_space<vmem>> -> memref<112xi32, #tpu.memory_space<vmem>>
      %dma_wait3A_172 = arith.constant 0 : i32
      %dma_wait3A_173 = tpu.memref_slice %arg5[%dma_wait3A_172] : memref<10240xf32, #tpu.memory_space<vmem_shared>> -> memref<10240xf32, #tpu.memory_space<vmem_shared>>
      tpu.wait_indirect_dma semaphore(%arg8 : memref<!tpu.dma_semaphore, #tpu.memory_space<semaphore_mem>>) src(%arg7 : memref<112xf32, #tpu.memory_space<vmem>>) dst(%dma_wait3A_173 : memref<10240xf32, #tpu.memory_space<vmem_shared>>)
      %add3A_174 = arith.constant 1 : i32
      %add3A_175 = arith.addi %mul3A_51, %add3A_174 : i32
      %jit3A_176 = arith.constant 6 : i32
      %div3A_177 = arith.divsi %add3A_175, %jit3A_176 : i32
      %sign3A_178 = arith.constant 0 : i32
      %sign3A_179 = arith.cmpi sgt, %add3A_175, %sign3A_178 : i32
      %sign3A_180 = arith.extui %sign3A_179 : i1 to i32
      %sign3A_181 = arith.constant 0 : i32
      %sign3A_182 = arith.cmpi slt, %add3A_175, %sign3A_181 : i32
      %sign3A_183 = arith.extui %sign3A_182 : i1 to i32
      %sign3A_184 = arith.subi %sign3A_180, %sign3A_183 : i32
      %sign3A_185 = arith.constant 0 : i32
      %sign3A_186 = arith.cmpi sgt, %jit3A_176, %sign3A_185 : i32
      %sign3A_187 = arith.extui %sign3A_186 : i1 to i32
      %sign3A_188 = arith.constant 0 : i32
      %sign3A_189 = arith.cmpi slt, %jit3A_176, %sign3A_188 : i32
      %sign3A_190 = arith.extui %sign3A_189 : i1 to i32
      %sign3A_191 = arith.subi %sign3A_187, %sign3A_190 : i32
      %ne3A_192 = arith.cmpi ne, %sign3A_184, %sign3A_191 : i32
      %rem3A_193 = arith.remsi %add3A_175, %jit3A_176 : i32
      %ne3A_194 = arith.constant 0 : i32
      %ne3A_195 = arith.cmpi ne, %rem3A_193, %ne3A_194 : i32
      %and3A_196 = arith.andi %ne3A_192, %ne3A_195 : i1
      %sub3A_197 = arith.constant 1 : i32
      %sub3A_198 = arith.subi %div3A_177, %sub3A_197 : i32
      %select_n3A_199 = arith.select %and3A_196, %sub3A_198, %div3A_177 : i32
      %rem3A_200 = arith.constant 6 : i32
      %rem3A_201 = arith.remsi %add3A_175, %rem3A_200 : i32
      %dma_wait3A_202 = arith.constant 0 : i32
      %dma_wait3A_203 = tpu.memref_slice %arg6[%select_n3A_199, %rem3A_201, %dma_wait3A_202] : memref<15x6x112xi32, #tpu.memory_space<vmem>> -> memref<1x1x112xi32, #tpu.memory_space<vmem>>
      %dma_wait3A_204 = tpu.memref_squeeze %dma_wait3A_203 : memref<1x1x112xi32, #tpu.memory_space<vmem>> -> memref<112xi32, #tpu.memory_space<vmem>>
      %dma_wait3A_205 = arith.constant 0 : i32
      %dma_wait3A_206 = tpu.memref_slice %arg5[%dma_wait3A_205] : memref<10240xf32, #tpu.memory_space<vmem_shared>> -> memref<10240xf32, #tpu.memory_space<vmem_shared>>
      tpu.wait_indirect_dma semaphore(%arg9 : memref<!tpu.dma_semaphore, #tpu.memory_space<semaphore_mem>>) src(%arg7 : memref<112xf32, #tpu.memory_space<vmem>>) dst(%dma_wait3A_206 : memref<10240xf32, #tpu.memory_space<vmem_shared>>)
      %add3A_207 = arith.constant 2 : i32
      %add3A_208 = arith.addi %mul3A_51, %add3A_207 : i32
      %jit3A_209 = arith.constant 6 : i32
      %div3A_210 = arith.divsi %add3A_208, %jit3A_209 : i32
      %sign3A_211 = arith.constant 0 : i32
      %sign3A_212 = arith.cmpi sgt, %add3A_208, %sign3A_211 : i32
      %sign3A_213 = arith.extui %sign3A_212 : i1 to i32
      %sign3A_214 = arith.constant 0 : i32
      %sign3A_215 = arith.cmpi slt, %add3A_208, %sign3A_214 : i32
      %sign3A_216 = arith.extui %sign3A_215 : i1 to i32
      %sign3A_217 = arith.subi %sign3A_213, %sign3A_216 : i32
      %sign3A_218 = arith.constant 0 : i32
      %sign3A_219 = arith.cmpi sgt, %jit3A_209, %sign3A_218 : i32
      %sign3A_220 = arith.extui %sign3A_219 : i1 to i32
      %sign3A_221 = arith.constant 0 : i32
      %sign3A_222 = arith.cmpi slt, %jit3A_209, %sign3A_221 : i32
      %sign3A_223 = arith.extui %sign3A_222 : i1 to i32
      %sign3A_224 = arith.subi %sign3A_220, %sign3A_223 : i32
      %ne3A_225 = arith.cmpi ne, %sign3A_217, %sign3A_224 : i32
      %rem3A_226 = arith.remsi %add3A_208, %jit3A_209 : i32
      %ne3A_227 = arith.constant 0 : i32
      %ne3A_228 = arith.cmpi ne, %rem3A_226, %ne3A_227 : i32
      %and3A_229 = arith.andi %ne3A_225, %ne3A_228 : i1
      %sub3A_230 = arith.constant 1 : i32
      %sub3A_231 = arith.subi %div3A_210, %sub3A_230 : i32
      %select_n3A_232 = arith.select %and3A_229, %sub3A_231, %div3A_210 : i32
      %rem3A_233 = arith.constant 6 : i32
      %rem3A_234 = arith.remsi %add3A_208, %rem3A_233 : i32
      %dma_wait3A_235 = arith.constant 0 : i32
      %dma_wait3A_236 = tpu.memref_slice %arg6[%select_n3A_232, %rem3A_234, %dma_wait3A_235] : memref<15x6x112xi32, #tpu.memory_space<vmem>> -> memref<1x1x112xi32, #tpu.memory_space<vmem>>
      %dma_wait3A_237 = tpu.memref_squeeze %dma_wait3A_236 : memref<1x1x112xi32, #tpu.memory_space<vmem>> -> memref<112xi32, #tpu.memory_space<vmem>>
      %dma_wait3A_238 = arith.constant 0 : i32
      %dma_wait3A_239 = tpu.memref_slice %arg5[%dma_wait3A_238] : memref<10240xf32, #tpu.memory_space<vmem_shared>> -> memref<10240xf32, #tpu.memory_space<vmem_shared>>
      tpu.wait_indirect_dma semaphore(%arg10 : memref<!tpu.dma_semaphore, #tpu.memory_space<semaphore_mem>>) src(%arg7 : memref<112xf32, #tpu.memory_space<vmem>>) dst(%dma_wait3A_239 : memref<10240xf32, #tpu.memory_space<vmem_shared>>)
    }
    %scan3A_47 = arith.constant 30 : i32
    %barrier3A_48 = arith.constant 0 : index
    tpu.barrier barrier_id(%barrier3A_48)
    "tpu.region"() ({
      %run_scoped3A = tpu.sem_alloc : memref<!tpu.dma_semaphore, #tpu.memory_space<semaphore_mem>>
      %dma_start3A = tpu.memref_slice %arg4[%arg0, %mul3A_2] : memref<2x10240xf32, #tpu.memory_space<hbm>> -> memref<1x640xf32, #tpu.memory_space<hbm>>
      %dma_start3A_49 = tpu.memref_squeeze %dma_start3A : memref<1x640xf32, #tpu.memory_space<hbm>> -> memref<640xf32, #tpu.memory_space<hbm>>
      %dma_start3A_50 = tpu.memref_slice %arg5[%mul3A_2] : memref<10240xf32, #tpu.memory_space<vmem_shared>> -> memref<640xf32, #tpu.memory_space<vmem_shared>>
      tpu.enqueue_dma source(%dma_start3A_50 : memref<640xf32, #tpu.memory_space<vmem_shared>>) target(%dma_start3A_49 : memref<640xf32, #tpu.memory_space<hbm>>) target_semaphore(%run_scoped3A : memref<!tpu.dma_semaphore, #tpu.memory_space<semaphore_mem>>)
      %dma_wait3A = tpu.memref_slice %arg4[%arg0, %mul3A_2] : memref<2x10240xf32, #tpu.memory_space<hbm>> -> memref<1x640xf32, #tpu.memory_space<hbm>>
      %dma_wait3A_51 = tpu.memref_squeeze %dma_wait3A : memref<1x640xf32, #tpu.memory_space<hbm>> -> memref<640xf32, #tpu.memory_space<hbm>>
      %dma_wait3A_52 = tpu.memref_slice %arg5[%mul3A_2] : memref<10240xf32, #tpu.memory_space<vmem_shared>> -> memref<640xf32, #tpu.memory_space<vmem_shared>>
      tpu.wait_dma2 semaphore(%run_scoped3A : memref<!tpu.dma_semaphore, #tpu.memory_space<semaphore_mem>>) src(%dma_wait3A_52 : memref<640xf32, #tpu.memory_space<vmem_shared>>) dst(%dma_wait3A_51 : memref<640xf32, #tpu.memory_space<hbm>>)
      tpu.yield
    }) : () -> ()
    return
  }
}

#map = affine_map<(d0, d1) -> (0, 0)>
#map1 = affine_map<(d0, d1) -> (0, 0, 0, 0)>
#map2 = affine_map<(d0, d1) -> (0, 0, 0)>
module attributes {stable_mosaic.version = 14 : i64} {
  func.func @_sc_agg_body(%arg0: i32, %arg1: i32, %arg2: memref<10240x128xf32, #tpu.memory_space<hbm>>, %arg3: memref<32x15x6x112xi32, #tpu.memory_space<hbm>>, %arg4: memref<32x15x6x112xi32, #tpu.memory_space<hbm>>, %arg5: memref<10240x128xf32, #tpu.memory_space<hbm>>, %arg6: memref<2x10240x128xf32, #tpu.memory_space<hbm>>, %arg7: memref<10240x128xf32, #tpu.memory_space<vmem_shared>>, %arg8: memref<2x6x112xi32, #tpu.memory_space<vmem>>, %arg9: memref<2x6x112xi32, #tpu.memory_space<vmem>>, %arg10: memref<112x128xf32, #tpu.memory_space<vmem>>, %arg11: memref<112x128xf32, #tpu.memory_space<vmem>>, %arg12: memref<112x128xf32, #tpu.memory_space<vmem>>, %arg13: memref<!tpu.dma_semaphore, #tpu.memory_space<semaphore_mem>>, %arg14: memref<!tpu.dma_semaphore, #tpu.memory_space<semaphore_mem>>, %arg15: memref<!tpu.dma_semaphore, #tpu.memory_space<semaphore_mem>>, %arg16: memref<!tpu.dma_semaphore, #tpu.memory_space<semaphore_mem>>, %arg17: memref<!tpu.dma_semaphore, #tpu.memory_space<semaphore_mem>>, %arg18: memref<!tpu.dma_semaphore, #tpu.memory_space<semaphore_mem>>, %arg19: memref<!tpu.dma_semaphore, #tpu.memory_space<semaphore_mem>>) attributes {dimension_semantics = [#tpu.dimension_semantics<core_parallel>, #tpu.dimension_semantics<subcore_parallel>], iteration_bounds = array<i64: 2, 16>, scalar_prefetch = 0 : i64, scratch_operands = 13 : i64, tpu.core_type = #tpu.core_type<sc_vector_subcore>, window_params = [{transform_indices = #map}, {transform_indices = #map1}, {transform_indices = #map1}, {transform_indices = #map}, {transform_indices = #map2}]} {
    %mul3A = arith.constant 16 : i32
    %mul3A_0 = arith.muli %arg0, %mul3A : i32
    %add3A = arith.addi %mul3A_0, %arg1 : i32
    %mul3A_1 = arith.constant 640 : i32
    %mul3A_2 = arith.muli %arg1, %mul3A_1 : i32
    %eq3A = arith.constant 0 : i32
    %eq3A_3 = arith.cmpi eq, %arg0, %eq3A : i32
    %convert_element_type3A = arith.extui %eq3A_3 : i1 to i32
    %cond3A = arith.constant 0 : i32
    %cond3A_4 = arith.cmpi ne, %convert_element_type3A, %cond3A : i32
    scf.if %cond3A_4 {
      %dma_start3A_82 = arith.constant 0 : i32
      %dma_start3A_83 = tpu.memref_slice %arg7[%mul3A_2, %dma_start3A_82] : memref<10240x128xf32, #tpu.memory_space<vmem_shared>> -> memref<640x128xf32, #tpu.memory_space<vmem_shared>>
      %dma_start3A_84 = arith.constant 0 : i32
      %dma_start3A_85 = tpu.memref_slice %arg2[%mul3A_2, %dma_start3A_84] : memref<10240x128xf32, #tpu.memory_space<hbm>> -> memref<640x128xf32, #tpu.memory_space<hbm>>
      tpu.enqueue_dma source(%dma_start3A_85 : memref<640x128xf32, #tpu.memory_space<hbm>>) target(%dma_start3A_83 : memref<640x128xf32, #tpu.memory_space<vmem_shared>>) target_semaphore(%arg19 : memref<!tpu.dma_semaphore, #tpu.memory_space<semaphore_mem>>)
    } else {
    }
    %ne3A = arith.constant 0 : i32
    %ne3A_5 = arith.cmpi ne, %arg0, %ne3A : i32
    %convert_element_type3A_6 = arith.extui %ne3A_5 : i1 to i32
    %cond3A_7 = arith.constant 0 : i32
    %cond3A_8 = arith.cmpi ne, %convert_element_type3A_6, %cond3A_7 : i32
    scf.if %cond3A_8 {
      %dma_start3A_82 = arith.constant 0 : i32
      %dma_start3A_83 = tpu.memref_slice %arg7[%mul3A_2, %dma_start3A_82] : memref<10240x128xf32, #tpu.memory_space<vmem_shared>> -> memref<640x128xf32, #tpu.memory_space<vmem_shared>>
      %dma_start3A_84 = arith.constant 0 : i32
      %dma_start3A_85 = tpu.memref_slice %arg5[%mul3A_2, %dma_start3A_84] : memref<10240x128xf32, #tpu.memory_space<hbm>> -> memref<640x128xf32, #tpu.memory_space<hbm>>
      tpu.enqueue_dma source(%dma_start3A_85 : memref<640x128xf32, #tpu.memory_space<hbm>>) target(%dma_start3A_83 : memref<640x128xf32, #tpu.memory_space<vmem_shared>>) target_semaphore(%arg19 : memref<!tpu.dma_semaphore, #tpu.memory_space<semaphore_mem>>)
    } else {
    }
    "tpu.region"() ({
      %run_scoped3A = tpu.sem_alloc : memref<!tpu.dma_semaphore, #tpu.memory_space<semaphore_mem>>
      %dma_start3A_82 = arith.constant 0 : i32
      %dma_start3A_83 = arith.constant 0 : i32
      %dma_start3A_84 = arith.constant 0 : i32
      %dma_start3A_85 = tpu.memref_slice %arg3[%add3A, %dma_start3A_82, %dma_start3A_83, %dma_start3A_84] : memref<32x15x6x112xi32, #tpu.memory_space<hbm>> -> memref<1x2x6x112xi32, #tpu.memory_space<hbm>>
      %dma_start3A_86 = tpu.memref_squeeze %dma_start3A_85 : memref<1x2x6x112xi32, #tpu.memory_space<hbm>> -> memref<2x6x112xi32, #tpu.memory_space<hbm>>
      %dma_start3A_87 = arith.constant 0 : i32
      %dma_start3A_88 = arith.constant 0 : i32
      %dma_start3A_89 = arith.constant 0 : i32
      %dma_start3A_90 = tpu.memref_slice %arg3[%add3A, %dma_start3A_87, %dma_start3A_88, %dma_start3A_89] : memref<32x15x6x112xi32, #tpu.memory_space<hbm>> -> memref<1x2x6x112xi32, #tpu.memory_space<hbm>>
      %dma_start3A_91 = tpu.memref_squeeze %dma_start3A_90 : memref<1x2x6x112xi32, #tpu.memory_space<hbm>> -> memref<2x6x112xi32, #tpu.memory_space<hbm>>
      tpu.enqueue_dma source(%dma_start3A_91 : memref<2x6x112xi32, #tpu.memory_space<hbm>>) target(%arg8 : memref<2x6x112xi32, #tpu.memory_space<vmem>>) target_semaphore(%run_scoped3A : memref<!tpu.dma_semaphore, #tpu.memory_space<semaphore_mem>>)
      %dma_wait3A_92 = arith.constant 0 : i32
      %dma_wait3A_93 = arith.constant 0 : i32
      %dma_wait3A_94 = arith.constant 0 : i32
      %dma_wait3A_95 = tpu.memref_slice %arg3[%add3A, %dma_wait3A_92, %dma_wait3A_93, %dma_wait3A_94] : memref<32x15x6x112xi32, #tpu.memory_space<hbm>> -> memref<1x2x6x112xi32, #tpu.memory_space<hbm>>
      %dma_wait3A_96 = tpu.memref_squeeze %dma_wait3A_95 : memref<1x2x6x112xi32, #tpu.memory_space<hbm>> -> memref<2x6x112xi32, #tpu.memory_space<hbm>>
      %dma_wait3A_97 = arith.constant 0 : i32
      %dma_wait3A_98 = arith.constant 0 : i32
      %dma_wait3A_99 = arith.constant 0 : i32
      %dma_wait3A_100 = tpu.memref_slice %arg3[%add3A, %dma_wait3A_97, %dma_wait3A_98, %dma_wait3A_99] : memref<32x15x6x112xi32, #tpu.memory_space<hbm>> -> memref<1x2x6x112xi32, #tpu.memory_space<hbm>>
      %dma_wait3A_101 = tpu.memref_squeeze %dma_wait3A_100 : memref<1x2x6x112xi32, #tpu.memory_space<hbm>> -> memref<2x6x112xi32, #tpu.memory_space<hbm>>
      tpu.wait_dma2 semaphore(%run_scoped3A : memref<!tpu.dma_semaphore, #tpu.memory_space<semaphore_mem>>) src(%dma_wait3A_101 : memref<2x6x112xi32, #tpu.memory_space<hbm>>) dst(%arg8 : memref<2x6x112xi32, #tpu.memory_space<vmem>>)
      tpu.yield
    }) : () -> ()
    "tpu.region"() ({
      %run_scoped3A = tpu.sem_alloc : memref<!tpu.dma_semaphore, #tpu.memory_space<semaphore_mem>>
      %dma_start3A_82 = arith.constant 0 : i32
      %dma_start3A_83 = arith.constant 0 : i32
      %dma_start3A_84 = arith.constant 0 : i32
      %dma_start3A_85 = tpu.memref_slice %arg4[%add3A, %dma_start3A_82, %dma_start3A_83, %dma_start3A_84] : memref<32x15x6x112xi32, #tpu.memory_space<hbm>> -> memref<1x2x6x112xi32, #tpu.memory_space<hbm>>
      %dma_start3A_86 = tpu.memref_squeeze %dma_start3A_85 : memref<1x2x6x112xi32, #tpu.memory_space<hbm>> -> memref<2x6x112xi32, #tpu.memory_space<hbm>>
      %dma_start3A_87 = arith.constant 0 : i32
      %dma_start3A_88 = arith.constant 0 : i32
      %dma_start3A_89 = arith.constant 0 : i32
      %dma_start3A_90 = tpu.memref_slice %arg4[%add3A, %dma_start3A_87, %dma_start3A_88, %dma_start3A_89] : memref<32x15x6x112xi32, #tpu.memory_space<hbm>> -> memref<1x2x6x112xi32, #tpu.memory_space<hbm>>
      %dma_start3A_91 = tpu.memref_squeeze %dma_start3A_90 : memref<1x2x6x112xi32, #tpu.memory_space<hbm>> -> memref<2x6x112xi32, #tpu.memory_space<hbm>>
      tpu.enqueue_dma source(%dma_start3A_91 : memref<2x6x112xi32, #tpu.memory_space<hbm>>) target(%arg9 : memref<2x6x112xi32, #tpu.memory_space<vmem>>) target_semaphore(%run_scoped3A : memref<!tpu.dma_semaphore, #tpu.memory_space<semaphore_mem>>)
      %dma_wait3A_92 = arith.constant 0 : i32
      %dma_wait3A_93 = arith.constant 0 : i32
      %dma_wait3A_94 = arith.constant 0 : i32
      %dma_wait3A_95 = tpu.memref_slice %arg4[%add3A, %dma_wait3A_92, %dma_wait3A_93, %dma_wait3A_94] : memref<32x15x6x112xi32, #tpu.memory_space<hbm>> -> memref<1x2x6x112xi32, #tpu.memory_space<hbm>>
      %dma_wait3A_96 = tpu.memref_squeeze %dma_wait3A_95 : memref<1x2x6x112xi32, #tpu.memory_space<hbm>> -> memref<2x6x112xi32, #tpu.memory_space<hbm>>
      %dma_wait3A_97 = arith.constant 0 : i32
      %dma_wait3A_98 = arith.constant 0 : i32
      %dma_wait3A_99 = arith.constant 0 : i32
      %dma_wait3A_100 = tpu.memref_slice %arg4[%add3A, %dma_wait3A_97, %dma_wait3A_98, %dma_wait3A_99] : memref<32x15x6x112xi32, #tpu.memory_space<hbm>> -> memref<1x2x6x112xi32, #tpu.memory_space<hbm>>
      %dma_wait3A_101 = tpu.memref_squeeze %dma_wait3A_100 : memref<1x2x6x112xi32, #tpu.memory_space<hbm>> -> memref<2x6x112xi32, #tpu.memory_space<hbm>>
      tpu.wait_dma2 semaphore(%run_scoped3A : memref<!tpu.dma_semaphore, #tpu.memory_space<semaphore_mem>>) src(%dma_wait3A_101 : memref<2x6x112xi32, #tpu.memory_space<hbm>>) dst(%arg9 : memref<2x6x112xi32, #tpu.memory_space<vmem>>)
      tpu.yield
    }) : () -> ()
    %eq3A_9 = arith.constant 0 : i32
    %eq3A_10 = arith.cmpi eq, %arg0, %eq3A_9 : i32
    %convert_element_type3A_11 = arith.extui %eq3A_10 : i1 to i32
    %cond3A_12 = arith.constant 0 : i32
    %cond3A_13 = arith.cmpi ne, %convert_element_type3A_11, %cond3A_12 : i32
    scf.if %cond3A_13 {
      %dma_wait3A_82 = arith.constant 0 : i32
      %dma_wait3A_83 = tpu.memref_slice %arg7[%mul3A_2, %dma_wait3A_82] : memref<10240x128xf32, #tpu.memory_space<vmem_shared>> -> memref<640x128xf32, #tpu.memory_space<vmem_shared>>
      %dma_wait3A_84 = arith.constant 0 : i32
      %dma_wait3A_85 = tpu.memref_slice %arg2[%mul3A_2, %dma_wait3A_84] : memref<10240x128xf32, #tpu.memory_space<hbm>> -> memref<640x128xf32, #tpu.memory_space<hbm>>
      tpu.wait_dma2 semaphore(%arg19 : memref<!tpu.dma_semaphore, #tpu.memory_space<semaphore_mem>>) src(%dma_wait3A_85 : memref<640x128xf32, #tpu.memory_space<hbm>>) dst(%dma_wait3A_83 : memref<640x128xf32, #tpu.memory_space<vmem_shared>>)
    } else {
    }
    %ne3A_14 = arith.constant 0 : i32
    %ne3A_15 = arith.cmpi ne, %arg0, %ne3A_14 : i32
    %convert_element_type3A_16 = arith.extui %ne3A_15 : i1 to i32
    %cond3A_17 = arith.constant 0 : i32
    %cond3A_18 = arith.cmpi ne, %convert_element_type3A_16, %cond3A_17 : i32
    scf.if %cond3A_18 {
      %dma_wait3A_82 = arith.constant 0 : i32
      %dma_wait3A_83 = tpu.memref_slice %arg7[%mul3A_2, %dma_wait3A_82] : memref<10240x128xf32, #tpu.memory_space<vmem_shared>> -> memref<640x128xf32, #tpu.memory_space<vmem_shared>>
      %dma_wait3A_84 = arith.constant 0 : i32
      %dma_wait3A_85 = tpu.memref_slice %arg5[%mul3A_2, %dma_wait3A_84] : memref<10240x128xf32, #tpu.memory_space<hbm>> -> memref<640x128xf32, #tpu.memory_space<hbm>>
      tpu.wait_dma2 semaphore(%arg19 : memref<!tpu.dma_semaphore, #tpu.memory_space<semaphore_mem>>) src(%dma_wait3A_85 : memref<640x128xf32, #tpu.memory_space<hbm>>) dst(%dma_wait3A_83 : memref<640x128xf32, #tpu.memory_space<vmem_shared>>)
    } else {
    }
    %barrier3A = arith.constant 0 : index
    tpu.barrier barrier_id(%barrier3A)
    %dma_start3A = arith.constant 0 : i32
    %dma_start3A_19 = arith.constant 0 : i32
    %dma_start3A_20 = arith.constant 0 : i32
    %dma_start3A_21 = tpu.memref_slice %arg8[%dma_start3A, %dma_start3A_19, %dma_start3A_20] : memref<2x6x112xi32, #tpu.memory_space<vmem>> -> memref<1x1x112xi32, #tpu.memory_space<vmem>>
    %dma_start3A_22 = tpu.memref_squeeze %dma_start3A_21 : memref<1x1x112xi32, #tpu.memory_space<vmem>> -> memref<112xi32, #tpu.memory_space<vmem>>
    %dma_start3A_23 = arith.constant 0 : i32
    %dma_start3A_24 = arith.constant 0 : i32
    %dma_start3A_25 = tpu.memref_slice %arg2[%dma_start3A_23, %dma_start3A_24] : memref<10240x128xf32, #tpu.memory_space<hbm>> -> memref<10240x128xf32, #tpu.memory_space<hbm>>
    tpu.enqueue_indirect_dma source(%dma_start3A_25 : memref<10240x128xf32, #tpu.memory_space<hbm>>) target(%arg10 : memref<112x128xf32, #tpu.memory_space<vmem>>) offsets(%dma_start3A_22 : memref<112xi32, #tpu.memory_space<vmem>>) semaphore(%arg13 : memref<!tpu.dma_semaphore, #tpu.memory_space<semaphore_mem>>)
    %dma_start3A_26 = arith.constant 0 : i32
    %dma_start3A_27 = arith.constant 1 : i32
    %dma_start3A_28 = arith.constant 0 : i32
    %dma_start3A_29 = tpu.memref_slice %arg8[%dma_start3A_26, %dma_start3A_27, %dma_start3A_28] : memref<2x6x112xi32, #tpu.memory_space<vmem>> -> memref<1x1x112xi32, #tpu.memory_space<vmem>>
    %dma_start3A_30 = tpu.memref_squeeze %dma_start3A_29 : memref<1x1x112xi32, #tpu.memory_space<vmem>> -> memref<112xi32, #tpu.memory_space<vmem>>
    %dma_start3A_31 = arith.constant 0 : i32
    %dma_start3A_32 = arith.constant 0 : i32
    %dma_start3A_33 = tpu.memref_slice %arg2[%dma_start3A_31, %dma_start3A_32] : memref<10240x128xf32, #tpu.memory_space<hbm>> -> memref<10240x128xf32, #tpu.memory_space<hbm>>
    tpu.enqueue_indirect_dma source(%dma_start3A_33 : memref<10240x128xf32, #tpu.memory_space<hbm>>) target(%arg11 : memref<112x128xf32, #tpu.memory_space<vmem>>) offsets(%dma_start3A_30 : memref<112xi32, #tpu.memory_space<vmem>>) semaphore(%arg14 : memref<!tpu.dma_semaphore, #tpu.memory_space<semaphore_mem>>)
    %dma_start3A_34 = arith.constant 0 : i32
    %dma_start3A_35 = arith.constant 2 : i32
    %dma_start3A_36 = arith.constant 0 : i32
    %dma_start3A_37 = tpu.memref_slice %arg8[%dma_start3A_34, %dma_start3A_35, %dma_start3A_36] : memref<2x6x112xi32, #tpu.memory_space<vmem>> -> memref<1x1x112xi32, #tpu.memory_space<vmem>>
    %dma_start3A_38 = tpu.memref_squeeze %dma_start3A_37 : memref<1x1x112xi32, #tpu.memory_space<vmem>> -> memref<112xi32, #tpu.memory_space<vmem>>
    %dma_start3A_39 = arith.constant 0 : i32
    %dma_start3A_40 = arith.constant 0 : i32
    %dma_start3A_41 = tpu.memref_slice %arg2[%dma_start3A_39, %dma_start3A_40] : memref<10240x128xf32, #tpu.memory_space<hbm>> -> memref<10240x128xf32, #tpu.memory_space<hbm>>
    tpu.enqueue_indirect_dma source(%dma_start3A_41 : memref<10240x128xf32, #tpu.memory_space<hbm>>) target(%arg12 : memref<112x128xf32, #tpu.memory_space<vmem>>) offsets(%dma_start3A_38 : memref<112xi32, #tpu.memory_space<vmem>>) semaphore(%arg15 : memref<!tpu.dma_semaphore, #tpu.memory_space<semaphore_mem>>)
    %scan3A = arith.constant 0 : i32
    %scan3A_42 = arith.constant 0 : i32
    %scan3A_43 = arith.constant 30 : i32
    %scan3A_44 = arith.addi %scan3A_42, %scan3A_43 : i32
    %scan3A_45 = arith.constant 1 : i32
    scf.for %scan3A_82 = %scan3A_42 to %scan3A_44 step %scan3A_45  : i32 {
      %mul3A_83 = arith.constant 3 : i32
      %mul3A_84 = arith.muli %mul3A_83, %scan3A_82 : i32
      %add3A_85 = arith.constant 0 : i32
      %add3A_86 = arith.addi %mul3A_84, %add3A_85 : i32
      %jit3A = arith.constant 6 : i32
      %div3A = arith.divsi %add3A_86, %jit3A : i32
      %sign3A = arith.constant 0 : i32
      %sign3A_87 = arith.cmpi sgt, %add3A_86, %sign3A : i32
      %sign3A_88 = arith.extui %sign3A_87 : i1 to i32
      %sign3A_89 = arith.constant 0 : i32
      %sign3A_90 = arith.cmpi slt, %add3A_86, %sign3A_89 : i32
      %sign3A_91 = arith.extui %sign3A_90 : i1 to i32
      %sign3A_92 = arith.subi %sign3A_88, %sign3A_91 : i32
      %sign3A_93 = arith.constant 0 : i32
      %sign3A_94 = arith.cmpi sgt, %jit3A, %sign3A_93 : i32
      %sign3A_95 = arith.extui %sign3A_94 : i1 to i32
      %sign3A_96 = arith.constant 0 : i32
      %sign3A_97 = arith.cmpi slt, %jit3A, %sign3A_96 : i32
      %sign3A_98 = arith.extui %sign3A_97 : i1 to i32
      %sign3A_99 = arith.subi %sign3A_95, %sign3A_98 : i32
      %ne3A_100 = arith.cmpi ne, %sign3A_92, %sign3A_99 : i32
      %rem3A_101 = arith.remsi %add3A_86, %jit3A : i32
      %ne3A_102 = arith.constant 0 : i32
      %ne3A_103 = arith.cmpi ne, %rem3A_101, %ne3A_102 : i32
      %and3A = arith.andi %ne3A_100, %ne3A_103 : i1
      %sub3A = arith.constant 1 : i32
      %sub3A_104 = arith.subi %div3A, %sub3A : i32
      %select_n3A = arith.select %and3A, %sub3A_104, %div3A : i32
      %rem3A_105 = arith.constant 2 : i32
      %rem3A_106 = arith.remsi %select_n3A, %rem3A_105 : i32
      %rem3A_107 = arith.constant 6 : i32
      %rem3A_108 = arith.remsi %add3A_86, %rem3A_107 : i32
      %dma_wait3A_109 = arith.constant 0 : i32
      %dma_wait3A_110 = tpu.memref_slice %arg8[%rem3A_106, %rem3A_108, %dma_wait3A_109] : memref<2x6x112xi32, #tpu.memory_space<vmem>> -> memref<1x1x112xi32, #tpu.memory_space<vmem>>
      %dma_wait3A_111 = tpu.memref_squeeze %dma_wait3A_110 : memref<1x1x112xi32, #tpu.memory_space<vmem>> -> memref<112xi32, #tpu.memory_space<vmem>>
      %dma_wait3A_112 = arith.constant 0 : i32
      %dma_wait3A_113 = arith.constant 0 : i32
      %dma_wait3A_114 = tpu.memref_slice %arg2[%dma_wait3A_112, %dma_wait3A_113] : memref<10240x128xf32, #tpu.memory_space<hbm>> -> memref<10240x128xf32, #tpu.memory_space<hbm>>
      tpu.wait_indirect_dma semaphore(%arg13 : memref<!tpu.dma_semaphore, #tpu.memory_space<semaphore_mem>>) src(%dma_wait3A_114 : memref<10240x128xf32, #tpu.memory_space<hbm>>) dst(%arg10 : memref<112x128xf32, #tpu.memory_space<vmem>>)
      %jit3A_115 = arith.constant 6 : i32
      %div3A_116 = arith.divsi %add3A_86, %jit3A_115 : i32
      %sign3A_117 = arith.constant 0 : i32
      %sign3A_118 = arith.cmpi sgt, %add3A_86, %sign3A_117 : i32
      %sign3A_119 = arith.extui %sign3A_118 : i1 to i32
      %sign3A_120 = arith.constant 0 : i32
      %sign3A_121 = arith.cmpi slt, %add3A_86, %sign3A_120 : i32
      %sign3A_122 = arith.extui %sign3A_121 : i1 to i32
      %sign3A_123 = arith.subi %sign3A_119, %sign3A_122 : i32
      %sign3A_124 = arith.constant 0 : i32
      %sign3A_125 = arith.cmpi sgt, %jit3A_115, %sign3A_124 : i32
      %sign3A_126 = arith.extui %sign3A_125 : i1 to i32
      %sign3A_127 = arith.constant 0 : i32
      %sign3A_128 = arith.cmpi slt, %jit3A_115, %sign3A_127 : i32
      %sign3A_129 = arith.extui %sign3A_128 : i1 to i32
      %sign3A_130 = arith.subi %sign3A_126, %sign3A_129 : i32
      %ne3A_131 = arith.cmpi ne, %sign3A_123, %sign3A_130 : i32
      %rem3A_132 = arith.remsi %add3A_86, %jit3A_115 : i32
      %ne3A_133 = arith.constant 0 : i32
      %ne3A_134 = arith.cmpi ne, %rem3A_132, %ne3A_133 : i32
      %and3A_135 = arith.andi %ne3A_131, %ne3A_134 : i1
      %sub3A_136 = arith.constant 1 : i32
      %sub3A_137 = arith.subi %div3A_116, %sub3A_136 : i32
      %select_n3A_138 = arith.select %and3A_135, %sub3A_137, %div3A_116 : i32
      %rem3A_139 = arith.constant 2 : i32
      %rem3A_140 = arith.remsi %select_n3A_138, %rem3A_139 : i32
      %rem3A_141 = arith.constant 6 : i32
      %rem3A_142 = arith.remsi %add3A_86, %rem3A_141 : i32
      %dma_start3A_143 = arith.constant 0 : i32
      %dma_start3A_144 = tpu.memref_slice %arg9[%rem3A_140, %rem3A_142, %dma_start3A_143] : memref<2x6x112xi32, #tpu.memory_space<vmem>> -> memref<1x1x112xi32, #tpu.memory_space<vmem>>
      %dma_start3A_145 = tpu.memref_squeeze %dma_start3A_144 : memref<1x1x112xi32, #tpu.memory_space<vmem>> -> memref<112xi32, #tpu.memory_space<vmem>>
      %dma_start3A_146 = arith.constant 0 : i32
      %dma_start3A_147 = arith.constant 0 : i32
      %dma_start3A_148 = tpu.memref_slice %arg7[%dma_start3A_146, %dma_start3A_147] : memref<10240x128xf32, #tpu.memory_space<vmem_shared>> -> memref<10240x128xf32, #tpu.memory_space<vmem_shared>>
      tpu.enqueue_indirect_dma source(%arg10 : memref<112x128xf32, #tpu.memory_space<vmem>>) target(%dma_start3A_148 : memref<10240x128xf32, #tpu.memory_space<vmem_shared>>) offsets(%dma_start3A_145 : memref<112xi32, #tpu.memory_space<vmem>>) semaphore(%arg16 : memref<!tpu.dma_semaphore, #tpu.memory_space<semaphore_mem>>) {add = true}
      %ge3A = arith.constant 1 : i32
      %ge3A_149 = arith.cmpi sge, %add3A_86, %ge3A : i32
      %add3A_150 = arith.constant 2 : i32
      %add3A_151 = arith.addi %add3A_86, %add3A_150 : i32
      %le3A = arith.constant 89 : i32
      %le3A_152 = arith.cmpi sle, %add3A_151, %le3A : i32
      %and3A_153 = arith.andi %ge3A_149, %le3A_152 : i1
      %convert_element_type3A_154 = arith.extui %and3A_153 : i1 to i32
      %cond3A_155 = arith.constant 0 : i32
      %cond3A_156 = arith.cmpi ne, %convert_element_type3A_154, %cond3A_155 : i32
      scf.if %cond3A_156 {
        %sub3A_438 = arith.constant 1 : i32
        %sub3A_439 = arith.subi %add3A_86, %sub3A_438 : i32
        %jit3A_440 = arith.constant 6 : i32
        %div3A_441 = arith.divsi %sub3A_439, %jit3A_440 : i32
        %sign3A_442 = arith.constant 0 : i32
        %sign3A_443 = arith.cmpi sgt, %sub3A_439, %sign3A_442 : i32
        %sign3A_444 = arith.extui %sign3A_443 : i1 to i32
        %sign3A_445 = arith.constant 0 : i32
        %sign3A_446 = arith.cmpi slt, %sub3A_439, %sign3A_445 : i32
        %sign3A_447 = arith.extui %sign3A_446 : i1 to i32
        %sign3A_448 = arith.subi %sign3A_444, %sign3A_447 : i32
        %sign3A_449 = arith.constant 0 : i32
        %sign3A_450 = arith.cmpi sgt, %jit3A_440, %sign3A_449 : i32
        %sign3A_451 = arith.extui %sign3A_450 : i1 to i32
        %sign3A_452 = arith.constant 0 : i32
        %sign3A_453 = arith.cmpi slt, %jit3A_440, %sign3A_452 : i32
        %sign3A_454 = arith.extui %sign3A_453 : i1 to i32
        %sign3A_455 = arith.subi %sign3A_451, %sign3A_454 : i32
        %ne3A_456 = arith.cmpi ne, %sign3A_448, %sign3A_455 : i32
        %rem3A_457 = arith.remsi %sub3A_439, %jit3A_440 : i32
        %ne3A_458 = arith.constant 0 : i32
        %ne3A_459 = arith.cmpi ne, %rem3A_457, %ne3A_458 : i32
        %and3A_460 = arith.andi %ne3A_456, %ne3A_459 : i1
        %sub3A_461 = arith.constant 1 : i32
        %sub3A_462 = arith.subi %div3A_441, %sub3A_461 : i32
        %select_n3A_463 = arith.select %and3A_460, %sub3A_462, %div3A_441 : i32
        %rem3A_464 = arith.constant 2 : i32
        %rem3A_465 = arith.remsi %select_n3A_463, %rem3A_464 : i32
        %sub3A_466 = arith.constant 1 : i32
        %sub3A_467 = arith.subi %add3A_86, %sub3A_466 : i32
        %rem3A_468 = arith.constant 6 : i32
        %rem3A_469 = arith.remsi %sub3A_467, %rem3A_468 : i32
        %dma_wait3A_470 = arith.constant 0 : i32
        %dma_wait3A_471 = tpu.memref_slice %arg9[%rem3A_465, %rem3A_469, %dma_wait3A_470] : memref<2x6x112xi32, #tpu.memory_space<vmem>> -> memref<1x1x112xi32, #tpu.memory_space<vmem>>
        %dma_wait3A_472 = tpu.memref_squeeze %dma_wait3A_471 : memref<1x1x112xi32, #tpu.memory_space<vmem>> -> memref<112xi32, #tpu.memory_space<vmem>>
        %dma_wait3A_473 = arith.constant 0 : i32
        %dma_wait3A_474 = arith.constant 0 : i32
        %dma_wait3A_475 = tpu.memref_slice %arg7[%dma_wait3A_473, %dma_wait3A_474] : memref<10240x128xf32, #tpu.memory_space<vmem_shared>> -> memref<10240x128xf32, #tpu.memory_space<vmem_shared>>
        tpu.wait_indirect_dma semaphore(%arg18 : memref<!tpu.dma_semaphore, #tpu.memory_space<semaphore_mem>>) src(%arg12 : memref<112x128xf32, #tpu.memory_space<vmem>>) dst(%dma_wait3A_475 : memref<10240x128xf32, #tpu.memory_space<vmem_shared>>)
        %add3A_476 = arith.constant 2 : i32
        %add3A_477 = arith.addi %add3A_86, %add3A_476 : i32
        %rem3A_478 = arith.constant 6 : i32
        %rem3A_479 = arith.remsi %add3A_477, %rem3A_478 : i32
        %eq3A_480 = arith.constant 0 : i32
        %eq3A_481 = arith.cmpi eq, %rem3A_479, %eq3A_480 : i32
        %add3A_482 = arith.constant 2 : i32
        %add3A_483 = arith.addi %add3A_86, %add3A_482 : i32
        %jit3A_484 = arith.constant 6 : i32
        %div3A_485 = arith.divsi %add3A_483, %jit3A_484 : i32
        %sign3A_486 = arith.constant 0 : i32
        %sign3A_487 = arith.cmpi sgt, %add3A_483, %sign3A_486 : i32
        %sign3A_488 = arith.extui %sign3A_487 : i1 to i32
        %sign3A_489 = arith.constant 0 : i32
        %sign3A_490 = arith.cmpi slt, %add3A_483, %sign3A_489 : i32
        %sign3A_491 = arith.extui %sign3A_490 : i1 to i32
        %sign3A_492 = arith.subi %sign3A_488, %sign3A_491 : i32
        %sign3A_493 = arith.constant 0 : i32
        %sign3A_494 = arith.cmpi sgt, %jit3A_484, %sign3A_493 : i32
        %sign3A_495 = arith.extui %sign3A_494 : i1 to i32
        %sign3A_496 = arith.constant 0 : i32
        %sign3A_497 = arith.cmpi slt, %jit3A_484, %sign3A_496 : i32
        %sign3A_498 = arith.extui %sign3A_497 : i1 to i32
        %sign3A_499 = arith.subi %sign3A_495, %sign3A_498 : i32
        %ne3A_500 = arith.cmpi ne, %sign3A_492, %sign3A_499 : i32
        %rem3A_501 = arith.remsi %add3A_483, %jit3A_484 : i32
        %ne3A_502 = arith.constant 0 : i32
        %ne3A_503 = arith.cmpi ne, %rem3A_501, %ne3A_502 : i32
        %and3A_504 = arith.andi %ne3A_500, %ne3A_503 : i1
        %sub3A_505 = arith.constant 1 : i32
        %sub3A_506 = arith.subi %div3A_485, %sub3A_505 : i32
        %select_n3A_507 = arith.select %and3A_504, %sub3A_506, %div3A_485 : i32
        %ge3A_508 = arith.constant 2 : i32
        %ge3A_509 = arith.cmpi sge, %select_n3A_507, %ge3A_508 : i32
        %and3A_510 = arith.andi %eq3A_481, %ge3A_509 : i1
        %convert_element_type3A_511 = arith.extui %and3A_510 : i1 to i32
        %cond3A_512 = arith.constant 0 : i32
        %cond3A_513 = arith.cmpi ne, %convert_element_type3A_511, %cond3A_512 : i32
        scf.if %cond3A_513 {
          %dma_wait3A_552 = arith.constant 0 : i32
          %dma_wait3A_553 = arith.constant 0 : i32
          %dma_wait3A_554 = arith.constant 0 : i32
          %dma_wait3A_555 = arith.constant 0 : i32
          %dma_wait3A_556 = tpu.memref_slice %arg8[%dma_wait3A_553, %dma_wait3A_554, %dma_wait3A_555] : memref<2x6x112xi32, #tpu.memory_space<vmem>> -> memref<1x6x112xi32, #tpu.memory_space<vmem>>
          %dma_wait3A_557 = tpu.memref_squeeze %dma_wait3A_556 : memref<1x6x112xi32, #tpu.memory_space<vmem>> -> memref<6x112xi32, #tpu.memory_space<vmem>>
          %dma_wait3A_558 = arith.constant 0 : i32
          %dma_wait3A_559 = arith.constant 0 : i32
          %dma_wait3A_560 = tpu.memref_slice %arg3[%add3A, %dma_wait3A_552, %dma_wait3A_558, %dma_wait3A_559] : memref<32x15x6x112xi32, #tpu.memory_space<hbm>> -> memref<1x1x6x112xi32, #tpu.memory_space<hbm>>
          %dma_wait3A_561 = tpu.memref_squeeze %dma_wait3A_560 : memref<1x1x6x112xi32, #tpu.memory_space<hbm>> -> memref<6x112xi32, #tpu.memory_space<hbm>>
          %dma_wait3A_562 = arith.constant 0 : i32
          %dma_wait3A_563 = arith.constant 0 : i32
          %dma_wait3A_564 = tpu.memref_slice %arg8[%dma_wait3A_553, %dma_wait3A_562, %dma_wait3A_563] : memref<2x6x112xi32, #tpu.memory_space<vmem>> -> memref<1x6x112xi32, #tpu.memory_space<vmem>>
          %dma_wait3A_565 = tpu.memref_squeeze %dma_wait3A_564 : memref<1x6x112xi32, #tpu.memory_space<vmem>> -> memref<6x112xi32, #tpu.memory_space<vmem>>
          %dma_wait3A_566 = arith.constant 0 : i32
          %dma_wait3A_567 = arith.constant 0 : i32
          %dma_wait3A_568 = tpu.memref_slice %arg3[%add3A, %dma_wait3A_552, %dma_wait3A_566, %dma_wait3A_567] : memref<32x15x6x112xi32, #tpu.memory_space<hbm>> -> memref<1x1x6x112xi32, #tpu.memory_space<hbm>>
          %dma_wait3A_569 = tpu.memref_squeeze %dma_wait3A_568 : memref<1x1x6x112xi32, #tpu.memory_space<hbm>> -> memref<6x112xi32, #tpu.memory_space<hbm>>
          tpu.wait_dma2 semaphore(%arg19 : memref<!tpu.dma_semaphore, #tpu.memory_space<semaphore_mem>>) src(%dma_wait3A_569 : memref<6x112xi32, #tpu.memory_space<hbm>>) dst(%dma_wait3A_565 : memref<6x112xi32, #tpu.memory_space<vmem>>)
          %dma_wait3A_570 = arith.constant 0 : i32
          %dma_wait3A_571 = arith.constant 0 : i32
          %dma_wait3A_572 = arith.constant 0 : i32
          %dma_wait3A_573 = arith.constant 0 : i32
          %dma_wait3A_574 = tpu.memref_slice %arg9[%dma_wait3A_571, %dma_wait3A_572, %dma_wait3A_573] : memref<2x6x112xi32, #tpu.memory_space<vmem>> -> memref<1x6x112xi32, #tpu.memory_space<vmem>>
          %dma_wait3A_575 = tpu.memref_squeeze %dma_wait3A_574 : memref<1x6x112xi32, #tpu.memory_space<vmem>> -> memref<6x112xi32, #tpu.memory_space<vmem>>
          %dma_wait3A_576 = arith.constant 0 : i32
          %dma_wait3A_577 = arith.constant 0 : i32
          %dma_wait3A_578 = tpu.memref_slice %arg4[%add3A, %dma_wait3A_570, %dma_wait3A_576, %dma_wait3A_577] : memref<32x15x6x112xi32, #tpu.memory_space<hbm>> -> memref<1x1x6x112xi32, #tpu.memory_space<hbm>>
          %dma_wait3A_579 = tpu.memref_squeeze %dma_wait3A_578 : memref<1x1x6x112xi32, #tpu.memory_space<hbm>> -> memref<6x112xi32, #tpu.memory_space<hbm>>
          %dma_wait3A_580 = arith.constant 0 : i32
          %dma_wait3A_581 = arith.constant 0 : i32
          %dma_wait3A_582 = tpu.memref_slice %arg9[%dma_wait3A_571, %dma_wait3A_580, %dma_wait3A_581] : memref<2x6x112xi32, #tpu.memory_space<vmem>> -> memref<1x6x112xi32, #tpu.memory_space<vmem>>
          %dma_wait3A_583 = tpu.memref_squeeze %dma_wait3A_582 : memref<1x6x112xi32, #tpu.memory_space<vmem>> -> memref<6x112xi32, #tpu.memory_space<vmem>>
          %dma_wait3A_584 = arith.constant 0 : i32
          %dma_wait3A_585 = arith.constant 0 : i32
          %dma_wait3A_586 = tpu.memref_slice %arg4[%add3A, %dma_wait3A_570, %dma_wait3A_584, %dma_wait3A_585] : memref<32x15x6x112xi32, #tpu.memory_space<hbm>> -> memref<1x1x6x112xi32, #tpu.memory_space<hbm>>
          %dma_wait3A_587 = tpu.memref_squeeze %dma_wait3A_586 : memref<1x1x6x112xi32, #tpu.memory_space<hbm>> -> memref<6x112xi32, #tpu.memory_space<hbm>>
          tpu.wait_dma2 semaphore(%arg19 : memref<!tpu.dma_semaphore, #tpu.memory_space<semaphore_mem>>) src(%dma_wait3A_587 : memref<6x112xi32, #tpu.memory_space<hbm>>) dst(%dma_wait3A_583 : memref<6x112xi32, #tpu.memory_space<vmem>>)
        } else {
        }
        %add3A_514 = arith.constant 2 : i32
        %add3A_515 = arith.addi %add3A_86, %add3A_514 : i32
        %jit3A_516 = arith.constant 6 : i32
        %div3A_517 = arith.divsi %add3A_515, %jit3A_516 : i32
        %sign3A_518 = arith.constant 0 : i32
        %sign3A_519 = arith.cmpi sgt, %add3A_515, %sign3A_518 : i32
        %sign3A_520 = arith.extui %sign3A_519 : i1 to i32
        %sign3A_521 = arith.constant 0 : i32
        %sign3A_522 = arith.cmpi slt, %add3A_515, %sign3A_521 : i32
        %sign3A_523 = arith.extui %sign3A_522 : i1 to i32
        %sign3A_524 = arith.subi %sign3A_520, %sign3A_523 : i32
        %sign3A_525 = arith.constant 0 : i32
        %sign3A_526 = arith.cmpi sgt, %jit3A_516, %sign3A_525 : i32
        %sign3A_527 = arith.extui %sign3A_526 : i1 to i32
        %sign3A_528 = arith.constant 0 : i32
        %sign3A_529 = arith.cmpi slt, %jit3A_516, %sign3A_528 : i32
        %sign3A_530 = arith.extui %sign3A_529 : i1 to i32
        %sign3A_531 = arith.subi %sign3A_527, %sign3A_530 : i32
        %ne3A_532 = arith.cmpi ne, %sign3A_524, %sign3A_531 : i32
        %rem3A_533 = arith.remsi %add3A_515, %jit3A_516 : i32
        %ne3A_534 = arith.constant 0 : i32
        %ne3A_535 = arith.cmpi ne, %rem3A_533, %ne3A_534 : i32
        %and3A_536 = arith.andi %ne3A_532, %ne3A_535 : i1
        %sub3A_537 = arith.constant 1 : i32
        %sub3A_538 = arith.subi %div3A_517, %sub3A_537 : i32
        %select_n3A_539 = arith.select %and3A_536, %sub3A_538, %div3A_517 : i32
        %rem3A_540 = arith.constant 2 : i32
        %rem3A_541 = arith.remsi %select_n3A_539, %rem3A_540 : i32
        %add3A_542 = arith.constant 2 : i32
        %add3A_543 = arith.addi %add3A_86, %add3A_542 : i32
        %rem3A_544 = arith.constant 6 : i32
        %rem3A_545 = arith.remsi %add3A_543, %rem3A_544 : i32
        %dma_start3A_546 = arith.constant 0 : i32
        %dma_start3A_547 = tpu.memref_slice %arg8[%rem3A_541, %rem3A_545, %dma_start3A_546] : memref<2x6x112xi32, #tpu.memory_space<vmem>> -> memref<1x1x112xi32, #tpu.memory_space<vmem>>
        %dma_start3A_548 = tpu.memref_squeeze %dma_start3A_547 : memref<1x1x112xi32, #tpu.memory_space<vmem>> -> memref<112xi32, #tpu.memory_space<vmem>>
        %dma_start3A_549 = arith.constant 0 : i32
        %dma_start3A_550 = arith.constant 0 : i32
        %dma_start3A_551 = tpu.memref_slice %arg2[%dma_start3A_549, %dma_start3A_550] : memref<10240x128xf32, #tpu.memory_space<hbm>> -> memref<10240x128xf32, #tpu.memory_space<hbm>>
        tpu.enqueue_indirect_dma source(%dma_start3A_551 : memref<10240x128xf32, #tpu.memory_space<hbm>>) target(%arg12 : memref<112x128xf32, #tpu.memory_space<vmem>>) offsets(%dma_start3A_548 : memref<112xi32, #tpu.memory_space<vmem>>) semaphore(%arg15 : memref<!tpu.dma_semaphore, #tpu.memory_space<semaphore_mem>>)
      } else {
      }
      %rem3A_157 = arith.constant 6 : i32
      %rem3A_158 = arith.remsi %add3A_86, %rem3A_157 : i32
      %eq3A_159 = arith.constant 0 : i32
      %eq3A_160 = arith.cmpi eq, %rem3A_158, %eq3A_159 : i32
      %ge3A_161 = arith.constant 6 : i32
      %ge3A_162 = arith.cmpi sge, %add3A_86, %ge3A_161 : i32
      %jit3A_163 = arith.constant 6 : i32
      %div3A_164 = arith.divsi %add3A_86, %jit3A_163 : i32
      %sign3A_165 = arith.constant 0 : i32
      %sign3A_166 = arith.cmpi sgt, %add3A_86, %sign3A_165 : i32
      %sign3A_167 = arith.extui %sign3A_166 : i1 to i32
      %sign3A_168 = arith.constant 0 : i32
      %sign3A_169 = arith.cmpi slt, %add3A_86, %sign3A_168 : i32
      %sign3A_170 = arith.extui %sign3A_169 : i1 to i32
      %sign3A_171 = arith.subi %sign3A_167, %sign3A_170 : i32
      %sign3A_172 = arith.constant 0 : i32
      %sign3A_173 = arith.cmpi sgt, %jit3A_163, %sign3A_172 : i32
      %sign3A_174 = arith.extui %sign3A_173 : i1 to i32
      %sign3A_175 = arith.constant 0 : i32
      %sign3A_176 = arith.cmpi slt, %jit3A_163, %sign3A_175 : i32
      %sign3A_177 = arith.extui %sign3A_176 : i1 to i32
      %sign3A_178 = arith.subi %sign3A_174, %sign3A_177 : i32
      %ne3A_179 = arith.cmpi ne, %sign3A_171, %sign3A_178 : i32
      %rem3A_180 = arith.remsi %add3A_86, %jit3A_163 : i32
      %ne3A_181 = arith.constant 0 : i32
      %ne3A_182 = arith.cmpi ne, %rem3A_180, %ne3A_181 : i32
      %and3A_183 = arith.andi %ne3A_179, %ne3A_182 : i1
      %sub3A_184 = arith.constant 1 : i32
      %sub3A_185 = arith.subi %div3A_164, %sub3A_184 : i32
      %select_n3A_186 = arith.select %and3A_183, %sub3A_185, %div3A_164 : i32
      %add3A_187 = arith.constant 1 : i32
      %add3A_188 = arith.addi %select_n3A_186, %add3A_187 : i32
      %le3A_189 = arith.constant 14 : i32
      %le3A_190 = arith.cmpi sle, %add3A_188, %le3A_189 : i32
      %and3A_191 = arith.andi %ge3A_162, %le3A_190 : i1
      %and3A_192 = arith.andi %eq3A_160, %and3A_191 : i1
      %convert_element_type3A_193 = arith.extui %and3A_192 : i1 to i32
      %cond3A_194 = arith.constant 0 : i32
      %cond3A_195 = arith.cmpi ne, %convert_element_type3A_193, %cond3A_194 : i32
      scf.if %cond3A_195 {
        %jit3A_438 = arith.constant 6 : i32
        %div3A_439 = arith.divsi %add3A_86, %jit3A_438 : i32
        %sign3A_440 = arith.constant 0 : i32
        %sign3A_441 = arith.cmpi sgt, %add3A_86, %sign3A_440 : i32
        %sign3A_442 = arith.extui %sign3A_441 : i1 to i32
        %sign3A_443 = arith.constant 0 : i32
        %sign3A_444 = arith.cmpi slt, %add3A_86, %sign3A_443 : i32
        %sign3A_445 = arith.extui %sign3A_444 : i1 to i32
        %sign3A_446 = arith.subi %sign3A_442, %sign3A_445 : i32
        %sign3A_447 = arith.constant 0 : i32
        %sign3A_448 = arith.cmpi sgt, %jit3A_438, %sign3A_447 : i32
        %sign3A_449 = arith.extui %sign3A_448 : i1 to i32
        %sign3A_450 = arith.constant 0 : i32
        %sign3A_451 = arith.cmpi slt, %jit3A_438, %sign3A_450 : i32
        %sign3A_452 = arith.extui %sign3A_451 : i1 to i32
        %sign3A_453 = arith.subi %sign3A_449, %sign3A_452 : i32
        %ne3A_454 = arith.cmpi ne, %sign3A_446, %sign3A_453 : i32
        %rem3A_455 = arith.remsi %add3A_86, %jit3A_438 : i32
        %ne3A_456 = arith.constant 0 : i32
        %ne3A_457 = arith.cmpi ne, %rem3A_455, %ne3A_456 : i32
        %and3A_458 = arith.andi %ne3A_454, %ne3A_457 : i1
        %sub3A_459 = arith.constant 1 : i32
        %sub3A_460 = arith.subi %div3A_439, %sub3A_459 : i32
        %select_n3A_461 = arith.select %and3A_458, %sub3A_460, %div3A_439 : i32
        %add3A_462 = arith.constant 1 : i32
        %add3A_463 = arith.addi %select_n3A_461, %add3A_462 : i32
        %rem3A_464 = arith.constant 2 : i32
        %rem3A_465 = arith.remsi %add3A_463, %rem3A_464 : i32
        %dma_start3A_466 = arith.constant 0 : i32
        %dma_start3A_467 = arith.constant 0 : i32
        %dma_start3A_468 = tpu.memref_slice %arg8[%rem3A_465, %dma_start3A_466, %dma_start3A_467] : memref<2x6x112xi32, #tpu.memory_space<vmem>> -> memref<1x6x112xi32, #tpu.memory_space<vmem>>
        %dma_start3A_469 = tpu.memref_squeeze %dma_start3A_468 : memref<1x6x112xi32, #tpu.memory_space<vmem>> -> memref<6x112xi32, #tpu.memory_space<vmem>>
        %dma_start3A_470 = arith.constant 0 : i32
        %dma_start3A_471 = arith.constant 0 : i32
        %dma_start3A_472 = tpu.memref_slice %arg3[%add3A, %add3A_463, %dma_start3A_470, %dma_start3A_471] : memref<32x15x6x112xi32, #tpu.memory_space<hbm>> -> memref<1x1x6x112xi32, #tpu.memory_space<hbm>>
        %dma_start3A_473 = tpu.memref_squeeze %dma_start3A_472 : memref<1x1x6x112xi32, #tpu.memory_space<hbm>> -> memref<6x112xi32, #tpu.memory_space<hbm>>
        %dma_start3A_474 = arith.constant 0 : i32
        %dma_start3A_475 = arith.constant 0 : i32
        %dma_start3A_476 = tpu.memref_slice %arg8[%rem3A_465, %dma_start3A_474, %dma_start3A_475] : memref<2x6x112xi32, #tpu.memory_space<vmem>> -> memref<1x6x112xi32, #tpu.memory_space<vmem>>
        %dma_start3A_477 = tpu.memref_squeeze %dma_start3A_476 : memref<1x6x112xi32, #tpu.memory_space<vmem>> -> memref<6x112xi32, #tpu.memory_space<vmem>>
        %dma_start3A_478 = arith.constant 0 : i32
        %dma_start3A_479 = arith.constant 0 : i32
        %dma_start3A_480 = tpu.memref_slice %arg3[%add3A, %add3A_463, %dma_start3A_478, %dma_start3A_479] : memref<32x15x6x112xi32, #tpu.memory_space<hbm>> -> memref<1x1x6x112xi32, #tpu.memory_space<hbm>>
        %dma_start3A_481 = tpu.memref_squeeze %dma_start3A_480 : memref<1x1x6x112xi32, #tpu.memory_space<hbm>> -> memref<6x112xi32, #tpu.memory_space<hbm>>
        tpu.enqueue_dma source(%dma_start3A_481 : memref<6x112xi32, #tpu.memory_space<hbm>>) target(%dma_start3A_477 : memref<6x112xi32, #tpu.memory_space<vmem>>) target_semaphore(%arg19 : memref<!tpu.dma_semaphore, #tpu.memory_space<semaphore_mem>>)
        %dma_start3A_482 = arith.constant 0 : i32
        %dma_start3A_483 = arith.constant 0 : i32
        %dma_start3A_484 = tpu.memref_slice %arg9[%rem3A_465, %dma_start3A_482, %dma_start3A_483] : memref<2x6x112xi32, #tpu.memory_space<vmem>> -> memref<1x6x112xi32, #tpu.memory_space<vmem>>
        %dma_start3A_485 = tpu.memref_squeeze %dma_start3A_484 : memref<1x6x112xi32, #tpu.memory_space<vmem>> -> memref<6x112xi32, #tpu.memory_space<vmem>>
        %dma_start3A_486 = arith.constant 0 : i32
        %dma_start3A_487 = arith.constant 0 : i32
        %dma_start3A_488 = tpu.memref_slice %arg4[%add3A, %add3A_463, %dma_start3A_486, %dma_start3A_487] : memref<32x15x6x112xi32, #tpu.memory_space<hbm>> -> memref<1x1x6x112xi32, #tpu.memory_space<hbm>>
        %dma_start3A_489 = tpu.memref_squeeze %dma_start3A_488 : memref<1x1x6x112xi32, #tpu.memory_space<hbm>> -> memref<6x112xi32, #tpu.memory_space<hbm>>
        %dma_start3A_490 = arith.constant 0 : i32
        %dma_start3A_491 = arith.constant 0 : i32
        %dma_start3A_492 = tpu.memref_slice %arg9[%rem3A_465, %dma_start3A_490, %dma_start3A_491] : memref<2x6x112xi32, #tpu.memory_space<vmem>> -> memref<1x6x112xi32, #tpu.memory_space<vmem>>
        %dma_start3A_493 = tpu.memref_squeeze %dma_start3A_492 : memref<1x6x112xi32, #tpu.memory_space<vmem>> -> memref<6x112xi32, #tpu.memory_space<vmem>>
        %dma_start3A_494 = arith.constant 0 : i32
        %dma_start3A_495 = arith.constant 0 : i32
        %dma_start3A_496 = tpu.memref_slice %arg4[%add3A, %add3A_463, %dma_start3A_494, %dma_start3A_495] : memref<32x15x6x112xi32, #tpu.memory_space<hbm>> -> memref<1x1x6x112xi32, #tpu.memory_space<hbm>>
        %dma_start3A_497 = tpu.memref_squeeze %dma_start3A_496 : memref<1x1x6x112xi32, #tpu.memory_space<hbm>> -> memref<6x112xi32, #tpu.memory_space<hbm>>
        tpu.enqueue_dma source(%dma_start3A_497 : memref<6x112xi32, #tpu.memory_space<hbm>>) target(%dma_start3A_493 : memref<6x112xi32, #tpu.memory_space<vmem>>) target_semaphore(%arg19 : memref<!tpu.dma_semaphore, #tpu.memory_space<semaphore_mem>>)
      } else {
      }
      %mul3A_196 = arith.constant 3 : i32
      %mul3A_197 = arith.muli %mul3A_196, %scan3A_82 : i32
      %add3A_198 = arith.constant 1 : i32
      %add3A_199 = arith.addi %mul3A_197, %add3A_198 : i32
      %jit3A_200 = arith.constant 6 : i32
      %div3A_201 = arith.divsi %add3A_199, %jit3A_200 : i32
      %sign3A_202 = arith.constant 0 : i32
      %sign3A_203 = arith.cmpi sgt, %add3A_199, %sign3A_202 : i32
      %sign3A_204 = arith.extui %sign3A_203 : i1 to i32
      %sign3A_205 = arith.constant 0 : i32
      %sign3A_206 = arith.cmpi slt, %add3A_199, %sign3A_205 : i32
      %sign3A_207 = arith.extui %sign3A_206 : i1 to i32
      %sign3A_208 = arith.subi %sign3A_204, %sign3A_207 : i32
      %sign3A_209 = arith.constant 0 : i32
      %sign3A_210 = arith.cmpi sgt, %jit3A_200, %sign3A_209 : i32
      %sign3A_211 = arith.extui %sign3A_210 : i1 to i32
      %sign3A_212 = arith.constant 0 : i32
      %sign3A_213 = arith.cmpi slt, %jit3A_200, %sign3A_212 : i32
      %sign3A_214 = arith.extui %sign3A_213 : i1 to i32
      %sign3A_215 = arith.subi %sign3A_211, %sign3A_214 : i32
      %ne3A_216 = arith.cmpi ne, %sign3A_208, %sign3A_215 : i32
      %rem3A_217 = arith.remsi %add3A_199, %jit3A_200 : i32
      %ne3A_218 = arith.constant 0 : i32
      %ne3A_219 = arith.cmpi ne, %rem3A_217, %ne3A_218 : i32
      %and3A_220 = arith.andi %ne3A_216, %ne3A_219 : i1
      %sub3A_221 = arith.constant 1 : i32
      %sub3A_222 = arith.subi %div3A_201, %sub3A_221 : i32
      %select_n3A_223 = arith.select %and3A_220, %sub3A_222, %div3A_201 : i32
      %rem3A_224 = arith.constant 2 : i32
      %rem3A_225 = arith.remsi %select_n3A_223, %rem3A_224 : i32
      %rem3A_226 = arith.constant 6 : i32
      %rem3A_227 = arith.remsi %add3A_199, %rem3A_226 : i32
      %dma_wait3A_228 = arith.constant 0 : i32
      %dma_wait3A_229 = tpu.memref_slice %arg8[%rem3A_225, %rem3A_227, %dma_wait3A_228] : memref<2x6x112xi32, #tpu.memory_space<vmem>> -> memref<1x1x112xi32, #tpu.memory_space<vmem>>
      %dma_wait3A_230 = tpu.memref_squeeze %dma_wait3A_229 : memref<1x1x112xi32, #tpu.memory_space<vmem>> -> memref<112xi32, #tpu.memory_space<vmem>>
      %dma_wait3A_231 = arith.constant 0 : i32
      %dma_wait3A_232 = arith.constant 0 : i32
      %dma_wait3A_233 = tpu.memref_slice %arg2[%dma_wait3A_231, %dma_wait3A_232] : memref<10240x128xf32, #tpu.memory_space<hbm>> -> memref<10240x128xf32, #tpu.memory_space<hbm>>
      tpu.wait_indirect_dma semaphore(%arg14 : memref<!tpu.dma_semaphore, #tpu.memory_space<semaphore_mem>>) src(%dma_wait3A_233 : memref<10240x128xf32, #tpu.memory_space<hbm>>) dst(%arg11 : memref<112x128xf32, #tpu.memory_space<vmem>>)
      %jit3A_234 = arith.constant 6 : i32
      %div3A_235 = arith.divsi %add3A_199, %jit3A_234 : i32
      %sign3A_236 = arith.constant 0 : i32
      %sign3A_237 = arith.cmpi sgt, %add3A_199, %sign3A_236 : i32
      %sign3A_238 = arith.extui %sign3A_237 : i1 to i32
      %sign3A_239 = arith.constant 0 : i32
      %sign3A_240 = arith.cmpi slt, %add3A_199, %sign3A_239 : i32
      %sign3A_241 = arith.extui %sign3A_240 : i1 to i32
      %sign3A_242 = arith.subi %sign3A_238, %sign3A_241 : i32
      %sign3A_243 = arith.constant 0 : i32
      %sign3A_244 = arith.cmpi sgt, %jit3A_234, %sign3A_243 : i32
      %sign3A_245 = arith.extui %sign3A_244 : i1 to i32
      %sign3A_246 = arith.constant 0 : i32
      %sign3A_247 = arith.cmpi slt, %jit3A_234, %sign3A_246 : i32
      %sign3A_248 = arith.extui %sign3A_247 : i1 to i32
      %sign3A_249 = arith.subi %sign3A_245, %sign3A_248 : i32
      %ne3A_250 = arith.cmpi ne, %sign3A_242, %sign3A_249 : i32
      %rem3A_251 = arith.remsi %add3A_199, %jit3A_234 : i32
      %ne3A_252 = arith.constant 0 : i32
      %ne3A_253 = arith.cmpi ne, %rem3A_251, %ne3A_252 : i32
      %and3A_254 = arith.andi %ne3A_250, %ne3A_253 : i1
      %sub3A_255 = arith.constant 1 : i32
      %sub3A_256 = arith.subi %div3A_235, %sub3A_255 : i32
      %select_n3A_257 = arith.select %and3A_254, %sub3A_256, %div3A_235 : i32
      %rem3A_258 = arith.constant 2 : i32
      %rem3A_259 = arith.remsi %select_n3A_257, %rem3A_258 : i32
      %rem3A_260 = arith.constant 6 : i32
      %rem3A_261 = arith.remsi %add3A_199, %rem3A_260 : i32
      %dma_start3A_262 = arith.constant 0 : i32
      %dma_start3A_263 = tpu.memref_slice %arg9[%rem3A_259, %rem3A_261, %dma_start3A_262] : memref<2x6x112xi32, #tpu.memory_space<vmem>> -> memref<1x1x112xi32, #tpu.memory_space<vmem>>
      %dma_start3A_264 = tpu.memref_squeeze %dma_start3A_263 : memref<1x1x112xi32, #tpu.memory_space<vmem>> -> memref<112xi32, #tpu.memory_space<vmem>>
      %dma_start3A_265 = arith.constant 0 : i32
      %dma_start3A_266 = arith.constant 0 : i32
      %dma_start3A_267 = tpu.memref_slice %arg7[%dma_start3A_265, %dma_start3A_266] : memref<10240x128xf32, #tpu.memory_space<vmem_shared>> -> memref<10240x128xf32, #tpu.memory_space<vmem_shared>>
      tpu.enqueue_indirect_dma source(%arg11 : memref<112x128xf32, #tpu.memory_space<vmem>>) target(%dma_start3A_267 : memref<10240x128xf32, #tpu.memory_space<vmem_shared>>) offsets(%dma_start3A_264 : memref<112xi32, #tpu.memory_space<vmem>>) semaphore(%arg17 : memref<!tpu.dma_semaphore, #tpu.memory_space<semaphore_mem>>) {add = true}
      %ge3A_268 = arith.constant 1 : i32
      %ge3A_269 = arith.cmpi sge, %add3A_199, %ge3A_268 : i32
      %add3A_270 = arith.constant 2 : i32
      %add3A_271 = arith.addi %add3A_199, %add3A_270 : i32
      %le3A_272 = arith.constant 89 : i32
      %le3A_273 = arith.cmpi sle, %add3A_271, %le3A_272 : i32
      %and3A_274 = arith.andi %ge3A_269, %le3A_273 : i1
      %convert_element_type3A_275 = arith.extui %and3A_274 : i1 to i32
      %cond3A_276 = arith.constant 0 : i32
      %cond3A_277 = arith.cmpi ne, %convert_element_type3A_275, %cond3A_276 : i32
      scf.if %cond3A_277 {
        %sub3A_438 = arith.constant 1 : i32
        %sub3A_439 = arith.subi %add3A_199, %sub3A_438 : i32
        %jit3A_440 = arith.constant 6 : i32
        %div3A_441 = arith.divsi %sub3A_439, %jit3A_440 : i32
        %sign3A_442 = arith.constant 0 : i32
        %sign3A_443 = arith.cmpi sgt, %sub3A_439, %sign3A_442 : i32
        %sign3A_444 = arith.extui %sign3A_443 : i1 to i32
        %sign3A_445 = arith.constant 0 : i32
        %sign3A_446 = arith.cmpi slt, %sub3A_439, %sign3A_445 : i32
        %sign3A_447 = arith.extui %sign3A_446 : i1 to i32
        %sign3A_448 = arith.subi %sign3A_444, %sign3A_447 : i32
        %sign3A_449 = arith.constant 0 : i32
        %sign3A_450 = arith.cmpi sgt, %jit3A_440, %sign3A_449 : i32
        %sign3A_451 = arith.extui %sign3A_450 : i1 to i32
        %sign3A_452 = arith.constant 0 : i32
        %sign3A_453 = arith.cmpi slt, %jit3A_440, %sign3A_452 : i32
        %sign3A_454 = arith.extui %sign3A_453 : i1 to i32
        %sign3A_455 = arith.subi %sign3A_451, %sign3A_454 : i32
        %ne3A_456 = arith.cmpi ne, %sign3A_448, %sign3A_455 : i32
        %rem3A_457 = arith.remsi %sub3A_439, %jit3A_440 : i32
        %ne3A_458 = arith.constant 0 : i32
        %ne3A_459 = arith.cmpi ne, %rem3A_457, %ne3A_458 : i32
        %and3A_460 = arith.andi %ne3A_456, %ne3A_459 : i1
        %sub3A_461 = arith.constant 1 : i32
        %sub3A_462 = arith.subi %div3A_441, %sub3A_461 : i32
        %select_n3A_463 = arith.select %and3A_460, %sub3A_462, %div3A_441 : i32
        %rem3A_464 = arith.constant 2 : i32
        %rem3A_465 = arith.remsi %select_n3A_463, %rem3A_464 : i32
        %sub3A_466 = arith.constant 1 : i32
        %sub3A_467 = arith.subi %add3A_199, %sub3A_466 : i32
        %rem3A_468 = arith.constant 6 : i32
        %rem3A_469 = arith.remsi %sub3A_467, %rem3A_468 : i32
        %dma_wait3A_470 = arith.constant 0 : i32
        %dma_wait3A_471 = tpu.memref_slice %arg9[%rem3A_465, %rem3A_469, %dma_wait3A_470] : memref<2x6x112xi32, #tpu.memory_space<vmem>> -> memref<1x1x112xi32, #tpu.memory_space<vmem>>
        %dma_wait3A_472 = tpu.memref_squeeze %dma_wait3A_471 : memref<1x1x112xi32, #tpu.memory_space<vmem>> -> memref<112xi32, #tpu.memory_space<vmem>>
        %dma_wait3A_473 = arith.constant 0 : i32
        %dma_wait3A_474 = arith.constant 0 : i32
        %dma_wait3A_475 = tpu.memref_slice %arg7[%dma_wait3A_473, %dma_wait3A_474] : memref<10240x128xf32, #tpu.memory_space<vmem_shared>> -> memref<10240x128xf32, #tpu.memory_space<vmem_shared>>
        tpu.wait_indirect_dma semaphore(%arg16 : memref<!tpu.dma_semaphore, #tpu.memory_space<semaphore_mem>>) src(%arg10 : memref<112x128xf32, #tpu.memory_space<vmem>>) dst(%dma_wait3A_475 : memref<10240x128xf32, #tpu.memory_space<vmem_shared>>)
        %add3A_476 = arith.constant 2 : i32
        %add3A_477 = arith.addi %add3A_199, %add3A_476 : i32
        %rem3A_478 = arith.constant 6 : i32
        %rem3A_479 = arith.remsi %add3A_477, %rem3A_478 : i32
        %eq3A_480 = arith.constant 0 : i32
        %eq3A_481 = arith.cmpi eq, %rem3A_479, %eq3A_480 : i32
        %add3A_482 = arith.constant 2 : i32
        %add3A_483 = arith.addi %add3A_199, %add3A_482 : i32
        %jit3A_484 = arith.constant 6 : i32
        %div3A_485 = arith.divsi %add3A_483, %jit3A_484 : i32
        %sign3A_486 = arith.constant 0 : i32
        %sign3A_487 = arith.cmpi sgt, %add3A_483, %sign3A_486 : i32
        %sign3A_488 = arith.extui %sign3A_487 : i1 to i32
        %sign3A_489 = arith.constant 0 : i32
        %sign3A_490 = arith.cmpi slt, %add3A_483, %sign3A_489 : i32
        %sign3A_491 = arith.extui %sign3A_490 : i1 to i32
        %sign3A_492 = arith.subi %sign3A_488, %sign3A_491 : i32
        %sign3A_493 = arith.constant 0 : i32
        %sign3A_494 = arith.cmpi sgt, %jit3A_484, %sign3A_493 : i32
        %sign3A_495 = arith.extui %sign3A_494 : i1 to i32
        %sign3A_496 = arith.constant 0 : i32
        %sign3A_497 = arith.cmpi slt, %jit3A_484, %sign3A_496 : i32
        %sign3A_498 = arith.extui %sign3A_497 : i1 to i32
        %sign3A_499 = arith.subi %sign3A_495, %sign3A_498 : i32
        %ne3A_500 = arith.cmpi ne, %sign3A_492, %sign3A_499 : i32
        %rem3A_501 = arith.remsi %add3A_483, %jit3A_484 : i32
        %ne3A_502 = arith.constant 0 : i32
        %ne3A_503 = arith.cmpi ne, %rem3A_501, %ne3A_502 : i32
        %and3A_504 = arith.andi %ne3A_500, %ne3A_503 : i1
        %sub3A_505 = arith.constant 1 : i32
        %sub3A_506 = arith.subi %div3A_485, %sub3A_505 : i32
        %select_n3A_507 = arith.select %and3A_504, %sub3A_506, %div3A_485 : i32
        %ge3A_508 = arith.constant 2 : i32
        %ge3A_509 = arith.cmpi sge, %select_n3A_507, %ge3A_508 : i32
        %and3A_510 = arith.andi %eq3A_481, %ge3A_509 : i1
        %convert_element_type3A_511 = arith.extui %and3A_510 : i1 to i32
        %cond3A_512 = arith.constant 0 : i32
        %cond3A_513 = arith.cmpi ne, %convert_element_type3A_511, %cond3A_512 : i32
        scf.if %cond3A_513 {
          %dma_wait3A_552 = arith.constant 0 : i32
          %dma_wait3A_553 = arith.constant 0 : i32
          %dma_wait3A_554 = arith.constant 0 : i32
          %dma_wait3A_555 = arith.constant 0 : i32
          %dma_wait3A_556 = tpu.memref_slice %arg8[%dma_wait3A_553, %dma_wait3A_554, %dma_wait3A_555] : memref<2x6x112xi32, #tpu.memory_space<vmem>> -> memref<1x6x112xi32, #tpu.memory_space<vmem>>
          %dma_wait3A_557 = tpu.memref_squeeze %dma_wait3A_556 : memref<1x6x112xi32, #tpu.memory_space<vmem>> -> memref<6x112xi32, #tpu.memory_space<vmem>>
          %dma_wait3A_558 = arith.constant 0 : i32
          %dma_wait3A_559 = arith.constant 0 : i32
          %dma_wait3A_560 = tpu.memref_slice %arg3[%add3A, %dma_wait3A_552, %dma_wait3A_558, %dma_wait3A_559] : memref<32x15x6x112xi32, #tpu.memory_space<hbm>> -> memref<1x1x6x112xi32, #tpu.memory_space<hbm>>
          %dma_wait3A_561 = tpu.memref_squeeze %dma_wait3A_560 : memref<1x1x6x112xi32, #tpu.memory_space<hbm>> -> memref<6x112xi32, #tpu.memory_space<hbm>>
          %dma_wait3A_562 = arith.constant 0 : i32
          %dma_wait3A_563 = arith.constant 0 : i32
          %dma_wait3A_564 = tpu.memref_slice %arg8[%dma_wait3A_553, %dma_wait3A_562, %dma_wait3A_563] : memref<2x6x112xi32, #tpu.memory_space<vmem>> -> memref<1x6x112xi32, #tpu.memory_space<vmem>>
          %dma_wait3A_565 = tpu.memref_squeeze %dma_wait3A_564 : memref<1x6x112xi32, #tpu.memory_space<vmem>> -> memref<6x112xi32, #tpu.memory_space<vmem>>
          %dma_wait3A_566 = arith.constant 0 : i32
          %dma_wait3A_567 = arith.constant 0 : i32
          %dma_wait3A_568 = tpu.memref_slice %arg3[%add3A, %dma_wait3A_552, %dma_wait3A_566, %dma_wait3A_567] : memref<32x15x6x112xi32, #tpu.memory_space<hbm>> -> memref<1x1x6x112xi32, #tpu.memory_space<hbm>>
          %dma_wait3A_569 = tpu.memref_squeeze %dma_wait3A_568 : memref<1x1x6x112xi32, #tpu.memory_space<hbm>> -> memref<6x112xi32, #tpu.memory_space<hbm>>
          tpu.wait_dma2 semaphore(%arg19 : memref<!tpu.dma_semaphore, #tpu.memory_space<semaphore_mem>>) src(%dma_wait3A_569 : memref<6x112xi32, #tpu.memory_space<hbm>>) dst(%dma_wait3A_565 : memref<6x112xi32, #tpu.memory_space<vmem>>)
          %dma_wait3A_570 = arith.constant 0 : i32
          %dma_wait3A_571 = arith.constant 0 : i32
          %dma_wait3A_572 = arith.constant 0 : i32
          %dma_wait3A_573 = arith.constant 0 : i32
          %dma_wait3A_574 = tpu.memref_slice %arg9[%dma_wait3A_571, %dma_wait3A_572, %dma_wait3A_573] : memref<2x6x112xi32, #tpu.memory_space<vmem>> -> memref<1x6x112xi32, #tpu.memory_space<vmem>>
          %dma_wait3A_575 = tpu.memref_squeeze %dma_wait3A_574 : memref<1x6x112xi32, #tpu.memory_space<vmem>> -> memref<6x112xi32, #tpu.memory_space<vmem>>
          %dma_wait3A_576 = arith.constant 0 : i32
          %dma_wait3A_577 = arith.constant 0 : i32
          %dma_wait3A_578 = tpu.memref_slice %arg4[%add3A, %dma_wait3A_570, %dma_wait3A_576, %dma_wait3A_577] : memref<32x15x6x112xi32, #tpu.memory_space<hbm>> -> memref<1x1x6x112xi32, #tpu.memory_space<hbm>>
          %dma_wait3A_579 = tpu.memref_squeeze %dma_wait3A_578 : memref<1x1x6x112xi32, #tpu.memory_space<hbm>> -> memref<6x112xi32, #tpu.memory_space<hbm>>
          %dma_wait3A_580 = arith.constant 0 : i32
          %dma_wait3A_581 = arith.constant 0 : i32
          %dma_wait3A_582 = tpu.memref_slice %arg9[%dma_wait3A_571, %dma_wait3A_580, %dma_wait3A_581] : memref<2x6x112xi32, #tpu.memory_space<vmem>> -> memref<1x6x112xi32, #tpu.memory_space<vmem>>
          %dma_wait3A_583 = tpu.memref_squeeze %dma_wait3A_582 : memref<1x6x112xi32, #tpu.memory_space<vmem>> -> memref<6x112xi32, #tpu.memory_space<vmem>>
          %dma_wait3A_584 = arith.constant 0 : i32
          %dma_wait3A_585 = arith.constant 0 : i32
          %dma_wait3A_586 = tpu.memref_slice %arg4[%add3A, %dma_wait3A_570, %dma_wait3A_584, %dma_wait3A_585] : memref<32x15x6x112xi32, #tpu.memory_space<hbm>> -> memref<1x1x6x112xi32, #tpu.memory_space<hbm>>
          %dma_wait3A_587 = tpu.memref_squeeze %dma_wait3A_586 : memref<1x1x6x112xi32, #tpu.memory_space<hbm>> -> memref<6x112xi32, #tpu.memory_space<hbm>>
          tpu.wait_dma2 semaphore(%arg19 : memref<!tpu.dma_semaphore, #tpu.memory_space<semaphore_mem>>) src(%dma_wait3A_587 : memref<6x112xi32, #tpu.memory_space<hbm>>) dst(%dma_wait3A_583 : memref<6x112xi32, #tpu.memory_space<vmem>>)
        } else {
        }
        %add3A_514 = arith.constant 2 : i32
        %add3A_515 = arith.addi %add3A_199, %add3A_514 : i32
        %jit3A_516 = arith.constant 6 : i32
        %div3A_517 = arith.divsi %add3A_515, %jit3A_516 : i32
        %sign3A_518 = arith.constant 0 : i32
        %sign3A_519 = arith.cmpi sgt, %add3A_515, %sign3A_518 : i32
        %sign3A_520 = arith.extui %sign3A_519 : i1 to i32
        %sign3A_521 = arith.constant 0 : i32
        %sign3A_522 = arith.cmpi slt, %add3A_515, %sign3A_521 : i32
        %sign3A_523 = arith.extui %sign3A_522 : i1 to i32
        %sign3A_524 = arith.subi %sign3A_520, %sign3A_523 : i32
        %sign3A_525 = arith.constant 0 : i32
        %sign3A_526 = arith.cmpi sgt, %jit3A_516, %sign3A_525 : i32
        %sign3A_527 = arith.extui %sign3A_526 : i1 to i32
        %sign3A_528 = arith.constant 0 : i32
        %sign3A_529 = arith.cmpi slt, %jit3A_516, %sign3A_528 : i32
        %sign3A_530 = arith.extui %sign3A_529 : i1 to i32
        %sign3A_531 = arith.subi %sign3A_527, %sign3A_530 : i32
        %ne3A_532 = arith.cmpi ne, %sign3A_524, %sign3A_531 : i32
        %rem3A_533 = arith.remsi %add3A_515, %jit3A_516 : i32
        %ne3A_534 = arith.constant 0 : i32
        %ne3A_535 = arith.cmpi ne, %rem3A_533, %ne3A_534 : i32
        %and3A_536 = arith.andi %ne3A_532, %ne3A_535 : i1
        %sub3A_537 = arith.constant 1 : i32
        %sub3A_538 = arith.subi %div3A_517, %sub3A_537 : i32
        %select_n3A_539 = arith.select %and3A_536, %sub3A_538, %div3A_517 : i32
        %rem3A_540 = arith.constant 2 : i32
        %rem3A_541 = arith.remsi %select_n3A_539, %rem3A_540 : i32
        %add3A_542 = arith.constant 2 : i32
        %add3A_543 = arith.addi %add3A_199, %add3A_542 : i32
        %rem3A_544 = arith.constant 6 : i32
        %rem3A_545 = arith.remsi %add3A_543, %rem3A_544 : i32
        %dma_start3A_546 = arith.constant 0 : i32
        %dma_start3A_547 = tpu.memref_slice %arg8[%rem3A_541, %rem3A_545, %dma_start3A_546] : memref<2x6x112xi32, #tpu.memory_space<vmem>> -> memref<1x1x112xi32, #tpu.memory_space<vmem>>
        %dma_start3A_548 = tpu.memref_squeeze %dma_start3A_547 : memref<1x1x112xi32, #tpu.memory_space<vmem>> -> memref<112xi32, #tpu.memory_space<vmem>>
        %dma_start3A_549 = arith.constant 0 : i32
        %dma_start3A_550 = arith.constant 0 : i32
        %dma_start3A_551 = tpu.memref_slice %arg2[%dma_start3A_549, %dma_start3A_550] : memref<10240x128xf32, #tpu.memory_space<hbm>> -> memref<10240x128xf32, #tpu.memory_space<hbm>>
        tpu.enqueue_indirect_dma source(%dma_start3A_551 : memref<10240x128xf32, #tpu.memory_space<hbm>>) target(%arg10 : memref<112x128xf32, #tpu.memory_space<vmem>>) offsets(%dma_start3A_548 : memref<112xi32, #tpu.memory_space<vmem>>) semaphore(%arg13 : memref<!tpu.dma_semaphore, #tpu.memory_space<semaphore_mem>>)
      } else {
      }
      %rem3A_278 = arith.constant 6 : i32
      %rem3A_279 = arith.remsi %add3A_199, %rem3A_278 : i32
      %eq3A_280 = arith.constant 0 : i32
      %eq3A_281 = arith.cmpi eq, %rem3A_279, %eq3A_280 : i32
      %ge3A_282 = arith.constant 6 : i32
      %ge3A_283 = arith.cmpi sge, %add3A_199, %ge3A_282 : i32
      %jit3A_284 = arith.constant 6 : i32
      %div3A_285 = arith.divsi %add3A_199, %jit3A_284 : i32
      %sign3A_286 = arith.constant 0 : i32
      %sign3A_287 = arith.cmpi sgt, %add3A_199, %sign3A_286 : i32
      %sign3A_288 = arith.extui %sign3A_287 : i1 to i32
      %sign3A_289 = arith.constant 0 : i32
      %sign3A_290 = arith.cmpi slt, %add3A_199, %sign3A_289 : i32
      %sign3A_291 = arith.extui %sign3A_290 : i1 to i32
      %sign3A_292 = arith.subi %sign3A_288, %sign3A_291 : i32
      %sign3A_293 = arith.constant 0 : i32
      %sign3A_294 = arith.cmpi sgt, %jit3A_284, %sign3A_293 : i32
      %sign3A_295 = arith.extui %sign3A_294 : i1 to i32
      %sign3A_296 = arith.constant 0 : i32
      %sign3A_297 = arith.cmpi slt, %jit3A_284, %sign3A_296 : i32
      %sign3A_298 = arith.extui %sign3A_297 : i1 to i32
      %sign3A_299 = arith.subi %sign3A_295, %sign3A_298 : i32
      %ne3A_300 = arith.cmpi ne, %sign3A_292, %sign3A_299 : i32
      %rem3A_301 = arith.remsi %add3A_199, %jit3A_284 : i32
      %ne3A_302 = arith.constant 0 : i32
      %ne3A_303 = arith.cmpi ne, %rem3A_301, %ne3A_302 : i32
      %and3A_304 = arith.andi %ne3A_300, %ne3A_303 : i1
      %sub3A_305 = arith.constant 1 : i32
      %sub3A_306 = arith.subi %div3A_285, %sub3A_305 : i32
      %select_n3A_307 = arith.select %and3A_304, %sub3A_306, %div3A_285 : i32
      %add3A_308 = arith.constant 1 : i32
      %add3A_309 = arith.addi %select_n3A_307, %add3A_308 : i32
      %le3A_310 = arith.constant 14 : i32
      %le3A_311 = arith.cmpi sle, %add3A_309, %le3A_310 : i32
      %and3A_312 = arith.andi %ge3A_283, %le3A_311 : i1
      %and3A_313 = arith.andi %eq3A_281, %and3A_312 : i1
      %convert_element_type3A_314 = arith.extui %and3A_313 : i1 to i32
      %cond3A_315 = arith.constant 0 : i32
      %cond3A_316 = arith.cmpi ne, %convert_element_type3A_314, %cond3A_315 : i32
      scf.if %cond3A_316 {
        %jit3A_438 = arith.constant 6 : i32
        %div3A_439 = arith.divsi %add3A_199, %jit3A_438 : i32
        %sign3A_440 = arith.constant 0 : i32
        %sign3A_441 = arith.cmpi sgt, %add3A_199, %sign3A_440 : i32
        %sign3A_442 = arith.extui %sign3A_441 : i1 to i32
        %sign3A_443 = arith.constant 0 : i32
        %sign3A_444 = arith.cmpi slt, %add3A_199, %sign3A_443 : i32
        %sign3A_445 = arith.extui %sign3A_444 : i1 to i32
        %sign3A_446 = arith.subi %sign3A_442, %sign3A_445 : i32
        %sign3A_447 = arith.constant 0 : i32
        %sign3A_448 = arith.cmpi sgt, %jit3A_438, %sign3A_447 : i32
        %sign3A_449 = arith.extui %sign3A_448 : i1 to i32
        %sign3A_450 = arith.constant 0 : i32
        %sign3A_451 = arith.cmpi slt, %jit3A_438, %sign3A_450 : i32
        %sign3A_452 = arith.extui %sign3A_451 : i1 to i32
        %sign3A_453 = arith.subi %sign3A_449, %sign3A_452 : i32
        %ne3A_454 = arith.cmpi ne, %sign3A_446, %sign3A_453 : i32
        %rem3A_455 = arith.remsi %add3A_199, %jit3A_438 : i32
        %ne3A_456 = arith.constant 0 : i32
        %ne3A_457 = arith.cmpi ne, %rem3A_455, %ne3A_456 : i32
        %and3A_458 = arith.andi %ne3A_454, %ne3A_457 : i1
        %sub3A_459 = arith.constant 1 : i32
        %sub3A_460 = arith.subi %div3A_439, %sub3A_459 : i32
        %select_n3A_461 = arith.select %and3A_458, %sub3A_460, %div3A_439 : i32
        %add3A_462 = arith.constant 1 : i32
        %add3A_463 = arith.addi %select_n3A_461, %add3A_462 : i32
        %rem3A_464 = arith.constant 2 : i32
        %rem3A_465 = arith.remsi %add3A_463, %rem3A_464 : i32
        %dma_start3A_466 = arith.constant 0 : i32
        %dma_start3A_467 = arith.constant 0 : i32
        %dma_start3A_468 = tpu.memref_slice %arg8[%rem3A_465, %dma_start3A_466, %dma_start3A_467] : memref<2x6x112xi32, #tpu.memory_space<vmem>> -> memref<1x6x112xi32, #tpu.memory_space<vmem>>
        %dma_start3A_469 = tpu.memref_squeeze %dma_start3A_468 : memref<1x6x112xi32, #tpu.memory_space<vmem>> -> memref<6x112xi32, #tpu.memory_space<vmem>>
        %dma_start3A_470 = arith.constant 0 : i32
        %dma_start3A_471 = arith.constant 0 : i32
        %dma_start3A_472 = tpu.memref_slice %arg3[%add3A, %add3A_463, %dma_start3A_470, %dma_start3A_471] : memref<32x15x6x112xi32, #tpu.memory_space<hbm>> -> memref<1x1x6x112xi32, #tpu.memory_space<hbm>>
        %dma_start3A_473 = tpu.memref_squeeze %dma_start3A_472 : memref<1x1x6x112xi32, #tpu.memory_space<hbm>> -> memref<6x112xi32, #tpu.memory_space<hbm>>
        %dma_start3A_474 = arith.constant 0 : i32
        %dma_start3A_475 = arith.constant 0 : i32
        %dma_start3A_476 = tpu.memref_slice %arg8[%rem3A_465, %dma_start3A_474, %dma_start3A_475] : memref<2x6x112xi32, #tpu.memory_space<vmem>> -> memref<1x6x112xi32, #tpu.memory_space<vmem>>
        %dma_start3A_477 = tpu.memref_squeeze %dma_start3A_476 : memref<1x6x112xi32, #tpu.memory_space<vmem>> -> memref<6x112xi32, #tpu.memory_space<vmem>>
        %dma_start3A_478 = arith.constant 0 : i32
        %dma_start3A_479 = arith.constant 0 : i32
        %dma_start3A_480 = tpu.memref_slice %arg3[%add3A, %add3A_463, %dma_start3A_478, %dma_start3A_479] : memref<32x15x6x112xi32, #tpu.memory_space<hbm>> -> memref<1x1x6x112xi32, #tpu.memory_space<hbm>>
        %dma_start3A_481 = tpu.memref_squeeze %dma_start3A_480 : memref<1x1x6x112xi32, #tpu.memory_space<hbm>> -> memref<6x112xi32, #tpu.memory_space<hbm>>
        tpu.enqueue_dma source(%dma_start3A_481 : memref<6x112xi32, #tpu.memory_space<hbm>>) target(%dma_start3A_477 : memref<6x112xi32, #tpu.memory_space<vmem>>) target_semaphore(%arg19 : memref<!tpu.dma_semaphore, #tpu.memory_space<semaphore_mem>>)
        %dma_start3A_482 = arith.constant 0 : i32
        %dma_start3A_483 = arith.constant 0 : i32
        %dma_start3A_484 = tpu.memref_slice %arg9[%rem3A_465, %dma_start3A_482, %dma_start3A_483] : memref<2x6x112xi32, #tpu.memory_space<vmem>> -> memref<1x6x112xi32, #tpu.memory_space<vmem>>
        %dma_start3A_485 = tpu.memref_squeeze %dma_start3A_484 : memref<1x6x112xi32, #tpu.memory_space<vmem>> -> memref<6x112xi32, #tpu.memory_space<vmem>>
        %dma_start3A_486 = arith.constant 0 : i32
        %dma_start3A_487 = arith.constant 0 : i32
        %dma_start3A_488 = tpu.memref_slice %arg4[%add3A, %add3A_463, %dma_start3A_486, %dma_start3A_487] : memref<32x15x6x112xi32, #tpu.memory_space<hbm>> -> memref<1x1x6x112xi32, #tpu.memory_space<hbm>>
        %dma_start3A_489 = tpu.memref_squeeze %dma_start3A_488 : memref<1x1x6x112xi32, #tpu.memory_space<hbm>> -> memref<6x112xi32, #tpu.memory_space<hbm>>
        %dma_start3A_490 = arith.constant 0 : i32
        %dma_start3A_491 = arith.constant 0 : i32
        %dma_start3A_492 = tpu.memref_slice %arg9[%rem3A_465, %dma_start3A_490, %dma_start3A_491] : memref<2x6x112xi32, #tpu.memory_space<vmem>> -> memref<1x6x112xi32, #tpu.memory_space<vmem>>
        %dma_start3A_493 = tpu.memref_squeeze %dma_start3A_492 : memref<1x6x112xi32, #tpu.memory_space<vmem>> -> memref<6x112xi32, #tpu.memory_space<vmem>>
        %dma_start3A_494 = arith.constant 0 : i32
        %dma_start3A_495 = arith.constant 0 : i32
        %dma_start3A_496 = tpu.memref_slice %arg4[%add3A, %add3A_463, %dma_start3A_494, %dma_start3A_495] : memref<32x15x6x112xi32, #tpu.memory_space<hbm>> -> memref<1x1x6x112xi32, #tpu.memory_space<hbm>>
        %dma_start3A_497 = tpu.memref_squeeze %dma_start3A_496 : memref<1x1x6x112xi32, #tpu.memory_space<hbm>> -> memref<6x112xi32, #tpu.memory_space<hbm>>
        tpu.enqueue_dma source(%dma_start3A_497 : memref<6x112xi32, #tpu.memory_space<hbm>>) target(%dma_start3A_493 : memref<6x112xi32, #tpu.memory_space<vmem>>) target_semaphore(%arg19 : memref<!tpu.dma_semaphore, #tpu.memory_space<semaphore_mem>>)
      } else {
      }
      %mul3A_317 = arith.constant 3 : i32
      %mul3A_318 = arith.muli %mul3A_317, %scan3A_82 : i32
      %add3A_319 = arith.constant 2 : i32
      %add3A_320 = arith.addi %mul3A_318, %add3A_319 : i32
      %jit3A_321 = arith.constant 6 : i32
      %div3A_322 = arith.divsi %add3A_320, %jit3A_321 : i32
      %sign3A_323 = arith.constant 0 : i32
      %sign3A_324 = arith.cmpi sgt, %add3A_320, %sign3A_323 : i32
      %sign3A_325 = arith.extui %sign3A_324 : i1 to i32
      %sign3A_326 = arith.constant 0 : i32
      %sign3A_327 = arith.cmpi slt, %add3A_320, %sign3A_326 : i32
      %sign3A_328 = arith.extui %sign3A_327 : i1 to i32
      %sign3A_329 = arith.subi %sign3A_325, %sign3A_328 : i32
      %sign3A_330 = arith.constant 0 : i32
      %sign3A_331 = arith.cmpi sgt, %jit3A_321, %sign3A_330 : i32
      %sign3A_332 = arith.extui %sign3A_331 : i1 to i32
      %sign3A_333 = arith.constant 0 : i32
      %sign3A_334 = arith.cmpi slt, %jit3A_321, %sign3A_333 : i32
      %sign3A_335 = arith.extui %sign3A_334 : i1 to i32
      %sign3A_336 = arith.subi %sign3A_332, %sign3A_335 : i32
      %ne3A_337 = arith.cmpi ne, %sign3A_329, %sign3A_336 : i32
      %rem3A_338 = arith.remsi %add3A_320, %jit3A_321 : i32
      %ne3A_339 = arith.constant 0 : i32
      %ne3A_340 = arith.cmpi ne, %rem3A_338, %ne3A_339 : i32
      %and3A_341 = arith.andi %ne3A_337, %ne3A_340 : i1
      %sub3A_342 = arith.constant 1 : i32
      %sub3A_343 = arith.subi %div3A_322, %sub3A_342 : i32
      %select_n3A_344 = arith.select %and3A_341, %sub3A_343, %div3A_322 : i32
      %rem3A_345 = arith.constant 2 : i32
      %rem3A_346 = arith.remsi %select_n3A_344, %rem3A_345 : i32
      %rem3A_347 = arith.constant 6 : i32
      %rem3A_348 = arith.remsi %add3A_320, %rem3A_347 : i32
      %dma_wait3A_349 = arith.constant 0 : i32
      %dma_wait3A_350 = tpu.memref_slice %arg8[%rem3A_346, %rem3A_348, %dma_wait3A_349] : memref<2x6x112xi32, #tpu.memory_space<vmem>> -> memref<1x1x112xi32, #tpu.memory_space<vmem>>
      %dma_wait3A_351 = tpu.memref_squeeze %dma_wait3A_350 : memref<1x1x112xi32, #tpu.memory_space<vmem>> -> memref<112xi32, #tpu.memory_space<vmem>>
      %dma_wait3A_352 = arith.constant 0 : i32
      %dma_wait3A_353 = arith.constant 0 : i32
      %dma_wait3A_354 = tpu.memref_slice %arg2[%dma_wait3A_352, %dma_wait3A_353] : memref<10240x128xf32, #tpu.memory_space<hbm>> -> memref<10240x128xf32, #tpu.memory_space<hbm>>
      tpu.wait_indirect_dma semaphore(%arg15 : memref<!tpu.dma_semaphore, #tpu.memory_space<semaphore_mem>>) src(%dma_wait3A_354 : memref<10240x128xf32, #tpu.memory_space<hbm>>) dst(%arg12 : memref<112x128xf32, #tpu.memory_space<vmem>>)
      %jit3A_355 = arith.constant 6 : i32
      %div3A_356 = arith.divsi %add3A_320, %jit3A_355 : i32
      %sign3A_357 = arith.constant 0 : i32
      %sign3A_358 = arith.cmpi sgt, %add3A_320, %sign3A_357 : i32
      %sign3A_359 = arith.extui %sign3A_358 : i1 to i32
      %sign3A_360 = arith.constant 0 : i32
      %sign3A_361 = arith.cmpi slt, %add3A_320, %sign3A_360 : i32
      %sign3A_362 = arith.extui %sign3A_361 : i1 to i32
      %sign3A_363 = arith.subi %sign3A_359, %sign3A_362 : i32
      %sign3A_364 = arith.constant 0 : i32
      %sign3A_365 = arith.cmpi sgt, %jit3A_355, %sign3A_364 : i32
      %sign3A_366 = arith.extui %sign3A_365 : i1 to i32
      %sign3A_367 = arith.constant 0 : i32
      %sign3A_368 = arith.cmpi slt, %jit3A_355, %sign3A_367 : i32
      %sign3A_369 = arith.extui %sign3A_368 : i1 to i32
      %sign3A_370 = arith.subi %sign3A_366, %sign3A_369 : i32
      %ne3A_371 = arith.cmpi ne, %sign3A_363, %sign3A_370 : i32
      %rem3A_372 = arith.remsi %add3A_320, %jit3A_355 : i32
      %ne3A_373 = arith.constant 0 : i32
      %ne3A_374 = arith.cmpi ne, %rem3A_372, %ne3A_373 : i32
      %and3A_375 = arith.andi %ne3A_371, %ne3A_374 : i1
      %sub3A_376 = arith.constant 1 : i32
      %sub3A_377 = arith.subi %div3A_356, %sub3A_376 : i32
      %select_n3A_378 = arith.select %and3A_375, %sub3A_377, %div3A_356 : i32
      %rem3A_379 = arith.constant 2 : i32
      %rem3A_380 = arith.remsi %select_n3A_378, %rem3A_379 : i32
      %rem3A_381 = arith.constant 6 : i32
      %rem3A_382 = arith.remsi %add3A_320, %rem3A_381 : i32
      %dma_start3A_383 = arith.constant 0 : i32
      %dma_start3A_384 = tpu.memref_slice %arg9[%rem3A_380, %rem3A_382, %dma_start3A_383] : memref<2x6x112xi32, #tpu.memory_space<vmem>> -> memref<1x1x112xi32, #tpu.memory_space<vmem>>
      %dma_start3A_385 = tpu.memref_squeeze %dma_start3A_384 : memref<1x1x112xi32, #tpu.memory_space<vmem>> -> memref<112xi32, #tpu.memory_space<vmem>>
      %dma_start3A_386 = arith.constant 0 : i32
      %dma_start3A_387 = arith.constant 0 : i32
      %dma_start3A_388 = tpu.memref_slice %arg7[%dma_start3A_386, %dma_start3A_387] : memref<10240x128xf32, #tpu.memory_space<vmem_shared>> -> memref<10240x128xf32, #tpu.memory_space<vmem_shared>>
      tpu.enqueue_indirect_dma source(%arg12 : memref<112x128xf32, #tpu.memory_space<vmem>>) target(%dma_start3A_388 : memref<10240x128xf32, #tpu.memory_space<vmem_shared>>) offsets(%dma_start3A_385 : memref<112xi32, #tpu.memory_space<vmem>>) semaphore(%arg18 : memref<!tpu.dma_semaphore, #tpu.memory_space<semaphore_mem>>) {add = true}
      %ge3A_389 = arith.constant 1 : i32
      %ge3A_390 = arith.cmpi sge, %add3A_320, %ge3A_389 : i32
      %add3A_391 = arith.constant 2 : i32
      %add3A_392 = arith.addi %add3A_320, %add3A_391 : i32
      %le3A_393 = arith.constant 89 : i32
      %le3A_394 = arith.cmpi sle, %add3A_392, %le3A_393 : i32
      %and3A_395 = arith.andi %ge3A_390, %le3A_394 : i1
      %convert_element_type3A_396 = arith.extui %and3A_395 : i1 to i32
      %cond3A_397 = arith.constant 0 : i32
      %cond3A_398 = arith.cmpi ne, %convert_element_type3A_396, %cond3A_397 : i32
      scf.if %cond3A_398 {
        %sub3A_438 = arith.constant 1 : i32
        %sub3A_439 = arith.subi %add3A_320, %sub3A_438 : i32
        %jit3A_440 = arith.constant 6 : i32
        %div3A_441 = arith.divsi %sub3A_439, %jit3A_440 : i32
        %sign3A_442 = arith.constant 0 : i32
        %sign3A_443 = arith.cmpi sgt, %sub3A_439, %sign3A_442 : i32
        %sign3A_444 = arith.extui %sign3A_443 : i1 to i32
        %sign3A_445 = arith.constant 0 : i32
        %sign3A_446 = arith.cmpi slt, %sub3A_439, %sign3A_445 : i32
        %sign3A_447 = arith.extui %sign3A_446 : i1 to i32
        %sign3A_448 = arith.subi %sign3A_444, %sign3A_447 : i32
        %sign3A_449 = arith.constant 0 : i32
        %sign3A_450 = arith.cmpi sgt, %jit3A_440, %sign3A_449 : i32
        %sign3A_451 = arith.extui %sign3A_450 : i1 to i32
        %sign3A_452 = arith.constant 0 : i32
        %sign3A_453 = arith.cmpi slt, %jit3A_440, %sign3A_452 : i32
        %sign3A_454 = arith.extui %sign3A_453 : i1 to i32
        %sign3A_455 = arith.subi %sign3A_451, %sign3A_454 : i32
        %ne3A_456 = arith.cmpi ne, %sign3A_448, %sign3A_455 : i32
        %rem3A_457 = arith.remsi %sub3A_439, %jit3A_440 : i32
        %ne3A_458 = arith.constant 0 : i32
        %ne3A_459 = arith.cmpi ne, %rem3A_457, %ne3A_458 : i32
        %and3A_460 = arith.andi %ne3A_456, %ne3A_459 : i1
        %sub3A_461 = arith.constant 1 : i32
        %sub3A_462 = arith.subi %div3A_441, %sub3A_461 : i32
        %select_n3A_463 = arith.select %and3A_460, %sub3A_462, %div3A_441 : i32
        %rem3A_464 = arith.constant 2 : i32
        %rem3A_465 = arith.remsi %select_n3A_463, %rem3A_464 : i32
        %sub3A_466 = arith.constant 1 : i32
        %sub3A_467 = arith.subi %add3A_320, %sub3A_466 : i32
        %rem3A_468 = arith.constant 6 : i32
        %rem3A_469 = arith.remsi %sub3A_467, %rem3A_468 : i32
        %dma_wait3A_470 = arith.constant 0 : i32
        %dma_wait3A_471 = tpu.memref_slice %arg9[%rem3A_465, %rem3A_469, %dma_wait3A_470] : memref<2x6x112xi32, #tpu.memory_space<vmem>> -> memref<1x1x112xi32, #tpu.memory_space<vmem>>
        %dma_wait3A_472 = tpu.memref_squeeze %dma_wait3A_471 : memref<1x1x112xi32, #tpu.memory_space<vmem>> -> memref<112xi32, #tpu.memory_space<vmem>>
        %dma_wait3A_473 = arith.constant 0 : i32
        %dma_wait3A_474 = arith.constant 0 : i32
        %dma_wait3A_475 = tpu.memref_slice %arg7[%dma_wait3A_473, %dma_wait3A_474] : memref<10240x128xf32, #tpu.memory_space<vmem_shared>> -> memref<10240x128xf32, #tpu.memory_space<vmem_shared>>
        tpu.wait_indirect_dma semaphore(%arg17 : memref<!tpu.dma_semaphore, #tpu.memory_space<semaphore_mem>>) src(%arg11 : memref<112x128xf32, #tpu.memory_space<vmem>>) dst(%dma_wait3A_475 : memref<10240x128xf32, #tpu.memory_space<vmem_shared>>)
        %add3A_476 = arith.constant 2 : i32
        %add3A_477 = arith.addi %add3A_320, %add3A_476 : i32
        %rem3A_478 = arith.constant 6 : i32
        %rem3A_479 = arith.remsi %add3A_477, %rem3A_478 : i32
        %eq3A_480 = arith.constant 0 : i32
        %eq3A_481 = arith.cmpi eq, %rem3A_479, %eq3A_480 : i32
        %add3A_482 = arith.constant 2 : i32
        %add3A_483 = arith.addi %add3A_320, %add3A_482 : i32
        %jit3A_484 = arith.constant 6 : i32
        %div3A_485 = arith.divsi %add3A_483, %jit3A_484 : i32
        %sign3A_486 = arith.constant 0 : i32
        %sign3A_487 = arith.cmpi sgt, %add3A_483, %sign3A_486 : i32
        %sign3A_488 = arith.extui %sign3A_487 : i1 to i32
        %sign3A_489 = arith.constant 0 : i32
        %sign3A_490 = arith.cmpi slt, %add3A_483, %sign3A_489 : i32
        %sign3A_491 = arith.extui %sign3A_490 : i1 to i32
        %sign3A_492 = arith.subi %sign3A_488, %sign3A_491 : i32
        %sign3A_493 = arith.constant 0 : i32
        %sign3A_494 = arith.cmpi sgt, %jit3A_484, %sign3A_493 : i32
        %sign3A_495 = arith.extui %sign3A_494 : i1 to i32
        %sign3A_496 = arith.constant 0 : i32
        %sign3A_497 = arith.cmpi slt, %jit3A_484, %sign3A_496 : i32
        %sign3A_498 = arith.extui %sign3A_497 : i1 to i32
        %sign3A_499 = arith.subi %sign3A_495, %sign3A_498 : i32
        %ne3A_500 = arith.cmpi ne, %sign3A_492, %sign3A_499 : i32
        %rem3A_501 = arith.remsi %add3A_483, %jit3A_484 : i32
        %ne3A_502 = arith.constant 0 : i32
        %ne3A_503 = arith.cmpi ne, %rem3A_501, %ne3A_502 : i32
        %and3A_504 = arith.andi %ne3A_500, %ne3A_503 : i1
        %sub3A_505 = arith.constant 1 : i32
        %sub3A_506 = arith.subi %div3A_485, %sub3A_505 : i32
        %select_n3A_507 = arith.select %and3A_504, %sub3A_506, %div3A_485 : i32
        %ge3A_508 = arith.constant 2 : i32
        %ge3A_509 = arith.cmpi sge, %select_n3A_507, %ge3A_508 : i32
        %and3A_510 = arith.andi %eq3A_481, %ge3A_509 : i1
        %convert_element_type3A_511 = arith.extui %and3A_510 : i1 to i32
        %cond3A_512 = arith.constant 0 : i32
        %cond3A_513 = arith.cmpi ne, %convert_element_type3A_511, %cond3A_512 : i32
        scf.if %cond3A_513 {
          %dma_wait3A_552 = arith.constant 0 : i32
          %dma_wait3A_553 = arith.constant 0 : i32
          %dma_wait3A_554 = arith.constant 0 : i32
          %dma_wait3A_555 = arith.constant 0 : i32
          %dma_wait3A_556 = tpu.memref_slice %arg8[%dma_wait3A_553, %dma_wait3A_554, %dma_wait3A_555] : memref<2x6x112xi32, #tpu.memory_space<vmem>> -> memref<1x6x112xi32, #tpu.memory_space<vmem>>
          %dma_wait3A_557 = tpu.memref_squeeze %dma_wait3A_556 : memref<1x6x112xi32, #tpu.memory_space<vmem>> -> memref<6x112xi32, #tpu.memory_space<vmem>>
          %dma_wait3A_558 = arith.constant 0 : i32
          %dma_wait3A_559 = arith.constant 0 : i32
          %dma_wait3A_560 = tpu.memref_slice %arg3[%add3A, %dma_wait3A_552, %dma_wait3A_558, %dma_wait3A_559] : memref<32x15x6x112xi32, #tpu.memory_space<hbm>> -> memref<1x1x6x112xi32, #tpu.memory_space<hbm>>
          %dma_wait3A_561 = tpu.memref_squeeze %dma_wait3A_560 : memref<1x1x6x112xi32, #tpu.memory_space<hbm>> -> memref<6x112xi32, #tpu.memory_space<hbm>>
          %dma_wait3A_562 = arith.constant 0 : i32
          %dma_wait3A_563 = arith.constant 0 : i32
          %dma_wait3A_564 = tpu.memref_slice %arg8[%dma_wait3A_553, %dma_wait3A_562, %dma_wait3A_563] : memref<2x6x112xi32, #tpu.memory_space<vmem>> -> memref<1x6x112xi32, #tpu.memory_space<vmem>>
          %dma_wait3A_565 = tpu.memref_squeeze %dma_wait3A_564 : memref<1x6x112xi32, #tpu.memory_space<vmem>> -> memref<6x112xi32, #tpu.memory_space<vmem>>
          %dma_wait3A_566 = arith.constant 0 : i32
          %dma_wait3A_567 = arith.constant 0 : i32
          %dma_wait3A_568 = tpu.memref_slice %arg3[%add3A, %dma_wait3A_552, %dma_wait3A_566, %dma_wait3A_567] : memref<32x15x6x112xi32, #tpu.memory_space<hbm>> -> memref<1x1x6x112xi32, #tpu.memory_space<hbm>>
          %dma_wait3A_569 = tpu.memref_squeeze %dma_wait3A_568 : memref<1x1x6x112xi32, #tpu.memory_space<hbm>> -> memref<6x112xi32, #tpu.memory_space<hbm>>
          tpu.wait_dma2 semaphore(%arg19 : memref<!tpu.dma_semaphore, #tpu.memory_space<semaphore_mem>>) src(%dma_wait3A_569 : memref<6x112xi32, #tpu.memory_space<hbm>>) dst(%dma_wait3A_565 : memref<6x112xi32, #tpu.memory_space<vmem>>)
          %dma_wait3A_570 = arith.constant 0 : i32
          %dma_wait3A_571 = arith.constant 0 : i32
          %dma_wait3A_572 = arith.constant 0 : i32
          %dma_wait3A_573 = arith.constant 0 : i32
          %dma_wait3A_574 = tpu.memref_slice %arg9[%dma_wait3A_571, %dma_wait3A_572, %dma_wait3A_573] : memref<2x6x112xi32, #tpu.memory_space<vmem>> -> memref<1x6x112xi32, #tpu.memory_space<vmem>>
          %dma_wait3A_575 = tpu.memref_squeeze %dma_wait3A_574 : memref<1x6x112xi32, #tpu.memory_space<vmem>> -> memref<6x112xi32, #tpu.memory_space<vmem>>
          %dma_wait3A_576 = arith.constant 0 : i32
          %dma_wait3A_577 = arith.constant 0 : i32
          %dma_wait3A_578 = tpu.memref_slice %arg4[%add3A, %dma_wait3A_570, %dma_wait3A_576, %dma_wait3A_577] : memref<32x15x6x112xi32, #tpu.memory_space<hbm>> -> memref<1x1x6x112xi32, #tpu.memory_space<hbm>>
          %dma_wait3A_579 = tpu.memref_squeeze %dma_wait3A_578 : memref<1x1x6x112xi32, #tpu.memory_space<hbm>> -> memref<6x112xi32, #tpu.memory_space<hbm>>
          %dma_wait3A_580 = arith.constant 0 : i32
          %dma_wait3A_581 = arith.constant 0 : i32
          %dma_wait3A_582 = tpu.memref_slice %arg9[%dma_wait3A_571, %dma_wait3A_580, %dma_wait3A_581] : memref<2x6x112xi32, #tpu.memory_space<vmem>> -> memref<1x6x112xi32, #tpu.memory_space<vmem>>
          %dma_wait3A_583 = tpu.memref_squeeze %dma_wait3A_582 : memref<1x6x112xi32, #tpu.memory_space<vmem>> -> memref<6x112xi32, #tpu.memory_space<vmem>>
          %dma_wait3A_584 = arith.constant 0 : i32
          %dma_wait3A_585 = arith.constant 0 : i32
          %dma_wait3A_586 = tpu.memref_slice %arg4[%add3A, %dma_wait3A_570, %dma_wait3A_584, %dma_wait3A_585] : memref<32x15x6x112xi32, #tpu.memory_space<hbm>> -> memref<1x1x6x112xi32, #tpu.memory_space<hbm>>
          %dma_wait3A_587 = tpu.memref_squeeze %dma_wait3A_586 : memref<1x1x6x112xi32, #tpu.memory_space<hbm>> -> memref<6x112xi32, #tpu.memory_space<hbm>>
          tpu.wait_dma2 semaphore(%arg19 : memref<!tpu.dma_semaphore, #tpu.memory_space<semaphore_mem>>) src(%dma_wait3A_587 : memref<6x112xi32, #tpu.memory_space<hbm>>) dst(%dma_wait3A_583 : memref<6x112xi32, #tpu.memory_space<vmem>>)
        } else {
        }
        %add3A_514 = arith.constant 2 : i32
        %add3A_515 = arith.addi %add3A_320, %add3A_514 : i32
        %jit3A_516 = arith.constant 6 : i32
        %div3A_517 = arith.divsi %add3A_515, %jit3A_516 : i32
        %sign3A_518 = arith.constant 0 : i32
        %sign3A_519 = arith.cmpi sgt, %add3A_515, %sign3A_518 : i32
        %sign3A_520 = arith.extui %sign3A_519 : i1 to i32
        %sign3A_521 = arith.constant 0 : i32
        %sign3A_522 = arith.cmpi slt, %add3A_515, %sign3A_521 : i32
        %sign3A_523 = arith.extui %sign3A_522 : i1 to i32
        %sign3A_524 = arith.subi %sign3A_520, %sign3A_523 : i32
        %sign3A_525 = arith.constant 0 : i32
        %sign3A_526 = arith.cmpi sgt, %jit3A_516, %sign3A_525 : i32
        %sign3A_527 = arith.extui %sign3A_526 : i1 to i32
        %sign3A_528 = arith.constant 0 : i32
        %sign3A_529 = arith.cmpi slt, %jit3A_516, %sign3A_528 : i32
        %sign3A_530 = arith.extui %sign3A_529 : i1 to i32
        %sign3A_531 = arith.subi %sign3A_527, %sign3A_530 : i32
        %ne3A_532 = arith.cmpi ne, %sign3A_524, %sign3A_531 : i32
        %rem3A_533 = arith.remsi %add3A_515, %jit3A_516 : i32
        %ne3A_534 = arith.constant 0 : i32
        %ne3A_535 = arith.cmpi ne, %rem3A_533, %ne3A_534 : i32
        %and3A_536 = arith.andi %ne3A_532, %ne3A_535 : i1
        %sub3A_537 = arith.constant 1 : i32
        %sub3A_538 = arith.subi %div3A_517, %sub3A_537 : i32
        %select_n3A_539 = arith.select %and3A_536, %sub3A_538, %div3A_517 : i32
        %rem3A_540 = arith.constant 2 : i32
        %rem3A_541 = arith.remsi %select_n3A_539, %rem3A_540 : i32
        %add3A_542 = arith.constant 2 : i32
        %add3A_543 = arith.addi %add3A_320, %add3A_542 : i32
        %rem3A_544 = arith.constant 6 : i32
        %rem3A_545 = arith.remsi %add3A_543, %rem3A_544 : i32
        %dma_start3A_546 = arith.constant 0 : i32
        %dma_start3A_547 = tpu.memref_slice %arg8[%rem3A_541, %rem3A_545, %dma_start3A_546] : memref<2x6x112xi32, #tpu.memory_space<vmem>> -> memref<1x1x112xi32, #tpu.memory_space<vmem>>
        %dma_start3A_548 = tpu.memref_squeeze %dma_start3A_547 : memref<1x1x112xi32, #tpu.memory_space<vmem>> -> memref<112xi32, #tpu.memory_space<vmem>>
        %dma_start3A_549 = arith.constant 0 : i32
        %dma_start3A_550 = arith.constant 0 : i32
        %dma_start3A_551 = tpu.memref_slice %arg2[%dma_start3A_549, %dma_start3A_550] : memref<10240x128xf32, #tpu.memory_space<hbm>> -> memref<10240x128xf32, #tpu.memory_space<hbm>>
        tpu.enqueue_indirect_dma source(%dma_start3A_551 : memref<10240x128xf32, #tpu.memory_space<hbm>>) target(%arg11 : memref<112x128xf32, #tpu.memory_space<vmem>>) offsets(%dma_start3A_548 : memref<112xi32, #tpu.memory_space<vmem>>) semaphore(%arg14 : memref<!tpu.dma_semaphore, #tpu.memory_space<semaphore_mem>>)
      } else {
      }
      %rem3A_399 = arith.constant 6 : i32
      %rem3A_400 = arith.remsi %add3A_320, %rem3A_399 : i32
      %eq3A_401 = arith.constant 0 : i32
      %eq3A_402 = arith.cmpi eq, %rem3A_400, %eq3A_401 : i32
      %ge3A_403 = arith.constant 6 : i32
      %ge3A_404 = arith.cmpi sge, %add3A_320, %ge3A_403 : i32
      %jit3A_405 = arith.constant 6 : i32
      %div3A_406 = arith.divsi %add3A_320, %jit3A_405 : i32
      %sign3A_407 = arith.constant 0 : i32
      %sign3A_408 = arith.cmpi sgt, %add3A_320, %sign3A_407 : i32
      %sign3A_409 = arith.extui %sign3A_408 : i1 to i32
      %sign3A_410 = arith.constant 0 : i32
      %sign3A_411 = arith.cmpi slt, %add3A_320, %sign3A_410 : i32
      %sign3A_412 = arith.extui %sign3A_411 : i1 to i32
      %sign3A_413 = arith.subi %sign3A_409, %sign3A_412 : i32
      %sign3A_414 = arith.constant 0 : i32
      %sign3A_415 = arith.cmpi sgt, %jit3A_405, %sign3A_414 : i32
      %sign3A_416 = arith.extui %sign3A_415 : i1 to i32
      %sign3A_417 = arith.constant 0 : i32
      %sign3A_418 = arith.cmpi slt, %jit3A_405, %sign3A_417 : i32
      %sign3A_419 = arith.extui %sign3A_418 : i1 to i32
      %sign3A_420 = arith.subi %sign3A_416, %sign3A_419 : i32
      %ne3A_421 = arith.cmpi ne, %sign3A_413, %sign3A_420 : i32
      %rem3A_422 = arith.remsi %add3A_320, %jit3A_405 : i32
      %ne3A_423 = arith.constant 0 : i32
      %ne3A_424 = arith.cmpi ne, %rem3A_422, %ne3A_423 : i32
      %and3A_425 = arith.andi %ne3A_421, %ne3A_424 : i1
      %sub3A_426 = arith.constant 1 : i32
      %sub3A_427 = arith.subi %div3A_406, %sub3A_426 : i32
      %select_n3A_428 = arith.select %and3A_425, %sub3A_427, %div3A_406 : i32
      %add3A_429 = arith.constant 1 : i32
      %add3A_430 = arith.addi %select_n3A_428, %add3A_429 : i32
      %le3A_431 = arith.constant 14 : i32
      %le3A_432 = arith.cmpi sle, %add3A_430, %le3A_431 : i32
      %and3A_433 = arith.andi %ge3A_404, %le3A_432 : i1
      %and3A_434 = arith.andi %eq3A_402, %and3A_433 : i1
      %convert_element_type3A_435 = arith.extui %and3A_434 : i1 to i32
      %cond3A_436 = arith.constant 0 : i32
      %cond3A_437 = arith.cmpi ne, %convert_element_type3A_435, %cond3A_436 : i32
      scf.if %cond3A_437 {
        %jit3A_438 = arith.constant 6 : i32
        %div3A_439 = arith.divsi %add3A_320, %jit3A_438 : i32
        %sign3A_440 = arith.constant 0 : i32
        %sign3A_441 = arith.cmpi sgt, %add3A_320, %sign3A_440 : i32
        %sign3A_442 = arith.extui %sign3A_441 : i1 to i32
        %sign3A_443 = arith.constant 0 : i32
        %sign3A_444 = arith.cmpi slt, %add3A_320, %sign3A_443 : i32
        %sign3A_445 = arith.extui %sign3A_444 : i1 to i32
        %sign3A_446 = arith.subi %sign3A_442, %sign3A_445 : i32
        %sign3A_447 = arith.constant 0 : i32
        %sign3A_448 = arith.cmpi sgt, %jit3A_438, %sign3A_447 : i32
        %sign3A_449 = arith.extui %sign3A_448 : i1 to i32
        %sign3A_450 = arith.constant 0 : i32
        %sign3A_451 = arith.cmpi slt, %jit3A_438, %sign3A_450 : i32
        %sign3A_452 = arith.extui %sign3A_451 : i1 to i32
        %sign3A_453 = arith.subi %sign3A_449, %sign3A_452 : i32
        %ne3A_454 = arith.cmpi ne, %sign3A_446, %sign3A_453 : i32
        %rem3A_455 = arith.remsi %add3A_320, %jit3A_438 : i32
        %ne3A_456 = arith.constant 0 : i32
        %ne3A_457 = arith.cmpi ne, %rem3A_455, %ne3A_456 : i32
        %and3A_458 = arith.andi %ne3A_454, %ne3A_457 : i1
        %sub3A_459 = arith.constant 1 : i32
        %sub3A_460 = arith.subi %div3A_439, %sub3A_459 : i32
        %select_n3A_461 = arith.select %and3A_458, %sub3A_460, %div3A_439 : i32
        %add3A_462 = arith.constant 1 : i32
        %add3A_463 = arith.addi %select_n3A_461, %add3A_462 : i32
        %rem3A_464 = arith.constant 2 : i32
        %rem3A_465 = arith.remsi %add3A_463, %rem3A_464 : i32
        %dma_start3A_466 = arith.constant 0 : i32
        %dma_start3A_467 = arith.constant 0 : i32
        %dma_start3A_468 = tpu.memref_slice %arg8[%rem3A_465, %dma_start3A_466, %dma_start3A_467] : memref<2x6x112xi32, #tpu.memory_space<vmem>> -> memref<1x6x112xi32, #tpu.memory_space<vmem>>
        %dma_start3A_469 = tpu.memref_squeeze %dma_start3A_468 : memref<1x6x112xi32, #tpu.memory_space<vmem>> -> memref<6x112xi32, #tpu.memory_space<vmem>>
        %dma_start3A_470 = arith.constant 0 : i32
        %dma_start3A_471 = arith.constant 0 : i32
        %dma_start3A_472 = tpu.memref_slice %arg3[%add3A, %add3A_463, %dma_start3A_470, %dma_start3A_471] : memref<32x15x6x112xi32, #tpu.memory_space<hbm>> -> memref<1x1x6x112xi32, #tpu.memory_space<hbm>>
        %dma_start3A_473 = tpu.memref_squeeze %dma_start3A_472 : memref<1x1x6x112xi32, #tpu.memory_space<hbm>> -> memref<6x112xi32, #tpu.memory_space<hbm>>
        %dma_start3A_474 = arith.constant 0 : i32
        %dma_start3A_475 = arith.constant 0 : i32
        %dma_start3A_476 = tpu.memref_slice %arg8[%rem3A_465, %dma_start3A_474, %dma_start3A_475] : memref<2x6x112xi32, #tpu.memory_space<vmem>> -> memref<1x6x112xi32, #tpu.memory_space<vmem>>
        %dma_start3A_477 = tpu.memref_squeeze %dma_start3A_476 : memref<1x6x112xi32, #tpu.memory_space<vmem>> -> memref<6x112xi32, #tpu.memory_space<vmem>>
        %dma_start3A_478 = arith.constant 0 : i32
        %dma_start3A_479 = arith.constant 0 : i32
        %dma_start3A_480 = tpu.memref_slice %arg3[%add3A, %add3A_463, %dma_start3A_478, %dma_start3A_479] : memref<32x15x6x112xi32, #tpu.memory_space<hbm>> -> memref<1x1x6x112xi32, #tpu.memory_space<hbm>>
        %dma_start3A_481 = tpu.memref_squeeze %dma_start3A_480 : memref<1x1x6x112xi32, #tpu.memory_space<hbm>> -> memref<6x112xi32, #tpu.memory_space<hbm>>
        tpu.enqueue_dma source(%dma_start3A_481 : memref<6x112xi32, #tpu.memory_space<hbm>>) target(%dma_start3A_477 : memref<6x112xi32, #tpu.memory_space<vmem>>) target_semaphore(%arg19 : memref<!tpu.dma_semaphore, #tpu.memory_space<semaphore_mem>>)
        %dma_start3A_482 = arith.constant 0 : i32
        %dma_start3A_483 = arith.constant 0 : i32
        %dma_start3A_484 = tpu.memref_slice %arg9[%rem3A_465, %dma_start3A_482, %dma_start3A_483] : memref<2x6x112xi32, #tpu.memory_space<vmem>> -> memref<1x6x112xi32, #tpu.memory_space<vmem>>
        %dma_start3A_485 = tpu.memref_squeeze %dma_start3A_484 : memref<1x6x112xi32, #tpu.memory_space<vmem>> -> memref<6x112xi32, #tpu.memory_space<vmem>>
        %dma_start3A_486 = arith.constant 0 : i32
        %dma_start3A_487 = arith.constant 0 : i32
        %dma_start3A_488 = tpu.memref_slice %arg4[%add3A, %add3A_463, %dma_start3A_486, %dma_start3A_487] : memref<32x15x6x112xi32, #tpu.memory_space<hbm>> -> memref<1x1x6x112xi32, #tpu.memory_space<hbm>>
        %dma_start3A_489 = tpu.memref_squeeze %dma_start3A_488 : memref<1x1x6x112xi32, #tpu.memory_space<hbm>> -> memref<6x112xi32, #tpu.memory_space<hbm>>
        %dma_start3A_490 = arith.constant 0 : i32
        %dma_start3A_491 = arith.constant 0 : i32
        %dma_start3A_492 = tpu.memref_slice %arg9[%rem3A_465, %dma_start3A_490, %dma_start3A_491] : memref<2x6x112xi32, #tpu.memory_space<vmem>> -> memref<1x6x112xi32, #tpu.memory_space<vmem>>
        %dma_start3A_493 = tpu.memref_squeeze %dma_start3A_492 : memref<1x6x112xi32, #tpu.memory_space<vmem>> -> memref<6x112xi32, #tpu.memory_space<vmem>>
        %dma_start3A_494 = arith.constant 0 : i32
        %dma_start3A_495 = arith.constant 0 : i32
        %dma_start3A_496 = tpu.memref_slice %arg4[%add3A, %add3A_463, %dma_start3A_494, %dma_start3A_495] : memref<32x15x6x112xi32, #tpu.memory_space<hbm>> -> memref<1x1x6x112xi32, #tpu.memory_space<hbm>>
        %dma_start3A_497 = tpu.memref_squeeze %dma_start3A_496 : memref<1x1x6x112xi32, #tpu.memory_space<hbm>> -> memref<6x112xi32, #tpu.memory_space<hbm>>
        tpu.enqueue_dma source(%dma_start3A_497 : memref<6x112xi32, #tpu.memory_space<hbm>>) target(%dma_start3A_493 : memref<6x112xi32, #tpu.memory_space<vmem>>) target_semaphore(%arg19 : memref<!tpu.dma_semaphore, #tpu.memory_space<semaphore_mem>>)
      } else {
      }
    }
    %scan3A_46 = arith.constant 30 : i32
    %rem3A = arith.constant 14 : i32
    %rem3A_47 = arith.constant 2 : i32
    %rem3A_48 = arith.remsi %rem3A, %rem3A_47 : i32
    %rem3A_49 = arith.constant 87 : i32
    %rem3A_50 = arith.constant 6 : i32
    %rem3A_51 = arith.remsi %rem3A_49, %rem3A_50 : i32
    %dma_wait3A = arith.constant 0 : i32
    %dma_wait3A_52 = tpu.memref_slice %arg9[%rem3A_48, %rem3A_51, %dma_wait3A] : memref<2x6x112xi32, #tpu.memory_space<vmem>> -> memref<1x1x112xi32, #tpu.memory_space<vmem>>
    %dma_wait3A_53 = tpu.memref_squeeze %dma_wait3A_52 : memref<1x1x112xi32, #tpu.memory_space<vmem>> -> memref<112xi32, #tpu.memory_space<vmem>>
    %dma_wait3A_54 = arith.constant 0 : i32
    %dma_wait3A_55 = arith.constant 0 : i32
    %dma_wait3A_56 = tpu.memref_slice %arg7[%dma_wait3A_54, %dma_wait3A_55] : memref<10240x128xf32, #tpu.memory_space<vmem_shared>> -> memref<10240x128xf32, #tpu.memory_space<vmem_shared>>
    tpu.wait_indirect_dma semaphore(%arg16 : memref<!tpu.dma_semaphore, #tpu.memory_space<semaphore_mem>>) src(%arg10 : memref<112x128xf32, #tpu.memory_space<vmem>>) dst(%dma_wait3A_56 : memref<10240x128xf32, #tpu.memory_space<vmem_shared>>)
    %rem3A_57 = arith.constant 14 : i32
    %rem3A_58 = arith.constant 2 : i32
    %rem3A_59 = arith.remsi %rem3A_57, %rem3A_58 : i32
    %rem3A_60 = arith.constant 88 : i32
    %rem3A_61 = arith.constant 6 : i32
    %rem3A_62 = arith.remsi %rem3A_60, %rem3A_61 : i32
    %dma_wait3A_63 = arith.constant 0 : i32
    %dma_wait3A_64 = tpu.memref_slice %arg9[%rem3A_59, %rem3A_62, %dma_wait3A_63] : memref<2x6x112xi32, #tpu.memory_space<vmem>> -> memref<1x1x112xi32, #tpu.memory_space<vmem>>
    %dma_wait3A_65 = tpu.memref_squeeze %dma_wait3A_64 : memref<1x1x112xi32, #tpu.memory_space<vmem>> -> memref<112xi32, #tpu.memory_space<vmem>>
    %dma_wait3A_66 = arith.constant 0 : i32
    %dma_wait3A_67 = arith.constant 0 : i32
    %dma_wait3A_68 = tpu.memref_slice %arg7[%dma_wait3A_66, %dma_wait3A_67] : memref<10240x128xf32, #tpu.memory_space<vmem_shared>> -> memref<10240x128xf32, #tpu.memory_space<vmem_shared>>
    tpu.wait_indirect_dma semaphore(%arg17 : memref<!tpu.dma_semaphore, #tpu.memory_space<semaphore_mem>>) src(%arg11 : memref<112x128xf32, #tpu.memory_space<vmem>>) dst(%dma_wait3A_68 : memref<10240x128xf32, #tpu.memory_space<vmem_shared>>)
    %rem3A_69 = arith.constant 14 : i32
    %rem3A_70 = arith.constant 2 : i32
    %rem3A_71 = arith.remsi %rem3A_69, %rem3A_70 : i32
    %rem3A_72 = arith.constant 89 : i32
    %rem3A_73 = arith.constant 6 : i32
    %rem3A_74 = arith.remsi %rem3A_72, %rem3A_73 : i32
    %dma_wait3A_75 = arith.constant 0 : i32
    %dma_wait3A_76 = tpu.memref_slice %arg9[%rem3A_71, %rem3A_74, %dma_wait3A_75] : memref<2x6x112xi32, #tpu.memory_space<vmem>> -> memref<1x1x112xi32, #tpu.memory_space<vmem>>
    %dma_wait3A_77 = tpu.memref_squeeze %dma_wait3A_76 : memref<1x1x112xi32, #tpu.memory_space<vmem>> -> memref<112xi32, #tpu.memory_space<vmem>>
    %dma_wait3A_78 = arith.constant 0 : i32
    %dma_wait3A_79 = arith.constant 0 : i32
    %dma_wait3A_80 = tpu.memref_slice %arg7[%dma_wait3A_78, %dma_wait3A_79] : memref<10240x128xf32, #tpu.memory_space<vmem_shared>> -> memref<10240x128xf32, #tpu.memory_space<vmem_shared>>
    tpu.wait_indirect_dma semaphore(%arg18 : memref<!tpu.dma_semaphore, #tpu.memory_space<semaphore_mem>>) src(%arg12 : memref<112x128xf32, #tpu.memory_space<vmem>>) dst(%dma_wait3A_80 : memref<10240x128xf32, #tpu.memory_space<vmem_shared>>)
    %barrier3A_81 = arith.constant 0 : index
    tpu.barrier barrier_id(%barrier3A_81)
    "tpu.region"() ({
      %run_scoped3A = tpu.sem_alloc : memref<!tpu.dma_semaphore, #tpu.memory_space<semaphore_mem>>
      %dma_start3A_82 = arith.constant 0 : i32
      %dma_start3A_83 = tpu.memref_slice %arg6[%arg0, %mul3A_2, %dma_start3A_82] : memref<2x10240x128xf32, #tpu.memory_space<hbm>> -> memref<1x640x128xf32, #tpu.memory_space<hbm>>
      %dma_start3A_84 = tpu.memref_squeeze %dma_start3A_83 : memref<1x640x128xf32, #tpu.memory_space<hbm>> -> memref<640x128xf32, #tpu.memory_space<hbm>>
      %dma_start3A_85 = arith.constant 0 : i32
      %dma_start3A_86 = tpu.memref_slice %arg7[%mul3A_2, %dma_start3A_85] : memref<10240x128xf32, #tpu.memory_space<vmem_shared>> -> memref<640x128xf32, #tpu.memory_space<vmem_shared>>
      tpu.enqueue_dma source(%dma_start3A_86 : memref<640x128xf32, #tpu.memory_space<vmem_shared>>) target(%dma_start3A_84 : memref<640x128xf32, #tpu.memory_space<hbm>>) target_semaphore(%run_scoped3A : memref<!tpu.dma_semaphore, #tpu.memory_space<semaphore_mem>>)
      %dma_wait3A_87 = arith.constant 0 : i32
      %dma_wait3A_88 = tpu.memref_slice %arg6[%arg0, %mul3A_2, %dma_wait3A_87] : memref<2x10240x128xf32, #tpu.memory_space<hbm>> -> memref<1x640x128xf32, #tpu.memory_space<hbm>>
      %dma_wait3A_89 = tpu.memref_squeeze %dma_wait3A_88 : memref<1x640x128xf32, #tpu.memory_space<hbm>> -> memref<640x128xf32, #tpu.memory_space<hbm>>
      %dma_wait3A_90 = arith.constant 0 : i32
      %dma_wait3A_91 = tpu.memref_slice %arg7[%mul3A_2, %dma_wait3A_90] : memref<10240x128xf32, #tpu.memory_space<vmem_shared>> -> memref<640x128xf32, #tpu.memory_space<vmem_shared>>
      tpu.wait_dma2 semaphore(%run_scoped3A : memref<!tpu.dma_semaphore, #tpu.memory_space<semaphore_mem>>) src(%dma_wait3A_91 : memref<640x128xf32, #tpu.memory_space<vmem_shared>>) dst(%dma_wait3A_89 : memref<640x128xf32, #tpu.memory_space<hbm>>)
      tpu.yield
    }) : () -> ()
    return
  }
}

#map = affine_map<(d0, d1) -> (0, 0)>
#map1 = affine_map<(d0, d1) -> (0, 0, 0, 0)>
#map2 = affine_map<(d0, d1) -> (0, 0, 0)>
module attributes {stable_mosaic.version = 14 : i64} {
  func.func @_sc_agg_body(%arg0: i32, %arg1: i32, %arg2: memref<10240x128xf32, #tpu.memory_space<hbm>>, %arg3: memref<32x15x6x112xi32, #tpu.memory_space<hbm>>, %arg4: memref<32x15x6x112xi32, #tpu.memory_space<hbm>>, %arg5: memref<10240x128xf32, #tpu.memory_space<hbm>>, %arg6: memref<2x10240x128xf32, #tpu.memory_space<hbm>>, %arg7: memref<10240x128xf32, #tpu.memory_space<vmem_shared>>, %arg8: memref<2x6x112xi32, #tpu.memory_space<vmem>>, %arg9: memref<2x6x112xi32, #tpu.memory_space<vmem>>, %arg10: memref<112x128xf32, #tpu.memory_space<vmem>>, %arg11: memref<112x128xf32, #tpu.memory_space<vmem>>, %arg12: memref<112x128xf32, #tpu.memory_space<vmem>>, %arg13: memref<!tpu.dma_semaphore, #tpu.memory_space<semaphore_mem>>, %arg14: memref<!tpu.dma_semaphore, #tpu.memory_space<semaphore_mem>>, %arg15: memref<!tpu.dma_semaphore, #tpu.memory_space<semaphore_mem>>, %arg16: memref<!tpu.dma_semaphore, #tpu.memory_space<semaphore_mem>>, %arg17: memref<!tpu.dma_semaphore, #tpu.memory_space<semaphore_mem>>, %arg18: memref<!tpu.dma_semaphore, #tpu.memory_space<semaphore_mem>>, %arg19: memref<!tpu.dma_semaphore, #tpu.memory_space<semaphore_mem>>) attributes {dimension_semantics = [#tpu.dimension_semantics<core_parallel>, #tpu.dimension_semantics<subcore_parallel>], iteration_bounds = array<i64: 2, 16>, scalar_prefetch = 0 : i64, scratch_operands = 13 : i64, tpu.core_type = #tpu.core_type<sc_vector_subcore>, window_params = [{transform_indices = #map}, {transform_indices = #map1}, {transform_indices = #map1}, {transform_indices = #map}, {transform_indices = #map2}]} {
    %mul3A = arith.constant 16 : i32
    %mul3A_0 = arith.muli %arg0, %mul3A : i32
    %add3A = arith.addi %mul3A_0, %arg1 : i32
    %mul3A_1 = arith.constant 640 : i32
    %mul3A_2 = arith.muli %arg1, %mul3A_1 : i32
    %eq3A = arith.constant 0 : i32
    %eq3A_3 = arith.cmpi eq, %arg0, %eq3A : i32
    %convert_element_type3A = arith.extui %eq3A_3 : i1 to i32
    %cond3A = arith.constant 0 : i32
    %cond3A_4 = arith.cmpi ne, %convert_element_type3A, %cond3A : i32
    scf.if %cond3A_4 {
      %dma_start3A_82 = arith.constant 0 : i32
      %dma_start3A_83 = tpu.memref_slice %arg7[%mul3A_2, %dma_start3A_82] : memref<10240x128xf32, #tpu.memory_space<vmem_shared>> -> memref<640x128xf32, #tpu.memory_space<vmem_shared>>
      %dma_start3A_84 = arith.constant 0 : i32
      %dma_start3A_85 = tpu.memref_slice %arg2[%mul3A_2, %dma_start3A_84] : memref<10240x128xf32, #tpu.memory_space<hbm>> -> memref<640x128xf32, #tpu.memory_space<hbm>>
      tpu.enqueue_dma source(%dma_start3A_85 : memref<640x128xf32, #tpu.memory_space<hbm>>) target(%dma_start3A_83 : memref<640x128xf32, #tpu.memory_space<vmem_shared>>) target_semaphore(%arg19 : memref<!tpu.dma_semaphore, #tpu.memory_space<semaphore_mem>>)
    } else {
    }
    %ne3A = arith.constant 0 : i32
    %ne3A_5 = arith.cmpi ne, %arg0, %ne3A : i32
    %convert_element_type3A_6 = arith.extui %ne3A_5 : i1 to i32
    %cond3A_7 = arith.constant 0 : i32
    %cond3A_8 = arith.cmpi ne, %convert_element_type3A_6, %cond3A_7 : i32
    scf.if %cond3A_8 {
      %dma_start3A_82 = arith.constant 0 : i32
      %dma_start3A_83 = tpu.memref_slice %arg7[%mul3A_2, %dma_start3A_82] : memref<10240x128xf32, #tpu.memory_space<vmem_shared>> -> memref<640x128xf32, #tpu.memory_space<vmem_shared>>
      %dma_start3A_84 = arith.constant 0 : i32
      %dma_start3A_85 = tpu.memref_slice %arg5[%mul3A_2, %dma_start3A_84] : memref<10240x128xf32, #tpu.memory_space<hbm>> -> memref<640x128xf32, #tpu.memory_space<hbm>>
      tpu.enqueue_dma source(%dma_start3A_85 : memref<640x128xf32, #tpu.memory_space<hbm>>) target(%dma_start3A_83 : memref<640x128xf32, #tpu.memory_space<vmem_shared>>) target_semaphore(%arg19 : memref<!tpu.dma_semaphore, #tpu.memory_space<semaphore_mem>>)
    } else {
    }
    "tpu.region"() ({
      %run_scoped3A = tpu.sem_alloc : memref<!tpu.dma_semaphore, #tpu.memory_space<semaphore_mem>>
      %dma_start3A_82 = arith.constant 0 : i32
      %dma_start3A_83 = arith.constant 0 : i32
      %dma_start3A_84 = arith.constant 0 : i32
      %dma_start3A_85 = tpu.memref_slice %arg3[%add3A, %dma_start3A_82, %dma_start3A_83, %dma_start3A_84] : memref<32x15x6x112xi32, #tpu.memory_space<hbm>> -> memref<1x2x6x112xi32, #tpu.memory_space<hbm>>
      %dma_start3A_86 = tpu.memref_squeeze %dma_start3A_85 : memref<1x2x6x112xi32, #tpu.memory_space<hbm>> -> memref<2x6x112xi32, #tpu.memory_space<hbm>>
      %dma_start3A_87 = arith.constant 0 : i32
      %dma_start3A_88 = arith.constant 0 : i32
      %dma_start3A_89 = arith.constant 0 : i32
      %dma_start3A_90 = tpu.memref_slice %arg3[%add3A, %dma_start3A_87, %dma_start3A_88, %dma_start3A_89] : memref<32x15x6x112xi32, #tpu.memory_space<hbm>> -> memref<1x2x6x112xi32, #tpu.memory_space<hbm>>
      %dma_start3A_91 = tpu.memref_squeeze %dma_start3A_90 : memref<1x2x6x112xi32, #tpu.memory_space<hbm>> -> memref<2x6x112xi32, #tpu.memory_space<hbm>>
      tpu.enqueue_dma source(%dma_start3A_91 : memref<2x6x112xi32, #tpu.memory_space<hbm>>) target(%arg8 : memref<2x6x112xi32, #tpu.memory_space<vmem>>) target_semaphore(%run_scoped3A : memref<!tpu.dma_semaphore, #tpu.memory_space<semaphore_mem>>)
      %dma_wait3A_92 = arith.constant 0 : i32
      %dma_wait3A_93 = arith.constant 0 : i32
      %dma_wait3A_94 = arith.constant 0 : i32
      %dma_wait3A_95 = tpu.memref_slice %arg3[%add3A, %dma_wait3A_92, %dma_wait3A_93, %dma_wait3A_94] : memref<32x15x6x112xi32, #tpu.memory_space<hbm>> -> memref<1x2x6x112xi32, #tpu.memory_space<hbm>>
      %dma_wait3A_96 = tpu.memref_squeeze %dma_wait3A_95 : memref<1x2x6x112xi32, #tpu.memory_space<hbm>> -> memref<2x6x112xi32, #tpu.memory_space<hbm>>
      %dma_wait3A_97 = arith.constant 0 : i32
      %dma_wait3A_98 = arith.constant 0 : i32
      %dma_wait3A_99 = arith.constant 0 : i32
      %dma_wait3A_100 = tpu.memref_slice %arg3[%add3A, %dma_wait3A_97, %dma_wait3A_98, %dma_wait3A_99] : memref<32x15x6x112xi32, #tpu.memory_space<hbm>> -> memref<1x2x6x112xi32, #tpu.memory_space<hbm>>
      %dma_wait3A_101 = tpu.memref_squeeze %dma_wait3A_100 : memref<1x2x6x112xi32, #tpu.memory_space<hbm>> -> memref<2x6x112xi32, #tpu.memory_space<hbm>>
      tpu.wait_dma2 semaphore(%run_scoped3A : memref<!tpu.dma_semaphore, #tpu.memory_space<semaphore_mem>>) src(%dma_wait3A_101 : memref<2x6x112xi32, #tpu.memory_space<hbm>>) dst(%arg8 : memref<2x6x112xi32, #tpu.memory_space<vmem>>)
      tpu.yield
    }) : () -> ()
    "tpu.region"() ({
      %run_scoped3A = tpu.sem_alloc : memref<!tpu.dma_semaphore, #tpu.memory_space<semaphore_mem>>
      %dma_start3A_82 = arith.constant 0 : i32
      %dma_start3A_83 = arith.constant 0 : i32
      %dma_start3A_84 = arith.constant 0 : i32
      %dma_start3A_85 = tpu.memref_slice %arg4[%add3A, %dma_start3A_82, %dma_start3A_83, %dma_start3A_84] : memref<32x15x6x112xi32, #tpu.memory_space<hbm>> -> memref<1x2x6x112xi32, #tpu.memory_space<hbm>>
      %dma_start3A_86 = tpu.memref_squeeze %dma_start3A_85 : memref<1x2x6x112xi32, #tpu.memory_space<hbm>> -> memref<2x6x112xi32, #tpu.memory_space<hbm>>
      %dma_start3A_87 = arith.constant 0 : i32
      %dma_start3A_88 = arith.constant 0 : i32
      %dma_start3A_89 = arith.constant 0 : i32
      %dma_start3A_90 = tpu.memref_slice %arg4[%add3A, %dma_start3A_87, %dma_start3A_88, %dma_start3A_89] : memref<32x15x6x112xi32, #tpu.memory_space<hbm>> -> memref<1x2x6x112xi32, #tpu.memory_space<hbm>>
      %dma_start3A_91 = tpu.memref_squeeze %dma_start3A_90 : memref<1x2x6x112xi32, #tpu.memory_space<hbm>> -> memref<2x6x112xi32, #tpu.memory_space<hbm>>
      tpu.enqueue_dma source(%dma_start3A_91 : memref<2x6x112xi32, #tpu.memory_space<hbm>>) target(%arg9 : memref<2x6x112xi32, #tpu.memory_space<vmem>>) target_semaphore(%run_scoped3A : memref<!tpu.dma_semaphore, #tpu.memory_space<semaphore_mem>>)
      %dma_wait3A_92 = arith.constant 0 : i32
      %dma_wait3A_93 = arith.constant 0 : i32
      %dma_wait3A_94 = arith.constant 0 : i32
      %dma_wait3A_95 = tpu.memref_slice %arg4[%add3A, %dma_wait3A_92, %dma_wait3A_93, %dma_wait3A_94] : memref<32x15x6x112xi32, #tpu.memory_space<hbm>> -> memref<1x2x6x112xi32, #tpu.memory_space<hbm>>
      %dma_wait3A_96 = tpu.memref_squeeze %dma_wait3A_95 : memref<1x2x6x112xi32, #tpu.memory_space<hbm>> -> memref<2x6x112xi32, #tpu.memory_space<hbm>>
      %dma_wait3A_97 = arith.constant 0 : i32
      %dma_wait3A_98 = arith.constant 0 : i32
      %dma_wait3A_99 = arith.constant 0 : i32
      %dma_wait3A_100 = tpu.memref_slice %arg4[%add3A, %dma_wait3A_97, %dma_wait3A_98, %dma_wait3A_99] : memref<32x15x6x112xi32, #tpu.memory_space<hbm>> -> memref<1x2x6x112xi32, #tpu.memory_space<hbm>>
      %dma_wait3A_101 = tpu.memref_squeeze %dma_wait3A_100 : memref<1x2x6x112xi32, #tpu.memory_space<hbm>> -> memref<2x6x112xi32, #tpu.memory_space<hbm>>
      tpu.wait_dma2 semaphore(%run_scoped3A : memref<!tpu.dma_semaphore, #tpu.memory_space<semaphore_mem>>) src(%dma_wait3A_101 : memref<2x6x112xi32, #tpu.memory_space<hbm>>) dst(%arg9 : memref<2x6x112xi32, #tpu.memory_space<vmem>>)
      tpu.yield
    }) : () -> ()
    %eq3A_9 = arith.constant 0 : i32
    %eq3A_10 = arith.cmpi eq, %arg0, %eq3A_9 : i32
    %convert_element_type3A_11 = arith.extui %eq3A_10 : i1 to i32
    %cond3A_12 = arith.constant 0 : i32
    %cond3A_13 = arith.cmpi ne, %convert_element_type3A_11, %cond3A_12 : i32
    scf.if %cond3A_13 {
      %dma_wait3A_82 = arith.constant 0 : i32
      %dma_wait3A_83 = tpu.memref_slice %arg7[%mul3A_2, %dma_wait3A_82] : memref<10240x128xf32, #tpu.memory_space<vmem_shared>> -> memref<640x128xf32, #tpu.memory_space<vmem_shared>>
      %dma_wait3A_84 = arith.constant 0 : i32
      %dma_wait3A_85 = tpu.memref_slice %arg2[%mul3A_2, %dma_wait3A_84] : memref<10240x128xf32, #tpu.memory_space<hbm>> -> memref<640x128xf32, #tpu.memory_space<hbm>>
      tpu.wait_dma2 semaphore(%arg19 : memref<!tpu.dma_semaphore, #tpu.memory_space<semaphore_mem>>) src(%dma_wait3A_85 : memref<640x128xf32, #tpu.memory_space<hbm>>) dst(%dma_wait3A_83 : memref<640x128xf32, #tpu.memory_space<vmem_shared>>)
    } else {
    }
    %ne3A_14 = arith.constant 0 : i32
    %ne3A_15 = arith.cmpi ne, %arg0, %ne3A_14 : i32
    %convert_element_type3A_16 = arith.extui %ne3A_15 : i1 to i32
    %cond3A_17 = arith.constant 0 : i32
    %cond3A_18 = arith.cmpi ne, %convert_element_type3A_16, %cond3A_17 : i32
    scf.if %cond3A_18 {
      %dma_wait3A_82 = arith.constant 0 : i32
      %dma_wait3A_83 = tpu.memref_slice %arg7[%mul3A_2, %dma_wait3A_82] : memref<10240x128xf32, #tpu.memory_space<vmem_shared>> -> memref<640x128xf32, #tpu.memory_space<vmem_shared>>
      %dma_wait3A_84 = arith.constant 0 : i32
      %dma_wait3A_85 = tpu.memref_slice %arg5[%mul3A_2, %dma_wait3A_84] : memref<10240x128xf32, #tpu.memory_space<hbm>> -> memref<640x128xf32, #tpu.memory_space<hbm>>
      tpu.wait_dma2 semaphore(%arg19 : memref<!tpu.dma_semaphore, #tpu.memory_space<semaphore_mem>>) src(%dma_wait3A_85 : memref<640x128xf32, #tpu.memory_space<hbm>>) dst(%dma_wait3A_83 : memref<640x128xf32, #tpu.memory_space<vmem_shared>>)
    } else {
    }
    %barrier3A = arith.constant 0 : index
    tpu.barrier barrier_id(%barrier3A)
    %dma_start3A = arith.constant 0 : i32
    %dma_start3A_19 = arith.constant 0 : i32
    %dma_start3A_20 = arith.constant 0 : i32
    %dma_start3A_21 = tpu.memref_slice %arg8[%dma_start3A, %dma_start3A_19, %dma_start3A_20] : memref<2x6x112xi32, #tpu.memory_space<vmem>> -> memref<1x1x112xi32, #tpu.memory_space<vmem>>
    %dma_start3A_22 = tpu.memref_squeeze %dma_start3A_21 : memref<1x1x112xi32, #tpu.memory_space<vmem>> -> memref<112xi32, #tpu.memory_space<vmem>>
    %dma_start3A_23 = arith.constant 0 : i32
    %dma_start3A_24 = arith.constant 0 : i32
    %dma_start3A_25 = tpu.memref_slice %arg2[%dma_start3A_23, %dma_start3A_24] : memref<10240x128xf32, #tpu.memory_space<hbm>> -> memref<10240x128xf32, #tpu.memory_space<hbm>>
    tpu.enqueue_indirect_dma source(%dma_start3A_25 : memref<10240x128xf32, #tpu.memory_space<hbm>>) target(%arg10 : memref<112x128xf32, #tpu.memory_space<vmem>>) offsets(%dma_start3A_22 : memref<112xi32, #tpu.memory_space<vmem>>) semaphore(%arg13 : memref<!tpu.dma_semaphore, #tpu.memory_space<semaphore_mem>>)
    %dma_start3A_26 = arith.constant 0 : i32
    %dma_start3A_27 = arith.constant 1 : i32
    %dma_start3A_28 = arith.constant 0 : i32
    %dma_start3A_29 = tpu.memref_slice %arg8[%dma_start3A_26, %dma_start3A_27, %dma_start3A_28] : memref<2x6x112xi32, #tpu.memory_space<vmem>> -> memref<1x1x112xi32, #tpu.memory_space<vmem>>
    %dma_start3A_30 = tpu.memref_squeeze %dma_start3A_29 : memref<1x1x112xi32, #tpu.memory_space<vmem>> -> memref<112xi32, #tpu.memory_space<vmem>>
    %dma_start3A_31 = arith.constant 0 : i32
    %dma_start3A_32 = arith.constant 0 : i32
    %dma_start3A_33 = tpu.memref_slice %arg2[%dma_start3A_31, %dma_start3A_32] : memref<10240x128xf32, #tpu.memory_space<hbm>> -> memref<10240x128xf32, #tpu.memory_space<hbm>>
    tpu.enqueue_indirect_dma source(%dma_start3A_33 : memref<10240x128xf32, #tpu.memory_space<hbm>>) target(%arg11 : memref<112x128xf32, #tpu.memory_space<vmem>>) offsets(%dma_start3A_30 : memref<112xi32, #tpu.memory_space<vmem>>) semaphore(%arg14 : memref<!tpu.dma_semaphore, #tpu.memory_space<semaphore_mem>>)
    %dma_start3A_34 = arith.constant 0 : i32
    %dma_start3A_35 = arith.constant 2 : i32
    %dma_start3A_36 = arith.constant 0 : i32
    %dma_start3A_37 = tpu.memref_slice %arg8[%dma_start3A_34, %dma_start3A_35, %dma_start3A_36] : memref<2x6x112xi32, #tpu.memory_space<vmem>> -> memref<1x1x112xi32, #tpu.memory_space<vmem>>
    %dma_start3A_38 = tpu.memref_squeeze %dma_start3A_37 : memref<1x1x112xi32, #tpu.memory_space<vmem>> -> memref<112xi32, #tpu.memory_space<vmem>>
    %dma_start3A_39 = arith.constant 0 : i32
    %dma_start3A_40 = arith.constant 0 : i32
    %dma_start3A_41 = tpu.memref_slice %arg2[%dma_start3A_39, %dma_start3A_40] : memref<10240x128xf32, #tpu.memory_space<hbm>> -> memref<10240x128xf32, #tpu.memory_space<hbm>>
    tpu.enqueue_indirect_dma source(%dma_start3A_41 : memref<10240x128xf32, #tpu.memory_space<hbm>>) target(%arg12 : memref<112x128xf32, #tpu.memory_space<vmem>>) offsets(%dma_start3A_38 : memref<112xi32, #tpu.memory_space<vmem>>) semaphore(%arg15 : memref<!tpu.dma_semaphore, #tpu.memory_space<semaphore_mem>>)
    %scan3A = arith.constant 0 : i32
    %scan3A_42 = arith.constant 0 : i32
    %scan3A_43 = arith.constant 30 : i32
    %scan3A_44 = arith.addi %scan3A_42, %scan3A_43 : i32
    %scan3A_45 = arith.constant 1 : i32
    scf.for %scan3A_82 = %scan3A_42 to %scan3A_44 step %scan3A_45  : i32 {
      %mul3A_83 = arith.constant 3 : i32
      %mul3A_84 = arith.muli %mul3A_83, %scan3A_82 : i32
      %add3A_85 = arith.constant 0 : i32
      %add3A_86 = arith.addi %mul3A_84, %add3A_85 : i32
      %jit3A = arith.constant 6 : i32
      %div3A = arith.divsi %add3A_86, %jit3A : i32
      %sign3A = arith.constant 0 : i32
      %sign3A_87 = arith.cmpi sgt, %add3A_86, %sign3A : i32
      %sign3A_88 = arith.extui %sign3A_87 : i1 to i32
      %sign3A_89 = arith.constant 0 : i32
      %sign3A_90 = arith.cmpi slt, %add3A_86, %sign3A_89 : i32
      %sign3A_91 = arith.extui %sign3A_90 : i1 to i32
      %sign3A_92 = arith.subi %sign3A_88, %sign3A_91 : i32
      %sign3A_93 = arith.constant 0 : i32
      %sign3A_94 = arith.cmpi sgt, %jit3A, %sign3A_93 : i32
      %sign3A_95 = arith.extui %sign3A_94 : i1 to i32
      %sign3A_96 = arith.constant 0 : i32
      %sign3A_97 = arith.cmpi slt, %jit3A, %sign3A_96 : i32
      %sign3A_98 = arith.extui %sign3A_97 : i1 to i32
      %sign3A_99 = arith.subi %sign3A_95, %sign3A_98 : i32
      %ne3A_100 = arith.cmpi ne, %sign3A_92, %sign3A_99 : i32
      %rem3A_101 = arith.remsi %add3A_86, %jit3A : i32
      %ne3A_102 = arith.constant 0 : i32
      %ne3A_103 = arith.cmpi ne, %rem3A_101, %ne3A_102 : i32
      %and3A = arith.andi %ne3A_100, %ne3A_103 : i1
      %sub3A = arith.constant 1 : i32
      %sub3A_104 = arith.subi %div3A, %sub3A : i32
      %select_n3A = arith.select %and3A, %sub3A_104, %div3A : i32
      %rem3A_105 = arith.constant 2 : i32
      %rem3A_106 = arith.remsi %select_n3A, %rem3A_105 : i32
      %rem3A_107 = arith.constant 6 : i32
      %rem3A_108 = arith.remsi %add3A_86, %rem3A_107 : i32
      %dma_wait3A_109 = arith.constant 0 : i32
      %dma_wait3A_110 = tpu.memref_slice %arg8[%rem3A_106, %rem3A_108, %dma_wait3A_109] : memref<2x6x112xi32, #tpu.memory_space<vmem>> -> memref<1x1x112xi32, #tpu.memory_space<vmem>>
      %dma_wait3A_111 = tpu.memref_squeeze %dma_wait3A_110 : memref<1x1x112xi32, #tpu.memory_space<vmem>> -> memref<112xi32, #tpu.memory_space<vmem>>
      %dma_wait3A_112 = arith.constant 0 : i32
      %dma_wait3A_113 = arith.constant 0 : i32
      %dma_wait3A_114 = tpu.memref_slice %arg2[%dma_wait3A_112, %dma_wait3A_113] : memref<10240x128xf32, #tpu.memory_space<hbm>> -> memref<10240x128xf32, #tpu.memory_space<hbm>>
      tpu.wait_indirect_dma semaphore(%arg13 : memref<!tpu.dma_semaphore, #tpu.memory_space<semaphore_mem>>) src(%dma_wait3A_114 : memref<10240x128xf32, #tpu.memory_space<hbm>>) dst(%arg10 : memref<112x128xf32, #tpu.memory_space<vmem>>)
      %jit3A_115 = arith.constant 6 : i32
      %div3A_116 = arith.divsi %add3A_86, %jit3A_115 : i32
      %sign3A_117 = arith.constant 0 : i32
      %sign3A_118 = arith.cmpi sgt, %add3A_86, %sign3A_117 : i32
      %sign3A_119 = arith.extui %sign3A_118 : i1 to i32
      %sign3A_120 = arith.constant 0 : i32
      %sign3A_121 = arith.cmpi slt, %add3A_86, %sign3A_120 : i32
      %sign3A_122 = arith.extui %sign3A_121 : i1 to i32
      %sign3A_123 = arith.subi %sign3A_119, %sign3A_122 : i32
      %sign3A_124 = arith.constant 0 : i32
      %sign3A_125 = arith.cmpi sgt, %jit3A_115, %sign3A_124 : i32
      %sign3A_126 = arith.extui %sign3A_125 : i1 to i32
      %sign3A_127 = arith.constant 0 : i32
      %sign3A_128 = arith.cmpi slt, %jit3A_115, %sign3A_127 : i32
      %sign3A_129 = arith.extui %sign3A_128 : i1 to i32
      %sign3A_130 = arith.subi %sign3A_126, %sign3A_129 : i32
      %ne3A_131 = arith.cmpi ne, %sign3A_123, %sign3A_130 : i32
      %rem3A_132 = arith.remsi %add3A_86, %jit3A_115 : i32
      %ne3A_133 = arith.constant 0 : i32
      %ne3A_134 = arith.cmpi ne, %rem3A_132, %ne3A_133 : i32
      %and3A_135 = arith.andi %ne3A_131, %ne3A_134 : i1
      %sub3A_136 = arith.constant 1 : i32
      %sub3A_137 = arith.subi %div3A_116, %sub3A_136 : i32
      %select_n3A_138 = arith.select %and3A_135, %sub3A_137, %div3A_116 : i32
      %rem3A_139 = arith.constant 2 : i32
      %rem3A_140 = arith.remsi %select_n3A_138, %rem3A_139 : i32
      %rem3A_141 = arith.constant 6 : i32
      %rem3A_142 = arith.remsi %add3A_86, %rem3A_141 : i32
      %dma_start3A_143 = arith.constant 0 : i32
      %dma_start3A_144 = tpu.memref_slice %arg9[%rem3A_140, %rem3A_142, %dma_start3A_143] : memref<2x6x112xi32, #tpu.memory_space<vmem>> -> memref<1x1x112xi32, #tpu.memory_space<vmem>>
      %dma_start3A_145 = tpu.memref_squeeze %dma_start3A_144 : memref<1x1x112xi32, #tpu.memory_space<vmem>> -> memref<112xi32, #tpu.memory_space<vmem>>
      %dma_start3A_146 = arith.constant 0 : i32
      %dma_start3A_147 = arith.constant 0 : i32
      %dma_start3A_148 = tpu.memref_slice %arg7[%dma_start3A_146, %dma_start3A_147] : memref<10240x128xf32, #tpu.memory_space<vmem_shared>> -> memref<10240x128xf32, #tpu.memory_space<vmem_shared>>
      tpu.enqueue_indirect_dma source(%arg10 : memref<112x128xf32, #tpu.memory_space<vmem>>) target(%dma_start3A_148 : memref<10240x128xf32, #tpu.memory_space<vmem_shared>>) offsets(%dma_start3A_145 : memref<112xi32, #tpu.memory_space<vmem>>) semaphore(%arg16 : memref<!tpu.dma_semaphore, #tpu.memory_space<semaphore_mem>>) {add = true}
      %ge3A = arith.constant 1 : i32
      %ge3A_149 = arith.cmpi sge, %add3A_86, %ge3A : i32
      %add3A_150 = arith.constant 2 : i32
      %add3A_151 = arith.addi %add3A_86, %add3A_150 : i32
      %le3A = arith.constant 89 : i32
      %le3A_152 = arith.cmpi sle, %add3A_151, %le3A : i32
      %and3A_153 = arith.andi %ge3A_149, %le3A_152 : i1
      %convert_element_type3A_154 = arith.extui %and3A_153 : i1 to i32
      %cond3A_155 = arith.constant 0 : i32
      %cond3A_156 = arith.cmpi ne, %convert_element_type3A_154, %cond3A_155 : i32
      scf.if %cond3A_156 {
        %sub3A_438 = arith.constant 1 : i32
        %sub3A_439 = arith.subi %add3A_86, %sub3A_438 : i32
        %jit3A_440 = arith.constant 6 : i32
        %div3A_441 = arith.divsi %sub3A_439, %jit3A_440 : i32
        %sign3A_442 = arith.constant 0 : i32
        %sign3A_443 = arith.cmpi sgt, %sub3A_439, %sign3A_442 : i32
        %sign3A_444 = arith.extui %sign3A_443 : i1 to i32
        %sign3A_445 = arith.constant 0 : i32
        %sign3A_446 = arith.cmpi slt, %sub3A_439, %sign3A_445 : i32
        %sign3A_447 = arith.extui %sign3A_446 : i1 to i32
        %sign3A_448 = arith.subi %sign3A_444, %sign3A_447 : i32
        %sign3A_449 = arith.constant 0 : i32
        %sign3A_450 = arith.cmpi sgt, %jit3A_440, %sign3A_449 : i32
        %sign3A_451 = arith.extui %sign3A_450 : i1 to i32
        %sign3A_452 = arith.constant 0 : i32
        %sign3A_453 = arith.cmpi slt, %jit3A_440, %sign3A_452 : i32
        %sign3A_454 = arith.extui %sign3A_453 : i1 to i32
        %sign3A_455 = arith.subi %sign3A_451, %sign3A_454 : i32
        %ne3A_456 = arith.cmpi ne, %sign3A_448, %sign3A_455 : i32
        %rem3A_457 = arith.remsi %sub3A_439, %jit3A_440 : i32
        %ne3A_458 = arith.constant 0 : i32
        %ne3A_459 = arith.cmpi ne, %rem3A_457, %ne3A_458 : i32
        %and3A_460 = arith.andi %ne3A_456, %ne3A_459 : i1
        %sub3A_461 = arith.constant 1 : i32
        %sub3A_462 = arith.subi %div3A_441, %sub3A_461 : i32
        %select_n3A_463 = arith.select %and3A_460, %sub3A_462, %div3A_441 : i32
        %rem3A_464 = arith.constant 2 : i32
        %rem3A_465 = arith.remsi %select_n3A_463, %rem3A_464 : i32
        %sub3A_466 = arith.constant 1 : i32
        %sub3A_467 = arith.subi %add3A_86, %sub3A_466 : i32
        %rem3A_468 = arith.constant 6 : i32
        %rem3A_469 = arith.remsi %sub3A_467, %rem3A_468 : i32
        %dma_wait3A_470 = arith.constant 0 : i32
        %dma_wait3A_471 = tpu.memref_slice %arg9[%rem3A_465, %rem3A_469, %dma_wait3A_470] : memref<2x6x112xi32, #tpu.memory_space<vmem>> -> memref<1x1x112xi32, #tpu.memory_space<vmem>>
        %dma_wait3A_472 = tpu.memref_squeeze %dma_wait3A_471 : memref<1x1x112xi32, #tpu.memory_space<vmem>> -> memref<112xi32, #tpu.memory_space<vmem>>
        %dma_wait3A_473 = arith.constant 0 : i32
        %dma_wait3A_474 = arith.constant 0 : i32
        %dma_wait3A_475 = tpu.memref_slice %arg7[%dma_wait3A_473, %dma_wait3A_474] : memref<10240x128xf32, #tpu.memory_space<vmem_shared>> -> memref<10240x128xf32, #tpu.memory_space<vmem_shared>>
        tpu.wait_indirect_dma semaphore(%arg18 : memref<!tpu.dma_semaphore, #tpu.memory_space<semaphore_mem>>) src(%arg12 : memref<112x128xf32, #tpu.memory_space<vmem>>) dst(%dma_wait3A_475 : memref<10240x128xf32, #tpu.memory_space<vmem_shared>>)
        %add3A_476 = arith.constant 2 : i32
        %add3A_477 = arith.addi %add3A_86, %add3A_476 : i32
        %rem3A_478 = arith.constant 6 : i32
        %rem3A_479 = arith.remsi %add3A_477, %rem3A_478 : i32
        %eq3A_480 = arith.constant 0 : i32
        %eq3A_481 = arith.cmpi eq, %rem3A_479, %eq3A_480 : i32
        %add3A_482 = arith.constant 2 : i32
        %add3A_483 = arith.addi %add3A_86, %add3A_482 : i32
        %jit3A_484 = arith.constant 6 : i32
        %div3A_485 = arith.divsi %add3A_483, %jit3A_484 : i32
        %sign3A_486 = arith.constant 0 : i32
        %sign3A_487 = arith.cmpi sgt, %add3A_483, %sign3A_486 : i32
        %sign3A_488 = arith.extui %sign3A_487 : i1 to i32
        %sign3A_489 = arith.constant 0 : i32
        %sign3A_490 = arith.cmpi slt, %add3A_483, %sign3A_489 : i32
        %sign3A_491 = arith.extui %sign3A_490 : i1 to i32
        %sign3A_492 = arith.subi %sign3A_488, %sign3A_491 : i32
        %sign3A_493 = arith.constant 0 : i32
        %sign3A_494 = arith.cmpi sgt, %jit3A_484, %sign3A_493 : i32
        %sign3A_495 = arith.extui %sign3A_494 : i1 to i32
        %sign3A_496 = arith.constant 0 : i32
        %sign3A_497 = arith.cmpi slt, %jit3A_484, %sign3A_496 : i32
        %sign3A_498 = arith.extui %sign3A_497 : i1 to i32
        %sign3A_499 = arith.subi %sign3A_495, %sign3A_498 : i32
        %ne3A_500 = arith.cmpi ne, %sign3A_492, %sign3A_499 : i32
        %rem3A_501 = arith.remsi %add3A_483, %jit3A_484 : i32
        %ne3A_502 = arith.constant 0 : i32
        %ne3A_503 = arith.cmpi ne, %rem3A_501, %ne3A_502 : i32
        %and3A_504 = arith.andi %ne3A_500, %ne3A_503 : i1
        %sub3A_505 = arith.constant 1 : i32
        %sub3A_506 = arith.subi %div3A_485, %sub3A_505 : i32
        %select_n3A_507 = arith.select %and3A_504, %sub3A_506, %div3A_485 : i32
        %ge3A_508 = arith.constant 2 : i32
        %ge3A_509 = arith.cmpi sge, %select_n3A_507, %ge3A_508 : i32
        %and3A_510 = arith.andi %eq3A_481, %ge3A_509 : i1
        %convert_element_type3A_511 = arith.extui %and3A_510 : i1 to i32
        %cond3A_512 = arith.constant 0 : i32
        %cond3A_513 = arith.cmpi ne, %convert_element_type3A_511, %cond3A_512 : i32
        scf.if %cond3A_513 {
          %dma_wait3A_552 = arith.constant 0 : i32
          %dma_wait3A_553 = arith.constant 0 : i32
          %dma_wait3A_554 = arith.constant 0 : i32
          %dma_wait3A_555 = arith.constant 0 : i32
          %dma_wait3A_556 = tpu.memref_slice %arg8[%dma_wait3A_553, %dma_wait3A_554, %dma_wait3A_555] : memref<2x6x112xi32, #tpu.memory_space<vmem>> -> memref<1x6x112xi32, #tpu.memory_space<vmem>>
          %dma_wait3A_557 = tpu.memref_squeeze %dma_wait3A_556 : memref<1x6x112xi32, #tpu.memory_space<vmem>> -> memref<6x112xi32, #tpu.memory_space<vmem>>
          %dma_wait3A_558 = arith.constant 0 : i32
          %dma_wait3A_559 = arith.constant 0 : i32
          %dma_wait3A_560 = tpu.memref_slice %arg3[%add3A, %dma_wait3A_552, %dma_wait3A_558, %dma_wait3A_559] : memref<32x15x6x112xi32, #tpu.memory_space<hbm>> -> memref<1x1x6x112xi32, #tpu.memory_space<hbm>>
          %dma_wait3A_561 = tpu.memref_squeeze %dma_wait3A_560 : memref<1x1x6x112xi32, #tpu.memory_space<hbm>> -> memref<6x112xi32, #tpu.memory_space<hbm>>
          %dma_wait3A_562 = arith.constant 0 : i32
          %dma_wait3A_563 = arith.constant 0 : i32
          %dma_wait3A_564 = tpu.memref_slice %arg8[%dma_wait3A_553, %dma_wait3A_562, %dma_wait3A_563] : memref<2x6x112xi32, #tpu.memory_space<vmem>> -> memref<1x6x112xi32, #tpu.memory_space<vmem>>
          %dma_wait3A_565 = tpu.memref_squeeze %dma_wait3A_564 : memref<1x6x112xi32, #tpu.memory_space<vmem>> -> memref<6x112xi32, #tpu.memory_space<vmem>>
          %dma_wait3A_566 = arith.constant 0 : i32
          %dma_wait3A_567 = arith.constant 0 : i32
          %dma_wait3A_568 = tpu.memref_slice %arg3[%add3A, %dma_wait3A_552, %dma_wait3A_566, %dma_wait3A_567] : memref<32x15x6x112xi32, #tpu.memory_space<hbm>> -> memref<1x1x6x112xi32, #tpu.memory_space<hbm>>
          %dma_wait3A_569 = tpu.memref_squeeze %dma_wait3A_568 : memref<1x1x6x112xi32, #tpu.memory_space<hbm>> -> memref<6x112xi32, #tpu.memory_space<hbm>>
          tpu.wait_dma2 semaphore(%arg19 : memref<!tpu.dma_semaphore, #tpu.memory_space<semaphore_mem>>) src(%dma_wait3A_569 : memref<6x112xi32, #tpu.memory_space<hbm>>) dst(%dma_wait3A_565 : memref<6x112xi32, #tpu.memory_space<vmem>>)
          %dma_wait3A_570 = arith.constant 0 : i32
          %dma_wait3A_571 = arith.constant 0 : i32
          %dma_wait3A_572 = arith.constant 0 : i32
          %dma_wait3A_573 = arith.constant 0 : i32
          %dma_wait3A_574 = tpu.memref_slice %arg9[%dma_wait3A_571, %dma_wait3A_572, %dma_wait3A_573] : memref<2x6x112xi32, #tpu.memory_space<vmem>> -> memref<1x6x112xi32, #tpu.memory_space<vmem>>
          %dma_wait3A_575 = tpu.memref_squeeze %dma_wait3A_574 : memref<1x6x112xi32, #tpu.memory_space<vmem>> -> memref<6x112xi32, #tpu.memory_space<vmem>>
          %dma_wait3A_576 = arith.constant 0 : i32
          %dma_wait3A_577 = arith.constant 0 : i32
          %dma_wait3A_578 = tpu.memref_slice %arg4[%add3A, %dma_wait3A_570, %dma_wait3A_576, %dma_wait3A_577] : memref<32x15x6x112xi32, #tpu.memory_space<hbm>> -> memref<1x1x6x112xi32, #tpu.memory_space<hbm>>
          %dma_wait3A_579 = tpu.memref_squeeze %dma_wait3A_578 : memref<1x1x6x112xi32, #tpu.memory_space<hbm>> -> memref<6x112xi32, #tpu.memory_space<hbm>>
          %dma_wait3A_580 = arith.constant 0 : i32
          %dma_wait3A_581 = arith.constant 0 : i32
          %dma_wait3A_582 = tpu.memref_slice %arg9[%dma_wait3A_571, %dma_wait3A_580, %dma_wait3A_581] : memref<2x6x112xi32, #tpu.memory_space<vmem>> -> memref<1x6x112xi32, #tpu.memory_space<vmem>>
          %dma_wait3A_583 = tpu.memref_squeeze %dma_wait3A_582 : memref<1x6x112xi32, #tpu.memory_space<vmem>> -> memref<6x112xi32, #tpu.memory_space<vmem>>
          %dma_wait3A_584 = arith.constant 0 : i32
          %dma_wait3A_585 = arith.constant 0 : i32
          %dma_wait3A_586 = tpu.memref_slice %arg4[%add3A, %dma_wait3A_570, %dma_wait3A_584, %dma_wait3A_585] : memref<32x15x6x112xi32, #tpu.memory_space<hbm>> -> memref<1x1x6x112xi32, #tpu.memory_space<hbm>>
          %dma_wait3A_587 = tpu.memref_squeeze %dma_wait3A_586 : memref<1x1x6x112xi32, #tpu.memory_space<hbm>> -> memref<6x112xi32, #tpu.memory_space<hbm>>
          tpu.wait_dma2 semaphore(%arg19 : memref<!tpu.dma_semaphore, #tpu.memory_space<semaphore_mem>>) src(%dma_wait3A_587 : memref<6x112xi32, #tpu.memory_space<hbm>>) dst(%dma_wait3A_583 : memref<6x112xi32, #tpu.memory_space<vmem>>)
        } else {
        }
        %add3A_514 = arith.constant 2 : i32
        %add3A_515 = arith.addi %add3A_86, %add3A_514 : i32
        %jit3A_516 = arith.constant 6 : i32
        %div3A_517 = arith.divsi %add3A_515, %jit3A_516 : i32
        %sign3A_518 = arith.constant 0 : i32
        %sign3A_519 = arith.cmpi sgt, %add3A_515, %sign3A_518 : i32
        %sign3A_520 = arith.extui %sign3A_519 : i1 to i32
        %sign3A_521 = arith.constant 0 : i32
        %sign3A_522 = arith.cmpi slt, %add3A_515, %sign3A_521 : i32
        %sign3A_523 = arith.extui %sign3A_522 : i1 to i32
        %sign3A_524 = arith.subi %sign3A_520, %sign3A_523 : i32
        %sign3A_525 = arith.constant 0 : i32
        %sign3A_526 = arith.cmpi sgt, %jit3A_516, %sign3A_525 : i32
        %sign3A_527 = arith.extui %sign3A_526 : i1 to i32
        %sign3A_528 = arith.constant 0 : i32
        %sign3A_529 = arith.cmpi slt, %jit3A_516, %sign3A_528 : i32
        %sign3A_530 = arith.extui %sign3A_529 : i1 to i32
        %sign3A_531 = arith.subi %sign3A_527, %sign3A_530 : i32
        %ne3A_532 = arith.cmpi ne, %sign3A_524, %sign3A_531 : i32
        %rem3A_533 = arith.remsi %add3A_515, %jit3A_516 : i32
        %ne3A_534 = arith.constant 0 : i32
        %ne3A_535 = arith.cmpi ne, %rem3A_533, %ne3A_534 : i32
        %and3A_536 = arith.andi %ne3A_532, %ne3A_535 : i1
        %sub3A_537 = arith.constant 1 : i32
        %sub3A_538 = arith.subi %div3A_517, %sub3A_537 : i32
        %select_n3A_539 = arith.select %and3A_536, %sub3A_538, %div3A_517 : i32
        %rem3A_540 = arith.constant 2 : i32
        %rem3A_541 = arith.remsi %select_n3A_539, %rem3A_540 : i32
        %add3A_542 = arith.constant 2 : i32
        %add3A_543 = arith.addi %add3A_86, %add3A_542 : i32
        %rem3A_544 = arith.constant 6 : i32
        %rem3A_545 = arith.remsi %add3A_543, %rem3A_544 : i32
        %dma_start3A_546 = arith.constant 0 : i32
        %dma_start3A_547 = tpu.memref_slice %arg8[%rem3A_541, %rem3A_545, %dma_start3A_546] : memref<2x6x112xi32, #tpu.memory_space<vmem>> -> memref<1x1x112xi32, #tpu.memory_space<vmem>>
        %dma_start3A_548 = tpu.memref_squeeze %dma_start3A_547 : memref<1x1x112xi32, #tpu.memory_space<vmem>> -> memref<112xi32, #tpu.memory_space<vmem>>
        %dma_start3A_549 = arith.constant 0 : i32
        %dma_start3A_550 = arith.constant 0 : i32
        %dma_start3A_551 = tpu.memref_slice %arg2[%dma_start3A_549, %dma_start3A_550] : memref<10240x128xf32, #tpu.memory_space<hbm>> -> memref<10240x128xf32, #tpu.memory_space<hbm>>
        tpu.enqueue_indirect_dma source(%dma_start3A_551 : memref<10240x128xf32, #tpu.memory_space<hbm>>) target(%arg12 : memref<112x128xf32, #tpu.memory_space<vmem>>) offsets(%dma_start3A_548 : memref<112xi32, #tpu.memory_space<vmem>>) semaphore(%arg15 : memref<!tpu.dma_semaphore, #tpu.memory_space<semaphore_mem>>)
      } else {
      }
      %rem3A_157 = arith.constant 6 : i32
      %rem3A_158 = arith.remsi %add3A_86, %rem3A_157 : i32
      %eq3A_159 = arith.constant 0 : i32
      %eq3A_160 = arith.cmpi eq, %rem3A_158, %eq3A_159 : i32
      %ge3A_161 = arith.constant 6 : i32
      %ge3A_162 = arith.cmpi sge, %add3A_86, %ge3A_161 : i32
      %jit3A_163 = arith.constant 6 : i32
      %div3A_164 = arith.divsi %add3A_86, %jit3A_163 : i32
      %sign3A_165 = arith.constant 0 : i32
      %sign3A_166 = arith.cmpi sgt, %add3A_86, %sign3A_165 : i32
      %sign3A_167 = arith.extui %sign3A_166 : i1 to i32
      %sign3A_168 = arith.constant 0 : i32
      %sign3A_169 = arith.cmpi slt, %add3A_86, %sign3A_168 : i32
      %sign3A_170 = arith.extui %sign3A_169 : i1 to i32
      %sign3A_171 = arith.subi %sign3A_167, %sign3A_170 : i32
      %sign3A_172 = arith.constant 0 : i32
      %sign3A_173 = arith.cmpi sgt, %jit3A_163, %sign3A_172 : i32
      %sign3A_174 = arith.extui %sign3A_173 : i1 to i32
      %sign3A_175 = arith.constant 0 : i32
      %sign3A_176 = arith.cmpi slt, %jit3A_163, %sign3A_175 : i32
      %sign3A_177 = arith.extui %sign3A_176 : i1 to i32
      %sign3A_178 = arith.subi %sign3A_174, %sign3A_177 : i32
      %ne3A_179 = arith.cmpi ne, %sign3A_171, %sign3A_178 : i32
      %rem3A_180 = arith.remsi %add3A_86, %jit3A_163 : i32
      %ne3A_181 = arith.constant 0 : i32
      %ne3A_182 = arith.cmpi ne, %rem3A_180, %ne3A_181 : i32
      %and3A_183 = arith.andi %ne3A_179, %ne3A_182 : i1
      %sub3A_184 = arith.constant 1 : i32
      %sub3A_185 = arith.subi %div3A_164, %sub3A_184 : i32
      %select_n3A_186 = arith.select %and3A_183, %sub3A_185, %div3A_164 : i32
      %add3A_187 = arith.constant 1 : i32
      %add3A_188 = arith.addi %select_n3A_186, %add3A_187 : i32
      %le3A_189 = arith.constant 14 : i32
      %le3A_190 = arith.cmpi sle, %add3A_188, %le3A_189 : i32
      %and3A_191 = arith.andi %ge3A_162, %le3A_190 : i1
      %and3A_192 = arith.andi %eq3A_160, %and3A_191 : i1
      %convert_element_type3A_193 = arith.extui %and3A_192 : i1 to i32
      %cond3A_194 = arith.constant 0 : i32
      %cond3A_195 = arith.cmpi ne, %convert_element_type3A_193, %cond3A_194 : i32
      scf.if %cond3A_195 {
        %jit3A_438 = arith.constant 6 : i32
        %div3A_439 = arith.divsi %add3A_86, %jit3A_438 : i32
        %sign3A_440 = arith.constant 0 : i32
        %sign3A_441 = arith.cmpi sgt, %add3A_86, %sign3A_440 : i32
        %sign3A_442 = arith.extui %sign3A_441 : i1 to i32
        %sign3A_443 = arith.constant 0 : i32
        %sign3A_444 = arith.cmpi slt, %add3A_86, %sign3A_443 : i32
        %sign3A_445 = arith.extui %sign3A_444 : i1 to i32
        %sign3A_446 = arith.subi %sign3A_442, %sign3A_445 : i32
        %sign3A_447 = arith.constant 0 : i32
        %sign3A_448 = arith.cmpi sgt, %jit3A_438, %sign3A_447 : i32
        %sign3A_449 = arith.extui %sign3A_448 : i1 to i32
        %sign3A_450 = arith.constant 0 : i32
        %sign3A_451 = arith.cmpi slt, %jit3A_438, %sign3A_450 : i32
        %sign3A_452 = arith.extui %sign3A_451 : i1 to i32
        %sign3A_453 = arith.subi %sign3A_449, %sign3A_452 : i32
        %ne3A_454 = arith.cmpi ne, %sign3A_446, %sign3A_453 : i32
        %rem3A_455 = arith.remsi %add3A_86, %jit3A_438 : i32
        %ne3A_456 = arith.constant 0 : i32
        %ne3A_457 = arith.cmpi ne, %rem3A_455, %ne3A_456 : i32
        %and3A_458 = arith.andi %ne3A_454, %ne3A_457 : i1
        %sub3A_459 = arith.constant 1 : i32
        %sub3A_460 = arith.subi %div3A_439, %sub3A_459 : i32
        %select_n3A_461 = arith.select %and3A_458, %sub3A_460, %div3A_439 : i32
        %add3A_462 = arith.constant 1 : i32
        %add3A_463 = arith.addi %select_n3A_461, %add3A_462 : i32
        %rem3A_464 = arith.constant 2 : i32
        %rem3A_465 = arith.remsi %add3A_463, %rem3A_464 : i32
        %dma_start3A_466 = arith.constant 0 : i32
        %dma_start3A_467 = arith.constant 0 : i32
        %dma_start3A_468 = tpu.memref_slice %arg8[%rem3A_465, %dma_start3A_466, %dma_start3A_467] : memref<2x6x112xi32, #tpu.memory_space<vmem>> -> memref<1x6x112xi32, #tpu.memory_space<vmem>>
        %dma_start3A_469 = tpu.memref_squeeze %dma_start3A_468 : memref<1x6x112xi32, #tpu.memory_space<vmem>> -> memref<6x112xi32, #tpu.memory_space<vmem>>
        %dma_start3A_470 = arith.constant 0 : i32
        %dma_start3A_471 = arith.constant 0 : i32
        %dma_start3A_472 = tpu.memref_slice %arg3[%add3A, %add3A_463, %dma_start3A_470, %dma_start3A_471] : memref<32x15x6x112xi32, #tpu.memory_space<hbm>> -> memref<1x1x6x112xi32, #tpu.memory_space<hbm>>
        %dma_start3A_473 = tpu.memref_squeeze %dma_start3A_472 : memref<1x1x6x112xi32, #tpu.memory_space<hbm>> -> memref<6x112xi32, #tpu.memory_space<hbm>>
        %dma_start3A_474 = arith.constant 0 : i32
        %dma_start3A_475 = arith.constant 0 : i32
        %dma_start3A_476 = tpu.memref_slice %arg8[%rem3A_465, %dma_start3A_474, %dma_start3A_475] : memref<2x6x112xi32, #tpu.memory_space<vmem>> -> memref<1x6x112xi32, #tpu.memory_space<vmem>>
        %dma_start3A_477 = tpu.memref_squeeze %dma_start3A_476 : memref<1x6x112xi32, #tpu.memory_space<vmem>> -> memref<6x112xi32, #tpu.memory_space<vmem>>
        %dma_start3A_478 = arith.constant 0 : i32
        %dma_start3A_479 = arith.constant 0 : i32
        %dma_start3A_480 = tpu.memref_slice %arg3[%add3A, %add3A_463, %dma_start3A_478, %dma_start3A_479] : memref<32x15x6x112xi32, #tpu.memory_space<hbm>> -> memref<1x1x6x112xi32, #tpu.memory_space<hbm>>
        %dma_start3A_481 = tpu.memref_squeeze %dma_start3A_480 : memref<1x1x6x112xi32, #tpu.memory_space<hbm>> -> memref<6x112xi32, #tpu.memory_space<hbm>>
        tpu.enqueue_dma source(%dma_start3A_481 : memref<6x112xi32, #tpu.memory_space<hbm>>) target(%dma_start3A_477 : memref<6x112xi32, #tpu.memory_space<vmem>>) target_semaphore(%arg19 : memref<!tpu.dma_semaphore, #tpu.memory_space<semaphore_mem>>)
        %dma_start3A_482 = arith.constant 0 : i32
        %dma_start3A_483 = arith.constant 0 : i32
        %dma_start3A_484 = tpu.memref_slice %arg9[%rem3A_465, %dma_start3A_482, %dma_start3A_483] : memref<2x6x112xi32, #tpu.memory_space<vmem>> -> memref<1x6x112xi32, #tpu.memory_space<vmem>>
        %dma_start3A_485 = tpu.memref_squeeze %dma_start3A_484 : memref<1x6x112xi32, #tpu.memory_space<vmem>> -> memref<6x112xi32, #tpu.memory_space<vmem>>
        %dma_start3A_486 = arith.constant 0 : i32
        %dma_start3A_487 = arith.constant 0 : i32
        %dma_start3A_488 = tpu.memref_slice %arg4[%add3A, %add3A_463, %dma_start3A_486, %dma_start3A_487] : memref<32x15x6x112xi32, #tpu.memory_space<hbm>> -> memref<1x1x6x112xi32, #tpu.memory_space<hbm>>
        %dma_start3A_489 = tpu.memref_squeeze %dma_start3A_488 : memref<1x1x6x112xi32, #tpu.memory_space<hbm>> -> memref<6x112xi32, #tpu.memory_space<hbm>>
        %dma_start3A_490 = arith.constant 0 : i32
        %dma_start3A_491 = arith.constant 0 : i32
        %dma_start3A_492 = tpu.memref_slice %arg9[%rem3A_465, %dma_start3A_490, %dma_start3A_491] : memref<2x6x112xi32, #tpu.memory_space<vmem>> -> memref<1x6x112xi32, #tpu.memory_space<vmem>>
        %dma_start3A_493 = tpu.memref_squeeze %dma_start3A_492 : memref<1x6x112xi32, #tpu.memory_space<vmem>> -> memref<6x112xi32, #tpu.memory_space<vmem>>
        %dma_start3A_494 = arith.constant 0 : i32
        %dma_start3A_495 = arith.constant 0 : i32
        %dma_start3A_496 = tpu.memref_slice %arg4[%add3A, %add3A_463, %dma_start3A_494, %dma_start3A_495] : memref<32x15x6x112xi32, #tpu.memory_space<hbm>> -> memref<1x1x6x112xi32, #tpu.memory_space<hbm>>
        %dma_start3A_497 = tpu.memref_squeeze %dma_start3A_496 : memref<1x1x6x112xi32, #tpu.memory_space<hbm>> -> memref<6x112xi32, #tpu.memory_space<hbm>>
        tpu.enqueue_dma source(%dma_start3A_497 : memref<6x112xi32, #tpu.memory_space<hbm>>) target(%dma_start3A_493 : memref<6x112xi32, #tpu.memory_space<vmem>>) target_semaphore(%arg19 : memref<!tpu.dma_semaphore, #tpu.memory_space<semaphore_mem>>)
      } else {
      }
      %mul3A_196 = arith.constant 3 : i32
      %mul3A_197 = arith.muli %mul3A_196, %scan3A_82 : i32
      %add3A_198 = arith.constant 1 : i32
      %add3A_199 = arith.addi %mul3A_197, %add3A_198 : i32
      %jit3A_200 = arith.constant 6 : i32
      %div3A_201 = arith.divsi %add3A_199, %jit3A_200 : i32
      %sign3A_202 = arith.constant 0 : i32
      %sign3A_203 = arith.cmpi sgt, %add3A_199, %sign3A_202 : i32
      %sign3A_204 = arith.extui %sign3A_203 : i1 to i32
      %sign3A_205 = arith.constant 0 : i32
      %sign3A_206 = arith.cmpi slt, %add3A_199, %sign3A_205 : i32
      %sign3A_207 = arith.extui %sign3A_206 : i1 to i32
      %sign3A_208 = arith.subi %sign3A_204, %sign3A_207 : i32
      %sign3A_209 = arith.constant 0 : i32
      %sign3A_210 = arith.cmpi sgt, %jit3A_200, %sign3A_209 : i32
      %sign3A_211 = arith.extui %sign3A_210 : i1 to i32
      %sign3A_212 = arith.constant 0 : i32
      %sign3A_213 = arith.cmpi slt, %jit3A_200, %sign3A_212 : i32
      %sign3A_214 = arith.extui %sign3A_213 : i1 to i32
      %sign3A_215 = arith.subi %sign3A_211, %sign3A_214 : i32
      %ne3A_216 = arith.cmpi ne, %sign3A_208, %sign3A_215 : i32
      %rem3A_217 = arith.remsi %add3A_199, %jit3A_200 : i32
      %ne3A_218 = arith.constant 0 : i32
      %ne3A_219 = arith.cmpi ne, %rem3A_217, %ne3A_218 : i32
      %and3A_220 = arith.andi %ne3A_216, %ne3A_219 : i1
      %sub3A_221 = arith.constant 1 : i32
      %sub3A_222 = arith.subi %div3A_201, %sub3A_221 : i32
      %select_n3A_223 = arith.select %and3A_220, %sub3A_222, %div3A_201 : i32
      %rem3A_224 = arith.constant 2 : i32
      %rem3A_225 = arith.remsi %select_n3A_223, %rem3A_224 : i32
      %rem3A_226 = arith.constant 6 : i32
      %rem3A_227 = arith.remsi %add3A_199, %rem3A_226 : i32
      %dma_wait3A_228 = arith.constant 0 : i32
      %dma_wait3A_229 = tpu.memref_slice %arg8[%rem3A_225, %rem3A_227, %dma_wait3A_228] : memref<2x6x112xi32, #tpu.memory_space<vmem>> -> memref<1x1x112xi32, #tpu.memory_space<vmem>>
      %dma_wait3A_230 = tpu.memref_squeeze %dma_wait3A_229 : memref<1x1x112xi32, #tpu.memory_space<vmem>> -> memref<112xi32, #tpu.memory_space<vmem>>
      %dma_wait3A_231 = arith.constant 0 : i32
      %dma_wait3A_232 = arith.constant 0 : i32
      %dma_wait3A_233 = tpu.memref_slice %arg2[%dma_wait3A_231, %dma_wait3A_232] : memref<10240x128xf32, #tpu.memory_space<hbm>> -> memref<10240x128xf32, #tpu.memory_space<hbm>>
      tpu.wait_indirect_dma semaphore(%arg14 : memref<!tpu.dma_semaphore, #tpu.memory_space<semaphore_mem>>) src(%dma_wait3A_233 : memref<10240x128xf32, #tpu.memory_space<hbm>>) dst(%arg11 : memref<112x128xf32, #tpu.memory_space<vmem>>)
      %jit3A_234 = arith.constant 6 : i32
      %div3A_235 = arith.divsi %add3A_199, %jit3A_234 : i32
      %sign3A_236 = arith.constant 0 : i32
      %sign3A_237 = arith.cmpi sgt, %add3A_199, %sign3A_236 : i32
      %sign3A_238 = arith.extui %sign3A_237 : i1 to i32
      %sign3A_239 = arith.constant 0 : i32
      %sign3A_240 = arith.cmpi slt, %add3A_199, %sign3A_239 : i32
      %sign3A_241 = arith.extui %sign3A_240 : i1 to i32
      %sign3A_242 = arith.subi %sign3A_238, %sign3A_241 : i32
      %sign3A_243 = arith.constant 0 : i32
      %sign3A_244 = arith.cmpi sgt, %jit3A_234, %sign3A_243 : i32
      %sign3A_245 = arith.extui %sign3A_244 : i1 to i32
      %sign3A_246 = arith.constant 0 : i32
      %sign3A_247 = arith.cmpi slt, %jit3A_234, %sign3A_246 : i32
      %sign3A_248 = arith.extui %sign3A_247 : i1 to i32
      %sign3A_249 = arith.subi %sign3A_245, %sign3A_248 : i32
      %ne3A_250 = arith.cmpi ne, %sign3A_242, %sign3A_249 : i32
      %rem3A_251 = arith.remsi %add3A_199, %jit3A_234 : i32
      %ne3A_252 = arith.constant 0 : i32
      %ne3A_253 = arith.cmpi ne, %rem3A_251, %ne3A_252 : i32
      %and3A_254 = arith.andi %ne3A_250, %ne3A_253 : i1
      %sub3A_255 = arith.constant 1 : i32
      %sub3A_256 = arith.subi %div3A_235, %sub3A_255 : i32
      %select_n3A_257 = arith.select %and3A_254, %sub3A_256, %div3A_235 : i32
      %rem3A_258 = arith.constant 2 : i32
      %rem3A_259 = arith.remsi %select_n3A_257, %rem3A_258 : i32
      %rem3A_260 = arith.constant 6 : i32
      %rem3A_261 = arith.remsi %add3A_199, %rem3A_260 : i32
      %dma_start3A_262 = arith.constant 0 : i32
      %dma_start3A_263 = tpu.memref_slice %arg9[%rem3A_259, %rem3A_261, %dma_start3A_262] : memref<2x6x112xi32, #tpu.memory_space<vmem>> -> memref<1x1x112xi32, #tpu.memory_space<vmem>>
      %dma_start3A_264 = tpu.memref_squeeze %dma_start3A_263 : memref<1x1x112xi32, #tpu.memory_space<vmem>> -> memref<112xi32, #tpu.memory_space<vmem>>
      %dma_start3A_265 = arith.constant 0 : i32
      %dma_start3A_266 = arith.constant 0 : i32
      %dma_start3A_267 = tpu.memref_slice %arg7[%dma_start3A_265, %dma_start3A_266] : memref<10240x128xf32, #tpu.memory_space<vmem_shared>> -> memref<10240x128xf32, #tpu.memory_space<vmem_shared>>
      tpu.enqueue_indirect_dma source(%arg11 : memref<112x128xf32, #tpu.memory_space<vmem>>) target(%dma_start3A_267 : memref<10240x128xf32, #tpu.memory_space<vmem_shared>>) offsets(%dma_start3A_264 : memref<112xi32, #tpu.memory_space<vmem>>) semaphore(%arg17 : memref<!tpu.dma_semaphore, #tpu.memory_space<semaphore_mem>>) {add = true}
      %ge3A_268 = arith.constant 1 : i32
      %ge3A_269 = arith.cmpi sge, %add3A_199, %ge3A_268 : i32
      %add3A_270 = arith.constant 2 : i32
      %add3A_271 = arith.addi %add3A_199, %add3A_270 : i32
      %le3A_272 = arith.constant 89 : i32
      %le3A_273 = arith.cmpi sle, %add3A_271, %le3A_272 : i32
      %and3A_274 = arith.andi %ge3A_269, %le3A_273 : i1
      %convert_element_type3A_275 = arith.extui %and3A_274 : i1 to i32
      %cond3A_276 = arith.constant 0 : i32
      %cond3A_277 = arith.cmpi ne, %convert_element_type3A_275, %cond3A_276 : i32
      scf.if %cond3A_277 {
        %sub3A_438 = arith.constant 1 : i32
        %sub3A_439 = arith.subi %add3A_199, %sub3A_438 : i32
        %jit3A_440 = arith.constant 6 : i32
        %div3A_441 = arith.divsi %sub3A_439, %jit3A_440 : i32
        %sign3A_442 = arith.constant 0 : i32
        %sign3A_443 = arith.cmpi sgt, %sub3A_439, %sign3A_442 : i32
        %sign3A_444 = arith.extui %sign3A_443 : i1 to i32
        %sign3A_445 = arith.constant 0 : i32
        %sign3A_446 = arith.cmpi slt, %sub3A_439, %sign3A_445 : i32
        %sign3A_447 = arith.extui %sign3A_446 : i1 to i32
        %sign3A_448 = arith.subi %sign3A_444, %sign3A_447 : i32
        %sign3A_449 = arith.constant 0 : i32
        %sign3A_450 = arith.cmpi sgt, %jit3A_440, %sign3A_449 : i32
        %sign3A_451 = arith.extui %sign3A_450 : i1 to i32
        %sign3A_452 = arith.constant 0 : i32
        %sign3A_453 = arith.cmpi slt, %jit3A_440, %sign3A_452 : i32
        %sign3A_454 = arith.extui %sign3A_453 : i1 to i32
        %sign3A_455 = arith.subi %sign3A_451, %sign3A_454 : i32
        %ne3A_456 = arith.cmpi ne, %sign3A_448, %sign3A_455 : i32
        %rem3A_457 = arith.remsi %sub3A_439, %jit3A_440 : i32
        %ne3A_458 = arith.constant 0 : i32
        %ne3A_459 = arith.cmpi ne, %rem3A_457, %ne3A_458 : i32
        %and3A_460 = arith.andi %ne3A_456, %ne3A_459 : i1
        %sub3A_461 = arith.constant 1 : i32
        %sub3A_462 = arith.subi %div3A_441, %sub3A_461 : i32
        %select_n3A_463 = arith.select %and3A_460, %sub3A_462, %div3A_441 : i32
        %rem3A_464 = arith.constant 2 : i32
        %rem3A_465 = arith.remsi %select_n3A_463, %rem3A_464 : i32
        %sub3A_466 = arith.constant 1 : i32
        %sub3A_467 = arith.subi %add3A_199, %sub3A_466 : i32
        %rem3A_468 = arith.constant 6 : i32
        %rem3A_469 = arith.remsi %sub3A_467, %rem3A_468 : i32
        %dma_wait3A_470 = arith.constant 0 : i32
        %dma_wait3A_471 = tpu.memref_slice %arg9[%rem3A_465, %rem3A_469, %dma_wait3A_470] : memref<2x6x112xi32, #tpu.memory_space<vmem>> -> memref<1x1x112xi32, #tpu.memory_space<vmem>>
        %dma_wait3A_472 = tpu.memref_squeeze %dma_wait3A_471 : memref<1x1x112xi32, #tpu.memory_space<vmem>> -> memref<112xi32, #tpu.memory_space<vmem>>
        %dma_wait3A_473 = arith.constant 0 : i32
        %dma_wait3A_474 = arith.constant 0 : i32
        %dma_wait3A_475 = tpu.memref_slice %arg7[%dma_wait3A_473, %dma_wait3A_474] : memref<10240x128xf32, #tpu.memory_space<vmem_shared>> -> memref<10240x128xf32, #tpu.memory_space<vmem_shared>>
        tpu.wait_indirect_dma semaphore(%arg16 : memref<!tpu.dma_semaphore, #tpu.memory_space<semaphore_mem>>) src(%arg10 : memref<112x128xf32, #tpu.memory_space<vmem>>) dst(%dma_wait3A_475 : memref<10240x128xf32, #tpu.memory_space<vmem_shared>>)
        %add3A_476 = arith.constant 2 : i32
        %add3A_477 = arith.addi %add3A_199, %add3A_476 : i32
        %rem3A_478 = arith.constant 6 : i32
        %rem3A_479 = arith.remsi %add3A_477, %rem3A_478 : i32
        %eq3A_480 = arith.constant 0 : i32
        %eq3A_481 = arith.cmpi eq, %rem3A_479, %eq3A_480 : i32
        %add3A_482 = arith.constant 2 : i32
        %add3A_483 = arith.addi %add3A_199, %add3A_482 : i32
        %jit3A_484 = arith.constant 6 : i32
        %div3A_485 = arith.divsi %add3A_483, %jit3A_484 : i32
        %sign3A_486 = arith.constant 0 : i32
        %sign3A_487 = arith.cmpi sgt, %add3A_483, %sign3A_486 : i32
        %sign3A_488 = arith.extui %sign3A_487 : i1 to i32
        %sign3A_489 = arith.constant 0 : i32
        %sign3A_490 = arith.cmpi slt, %add3A_483, %sign3A_489 : i32
        %sign3A_491 = arith.extui %sign3A_490 : i1 to i32
        %sign3A_492 = arith.subi %sign3A_488, %sign3A_491 : i32
        %sign3A_493 = arith.constant 0 : i32
        %sign3A_494 = arith.cmpi sgt, %jit3A_484, %sign3A_493 : i32
        %sign3A_495 = arith.extui %sign3A_494 : i1 to i32
        %sign3A_496 = arith.constant 0 : i32
        %sign3A_497 = arith.cmpi slt, %jit3A_484, %sign3A_496 : i32
        %sign3A_498 = arith.extui %sign3A_497 : i1 to i32
        %sign3A_499 = arith.subi %sign3A_495, %sign3A_498 : i32
        %ne3A_500 = arith.cmpi ne, %sign3A_492, %sign3A_499 : i32
        %rem3A_501 = arith.remsi %add3A_483, %jit3A_484 : i32
        %ne3A_502 = arith.constant 0 : i32
        %ne3A_503 = arith.cmpi ne, %rem3A_501, %ne3A_502 : i32
        %and3A_504 = arith.andi %ne3A_500, %ne3A_503 : i1
        %sub3A_505 = arith.constant 1 : i32
        %sub3A_506 = arith.subi %div3A_485, %sub3A_505 : i32
        %select_n3A_507 = arith.select %and3A_504, %sub3A_506, %div3A_485 : i32
        %ge3A_508 = arith.constant 2 : i32
        %ge3A_509 = arith.cmpi sge, %select_n3A_507, %ge3A_508 : i32
        %and3A_510 = arith.andi %eq3A_481, %ge3A_509 : i1
        %convert_element_type3A_511 = arith.extui %and3A_510 : i1 to i32
        %cond3A_512 = arith.constant 0 : i32
        %cond3A_513 = arith.cmpi ne, %convert_element_type3A_511, %cond3A_512 : i32
        scf.if %cond3A_513 {
          %dma_wait3A_552 = arith.constant 0 : i32
          %dma_wait3A_553 = arith.constant 0 : i32
          %dma_wait3A_554 = arith.constant 0 : i32
          %dma_wait3A_555 = arith.constant 0 : i32
          %dma_wait3A_556 = tpu.memref_slice %arg8[%dma_wait3A_553, %dma_wait3A_554, %dma_wait3A_555] : memref<2x6x112xi32, #tpu.memory_space<vmem>> -> memref<1x6x112xi32, #tpu.memory_space<vmem>>
          %dma_wait3A_557 = tpu.memref_squeeze %dma_wait3A_556 : memref<1x6x112xi32, #tpu.memory_space<vmem>> -> memref<6x112xi32, #tpu.memory_space<vmem>>
          %dma_wait3A_558 = arith.constant 0 : i32
          %dma_wait3A_559 = arith.constant 0 : i32
          %dma_wait3A_560 = tpu.memref_slice %arg3[%add3A, %dma_wait3A_552, %dma_wait3A_558, %dma_wait3A_559] : memref<32x15x6x112xi32, #tpu.memory_space<hbm>> -> memref<1x1x6x112xi32, #tpu.memory_space<hbm>>
          %dma_wait3A_561 = tpu.memref_squeeze %dma_wait3A_560 : memref<1x1x6x112xi32, #tpu.memory_space<hbm>> -> memref<6x112xi32, #tpu.memory_space<hbm>>
          %dma_wait3A_562 = arith.constant 0 : i32
          %dma_wait3A_563 = arith.constant 0 : i32
          %dma_wait3A_564 = tpu.memref_slice %arg8[%dma_wait3A_553, %dma_wait3A_562, %dma_wait3A_563] : memref<2x6x112xi32, #tpu.memory_space<vmem>> -> memref<1x6x112xi32, #tpu.memory_space<vmem>>
          %dma_wait3A_565 = tpu.memref_squeeze %dma_wait3A_564 : memref<1x6x112xi32, #tpu.memory_space<vmem>> -> memref<6x112xi32, #tpu.memory_space<vmem>>
          %dma_wait3A_566 = arith.constant 0 : i32
          %dma_wait3A_567 = arith.constant 0 : i32
          %dma_wait3A_568 = tpu.memref_slice %arg3[%add3A, %dma_wait3A_552, %dma_wait3A_566, %dma_wait3A_567] : memref<32x15x6x112xi32, #tpu.memory_space<hbm>> -> memref<1x1x6x112xi32, #tpu.memory_space<hbm>>
          %dma_wait3A_569 = tpu.memref_squeeze %dma_wait3A_568 : memref<1x1x6x112xi32, #tpu.memory_space<hbm>> -> memref<6x112xi32, #tpu.memory_space<hbm>>
          tpu.wait_dma2 semaphore(%arg19 : memref<!tpu.dma_semaphore, #tpu.memory_space<semaphore_mem>>) src(%dma_wait3A_569 : memref<6x112xi32, #tpu.memory_space<hbm>>) dst(%dma_wait3A_565 : memref<6x112xi32, #tpu.memory_space<vmem>>)
          %dma_wait3A_570 = arith.constant 0 : i32
          %dma_wait3A_571 = arith.constant 0 : i32
          %dma_wait3A_572 = arith.constant 0 : i32
          %dma_wait3A_573 = arith.constant 0 : i32
          %dma_wait3A_574 = tpu.memref_slice %arg9[%dma_wait3A_571, %dma_wait3A_572, %dma_wait3A_573] : memref<2x6x112xi32, #tpu.memory_space<vmem>> -> memref<1x6x112xi32, #tpu.memory_space<vmem>>
          %dma_wait3A_575 = tpu.memref_squeeze %dma_wait3A_574 : memref<1x6x112xi32, #tpu.memory_space<vmem>> -> memref<6x112xi32, #tpu.memory_space<vmem>>
          %dma_wait3A_576 = arith.constant 0 : i32
          %dma_wait3A_577 = arith.constant 0 : i32
          %dma_wait3A_578 = tpu.memref_slice %arg4[%add3A, %dma_wait3A_570, %dma_wait3A_576, %dma_wait3A_577] : memref<32x15x6x112xi32, #tpu.memory_space<hbm>> -> memref<1x1x6x112xi32, #tpu.memory_space<hbm>>
          %dma_wait3A_579 = tpu.memref_squeeze %dma_wait3A_578 : memref<1x1x6x112xi32, #tpu.memory_space<hbm>> -> memref<6x112xi32, #tpu.memory_space<hbm>>
          %dma_wait3A_580 = arith.constant 0 : i32
          %dma_wait3A_581 = arith.constant 0 : i32
          %dma_wait3A_582 = tpu.memref_slice %arg9[%dma_wait3A_571, %dma_wait3A_580, %dma_wait3A_581] : memref<2x6x112xi32, #tpu.memory_space<vmem>> -> memref<1x6x112xi32, #tpu.memory_space<vmem>>
          %dma_wait3A_583 = tpu.memref_squeeze %dma_wait3A_582 : memref<1x6x112xi32, #tpu.memory_space<vmem>> -> memref<6x112xi32, #tpu.memory_space<vmem>>
          %dma_wait3A_584 = arith.constant 0 : i32
          %dma_wait3A_585 = arith.constant 0 : i32
          %dma_wait3A_586 = tpu.memref_slice %arg4[%add3A, %dma_wait3A_570, %dma_wait3A_584, %dma_wait3A_585] : memref<32x15x6x112xi32, #tpu.memory_space<hbm>> -> memref<1x1x6x112xi32, #tpu.memory_space<hbm>>
          %dma_wait3A_587 = tpu.memref_squeeze %dma_wait3A_586 : memref<1x1x6x112xi32, #tpu.memory_space<hbm>> -> memref<6x112xi32, #tpu.memory_space<hbm>>
          tpu.wait_dma2 semaphore(%arg19 : memref<!tpu.dma_semaphore, #tpu.memory_space<semaphore_mem>>) src(%dma_wait3A_587 : memref<6x112xi32, #tpu.memory_space<hbm>>) dst(%dma_wait3A_583 : memref<6x112xi32, #tpu.memory_space<vmem>>)
        } else {
        }
        %add3A_514 = arith.constant 2 : i32
        %add3A_515 = arith.addi %add3A_199, %add3A_514 : i32
        %jit3A_516 = arith.constant 6 : i32
        %div3A_517 = arith.divsi %add3A_515, %jit3A_516 : i32
        %sign3A_518 = arith.constant 0 : i32
        %sign3A_519 = arith.cmpi sgt, %add3A_515, %sign3A_518 : i32
        %sign3A_520 = arith.extui %sign3A_519 : i1 to i32
        %sign3A_521 = arith.constant 0 : i32
        %sign3A_522 = arith.cmpi slt, %add3A_515, %sign3A_521 : i32
        %sign3A_523 = arith.extui %sign3A_522 : i1 to i32
        %sign3A_524 = arith.subi %sign3A_520, %sign3A_523 : i32
        %sign3A_525 = arith.constant 0 : i32
        %sign3A_526 = arith.cmpi sgt, %jit3A_516, %sign3A_525 : i32
        %sign3A_527 = arith.extui %sign3A_526 : i1 to i32
        %sign3A_528 = arith.constant 0 : i32
        %sign3A_529 = arith.cmpi slt, %jit3A_516, %sign3A_528 : i32
        %sign3A_530 = arith.extui %sign3A_529 : i1 to i32
        %sign3A_531 = arith.subi %sign3A_527, %sign3A_530 : i32
        %ne3A_532 = arith.cmpi ne, %sign3A_524, %sign3A_531 : i32
        %rem3A_533 = arith.remsi %add3A_515, %jit3A_516 : i32
        %ne3A_534 = arith.constant 0 : i32
        %ne3A_535 = arith.cmpi ne, %rem3A_533, %ne3A_534 : i32
        %and3A_536 = arith.andi %ne3A_532, %ne3A_535 : i1
        %sub3A_537 = arith.constant 1 : i32
        %sub3A_538 = arith.subi %div3A_517, %sub3A_537 : i32
        %select_n3A_539 = arith.select %and3A_536, %sub3A_538, %div3A_517 : i32
        %rem3A_540 = arith.constant 2 : i32
        %rem3A_541 = arith.remsi %select_n3A_539, %rem3A_540 : i32
        %add3A_542 = arith.constant 2 : i32
        %add3A_543 = arith.addi %add3A_199, %add3A_542 : i32
        %rem3A_544 = arith.constant 6 : i32
        %rem3A_545 = arith.remsi %add3A_543, %rem3A_544 : i32
        %dma_start3A_546 = arith.constant 0 : i32
        %dma_start3A_547 = tpu.memref_slice %arg8[%rem3A_541, %rem3A_545, %dma_start3A_546] : memref<2x6x112xi32, #tpu.memory_space<vmem>> -> memref<1x1x112xi32, #tpu.memory_space<vmem>>
        %dma_start3A_548 = tpu.memref_squeeze %dma_start3A_547 : memref<1x1x112xi32, #tpu.memory_space<vmem>> -> memref<112xi32, #tpu.memory_space<vmem>>
        %dma_start3A_549 = arith.constant 0 : i32
        %dma_start3A_550 = arith.constant 0 : i32
        %dma_start3A_551 = tpu.memref_slice %arg2[%dma_start3A_549, %dma_start3A_550] : memref<10240x128xf32, #tpu.memory_space<hbm>> -> memref<10240x128xf32, #tpu.memory_space<hbm>>
        tpu.enqueue_indirect_dma source(%dma_start3A_551 : memref<10240x128xf32, #tpu.memory_space<hbm>>) target(%arg10 : memref<112x128xf32, #tpu.memory_space<vmem>>) offsets(%dma_start3A_548 : memref<112xi32, #tpu.memory_space<vmem>>) semaphore(%arg13 : memref<!tpu.dma_semaphore, #tpu.memory_space<semaphore_mem>>)
      } else {
      }
      %rem3A_278 = arith.constant 6 : i32
      %rem3A_279 = arith.remsi %add3A_199, %rem3A_278 : i32
      %eq3A_280 = arith.constant 0 : i32
      %eq3A_281 = arith.cmpi eq, %rem3A_279, %eq3A_280 : i32
      %ge3A_282 = arith.constant 6 : i32
      %ge3A_283 = arith.cmpi sge, %add3A_199, %ge3A_282 : i32
      %jit3A_284 = arith.constant 6 : i32
      %div3A_285 = arith.divsi %add3A_199, %jit3A_284 : i32
      %sign3A_286 = arith.constant 0 : i32
      %sign3A_287 = arith.cmpi sgt, %add3A_199, %sign3A_286 : i32
      %sign3A_288 = arith.extui %sign3A_287 : i1 to i32
      %sign3A_289 = arith.constant 0 : i32
      %sign3A_290 = arith.cmpi slt, %add3A_199, %sign3A_289 : i32
      %sign3A_291 = arith.extui %sign3A_290 : i1 to i32
      %sign3A_292 = arith.subi %sign3A_288, %sign3A_291 : i32
      %sign3A_293 = arith.constant 0 : i32
      %sign3A_294 = arith.cmpi sgt, %jit3A_284, %sign3A_293 : i32
      %sign3A_295 = arith.extui %sign3A_294 : i1 to i32
      %sign3A_296 = arith.constant 0 : i32
      %sign3A_297 = arith.cmpi slt, %jit3A_284, %sign3A_296 : i32
      %sign3A_298 = arith.extui %sign3A_297 : i1 to i32
      %sign3A_299 = arith.subi %sign3A_295, %sign3A_298 : i32
      %ne3A_300 = arith.cmpi ne, %sign3A_292, %sign3A_299 : i32
      %rem3A_301 = arith.remsi %add3A_199, %jit3A_284 : i32
      %ne3A_302 = arith.constant 0 : i32
      %ne3A_303 = arith.cmpi ne, %rem3A_301, %ne3A_302 : i32
      %and3A_304 = arith.andi %ne3A_300, %ne3A_303 : i1
      %sub3A_305 = arith.constant 1 : i32
      %sub3A_306 = arith.subi %div3A_285, %sub3A_305 : i32
      %select_n3A_307 = arith.select %and3A_304, %sub3A_306, %div3A_285 : i32
      %add3A_308 = arith.constant 1 : i32
      %add3A_309 = arith.addi %select_n3A_307, %add3A_308 : i32
      %le3A_310 = arith.constant 14 : i32
      %le3A_311 = arith.cmpi sle, %add3A_309, %le3A_310 : i32
      %and3A_312 = arith.andi %ge3A_283, %le3A_311 : i1
      %and3A_313 = arith.andi %eq3A_281, %and3A_312 : i1
      %convert_element_type3A_314 = arith.extui %and3A_313 : i1 to i32
      %cond3A_315 = arith.constant 0 : i32
      %cond3A_316 = arith.cmpi ne, %convert_element_type3A_314, %cond3A_315 : i32
      scf.if %cond3A_316 {
        %jit3A_438 = arith.constant 6 : i32
        %div3A_439 = arith.divsi %add3A_199, %jit3A_438 : i32
        %sign3A_440 = arith.constant 0 : i32
        %sign3A_441 = arith.cmpi sgt, %add3A_199, %sign3A_440 : i32
        %sign3A_442 = arith.extui %sign3A_441 : i1 to i32
        %sign3A_443 = arith.constant 0 : i32
        %sign3A_444 = arith.cmpi slt, %add3A_199, %sign3A_443 : i32
        %sign3A_445 = arith.extui %sign3A_444 : i1 to i32
        %sign3A_446 = arith.subi %sign3A_442, %sign3A_445 : i32
        %sign3A_447 = arith.constant 0 : i32
        %sign3A_448 = arith.cmpi sgt, %jit3A_438, %sign3A_447 : i32
        %sign3A_449 = arith.extui %sign3A_448 : i1 to i32
        %sign3A_450 = arith.constant 0 : i32
        %sign3A_451 = arith.cmpi slt, %jit3A_438, %sign3A_450 : i32
        %sign3A_452 = arith.extui %sign3A_451 : i1 to i32
        %sign3A_453 = arith.subi %sign3A_449, %sign3A_452 : i32
        %ne3A_454 = arith.cmpi ne, %sign3A_446, %sign3A_453 : i32
        %rem3A_455 = arith.remsi %add3A_199, %jit3A_438 : i32
        %ne3A_456 = arith.constant 0 : i32
        %ne3A_457 = arith.cmpi ne, %rem3A_455, %ne3A_456 : i32
        %and3A_458 = arith.andi %ne3A_454, %ne3A_457 : i1
        %sub3A_459 = arith.constant 1 : i32
        %sub3A_460 = arith.subi %div3A_439, %sub3A_459 : i32
        %select_n3A_461 = arith.select %and3A_458, %sub3A_460, %div3A_439 : i32
        %add3A_462 = arith.constant 1 : i32
        %add3A_463 = arith.addi %select_n3A_461, %add3A_462 : i32
        %rem3A_464 = arith.constant 2 : i32
        %rem3A_465 = arith.remsi %add3A_463, %rem3A_464 : i32
        %dma_start3A_466 = arith.constant 0 : i32
        %dma_start3A_467 = arith.constant 0 : i32
        %dma_start3A_468 = tpu.memref_slice %arg8[%rem3A_465, %dma_start3A_466, %dma_start3A_467] : memref<2x6x112xi32, #tpu.memory_space<vmem>> -> memref<1x6x112xi32, #tpu.memory_space<vmem>>
        %dma_start3A_469 = tpu.memref_squeeze %dma_start3A_468 : memref<1x6x112xi32, #tpu.memory_space<vmem>> -> memref<6x112xi32, #tpu.memory_space<vmem>>
        %dma_start3A_470 = arith.constant 0 : i32
        %dma_start3A_471 = arith.constant 0 : i32
        %dma_start3A_472 = tpu.memref_slice %arg3[%add3A, %add3A_463, %dma_start3A_470, %dma_start3A_471] : memref<32x15x6x112xi32, #tpu.memory_space<hbm>> -> memref<1x1x6x112xi32, #tpu.memory_space<hbm>>
        %dma_start3A_473 = tpu.memref_squeeze %dma_start3A_472 : memref<1x1x6x112xi32, #tpu.memory_space<hbm>> -> memref<6x112xi32, #tpu.memory_space<hbm>>
        %dma_start3A_474 = arith.constant 0 : i32
        %dma_start3A_475 = arith.constant 0 : i32
        %dma_start3A_476 = tpu.memref_slice %arg8[%rem3A_465, %dma_start3A_474, %dma_start3A_475] : memref<2x6x112xi32, #tpu.memory_space<vmem>> -> memref<1x6x112xi32, #tpu.memory_space<vmem>>
        %dma_start3A_477 = tpu.memref_squeeze %dma_start3A_476 : memref<1x6x112xi32, #tpu.memory_space<vmem>> -> memref<6x112xi32, #tpu.memory_space<vmem>>
        %dma_start3A_478 = arith.constant 0 : i32
        %dma_start3A_479 = arith.constant 0 : i32
        %dma_start3A_480 = tpu.memref_slice %arg3[%add3A, %add3A_463, %dma_start3A_478, %dma_start3A_479] : memref<32x15x6x112xi32, #tpu.memory_space<hbm>> -> memref<1x1x6x112xi32, #tpu.memory_space<hbm>>
        %dma_start3A_481 = tpu.memref_squeeze %dma_start3A_480 : memref<1x1x6x112xi32, #tpu.memory_space<hbm>> -> memref<6x112xi32, #tpu.memory_space<hbm>>
        tpu.enqueue_dma source(%dma_start3A_481 : memref<6x112xi32, #tpu.memory_space<hbm>>) target(%dma_start3A_477 : memref<6x112xi32, #tpu.memory_space<vmem>>) target_semaphore(%arg19 : memref<!tpu.dma_semaphore, #tpu.memory_space<semaphore_mem>>)
        %dma_start3A_482 = arith.constant 0 : i32
        %dma_start3A_483 = arith.constant 0 : i32
        %dma_start3A_484 = tpu.memref_slice %arg9[%rem3A_465, %dma_start3A_482, %dma_start3A_483] : memref<2x6x112xi32, #tpu.memory_space<vmem>> -> memref<1x6x112xi32, #tpu.memory_space<vmem>>
        %dma_start3A_485 = tpu.memref_squeeze %dma_start3A_484 : memref<1x6x112xi32, #tpu.memory_space<vmem>> -> memref<6x112xi32, #tpu.memory_space<vmem>>
        %dma_start3A_486 = arith.constant 0 : i32
        %dma_start3A_487 = arith.constant 0 : i32
        %dma_start3A_488 = tpu.memref_slice %arg4[%add3A, %add3A_463, %dma_start3A_486, %dma_start3A_487] : memref<32x15x6x112xi32, #tpu.memory_space<hbm>> -> memref<1x1x6x112xi32, #tpu.memory_space<hbm>>
        %dma_start3A_489 = tpu.memref_squeeze %dma_start3A_488 : memref<1x1x6x112xi32, #tpu.memory_space<hbm>> -> memref<6x112xi32, #tpu.memory_space<hbm>>
        %dma_start3A_490 = arith.constant 0 : i32
        %dma_start3A_491 = arith.constant 0 : i32
        %dma_start3A_492 = tpu.memref_slice %arg9[%rem3A_465, %dma_start3A_490, %dma_start3A_491] : memref<2x6x112xi32, #tpu.memory_space<vmem>> -> memref<1x6x112xi32, #tpu.memory_space<vmem>>
        %dma_start3A_493 = tpu.memref_squeeze %dma_start3A_492 : memref<1x6x112xi32, #tpu.memory_space<vmem>> -> memref<6x112xi32, #tpu.memory_space<vmem>>
        %dma_start3A_494 = arith.constant 0 : i32
        %dma_start3A_495 = arith.constant 0 : i32
        %dma_start3A_496 = tpu.memref_slice %arg4[%add3A, %add3A_463, %dma_start3A_494, %dma_start3A_495] : memref<32x15x6x112xi32, #tpu.memory_space<hbm>> -> memref<1x1x6x112xi32, #tpu.memory_space<hbm>>
        %dma_start3A_497 = tpu.memref_squeeze %dma_start3A_496 : memref<1x1x6x112xi32, #tpu.memory_space<hbm>> -> memref<6x112xi32, #tpu.memory_space<hbm>>
        tpu.enqueue_dma source(%dma_start3A_497 : memref<6x112xi32, #tpu.memory_space<hbm>>) target(%dma_start3A_493 : memref<6x112xi32, #tpu.memory_space<vmem>>) target_semaphore(%arg19 : memref<!tpu.dma_semaphore, #tpu.memory_space<semaphore_mem>>)
      } else {
      }
      %mul3A_317 = arith.constant 3 : i32
      %mul3A_318 = arith.muli %mul3A_317, %scan3A_82 : i32
      %add3A_319 = arith.constant 2 : i32
      %add3A_320 = arith.addi %mul3A_318, %add3A_319 : i32
      %jit3A_321 = arith.constant 6 : i32
      %div3A_322 = arith.divsi %add3A_320, %jit3A_321 : i32
      %sign3A_323 = arith.constant 0 : i32
      %sign3A_324 = arith.cmpi sgt, %add3A_320, %sign3A_323 : i32
      %sign3A_325 = arith.extui %sign3A_324 : i1 to i32
      %sign3A_326 = arith.constant 0 : i32
      %sign3A_327 = arith.cmpi slt, %add3A_320, %sign3A_326 : i32
      %sign3A_328 = arith.extui %sign3A_327 : i1 to i32
      %sign3A_329 = arith.subi %sign3A_325, %sign3A_328 : i32
      %sign3A_330 = arith.constant 0 : i32
      %sign3A_331 = arith.cmpi sgt, %jit3A_321, %sign3A_330 : i32
      %sign3A_332 = arith.extui %sign3A_331 : i1 to i32
      %sign3A_333 = arith.constant 0 : i32
      %sign3A_334 = arith.cmpi slt, %jit3A_321, %sign3A_333 : i32
      %sign3A_335 = arith.extui %sign3A_334 : i1 to i32
      %sign3A_336 = arith.subi %sign3A_332, %sign3A_335 : i32
      %ne3A_337 = arith.cmpi ne, %sign3A_329, %sign3A_336 : i32
      %rem3A_338 = arith.remsi %add3A_320, %jit3A_321 : i32
      %ne3A_339 = arith.constant 0 : i32
      %ne3A_340 = arith.cmpi ne, %rem3A_338, %ne3A_339 : i32
      %and3A_341 = arith.andi %ne3A_337, %ne3A_340 : i1
      %sub3A_342 = arith.constant 1 : i32
      %sub3A_343 = arith.subi %div3A_322, %sub3A_342 : i32
      %select_n3A_344 = arith.select %and3A_341, %sub3A_343, %div3A_322 : i32
      %rem3A_345 = arith.constant 2 : i32
      %rem3A_346 = arith.remsi %select_n3A_344, %rem3A_345 : i32
      %rem3A_347 = arith.constant 6 : i32
      %rem3A_348 = arith.remsi %add3A_320, %rem3A_347 : i32
      %dma_wait3A_349 = arith.constant 0 : i32
      %dma_wait3A_350 = tpu.memref_slice %arg8[%rem3A_346, %rem3A_348, %dma_wait3A_349] : memref<2x6x112xi32, #tpu.memory_space<vmem>> -> memref<1x1x112xi32, #tpu.memory_space<vmem>>
      %dma_wait3A_351 = tpu.memref_squeeze %dma_wait3A_350 : memref<1x1x112xi32, #tpu.memory_space<vmem>> -> memref<112xi32, #tpu.memory_space<vmem>>
      %dma_wait3A_352 = arith.constant 0 : i32
      %dma_wait3A_353 = arith.constant 0 : i32
      %dma_wait3A_354 = tpu.memref_slice %arg2[%dma_wait3A_352, %dma_wait3A_353] : memref<10240x128xf32, #tpu.memory_space<hbm>> -> memref<10240x128xf32, #tpu.memory_space<hbm>>
      tpu.wait_indirect_dma semaphore(%arg15 : memref<!tpu.dma_semaphore, #tpu.memory_space<semaphore_mem>>) src(%dma_wait3A_354 : memref<10240x128xf32, #tpu.memory_space<hbm>>) dst(%arg12 : memref<112x128xf32, #tpu.memory_space<vmem>>)
      %jit3A_355 = arith.constant 6 : i32
      %div3A_356 = arith.divsi %add3A_320, %jit3A_355 : i32
      %sign3A_357 = arith.constant 0 : i32
      %sign3A_358 = arith.cmpi sgt, %add3A_320, %sign3A_357 : i32
      %sign3A_359 = arith.extui %sign3A_358 : i1 to i32
      %sign3A_360 = arith.constant 0 : i32
      %sign3A_361 = arith.cmpi slt, %add3A_320, %sign3A_360 : i32
      %sign3A_362 = arith.extui %sign3A_361 : i1 to i32
      %sign3A_363 = arith.subi %sign3A_359, %sign3A_362 : i32
      %sign3A_364 = arith.constant 0 : i32
      %sign3A_365 = arith.cmpi sgt, %jit3A_355, %sign3A_364 : i32
      %sign3A_366 = arith.extui %sign3A_365 : i1 to i32
      %sign3A_367 = arith.constant 0 : i32
      %sign3A_368 = arith.cmpi slt, %jit3A_355, %sign3A_367 : i32
      %sign3A_369 = arith.extui %sign3A_368 : i1 to i32
      %sign3A_370 = arith.subi %sign3A_366, %sign3A_369 : i32
      %ne3A_371 = arith.cmpi ne, %sign3A_363, %sign3A_370 : i32
      %rem3A_372 = arith.remsi %add3A_320, %jit3A_355 : i32
      %ne3A_373 = arith.constant 0 : i32
      %ne3A_374 = arith.cmpi ne, %rem3A_372, %ne3A_373 : i32
      %and3A_375 = arith.andi %ne3A_371, %ne3A_374 : i1
      %sub3A_376 = arith.constant 1 : i32
      %sub3A_377 = arith.subi %div3A_356, %sub3A_376 : i32
      %select_n3A_378 = arith.select %and3A_375, %sub3A_377, %div3A_356 : i32
      %rem3A_379 = arith.constant 2 : i32
      %rem3A_380 = arith.remsi %select_n3A_378, %rem3A_379 : i32
      %rem3A_381 = arith.constant 6 : i32
      %rem3A_382 = arith.remsi %add3A_320, %rem3A_381 : i32
      %dma_start3A_383 = arith.constant 0 : i32
      %dma_start3A_384 = tpu.memref_slice %arg9[%rem3A_380, %rem3A_382, %dma_start3A_383] : memref<2x6x112xi32, #tpu.memory_space<vmem>> -> memref<1x1x112xi32, #tpu.memory_space<vmem>>
      %dma_start3A_385 = tpu.memref_squeeze %dma_start3A_384 : memref<1x1x112xi32, #tpu.memory_space<vmem>> -> memref<112xi32, #tpu.memory_space<vmem>>
      %dma_start3A_386 = arith.constant 0 : i32
      %dma_start3A_387 = arith.constant 0 : i32
      %dma_start3A_388 = tpu.memref_slice %arg7[%dma_start3A_386, %dma_start3A_387] : memref<10240x128xf32, #tpu.memory_space<vmem_shared>> -> memref<10240x128xf32, #tpu.memory_space<vmem_shared>>
      tpu.enqueue_indirect_dma source(%arg12 : memref<112x128xf32, #tpu.memory_space<vmem>>) target(%dma_start3A_388 : memref<10240x128xf32, #tpu.memory_space<vmem_shared>>) offsets(%dma_start3A_385 : memref<112xi32, #tpu.memory_space<vmem>>) semaphore(%arg18 : memref<!tpu.dma_semaphore, #tpu.memory_space<semaphore_mem>>) {add = true}
      %ge3A_389 = arith.constant 1 : i32
      %ge3A_390 = arith.cmpi sge, %add3A_320, %ge3A_389 : i32
      %add3A_391 = arith.constant 2 : i32
      %add3A_392 = arith.addi %add3A_320, %add3A_391 : i32
      %le3A_393 = arith.constant 89 : i32
      %le3A_394 = arith.cmpi sle, %add3A_392, %le3A_393 : i32
      %and3A_395 = arith.andi %ge3A_390, %le3A_394 : i1
      %convert_element_type3A_396 = arith.extui %and3A_395 : i1 to i32
      %cond3A_397 = arith.constant 0 : i32
      %cond3A_398 = arith.cmpi ne, %convert_element_type3A_396, %cond3A_397 : i32
      scf.if %cond3A_398 {
        %sub3A_438 = arith.constant 1 : i32
        %sub3A_439 = arith.subi %add3A_320, %sub3A_438 : i32
        %jit3A_440 = arith.constant 6 : i32
        %div3A_441 = arith.divsi %sub3A_439, %jit3A_440 : i32
        %sign3A_442 = arith.constant 0 : i32
        %sign3A_443 = arith.cmpi sgt, %sub3A_439, %sign3A_442 : i32
        %sign3A_444 = arith.extui %sign3A_443 : i1 to i32
        %sign3A_445 = arith.constant 0 : i32
        %sign3A_446 = arith.cmpi slt, %sub3A_439, %sign3A_445 : i32
        %sign3A_447 = arith.extui %sign3A_446 : i1 to i32
        %sign3A_448 = arith.subi %sign3A_444, %sign3A_447 : i32
        %sign3A_449 = arith.constant 0 : i32
        %sign3A_450 = arith.cmpi sgt, %jit3A_440, %sign3A_449 : i32
        %sign3A_451 = arith.extui %sign3A_450 : i1 to i32
        %sign3A_452 = arith.constant 0 : i32
        %sign3A_453 = arith.cmpi slt, %jit3A_440, %sign3A_452 : i32
        %sign3A_454 = arith.extui %sign3A_453 : i1 to i32
        %sign3A_455 = arith.subi %sign3A_451, %sign3A_454 : i32
        %ne3A_456 = arith.cmpi ne, %sign3A_448, %sign3A_455 : i32
        %rem3A_457 = arith.remsi %sub3A_439, %jit3A_440 : i32
        %ne3A_458 = arith.constant 0 : i32
        %ne3A_459 = arith.cmpi ne, %rem3A_457, %ne3A_458 : i32
        %and3A_460 = arith.andi %ne3A_456, %ne3A_459 : i1
        %sub3A_461 = arith.constant 1 : i32
        %sub3A_462 = arith.subi %div3A_441, %sub3A_461 : i32
        %select_n3A_463 = arith.select %and3A_460, %sub3A_462, %div3A_441 : i32
        %rem3A_464 = arith.constant 2 : i32
        %rem3A_465 = arith.remsi %select_n3A_463, %rem3A_464 : i32
        %sub3A_466 = arith.constant 1 : i32
        %sub3A_467 = arith.subi %add3A_320, %sub3A_466 : i32
        %rem3A_468 = arith.constant 6 : i32
        %rem3A_469 = arith.remsi %sub3A_467, %rem3A_468 : i32
        %dma_wait3A_470 = arith.constant 0 : i32
        %dma_wait3A_471 = tpu.memref_slice %arg9[%rem3A_465, %rem3A_469, %dma_wait3A_470] : memref<2x6x112xi32, #tpu.memory_space<vmem>> -> memref<1x1x112xi32, #tpu.memory_space<vmem>>
        %dma_wait3A_472 = tpu.memref_squeeze %dma_wait3A_471 : memref<1x1x112xi32, #tpu.memory_space<vmem>> -> memref<112xi32, #tpu.memory_space<vmem>>
        %dma_wait3A_473 = arith.constant 0 : i32
        %dma_wait3A_474 = arith.constant 0 : i32
        %dma_wait3A_475 = tpu.memref_slice %arg7[%dma_wait3A_473, %dma_wait3A_474] : memref<10240x128xf32, #tpu.memory_space<vmem_shared>> -> memref<10240x128xf32, #tpu.memory_space<vmem_shared>>
        tpu.wait_indirect_dma semaphore(%arg17 : memref<!tpu.dma_semaphore, #tpu.memory_space<semaphore_mem>>) src(%arg11 : memref<112x128xf32, #tpu.memory_space<vmem>>) dst(%dma_wait3A_475 : memref<10240x128xf32, #tpu.memory_space<vmem_shared>>)
        %add3A_476 = arith.constant 2 : i32
        %add3A_477 = arith.addi %add3A_320, %add3A_476 : i32
        %rem3A_478 = arith.constant 6 : i32
        %rem3A_479 = arith.remsi %add3A_477, %rem3A_478 : i32
        %eq3A_480 = arith.constant 0 : i32
        %eq3A_481 = arith.cmpi eq, %rem3A_479, %eq3A_480 : i32
        %add3A_482 = arith.constant 2 : i32
        %add3A_483 = arith.addi %add3A_320, %add3A_482 : i32
        %jit3A_484 = arith.constant 6 : i32
        %div3A_485 = arith.divsi %add3A_483, %jit3A_484 : i32
        %sign3A_486 = arith.constant 0 : i32
        %sign3A_487 = arith.cmpi sgt, %add3A_483, %sign3A_486 : i32
        %sign3A_488 = arith.extui %sign3A_487 : i1 to i32
        %sign3A_489 = arith.constant 0 : i32
        %sign3A_490 = arith.cmpi slt, %add3A_483, %sign3A_489 : i32
        %sign3A_491 = arith.extui %sign3A_490 : i1 to i32
        %sign3A_492 = arith.subi %sign3A_488, %sign3A_491 : i32
        %sign3A_493 = arith.constant 0 : i32
        %sign3A_494 = arith.cmpi sgt, %jit3A_484, %sign3A_493 : i32
        %sign3A_495 = arith.extui %sign3A_494 : i1 to i32
        %sign3A_496 = arith.constant 0 : i32
        %sign3A_497 = arith.cmpi slt, %jit3A_484, %sign3A_496 : i32
        %sign3A_498 = arith.extui %sign3A_497 : i1 to i32
        %sign3A_499 = arith.subi %sign3A_495, %sign3A_498 : i32
        %ne3A_500 = arith.cmpi ne, %sign3A_492, %sign3A_499 : i32
        %rem3A_501 = arith.remsi %add3A_483, %jit3A_484 : i32
        %ne3A_502 = arith.constant 0 : i32
        %ne3A_503 = arith.cmpi ne, %rem3A_501, %ne3A_502 : i32
        %and3A_504 = arith.andi %ne3A_500, %ne3A_503 : i1
        %sub3A_505 = arith.constant 1 : i32
        %sub3A_506 = arith.subi %div3A_485, %sub3A_505 : i32
        %select_n3A_507 = arith.select %and3A_504, %sub3A_506, %div3A_485 : i32
        %ge3A_508 = arith.constant 2 : i32
        %ge3A_509 = arith.cmpi sge, %select_n3A_507, %ge3A_508 : i32
        %and3A_510 = arith.andi %eq3A_481, %ge3A_509 : i1
        %convert_element_type3A_511 = arith.extui %and3A_510 : i1 to i32
        %cond3A_512 = arith.constant 0 : i32
        %cond3A_513 = arith.cmpi ne, %convert_element_type3A_511, %cond3A_512 : i32
        scf.if %cond3A_513 {
          %dma_wait3A_552 = arith.constant 0 : i32
          %dma_wait3A_553 = arith.constant 0 : i32
          %dma_wait3A_554 = arith.constant 0 : i32
          %dma_wait3A_555 = arith.constant 0 : i32
          %dma_wait3A_556 = tpu.memref_slice %arg8[%dma_wait3A_553, %dma_wait3A_554, %dma_wait3A_555] : memref<2x6x112xi32, #tpu.memory_space<vmem>> -> memref<1x6x112xi32, #tpu.memory_space<vmem>>
          %dma_wait3A_557 = tpu.memref_squeeze %dma_wait3A_556 : memref<1x6x112xi32, #tpu.memory_space<vmem>> -> memref<6x112xi32, #tpu.memory_space<vmem>>
          %dma_wait3A_558 = arith.constant 0 : i32
          %dma_wait3A_559 = arith.constant 0 : i32
          %dma_wait3A_560 = tpu.memref_slice %arg3[%add3A, %dma_wait3A_552, %dma_wait3A_558, %dma_wait3A_559] : memref<32x15x6x112xi32, #tpu.memory_space<hbm>> -> memref<1x1x6x112xi32, #tpu.memory_space<hbm>>
          %dma_wait3A_561 = tpu.memref_squeeze %dma_wait3A_560 : memref<1x1x6x112xi32, #tpu.memory_space<hbm>> -> memref<6x112xi32, #tpu.memory_space<hbm>>
          %dma_wait3A_562 = arith.constant 0 : i32
          %dma_wait3A_563 = arith.constant 0 : i32
          %dma_wait3A_564 = tpu.memref_slice %arg8[%dma_wait3A_553, %dma_wait3A_562, %dma_wait3A_563] : memref<2x6x112xi32, #tpu.memory_space<vmem>> -> memref<1x6x112xi32, #tpu.memory_space<vmem>>
          %dma_wait3A_565 = tpu.memref_squeeze %dma_wait3A_564 : memref<1x6x112xi32, #tpu.memory_space<vmem>> -> memref<6x112xi32, #tpu.memory_space<vmem>>
          %dma_wait3A_566 = arith.constant 0 : i32
          %dma_wait3A_567 = arith.constant 0 : i32
          %dma_wait3A_568 = tpu.memref_slice %arg3[%add3A, %dma_wait3A_552, %dma_wait3A_566, %dma_wait3A_567] : memref<32x15x6x112xi32, #tpu.memory_space<hbm>> -> memref<1x1x6x112xi32, #tpu.memory_space<hbm>>
          %dma_wait3A_569 = tpu.memref_squeeze %dma_wait3A_568 : memref<1x1x6x112xi32, #tpu.memory_space<hbm>> -> memref<6x112xi32, #tpu.memory_space<hbm>>
          tpu.wait_dma2 semaphore(%arg19 : memref<!tpu.dma_semaphore, #tpu.memory_space<semaphore_mem>>) src(%dma_wait3A_569 : memref<6x112xi32, #tpu.memory_space<hbm>>) dst(%dma_wait3A_565 : memref<6x112xi32, #tpu.memory_space<vmem>>)
          %dma_wait3A_570 = arith.constant 0 : i32
          %dma_wait3A_571 = arith.constant 0 : i32
          %dma_wait3A_572 = arith.constant 0 : i32
          %dma_wait3A_573 = arith.constant 0 : i32
          %dma_wait3A_574 = tpu.memref_slice %arg9[%dma_wait3A_571, %dma_wait3A_572, %dma_wait3A_573] : memref<2x6x112xi32, #tpu.memory_space<vmem>> -> memref<1x6x112xi32, #tpu.memory_space<vmem>>
          %dma_wait3A_575 = tpu.memref_squeeze %dma_wait3A_574 : memref<1x6x112xi32, #tpu.memory_space<vmem>> -> memref<6x112xi32, #tpu.memory_space<vmem>>
          %dma_wait3A_576 = arith.constant 0 : i32
          %dma_wait3A_577 = arith.constant 0 : i32
          %dma_wait3A_578 = tpu.memref_slice %arg4[%add3A, %dma_wait3A_570, %dma_wait3A_576, %dma_wait3A_577] : memref<32x15x6x112xi32, #tpu.memory_space<hbm>> -> memref<1x1x6x112xi32, #tpu.memory_space<hbm>>
          %dma_wait3A_579 = tpu.memref_squeeze %dma_wait3A_578 : memref<1x1x6x112xi32, #tpu.memory_space<hbm>> -> memref<6x112xi32, #tpu.memory_space<hbm>>
          %dma_wait3A_580 = arith.constant 0 : i32
          %dma_wait3A_581 = arith.constant 0 : i32
          %dma_wait3A_582 = tpu.memref_slice %arg9[%dma_wait3A_571, %dma_wait3A_580, %dma_wait3A_581] : memref<2x6x112xi32, #tpu.memory_space<vmem>> -> memref<1x6x112xi32, #tpu.memory_space<vmem>>
          %dma_wait3A_583 = tpu.memref_squeeze %dma_wait3A_582 : memref<1x6x112xi32, #tpu.memory_space<vmem>> -> memref<6x112xi32, #tpu.memory_space<vmem>>
          %dma_wait3A_584 = arith.constant 0 : i32
          %dma_wait3A_585 = arith.constant 0 : i32
          %dma_wait3A_586 = tpu.memref_slice %arg4[%add3A, %dma_wait3A_570, %dma_wait3A_584, %dma_wait3A_585] : memref<32x15x6x112xi32, #tpu.memory_space<hbm>> -> memref<1x1x6x112xi32, #tpu.memory_space<hbm>>
          %dma_wait3A_587 = tpu.memref_squeeze %dma_wait3A_586 : memref<1x1x6x112xi32, #tpu.memory_space<hbm>> -> memref<6x112xi32, #tpu.memory_space<hbm>>
          tpu.wait_dma2 semaphore(%arg19 : memref<!tpu.dma_semaphore, #tpu.memory_space<semaphore_mem>>) src(%dma_wait3A_587 : memref<6x112xi32, #tpu.memory_space<hbm>>) dst(%dma_wait3A_583 : memref<6x112xi32, #tpu.memory_space<vmem>>)
        } else {
        }
        %add3A_514 = arith.constant 2 : i32
        %add3A_515 = arith.addi %add3A_320, %add3A_514 : i32
        %jit3A_516 = arith.constant 6 : i32
        %div3A_517 = arith.divsi %add3A_515, %jit3A_516 : i32
        %sign3A_518 = arith.constant 0 : i32
        %sign3A_519 = arith.cmpi sgt, %add3A_515, %sign3A_518 : i32
        %sign3A_520 = arith.extui %sign3A_519 : i1 to i32
        %sign3A_521 = arith.constant 0 : i32
        %sign3A_522 = arith.cmpi slt, %add3A_515, %sign3A_521 : i32
        %sign3A_523 = arith.extui %sign3A_522 : i1 to i32
        %sign3A_524 = arith.subi %sign3A_520, %sign3A_523 : i32
        %sign3A_525 = arith.constant 0 : i32
        %sign3A_526 = arith.cmpi sgt, %jit3A_516, %sign3A_525 : i32
        %sign3A_527 = arith.extui %sign3A_526 : i1 to i32
        %sign3A_528 = arith.constant 0 : i32
        %sign3A_529 = arith.cmpi slt, %jit3A_516, %sign3A_528 : i32
        %sign3A_530 = arith.extui %sign3A_529 : i1 to i32
        %sign3A_531 = arith.subi %sign3A_527, %sign3A_530 : i32
        %ne3A_532 = arith.cmpi ne, %sign3A_524, %sign3A_531 : i32
        %rem3A_533 = arith.remsi %add3A_515, %jit3A_516 : i32
        %ne3A_534 = arith.constant 0 : i32
        %ne3A_535 = arith.cmpi ne, %rem3A_533, %ne3A_534 : i32
        %and3A_536 = arith.andi %ne3A_532, %ne3A_535 : i1
        %sub3A_537 = arith.constant 1 : i32
        %sub3A_538 = arith.subi %div3A_517, %sub3A_537 : i32
        %select_n3A_539 = arith.select %and3A_536, %sub3A_538, %div3A_517 : i32
        %rem3A_540 = arith.constant 2 : i32
        %rem3A_541 = arith.remsi %select_n3A_539, %rem3A_540 : i32
        %add3A_542 = arith.constant 2 : i32
        %add3A_543 = arith.addi %add3A_320, %add3A_542 : i32
        %rem3A_544 = arith.constant 6 : i32
        %rem3A_545 = arith.remsi %add3A_543, %rem3A_544 : i32
        %dma_start3A_546 = arith.constant 0 : i32
        %dma_start3A_547 = tpu.memref_slice %arg8[%rem3A_541, %rem3A_545, %dma_start3A_546] : memref<2x6x112xi32, #tpu.memory_space<vmem>> -> memref<1x1x112xi32, #tpu.memory_space<vmem>>
        %dma_start3A_548 = tpu.memref_squeeze %dma_start3A_547 : memref<1x1x112xi32, #tpu.memory_space<vmem>> -> memref<112xi32, #tpu.memory_space<vmem>>
        %dma_start3A_549 = arith.constant 0 : i32
        %dma_start3A_550 = arith.constant 0 : i32
        %dma_start3A_551 = tpu.memref_slice %arg2[%dma_start3A_549, %dma_start3A_550] : memref<10240x128xf32, #tpu.memory_space<hbm>> -> memref<10240x128xf32, #tpu.memory_space<hbm>>
        tpu.enqueue_indirect_dma source(%dma_start3A_551 : memref<10240x128xf32, #tpu.memory_space<hbm>>) target(%arg11 : memref<112x128xf32, #tpu.memory_space<vmem>>) offsets(%dma_start3A_548 : memref<112xi32, #tpu.memory_space<vmem>>) semaphore(%arg14 : memref<!tpu.dma_semaphore, #tpu.memory_space<semaphore_mem>>)
      } else {
      }
      %rem3A_399 = arith.constant 6 : i32
      %rem3A_400 = arith.remsi %add3A_320, %rem3A_399 : i32
      %eq3A_401 = arith.constant 0 : i32
      %eq3A_402 = arith.cmpi eq, %rem3A_400, %eq3A_401 : i32
      %ge3A_403 = arith.constant 6 : i32
      %ge3A_404 = arith.cmpi sge, %add3A_320, %ge3A_403 : i32
      %jit3A_405 = arith.constant 6 : i32
      %div3A_406 = arith.divsi %add3A_320, %jit3A_405 : i32
      %sign3A_407 = arith.constant 0 : i32
      %sign3A_408 = arith.cmpi sgt, %add3A_320, %sign3A_407 : i32
      %sign3A_409 = arith.extui %sign3A_408 : i1 to i32
      %sign3A_410 = arith.constant 0 : i32
      %sign3A_411 = arith.cmpi slt, %add3A_320, %sign3A_410 : i32
      %sign3A_412 = arith.extui %sign3A_411 : i1 to i32
      %sign3A_413 = arith.subi %sign3A_409, %sign3A_412 : i32
      %sign3A_414 = arith.constant 0 : i32
      %sign3A_415 = arith.cmpi sgt, %jit3A_405, %sign3A_414 : i32
      %sign3A_416 = arith.extui %sign3A_415 : i1 to i32
      %sign3A_417 = arith.constant 0 : i32
      %sign3A_418 = arith.cmpi slt, %jit3A_405, %sign3A_417 : i32
      %sign3A_419 = arith.extui %sign3A_418 : i1 to i32
      %sign3A_420 = arith.subi %sign3A_416, %sign3A_419 : i32
      %ne3A_421 = arith.cmpi ne, %sign3A_413, %sign3A_420 : i32
      %rem3A_422 = arith.remsi %add3A_320, %jit3A_405 : i32
      %ne3A_423 = arith.constant 0 : i32
      %ne3A_424 = arith.cmpi ne, %rem3A_422, %ne3A_423 : i32
      %and3A_425 = arith.andi %ne3A_421, %ne3A_424 : i1
      %sub3A_426 = arith.constant 1 : i32
      %sub3A_427 = arith.subi %div3A_406, %sub3A_426 : i32
      %select_n3A_428 = arith.select %and3A_425, %sub3A_427, %div3A_406 : i32
      %add3A_429 = arith.constant 1 : i32
      %add3A_430 = arith.addi %select_n3A_428, %add3A_429 : i32
      %le3A_431 = arith.constant 14 : i32
      %le3A_432 = arith.cmpi sle, %add3A_430, %le3A_431 : i32
      %and3A_433 = arith.andi %ge3A_404, %le3A_432 : i1
      %and3A_434 = arith.andi %eq3A_402, %and3A_433 : i1
      %convert_element_type3A_435 = arith.extui %and3A_434 : i1 to i32
      %cond3A_436 = arith.constant 0 : i32
      %cond3A_437 = arith.cmpi ne, %convert_element_type3A_435, %cond3A_436 : i32
      scf.if %cond3A_437 {
        %jit3A_438 = arith.constant 6 : i32
        %div3A_439 = arith.divsi %add3A_320, %jit3A_438 : i32
        %sign3A_440 = arith.constant 0 : i32
        %sign3A_441 = arith.cmpi sgt, %add3A_320, %sign3A_440 : i32
        %sign3A_442 = arith.extui %sign3A_441 : i1 to i32
        %sign3A_443 = arith.constant 0 : i32
        %sign3A_444 = arith.cmpi slt, %add3A_320, %sign3A_443 : i32
        %sign3A_445 = arith.extui %sign3A_444 : i1 to i32
        %sign3A_446 = arith.subi %sign3A_442, %sign3A_445 : i32
        %sign3A_447 = arith.constant 0 : i32
        %sign3A_448 = arith.cmpi sgt, %jit3A_438, %sign3A_447 : i32
        %sign3A_449 = arith.extui %sign3A_448 : i1 to i32
        %sign3A_450 = arith.constant 0 : i32
        %sign3A_451 = arith.cmpi slt, %jit3A_438, %sign3A_450 : i32
        %sign3A_452 = arith.extui %sign3A_451 : i1 to i32
        %sign3A_453 = arith.subi %sign3A_449, %sign3A_452 : i32
        %ne3A_454 = arith.cmpi ne, %sign3A_446, %sign3A_453 : i32
        %rem3A_455 = arith.remsi %add3A_320, %jit3A_438 : i32
        %ne3A_456 = arith.constant 0 : i32
        %ne3A_457 = arith.cmpi ne, %rem3A_455, %ne3A_456 : i32
        %and3A_458 = arith.andi %ne3A_454, %ne3A_457 : i1
        %sub3A_459 = arith.constant 1 : i32
        %sub3A_460 = arith.subi %div3A_439, %sub3A_459 : i32
        %select_n3A_461 = arith.select %and3A_458, %sub3A_460, %div3A_439 : i32
        %add3A_462 = arith.constant 1 : i32
        %add3A_463 = arith.addi %select_n3A_461, %add3A_462 : i32
        %rem3A_464 = arith.constant 2 : i32
        %rem3A_465 = arith.remsi %add3A_463, %rem3A_464 : i32
        %dma_start3A_466 = arith.constant 0 : i32
        %dma_start3A_467 = arith.constant 0 : i32
        %dma_start3A_468 = tpu.memref_slice %arg8[%rem3A_465, %dma_start3A_466, %dma_start3A_467] : memref<2x6x112xi32, #tpu.memory_space<vmem>> -> memref<1x6x112xi32, #tpu.memory_space<vmem>>
        %dma_start3A_469 = tpu.memref_squeeze %dma_start3A_468 : memref<1x6x112xi32, #tpu.memory_space<vmem>> -> memref<6x112xi32, #tpu.memory_space<vmem>>
        %dma_start3A_470 = arith.constant 0 : i32
        %dma_start3A_471 = arith.constant 0 : i32
        %dma_start3A_472 = tpu.memref_slice %arg3[%add3A, %add3A_463, %dma_start3A_470, %dma_start3A_471] : memref<32x15x6x112xi32, #tpu.memory_space<hbm>> -> memref<1x1x6x112xi32, #tpu.memory_space<hbm>>
        %dma_start3A_473 = tpu.memref_squeeze %dma_start3A_472 : memref<1x1x6x112xi32, #tpu.memory_space<hbm>> -> memref<6x112xi32, #tpu.memory_space<hbm>>
        %dma_start3A_474 = arith.constant 0 : i32
        %dma_start3A_475 = arith.constant 0 : i32
        %dma_start3A_476 = tpu.memref_slice %arg8[%rem3A_465, %dma_start3A_474, %dma_start3A_475] : memref<2x6x112xi32, #tpu.memory_space<vmem>> -> memref<1x6x112xi32, #tpu.memory_space<vmem>>
        %dma_start3A_477 = tpu.memref_squeeze %dma_start3A_476 : memref<1x6x112xi32, #tpu.memory_space<vmem>> -> memref<6x112xi32, #tpu.memory_space<vmem>>
        %dma_start3A_478 = arith.constant 0 : i32
        %dma_start3A_479 = arith.constant 0 : i32
        %dma_start3A_480 = tpu.memref_slice %arg3[%add3A, %add3A_463, %dma_start3A_478, %dma_start3A_479] : memref<32x15x6x112xi32, #tpu.memory_space<hbm>> -> memref<1x1x6x112xi32, #tpu.memory_space<hbm>>
        %dma_start3A_481 = tpu.memref_squeeze %dma_start3A_480 : memref<1x1x6x112xi32, #tpu.memory_space<hbm>> -> memref<6x112xi32, #tpu.memory_space<hbm>>
        tpu.enqueue_dma source(%dma_start3A_481 : memref<6x112xi32, #tpu.memory_space<hbm>>) target(%dma_start3A_477 : memref<6x112xi32, #tpu.memory_space<vmem>>) target_semaphore(%arg19 : memref<!tpu.dma_semaphore, #tpu.memory_space<semaphore_mem>>)
        %dma_start3A_482 = arith.constant 0 : i32
        %dma_start3A_483 = arith.constant 0 : i32
        %dma_start3A_484 = tpu.memref_slice %arg9[%rem3A_465, %dma_start3A_482, %dma_start3A_483] : memref<2x6x112xi32, #tpu.memory_space<vmem>> -> memref<1x6x112xi32, #tpu.memory_space<vmem>>
        %dma_start3A_485 = tpu.memref_squeeze %dma_start3A_484 : memref<1x6x112xi32, #tpu.memory_space<vmem>> -> memref<6x112xi32, #tpu.memory_space<vmem>>
        %dma_start3A_486 = arith.constant 0 : i32
        %dma_start3A_487 = arith.constant 0 : i32
        %dma_start3A_488 = tpu.memref_slice %arg4[%add3A, %add3A_463, %dma_start3A_486, %dma_start3A_487] : memref<32x15x6x112xi32, #tpu.memory_space<hbm>> -> memref<1x1x6x112xi32, #tpu.memory_space<hbm>>
        %dma_start3A_489 = tpu.memref_squeeze %dma_start3A_488 : memref<1x1x6x112xi32, #tpu.memory_space<hbm>> -> memref<6x112xi32, #tpu.memory_space<hbm>>
        %dma_start3A_490 = arith.constant 0 : i32
        %dma_start3A_491 = arith.constant 0 : i32
        %dma_start3A_492 = tpu.memref_slice %arg9[%rem3A_465, %dma_start3A_490, %dma_start3A_491] : memref<2x6x112xi32, #tpu.memory_space<vmem>> -> memref<1x6x112xi32, #tpu.memory_space<vmem>>
        %dma_start3A_493 = tpu.memref_squeeze %dma_start3A_492 : memref<1x6x112xi32, #tpu.memory_space<vmem>> -> memref<6x112xi32, #tpu.memory_space<vmem>>
        %dma_start3A_494 = arith.constant 0 : i32
        %dma_start3A_495 = arith.constant 0 : i32
        %dma_start3A_496 = tpu.memref_slice %arg4[%add3A, %add3A_463, %dma_start3A_494, %dma_start3A_495] : memref<32x15x6x112xi32, #tpu.memory_space<hbm>> -> memref<1x1x6x112xi32, #tpu.memory_space<hbm>>
        %dma_start3A_497 = tpu.memref_squeeze %dma_start3A_496 : memref<1x1x6x112xi32, #tpu.memory_space<hbm>> -> memref<6x112xi32, #tpu.memory_space<hbm>>
        tpu.enqueue_dma source(%dma_start3A_497 : memref<6x112xi32, #tpu.memory_space<hbm>>) target(%dma_start3A_493 : memref<6x112xi32, #tpu.memory_space<vmem>>) target_semaphore(%arg19 : memref<!tpu.dma_semaphore, #tpu.memory_space<semaphore_mem>>)
      } else {
      }
    }
    %scan3A_46 = arith.constant 30 : i32
    %rem3A = arith.constant 14 : i32
    %rem3A_47 = arith.constant 2 : i32
    %rem3A_48 = arith.remsi %rem3A, %rem3A_47 : i32
    %rem3A_49 = arith.constant 87 : i32
    %rem3A_50 = arith.constant 6 : i32
    %rem3A_51 = arith.remsi %rem3A_49, %rem3A_50 : i32
    %dma_wait3A = arith.constant 0 : i32
    %dma_wait3A_52 = tpu.memref_slice %arg9[%rem3A_48, %rem3A_51, %dma_wait3A] : memref<2x6x112xi32, #tpu.memory_space<vmem>> -> memref<1x1x112xi32, #tpu.memory_space<vmem>>
    %dma_wait3A_53 = tpu.memref_squeeze %dma_wait3A_52 : memref<1x1x112xi32, #tpu.memory_space<vmem>> -> memref<112xi32, #tpu.memory_space<vmem>>
    %dma_wait3A_54 = arith.constant 0 : i32
    %dma_wait3A_55 = arith.constant 0 : i32
    %dma_wait3A_56 = tpu.memref_slice %arg7[%dma_wait3A_54, %dma_wait3A_55] : memref<10240x128xf32, #tpu.memory_space<vmem_shared>> -> memref<10240x128xf32, #tpu.memory_space<vmem_shared>>
    tpu.wait_indirect_dma semaphore(%arg16 : memref<!tpu.dma_semaphore, #tpu.memory_space<semaphore_mem>>) src(%arg10 : memref<112x128xf32, #tpu.memory_space<vmem>>) dst(%dma_wait3A_56 : memref<10240x128xf32, #tpu.memory_space<vmem_shared>>)
    %rem3A_57 = arith.constant 14 : i32
    %rem3A_58 = arith.constant 2 : i32
    %rem3A_59 = arith.remsi %rem3A_57, %rem3A_58 : i32
    %rem3A_60 = arith.constant 88 : i32
    %rem3A_61 = arith.constant 6 : i32
    %rem3A_62 = arith.remsi %rem3A_60, %rem3A_61 : i32
    %dma_wait3A_63 = arith.constant 0 : i32
    %dma_wait3A_64 = tpu.memref_slice %arg9[%rem3A_59, %rem3A_62, %dma_wait3A_63] : memref<2x6x112xi32, #tpu.memory_space<vmem>> -> memref<1x1x112xi32, #tpu.memory_space<vmem>>
    %dma_wait3A_65 = tpu.memref_squeeze %dma_wait3A_64 : memref<1x1x112xi32, #tpu.memory_space<vmem>> -> memref<112xi32, #tpu.memory_space<vmem>>
    %dma_wait3A_66 = arith.constant 0 : i32
    %dma_wait3A_67 = arith.constant 0 : i32
    %dma_wait3A_68 = tpu.memref_slice %arg7[%dma_wait3A_66, %dma_wait3A_67] : memref<10240x128xf32, #tpu.memory_space<vmem_shared>> -> memref<10240x128xf32, #tpu.memory_space<vmem_shared>>
    tpu.wait_indirect_dma semaphore(%arg17 : memref<!tpu.dma_semaphore, #tpu.memory_space<semaphore_mem>>) src(%arg11 : memref<112x128xf32, #tpu.memory_space<vmem>>) dst(%dma_wait3A_68 : memref<10240x128xf32, #tpu.memory_space<vmem_shared>>)
    %rem3A_69 = arith.constant 14 : i32
    %rem3A_70 = arith.constant 2 : i32
    %rem3A_71 = arith.remsi %rem3A_69, %rem3A_70 : i32
    %rem3A_72 = arith.constant 89 : i32
    %rem3A_73 = arith.constant 6 : i32
    %rem3A_74 = arith.remsi %rem3A_72, %rem3A_73 : i32
    %dma_wait3A_75 = arith.constant 0 : i32
    %dma_wait3A_76 = tpu.memref_slice %arg9[%rem3A_71, %rem3A_74, %dma_wait3A_75] : memref<2x6x112xi32, #tpu.memory_space<vmem>> -> memref<1x1x112xi32, #tpu.memory_space<vmem>>
    %dma_wait3A_77 = tpu.memref_squeeze %dma_wait3A_76 : memref<1x1x112xi32, #tpu.memory_space<vmem>> -> memref<112xi32, #tpu.memory_space<vmem>>
    %dma_wait3A_78 = arith.constant 0 : i32
    %dma_wait3A_79 = arith.constant 0 : i32
    %dma_wait3A_80 = tpu.memref_slice %arg7[%dma_wait3A_78, %dma_wait3A_79] : memref<10240x128xf32, #tpu.memory_space<vmem_shared>> -> memref<10240x128xf32, #tpu.memory_space<vmem_shared>>
    tpu.wait_indirect_dma semaphore(%arg18 : memref<!tpu.dma_semaphore, #tpu.memory_space<semaphore_mem>>) src(%arg12 : memref<112x128xf32, #tpu.memory_space<vmem>>) dst(%dma_wait3A_80 : memref<10240x128xf32, #tpu.memory_space<vmem_shared>>)
    %barrier3A_81 = arith.constant 0 : index
    tpu.barrier barrier_id(%barrier3A_81)
    "tpu.region"() ({
      %run_scoped3A = tpu.sem_alloc : memref<!tpu.dma_semaphore, #tpu.memory_space<semaphore_mem>>
      %dma_start3A_82 = arith.constant 0 : i32
      %dma_start3A_83 = tpu.memref_slice %arg6[%arg0, %mul3A_2, %dma_start3A_82] : memref<2x10240x128xf32, #tpu.memory_space<hbm>> -> memref<1x640x128xf32, #tpu.memory_space<hbm>>
      %dma_start3A_84 = tpu.memref_squeeze %dma_start3A_83 : memref<1x640x128xf32, #tpu.memory_space<hbm>> -> memref<640x128xf32, #tpu.memory_space<hbm>>
      %dma_start3A_85 = arith.constant 0 : i32
      %dma_start3A_86 = tpu.memref_slice %arg7[%mul3A_2, %dma_start3A_85] : memref<10240x128xf32, #tpu.memory_space<vmem_shared>> -> memref<640x128xf32, #tpu.memory_space<vmem_shared>>
      tpu.enqueue_dma source(%dma_start3A_86 : memref<640x128xf32, #tpu.memory_space<vmem_shared>>) target(%dma_start3A_84 : memref<640x128xf32, #tpu.memory_space<hbm>>) target_semaphore(%run_scoped3A : memref<!tpu.dma_semaphore, #tpu.memory_space<semaphore_mem>>)
      %dma_wait3A_87 = arith.constant 0 : i32
      %dma_wait3A_88 = tpu.memref_slice %arg6[%arg0, %mul3A_2, %dma_wait3A_87] : memref<2x10240x128xf32, #tpu.memory_space<hbm>> -> memref<1x640x128xf32, #tpu.memory_space<hbm>>
      %dma_wait3A_89 = tpu.memref_squeeze %dma_wait3A_88 : memref<1x640x128xf32, #tpu.memory_space<hbm>> -> memref<640x128xf32, #tpu.memory_space<hbm>>
      %dma_wait3A_90 = arith.constant 0 : i32
      %dma_wait3A_91 = tpu.memref_slice %arg7[%mul3A_2, %dma_wait3A_90] : memref<10240x128xf32, #tpu.memory_space<vmem_shared>> -> memref<640x128xf32, #tpu.memory_space<vmem_shared>>
      tpu.wait_dma2 semaphore(%run_scoped3A : memref<!tpu.dma_semaphore, #tpu.memory_space<semaphore_mem>>) src(%dma_wait3A_91 : memref<640x128xf32, #tpu.memory_space<vmem_shared>>) dst(%dma_wait3A_89 : memref<640x128xf32, #tpu.memory_space<hbm>>)
      tpu.yield
    }) : () -> ()
    return
  }
}

module attributes {stable_mosaic.version = 14 : i64} {
  func.func @_tc_first_body(%arg0: i32, %arg1: memref<256x128xf32, #tpu.memory_space<vmem>>, %arg2: memref<128x128xf32, #tpu.memory_space<vmem>>, %arg3: memref<256x1xf32, #tpu.memory_space<vmem>>, %arg4: memref<256x1xf32, #tpu.memory_space<vmem>>, %arg5: memref<256x128xf32, #tpu.memory_space<vmem>>) attributes {dimension_semantics = [#tpu.dimension_semantics<arbitrary>], iteration_bounds = array<i64: 40>, scalar_prefetch = 0 : i64, scratch_operands = 0 : i64, tpu.core_type = #tpu.core_type<tc>, window_params = [{transform_indices = @transform_0, window_bounds = array<i64: 256, 128>}, {pipeline_mode = #tpu.pipeline_mode<synchronous>, transform_indices = @transform_1, window_bounds = array<i64: 128, 128>}, {transform_indices = @transform_2, window_bounds = array<i64: 256, 1>}, {transform_indices = @transform_3, window_bounds = array<i64: 256, 1>}, {transform_indices = @transform_4, window_bounds = array<i64: 256, 128>}]} {
    %get3A = arith.constant 0 : index
    %get3A_0 = arith.constant 0 : index
    %get3A_1 = vector.load %arg3[%get3A, %get3A_0] : memref<256x1xf32, #tpu.memory_space<vmem>>, vector<256x1xf32>
    %get3A_2 = arith.constant 0 : index
    %get3A_3 = arith.constant 0 : index
    %get3A_4 = vector.load %arg4[%get3A_2, %get3A_3] : memref<256x1xf32, #tpu.memory_space<vmem>>, vector<256x1xf32>
    %add3A = arith.addf %get3A_1, %get3A_4 : vector<256x1xf32>
    %add3A_5 = arith.constant 1.000000e+00 : f32
    %add3A_6 = vector.broadcast %add3A_5 : f32 to vector<256x1xf32>
    %add3A_7 = arith.addf %add3A, %add3A_6 : vector<256x1xf32>
    %gt3A = arith.constant 0.000000e+00 : f32
    %gt3A_8 = vector.broadcast %gt3A : f32 to vector<256x1xf32>
    %gt3A_9 = arith.cmpf ogt, %add3A_7, %gt3A_8 : vector<256x1xf32>
    %max3A = arith.constant 9.99999996E-13 : f32
    %max3A_10 = vector.broadcast %max3A : f32 to vector<256x1xf32>
    %max3A_11 = arith.maximumf %add3A_7, %max3A_10 : vector<256x1xf32>
    %rsqrt3A = math.rsqrt %max3A_11 : vector<256x1xf32>
    %jit3A = arith.constant 0.000000e+00 : f32
    %broadcast_in_dim3A = vector.broadcast %jit3A : f32 to vector<256x1xf32>
    %select_n3A = arith.select %gt3A_9, %rsqrt3A, %broadcast_in_dim3A : vector<256x1xi1>, vector<256x1xf32>
    %get3A_12 = arith.constant 0 : index
    %get3A_13 = arith.constant 0 : index
    %get3A_14 = vector.load %arg1[%get3A_12, %get3A_13] : memref<256x128xf32, #tpu.memory_space<vmem>>, vector<256x128xf32>
    %get3A_15 = arith.constant 0 : index
    %get3A_16 = arith.constant 0 : index
    %get3A_17 = vector.load %arg2[%get3A_15, %get3A_16] : memref<128x128xf32, #tpu.memory_space<vmem>>, vector<128x128xf32>
    %dot_general3A = arith.constant dense<0.000000e+00> : vector<256x128xf32>
    %dot_general3A_18 = tpu.matmul %get3A_14, %get3A_17, %dot_general3A {dimension_numbers = #tpu.dot_dimension_numbers<[1], [0], [0], [1], [0, 0, 1, 1], [], []>, transpose_lhs_hint = false} : vector<256x128xf32>, vector<128x128xf32>, vector<256x128xf32> -> vector<256x128xf32>
    %mul3A = vector.broadcast %select_n3A : vector<256x1xf32> to vector<256x128xf32>
    %mul3A_19 = arith.mulf %mul3A, %dot_general3A_18 : vector<256x128xf32>
    %swap3A = arith.constant 0 : index
    %swap3A_20 = arith.constant 0 : index
    %swap3A_21 = vector.load %arg5[%swap3A, %swap3A_20] : memref<256x128xf32, #tpu.memory_space<vmem>>, vector<256x128xf32>
    tpu.vector_store %arg5[%swap3A, %swap3A_20], %mul3A_19 {strides = array<i32>} : memref<256x128xf32, #tpu.memory_space<vmem>>, vector<256x128xf32>,
    return
  }
  func.func @transform_0(%arg0: i32) -> (i32, i32) {
    %c0_i32 = arith.constant 0 : i32
    %c0_i32_0 = arith.constant 0 : i32
    return %arg0, %c0_i32 : i32, i32
  }
  func.func @transform_1(%arg0: i32) -> (i32, i32) {
    %c0_i32 = arith.constant 0 : i32
    %c0_i32_0 = arith.constant 0 : i32
    %c0_i32_1 = arith.constant 0 : i32
    return %c0_i32, %c0_i32_0 : i32, i32
  }
  func.func @transform_2(%arg0: i32) -> (i32, i32) {
    %c0_i32 = arith.constant 0 : i32
    %c0_i32_0 = arith.constant 0 : i32
    return %arg0, %c0_i32 : i32, i32
  }
  func.func @transform_3(%arg0: i32) -> (i32, i32) {
    %c0_i32 = arith.constant 0 : i32
    %c0_i32_0 = arith.constant 0 : i32
    return %arg0, %c0_i32 : i32, i32
  }
  func.func @transform_4(%arg0: i32) -> (i32, i32) {
    %c0_i32 = arith.constant 0 : i32
    %c0_i32_0 = arith.constant 0 : i32
    return %arg0, %c0_i32 : i32, i32
  }
}

module attributes {stable_mosaic.version = 14 : i64} {
  func.func @_tc_mid_body(%arg0: i32, %arg1: memref<2x256x128xf32, #tpu.memory_space<vmem>>, %arg2: memref<256x1xf32, #tpu.memory_space<vmem>>, %arg3: memref<256x1xf32, #tpu.memory_space<vmem>>, %arg4: memref<1x128xf32, #tpu.memory_space<vmem>>, %arg5: memref<128x128xf32, #tpu.memory_space<vmem>>, %arg6: memref<256x128xf32, #tpu.memory_space<vmem>>) attributes {dimension_semantics = [#tpu.dimension_semantics<arbitrary>], iteration_bounds = array<i64: 40>, scalar_prefetch = 0 : i64, scratch_operands = 0 : i64, tpu.core_type = #tpu.core_type<tc>, window_params = [{transform_indices = @transform_0, window_bounds = array<i64: 2, 256, 128>}, {transform_indices = @transform_1, window_bounds = array<i64: 256, 1>}, {transform_indices = @transform_2, window_bounds = array<i64: 256, 1>}, {pipeline_mode = #tpu.pipeline_mode<synchronous>, transform_indices = @transform_3, window_bounds = array<i64: 1, 128>}, {pipeline_mode = #tpu.pipeline_mode<synchronous>, transform_indices = @transform_4, window_bounds = array<i64: 128, 128>}, {transform_indices = @transform_5, window_bounds = array<i64: 256, 128>}]} {
    %get3A = arith.constant 0 : index
    %get3A_0 = arith.constant 0 : index
    %get3A_1 = vector.load %arg2[%get3A, %get3A_0] : memref<256x1xf32, #tpu.memory_space<vmem>>, vector<256x1xf32>
    %get3A_2 = arith.constant 0 : index
    %get3A_3 = arith.constant 0 : index
    %get3A_4 = vector.load %arg3[%get3A_2, %get3A_3] : memref<256x1xf32, #tpu.memory_space<vmem>>, vector<256x1xf32>
    %add3A = arith.addf %get3A_1, %get3A_4 : vector<256x1xf32>
    %add3A_5 = arith.constant 1.000000e+00 : f32
    %add3A_6 = vector.broadcast %add3A_5 : f32 to vector<256x1xf32>
    %add3A_7 = arith.addf %add3A, %add3A_6 : vector<256x1xf32>
    %gt3A = arith.constant 0.000000e+00 : f32
    %gt3A_8 = vector.broadcast %gt3A : f32 to vector<256x1xf32>
    %gt3A_9 = arith.cmpf ogt, %add3A_7, %gt3A_8 : vector<256x1xf32>
    %max3A = arith.constant 9.99999996E-13 : f32
    %max3A_10 = vector.broadcast %max3A : f32 to vector<256x1xf32>
    %max3A_11 = arith.maximumf %add3A_7, %max3A_10 : vector<256x1xf32>
    %rsqrt3A = math.rsqrt %max3A_11 : vector<256x1xf32>
    %jit3A = arith.constant 0.000000e+00 : f32
    %broadcast_in_dim3A = vector.broadcast %jit3A : f32 to vector<256x1xf32>
    %select_n3A = arith.select %gt3A_9, %rsqrt3A, %broadcast_in_dim3A : vector<256x1xi1>, vector<256x1xf32>
    %get3A_12 = arith.constant 0 : index
    %get3A_13 = arith.constant 0 : index
    %get3A_14 = arith.constant 0 : index
    %get3A_15 = vector.load %arg1[%get3A_12, %get3A_13, %get3A_14] : memref<2x256x128xf32, #tpu.memory_space<vmem>>, vector<1x256x128xf32>
    %get3A_16 = vector.shape_cast %get3A_15 : vector<1x256x128xf32> to vector<256x128xf32>
    %get3A_17 = arith.constant 1 : index
    %get3A_18 = arith.constant 0 : index
    %get3A_19 = arith.constant 0 : index
    %get3A_20 = vector.load %arg1[%get3A_17, %get3A_18, %get3A_19] : memref<2x256x128xf32, #tpu.memory_space<vmem>>, vector<1x256x128xf32>
    %get3A_21 = vector.shape_cast %get3A_20 : vector<1x256x128xf32> to vector<256x128xf32>
    %add3A_22 = arith.addf %get3A_16, %get3A_21 : vector<256x128xf32>
    %mul3A = vector.broadcast %select_n3A : vector<256x1xf32> to vector<256x128xf32>
    %mul3A_23 = arith.mulf %mul3A, %add3A_22 : vector<256x128xf32>
    %get3A_24 = arith.constant 0 : index
    %get3A_25 = arith.constant 0 : index
    %get3A_26 = vector.load %arg4[%get3A_24, %get3A_25] : memref<1x128xf32, #tpu.memory_space<vmem>>, vector<1x128xf32>
    %add3A_27 = vector.broadcast %get3A_26 : vector<1x128xf32> to vector<256x128xf32>
    %add3A_28 = arith.addf %mul3A_23, %add3A_27 : vector<256x128xf32>
    %ge3A = arith.constant 0.000000e+00 : f32
    %ge3A_29 = vector.broadcast %ge3A : f32 to vector<256x128xf32>
    %ge3A_30 = arith.cmpf oge, %add3A_28, %ge3A_29 : vector<256x128xf32>
    %mul3A_31 = arith.constant 0.00999999977 : f32
    %mul3A_32 = vector.broadcast %mul3A_31 : f32 to vector<256x128xf32>
    %mul3A_33 = arith.mulf %mul3A_32, %add3A_28 : vector<256x128xf32>
    %select_n3A_34 = arith.select %ge3A_30, %add3A_28, %mul3A_33 : vector<256x128xi1>, vector<256x128xf32>
    %get3A_35 = arith.constant 0 : index
    %get3A_36 = arith.constant 0 : index
    %get3A_37 = vector.load %arg5[%get3A_35, %get3A_36] : memref<128x128xf32, #tpu.memory_space<vmem>>, vector<128x128xf32>
    %dot_general3A = arith.constant dense<0.000000e+00> : vector<256x128xf32>
    %dot_general3A_38 = tpu.matmul %select_n3A_34, %get3A_37, %dot_general3A {dimension_numbers = #tpu.dot_dimension_numbers<[1], [0], [0], [1], [0, 0, 1, 1], [], []>, transpose_lhs_hint = false} : vector<256x128xf32>, vector<128x128xf32>, vector<256x128xf32> -> vector<256x128xf32>
    %mul3A_39 = vector.broadcast %select_n3A : vector<256x1xf32> to vector<256x128xf32>
    %mul3A_40 = arith.mulf %mul3A_39, %dot_general3A_38 : vector<256x128xf32>
    %swap3A = arith.constant 0 : index
    %swap3A_41 = arith.constant 0 : index
    %swap3A_42 = vector.load %arg6[%swap3A, %swap3A_41] : memref<256x128xf32, #tpu.memory_space<vmem>>, vector<256x128xf32>
    tpu.vector_store %arg6[%swap3A, %swap3A_41], %mul3A_40 {strides = array<i32>} : memref<256x128xf32, #tpu.memory_space<vmem>>, vector<256x128xf32>,
    return
  }
  func.func @transform_0(%arg0: i32) -> (i32, i32, i32) {
    %c0_i32 = arith.constant 0 : i32
    %c0_i32_0 = arith.constant 0 : i32
    %c0_i32_1 = arith.constant 0 : i32
    return %c0_i32, %arg0, %c0_i32_0 : i32, i32, i32
  }
  func.func @transform_1(%arg0: i32) -> (i32, i32) {
    %c0_i32 = arith.constant 0 : i32
    %c0_i32_0 = arith.constant 0 : i32
    return %arg0, %c0_i32 : i32, i32
  }
  func.func @transform_2(%arg0: i32) -> (i32, i32) {
    %c0_i32 = arith.constant 0 : i32
    %c0_i32_0 = arith.constant 0 : i32
    return %arg0, %c0_i32 : i32, i32
  }
  func.func @transform_3(%arg0: i32) -> (i32, i32) {
    %c0_i32 = arith.constant 0 : i32
    %c0_i32_0 = arith.constant 0 : i32
    %c0_i32_1 = arith.constant 0 : i32
    return %c0_i32, %c0_i32_0 : i32, i32
  }
  func.func @transform_4(%arg0: i32) -> (i32, i32) {
    %c0_i32 = arith.constant 0 : i32
    %c0_i32_0 = arith.constant 0 : i32
    %c0_i32_1 = arith.constant 0 : i32
    return %c0_i32, %c0_i32_0 : i32, i32
  }
  func.func @transform_5(%arg0: i32) -> (i32, i32) {
    %c0_i32 = arith.constant 0 : i32
    %c0_i32_0 = arith.constant 0 : i32
    return %arg0, %c0_i32 : i32, i32
  }
}

module attributes {stable_mosaic.version = 14 : i64} {
  func.func @_tc_final_body(%arg0: i32, %arg1: memref<2x256x128xf32, #tpu.memory_space<vmem>>, %arg2: memref<256x1xf32, #tpu.memory_space<vmem>>, %arg3: memref<256x1xf32, #tpu.memory_space<vmem>>, %arg4: memref<1x128xf32, #tpu.memory_space<vmem>>, %arg5: memref<256x1xi32, #tpu.memory_space<vmem>>, %arg6: memref<64x128xf32, #tpu.memory_space<vmem>>, %arg7: memref<64x128xf32, #tpu.memory_space<vmem>>, %arg8: memref<64x1xf32, #tpu.memory_space<vmem>>) attributes {dimension_semantics = [#tpu.dimension_semantics<arbitrary>], iteration_bounds = array<i64: 40>, scalar_prefetch = 0 : i64, scratch_operands = 2 : i64, tpu.core_type = #tpu.core_type<tc>, window_params = [{transform_indices = @transform_0, window_bounds = array<i64: 2, 256, 128>}, {transform_indices = @transform_1, window_bounds = array<i64: 256, 1>}, {transform_indices = @transform_2, window_bounds = array<i64: 256, 1>}, {pipeline_mode = #tpu.pipeline_mode<synchronous>, transform_indices = @transform_3, window_bounds = array<i64: 1, 128>}, {transform_indices = @transform_4, window_bounds = array<i64: 256, 1>}, {pipeline_mode = #tpu.pipeline_mode<synchronous>, transform_indices = @transform_5, window_bounds = array<i64: 64, 128>}]} {
    %eq3A = arith.constant 0 : i32
    %eq3A_0 = arith.cmpi eq, %arg0, %eq3A : i32
    %convert_element_type3A = arith.extui %eq3A_0 : i1 to i32
    %cond3A = arith.constant 0 : i32
    %cond3A_1 = arith.cmpi ne, %convert_element_type3A, %cond3A : i32
    scf.if %cond3A_1 {
      %broadcast_in_dim3A_67 = arith.constant 0.000000e+00 : f32
      %broadcast_in_dim3A_68 = vector.broadcast %broadcast_in_dim3A_67 : f32 to vector<64x128xf32>
      %swap3A_69 = arith.constant 0 : index
      %swap3A_70 = arith.constant 0 : index
      %swap3A_71 = vector.load %arg7[%swap3A_69, %swap3A_70] : memref<64x128xf32, #tpu.memory_space<vmem>>, vector<64x128xf32>
      tpu.vector_store %arg7[%swap3A_69, %swap3A_70], %broadcast_in_dim3A_68 {strides = array<i32>} : memref<64x128xf32, #tpu.memory_space<vmem>>, vector<64x128xf32>,
      %broadcast_in_dim3A_72 = arith.constant 0.000000e+00 : f32
      %broadcast_in_dim3A_73 = vector.broadcast %broadcast_in_dim3A_72 : f32 to vector<64x1xf32>
      %swap3A_74 = arith.constant 0 : index
      %swap3A_75 = arith.constant 0 : index
      %swap3A_76 = vector.load %arg8[%swap3A_74, %swap3A_75] : memref<64x1xf32, #tpu.memory_space<vmem>>, vector<64x1xf32>
      tpu.vector_store %arg8[%swap3A_74, %swap3A_75], %broadcast_in_dim3A_73 {strides = array<i32>} : memref<64x1xf32, #tpu.memory_space<vmem>>, vector<64x1xf32>,
    } else {
    }
    %get3A = arith.constant 0 : index
    %get3A_2 = arith.constant 0 : index
    %get3A_3 = vector.load %arg2[%get3A, %get3A_2] : memref<256x1xf32, #tpu.memory_space<vmem>>, vector<256x1xf32>
    %get3A_4 = arith.constant 0 : index
    %get3A_5 = arith.constant 0 : index
    %get3A_6 = vector.load %arg3[%get3A_4, %get3A_5] : memref<256x1xf32, #tpu.memory_space<vmem>>, vector<256x1xf32>
    %add3A = arith.addf %get3A_3, %get3A_6 : vector<256x1xf32>
    %add3A_7 = arith.constant 1.000000e+00 : f32
    %add3A_8 = vector.broadcast %add3A_7 : f32 to vector<256x1xf32>
    %add3A_9 = arith.addf %add3A, %add3A_8 : vector<256x1xf32>
    %gt3A = arith.constant 0.000000e+00 : f32
    %gt3A_10 = vector.broadcast %gt3A : f32 to vector<256x1xf32>
    %gt3A_11 = arith.cmpf ogt, %add3A_9, %gt3A_10 : vector<256x1xf32>
    %max3A = arith.constant 9.99999996E-13 : f32
    %max3A_12 = vector.broadcast %max3A : f32 to vector<256x1xf32>
    %max3A_13 = arith.maximumf %add3A_9, %max3A_12 : vector<256x1xf32>
    %rsqrt3A = math.rsqrt %max3A_13 : vector<256x1xf32>
    %jit3A = arith.constant 0.000000e+00 : f32
    %broadcast_in_dim3A = vector.broadcast %jit3A : f32 to vector<256x1xf32>
    %select_n3A = arith.select %gt3A_11, %rsqrt3A, %broadcast_in_dim3A : vector<256x1xi1>, vector<256x1xf32>
    %get3A_14 = arith.constant 0 : index
    %get3A_15 = arith.constant 0 : index
    %get3A_16 = arith.constant 0 : index
    %get3A_17 = vector.load %arg1[%get3A_14, %get3A_15, %get3A_16] : memref<2x256x128xf32, #tpu.memory_space<vmem>>, vector<1x256x128xf32>
    %get3A_18 = vector.shape_cast %get3A_17 : vector<1x256x128xf32> to vector<256x128xf32>
    %get3A_19 = arith.constant 1 : index
    %get3A_20 = arith.constant 0 : index
    %get3A_21 = arith.constant 0 : index
    %get3A_22 = vector.load %arg1[%get3A_19, %get3A_20, %get3A_21] : memref<2x256x128xf32, #tpu.memory_space<vmem>>, vector<1x256x128xf32>
    %get3A_23 = vector.shape_cast %get3A_22 : vector<1x256x128xf32> to vector<256x128xf32>
    %add3A_24 = arith.addf %get3A_18, %get3A_23 : vector<256x128xf32>
    %mul3A = vector.broadcast %select_n3A : vector<256x1xf32> to vector<256x128xf32>
    %mul3A_25 = arith.mulf %mul3A, %add3A_24 : vector<256x128xf32>
    %get3A_26 = arith.constant 0 : index
    %get3A_27 = arith.constant 0 : index
    %get3A_28 = vector.load %arg4[%get3A_26, %get3A_27] : memref<1x128xf32, #tpu.memory_space<vmem>>, vector<1x128xf32>
    %add3A_29 = vector.broadcast %get3A_28 : vector<1x128xf32> to vector<256x128xf32>
    %add3A_30 = arith.addf %mul3A_25, %add3A_29 : vector<256x128xf32>
    %ge3A = arith.constant 0.000000e+00 : f32
    %ge3A_31 = vector.broadcast %ge3A : f32 to vector<256x128xf32>
    %ge3A_32 = arith.cmpf oge, %add3A_30, %ge3A_31 : vector<256x128xf32>
    %mul3A_33 = arith.constant 0.00999999977 : f32
    %mul3A_34 = vector.broadcast %mul3A_33 : f32 to vector<256x128xf32>
    %mul3A_35 = arith.mulf %mul3A_34, %add3A_30 : vector<256x128xf32>
    %select_n3A_36 = arith.select %ge3A_32, %add3A_30, %mul3A_35 : vector<256x128xi1>, vector<256x128xf32>
    %iota3A = tpu.iota {dimensions = array<i32: 1>} : vector<256x64xi32>
    %get3A_37 = arith.constant 0 : index
    %get3A_38 = arith.constant 0 : index
    %get3A_39 = vector.load %arg5[%get3A_37, %get3A_38] : memref<256x1xi32, #tpu.memory_space<vmem>>, vector<256x1xi32>
    %eq3A_40 = vector.broadcast %get3A_39 : vector<256x1xi32> to vector<256x64xi32>
    %eq3A_41 = arith.cmpi eq, %iota3A, %eq3A_40 : vector<256x64xi32>
    %convert_element_type3A_42 = arith.extui %eq3A_41 : vector<256x64xi1> to vector<256x64xi32>
    %convert_element_type3A_43 = arith.sitofp %convert_element_type3A_42 : vector<256x64xi32> to vector<256x64xf32>
    %get3A_44 = arith.constant 0 : index
    %get3A_45 = arith.constant 0 : index
    %get3A_46 = vector.load %arg7[%get3A_44, %get3A_45] : memref<64x128xf32, #tpu.memory_space<vmem>>, vector<64x128xf32>
    %dot_general3A = arith.constant dense<0.000000e+00> : vector<64x128xf32>
    %dot_general3A_47 = tpu.matmul %convert_element_type3A_43, %select_n3A_36, %dot_general3A {dimension_numbers = #tpu.dot_dimension_numbers<[0], [0], [1], [1], [0, 1, 1, 1], [], []>, transpose_lhs_hint = false} : vector<256x64xf32>, vector<256x128xf32>, vector<64x128xf32> -> vector<64x128xf32>
    %add3A_48 = arith.addf %get3A_46, %dot_general3A_47 : vector<64x128xf32>
    %swap3A = arith.constant 0 : index
    %swap3A_49 = arith.constant 0 : index
    %swap3A_50 = vector.load %arg7[%swap3A, %swap3A_49] : memref<64x128xf32, #tpu.memory_space<vmem>>, vector<64x128xf32>
    tpu.vector_store %arg7[%swap3A, %swap3A_49], %add3A_48 {strides = array<i32>} : memref<64x128xf32, #tpu.memory_space<vmem>>, vector<64x128xf32>,
    %get3A_51 = arith.constant 0 : index
    %get3A_52 = arith.constant 0 : index
    %get3A_53 = vector.load %arg8[%get3A_51, %get3A_52] : memref<64x1xf32, #tpu.memory_space<vmem>>, vector<64x1xf32>
    %broadcast_in_dim3A_54 = arith.constant 1.000000e+00 : f32
    %broadcast_in_dim3A_55 = vector.broadcast %broadcast_in_dim3A_54 : f32 to vector<256x1xf32>
    %dot_general3A_56 = arith.constant dense<0.000000e+00> : vector<64x1xf32>
    %dot_general3A_57 = tpu.matmul %convert_element_type3A_43, %broadcast_in_dim3A_55, %dot_general3A_56 {dimension_numbers = #tpu.dot_dimension_numbers<[0], [0], [1], [1], [0, 1, 1, 1], [], []>, transpose_lhs_hint = false} : vector<256x64xf32>, vector<256x1xf32>, vector<64x1xf32> -> vector<64x1xf32>
    %add3A_58 = arith.addf %get3A_53, %dot_general3A_57 : vector<64x1xf32>
    %swap3A_59 = arith.constant 0 : index
    %swap3A_60 = arith.constant 0 : index
    %swap3A_61 = vector.load %arg8[%swap3A_59, %swap3A_60] : memref<64x1xf32, #tpu.memory_space<vmem>>, vector<64x1xf32>
    tpu.vector_store %arg8[%swap3A_59, %swap3A_60], %add3A_58 {strides = array<i32>} : memref<64x1xf32, #tpu.memory_space<vmem>>, vector<64x1xf32>,
    %eq3A_62 = arith.constant 39 : i32
    %eq3A_63 = arith.cmpi eq, %arg0, %eq3A_62 : i32
    %convert_element_type3A_64 = arith.extui %eq3A_63 : i1 to i32
    %cond3A_65 = arith.constant 0 : i32
    %cond3A_66 = arith.cmpi ne, %convert_element_type3A_64, %cond3A_65 : i32
    scf.if %cond3A_66 {
      %get3A_67 = arith.constant 0 : index
      %get3A_68 = arith.constant 0 : index
      %get3A_69 = vector.load %arg7[%get3A_67, %get3A_68] : memref<64x128xf32, #tpu.memory_space<vmem>>, vector<64x128xf32>
      %get3A_70 = arith.constant 0 : index
      %get3A_71 = arith.constant 0 : index
      %get3A_72 = vector.load %arg8[%get3A_70, %get3A_71] : memref<64x1xf32, #tpu.memory_space<vmem>>, vector<64x1xf32>
      %max3A_73 = arith.constant 1.000000e+00 : f32
      %max3A_74 = vector.broadcast %max3A_73 : f32 to vector<64x1xf32>
      %max3A_75 = arith.maximumf %get3A_72, %max3A_74 : vector<64x1xf32>
      %div3A = vector.broadcast %max3A_75 : vector<64x1xf32> to vector<64x128xf32>
      %div3A_76 = arith.divf %get3A_69, %div3A : vector<64x128xf32>
      %swap3A_77 = arith.constant 0 : index
      %swap3A_78 = arith.constant 0 : index
      %swap3A_79 = vector.load %arg6[%swap3A_77, %swap3A_78] : memref<64x128xf32, #tpu.memory_space<vmem>>, vector<64x128xf32>
      tpu.vector_store %arg6[%swap3A_77, %swap3A_78], %div3A_76 {strides = array<i32>} : memref<64x128xf32, #tpu.memory_space<vmem>>, vector<64x128xf32>,
    } else {
    }
    return
  }
  func.func @transform_0(%arg0: i32) -> (i32, i32, i32) {
    %c0_i32 = arith.constant 0 : i32
    %c0_i32_0 = arith.constant 0 : i32
    %c0_i32_1 = arith.constant 0 : i32
    return %c0_i32, %arg0, %c0_i32_0 : i32, i32, i32
  }
  func.func @transform_1(%arg0: i32) -> (i32, i32) {
    %c0_i32 = arith.constant 0 : i32
    %c0_i32_0 = arith.constant 0 : i32
    return %arg0, %c0_i32 : i32, i32
  }
  func.func @transform_2(%arg0: i32) -> (i32, i32) {
    %c0_i32 = arith.constant 0 : i32
    %c0_i32_0 = arith.constant 0 : i32
    return %arg0, %c0_i32 : i32, i32
  }
  func.func @transform_3(%arg0: i32) -> (i32, i32) {
    %c0_i32 = arith.constant 0 : i32
    %c0_i32_0 = arith.constant 0 : i32
    %c0_i32_1 = arith.constant 0 : i32
    return %c0_i32, %c0_i32_0 : i32, i32
  }
  func.func @transform_4(%arg0: i32) -> (i32, i32) {
    %c0_i32 = arith.constant 0 : i32
    %c0_i32_0 = arith.constant 0 : i32
    return %arg0, %c0_i32 : i32, i32
  }
  func.func @transform_5(%arg0: i32) -> (i32, i32) {
    %c0_i32 = arith.constant 0 : i32
    %c0_i32_0 = arith.constant 0 : i32
    %c0_i32_1 = arith.constant 0 : i32
    return %c0_i32, %c0_i32_0 : i32, i32
  }
}

</mosaic_0001>

<sc_bundles>
// kernel: kernel.10.cloned.1.call-start
scs
__scs_entry_jumppad:
0x0: {  	(pc) =	sbr.rel $0x88, $3  }
0x1: {  	(tag) =	ssettag $0x0;
	lr =	simm.s32 $0x1  }
0x2: {  	[smem:$0x3F98] =	sst lr;
	_ =	strace $0xD0000000  }
0x3: {  	_ = 	snop  }
0x4: {  	_ = 	snop  }
0x5: {  	_ = 	snop  }
0x6: {  	_ = 	snop  }
0x7: {  	_ = 	snop  }
__scs_overlays_trampoline_lowered:
0x8: {  	[smem:$0x3FA7] =	sst s0  }
0x9: {  	[smem:$0x3FA8] =	sst s1  }
0xa: {  	[smem:$0x3FA9] =	sst s2  }
0xb: {  	[smem:$0x3FAA] =	sst s3  }
0xc: {  	[smem:$0x3FAB] =	sst s4  }
0xd: {  	[smem:$0x3FAC] =	sst s5  }
0xe: {  	[smem:$0x3FAD] =	sst s6  }
0xf: {  	[smem:$0x3FAE] =	sst s7  }
0x10: {  	[smem:$0x3FAF] =	sst s8  }
0x11: {  	[smem:$0x3FB0] =	sst s9;
	s0 =	simm.s32 @!p0 $0x0  }
0x12: {  	s1 =	sld [smem:$0x3F96];
	s0 =	simm.s32 @p0 $0x1  }
0x13: {  	[smem:$0x3FB1] =	sst s0;
	s0 =	simm.s32 @!p1 $0x0  }
0x14: {  	s2 =	sld [smem:$0x3F95];
	s0 =	simm.s32 @p1 $0x1  }
0x15: {  	[smem:$0x3FB2] =	sst s0;
	s0 =	simm.s32 @!p2 $0x0  }
0x16: {  	s3 =	sld [smem:$0x3FDB];
	s0 =	simm.s32 @p2 $0x1  }
0x17: {  	s4 =	simm.s32 $0x1BF5;
	[smem:$0x3FB4] =	sst s0  }
0x18: {  	s0 =	sld [smem:$0x3F97];
	_ =	swait.ge [sflag:s4], $0x0  }
0x19: {  	s7 =	sld [smem:$0x3F98]  }
0x1a: {  	s8 =	sadd.s32 $0xFFFFE003, lr  }
0x1b: {  	s9 =	sadd.s32 $0xFFFFFEF7, lr;
	s5 =	simm.s32 $0xFFFFFFFF;
	p2 =	slt.u32 s8, $0xFFFFF086  }
0x1c: {  	p1 =	slt.u32 s9, $0xF7A;
	s5 =	simm.s32 @!p2 $0x0  }
0x1d: {  	s5 =	simm.s32 @p1 $0x1;
	p0 =	seq.s32 s7, s2  }
0x1e: {  	s7 =	smul.u32 @!p0 $0xF7A, s2;
	p2 =	seq.s32 @!p0 s5, $0x0  }
0x1f: {  	s9 =	smul.u32 $0xF7A, s1;
	s8 =	simm.s32 @!p0 $0x1BF5;
	p2 =	por !p2, p0  }
0x20: {  	[sflag:s8] =	ssyncset.s32 @!p0 $0xFFFFF086;
	s6 =	sadd.s32 @!p0 s3, s7;
	s7 =	simm.s32 @!p0 $0x108  }
0x21: {  	s3 =	sadd.s32 s3, s9;
	s6 =	sadd.s32 @!p0 $0x88, s6;
	s7 =	simm.s32 @p2 $0x1082  }
0x22: {  	[simem:s7], [sflag:s8] =	dma.local @!p0 [hbm:s6], $0xF7A  }
0x23: {  	s9 =	sor.u32 $0xD0000000, s2;
	s6 =	simm.s32 $0x108;
	_ =	swait.ge @!p0 [sflag:s8], $0x0  }
0x24: {  	s3 =	sadd.s32 $0x88, s3;
	s6 =	simm.s32 @!p1 $0x1082;
	[sflag:s4] =	ssyncset.s32 $0xFFFFF086  }
0x25: {  	[simem:s6], [sflag:s4] =	dma.local [hbm:s3], $0xF7A  }
0x26: {  	[smem:$0x3F98] =	sst s1;
	(tag) =	ssettag s2;
	_ =	strace s9  }
0x27: {  	s1 =	sld [smem:$0x3FA8]  }
0x28: {  	s2 =	sld [smem:$0x3FA9]  }
0x29: {  	s4 =	sld [smem:$0x3FAB]  }
0x2a: {  	p0 =	seq.s32 s5, $0x0;
	s5 =	sld [smem:$0x3FAC]  }
0x2b: {  	s6 =	sld [smem:$0x3FAD]  }
0x2c: {  	s7 =	sld [smem:$0x3FAE]  }
0x2d: {  	s3 =	simm.s32 $0x108;
	s8 =	sld [smem:$0x3FAF]  }
0x2e: {  	s3 =	simm.s32 @!p0 $0x1082;
	s9 =	sld [smem:$0x3FB0]  }
0x2f: {  	lr =	sadd.s32 s0, s3;
	s0 =	sld [smem:$0x3FA7]  }
0x30: {  	s3 =	sld [smem:$0x3FAA]  }
0x31: {  	[smem:$0x3FB3] =	sst s10  }
0x32: {  	s10 =	sld [smem:$0x3FB1];
	_ =	sdelay $0x3  }
0x33: {  	p0 =	seq.s32 s10, $0x1;
	s10 =	sld [smem:$0x3FB3];
	_ =	sdelay $0x3  }
0x34: {  	[smem:$0x3FB3] =	sst s10  }
0x35: {  	s10 =	sld [smem:$0x3FB2];
	_ =	sdelay $0x3  }
0x36: {  	p1 =	seq.s32 s10, $0x1;
	s10 =	sld [smem:$0x3FB3];
	_ =	sdelay $0x3  }
0x37: {  	[smem:$0x3FB3] =	sst s10  }
0x38: {  	s10 =	sld [smem:$0x3FB4]  }
0x39: {  	_ = 	snop;
	(pc) =	sbr.ind lr, $3  }
0x3a: {  	_ = 	snop  }
0x3b: {  	_ = 	snop  }
0x3c: {  	p2 =	seq.s32 s10, $0x1;
	s10 =	sld [smem:$0x3FB3]  }
0x3d: {  	_ =	shalt  }
0x3e: {  	_ =	shalt  }
0x3f: {  	_ =	shalt  }
0x40: {  	_ =	shalt  }
0x41: {  	_ =	shalt  }
0x42: {  	_ =	shalt  }
0x43: {  	_ =	shalt  }
0x44: {  	_ =	shalt  }
0x45: {  	_ =	shalt  }
0x46: {  	_ =	shalt  }
0x47: {  	_ =	shalt  }
0x48: {  	_ =	shalt  }
0x49: {  	_ =	shalt  }
0x4a: {  	_ =	shalt  }
0x4b: {  	_ =	shalt  }
0x4c: {  	_ =	shalt  }
0x4d: {  	_ =	shalt  }
0x4e: {  	_ =	shalt  }
0x4f: {  	_ =	shalt  }
0x50: {  	_ =	shalt  }
0x51: {  	_ =	shalt  }
0x52: {  	_ =	shalt  }
0x53: {  	_ =	shalt  }
0x54: {  	_ =	shalt  }
0x55: {  	_ =	shalt  }
0x56: {  	_ =	shalt  }
0x57: {  	_ =	shalt  }
0x58: {  	_ =	shalt  }
0x59: {  	_ =	shalt  }
0x5a: {  	_ =	shalt  }
0x5b: {  	_ =	shalt  }
0x5c: {  	_ =	shalt  }
0x5d: {  	_ =	shalt  }
0x5e: {  	_ =	shalt  }
0x5f: {  	_ =	shalt  }
0x60: {  	_ =	shalt  }
0x61: {  	_ =	shalt  }
0x62: {  	_ =	shalt  }
0x63: {  	_ =	shalt  }
0x64: {  	_ =	shalt  }
0x65: {  	_ =	shalt  }
0x66: {  	_ =	shalt  }
0x67: {  	_ =	shalt  }
0x68: {  	_ =	shalt  }
0x69: {  	_ =	shalt  }
0x6a: {  	_ =	shalt  }
0x6b: {  	_ =	shalt  }
0x6c: {  	_ =	shalt  }
0x6d: {  	_ =	shalt  }
0x6e: {  	_ =	shalt  }
0x6f: {  	_ =	shalt  }
0x70: {  	_ =	shalt  }
0x71: {  	_ =	shalt  }
0x72: {  	_ =	shalt  }
0x73: {  	_ =	shalt  }
0x74: {  	_ =	shalt  }
0x75: {  	_ =	shalt  }
0x76: {  	_ =	shalt  }
0x77: {  	_ =	shalt  }
0x78: {  	_ =	shalt  }
0x79: {  	_ =	shalt  }
0x7a: {  	_ =	shalt  }
0x7b: {  	_ =	shalt  }
0x7c: {  	_ =	shalt  }
0x7d: {  	_ =	shalt  }
0x7e: {  	_ =	shalt  }
0x7f: {  	_ =	shalt  }
0x80: {  	_ =	shalt  }
0x81: {  	_ =	shalt  }
0x82: {  	_ =	shalt  }
0x83: {  	_ =	shalt  }
0x84: {  	_ =	shalt  }
0x85: {  	_ =	shalt  }
0x86: {  	_ =	shalt  }
0x87: {  	_ =	shalt  }
.Lfunc_end0:
.L_simem_size_0:
called_computation_lowered:
.L_overlay_start_0:
0x88: {  	s2 =	sld [smem:$0x3FD9]  }
0x89: {  	s3 =	sld [smem:$0x3FFE];
	_ =	sdelay $0x1  }
0x8a: {  	s1 =	srdreg.scid  }
0x8b: {  	s0 =	sand.u32 $0x1, s1  }
0x8c: {  	s16 =	sshll.u32 s0, $0xA;
	s2 =	sadd.s32 s3, s2  }
0x8d: {  	s2 =	sadd.s32 s2, s16  }
0x8e: {  	[smem:$0x3FBF] =	sst s2  }
0x8f: {  	_ = 	snop  }
0x90: {  	(tm) =	ssettm $0x1  }
0x91: {  	s17 =	sld [smem:$0x3FFB];
	_ =	sdelay $0x3  }
0x92: {  	_ =	strace s17  }
0x93: {  	s2 =	sld [smem:$0x3FFC];
	_ =	sdelay $0x3  }
0x94: {  	_ =	strace s2  }
0x95: {  	s2 =	sld [smem:$0x3FFD];
	_ =	sdelay $0x3  }
0x96: {  	_ =	strace s2  }
0x97: {  	_ =	strace $0x8FFFFFFF  }
0x98: {  	s18 =	sld [smem:$0x3FDB];
	_ =	sdelay $0x1  }
0x99: {  	s19 =	simm.s32 $_scs_section_size  }
0x9a: {  	s4 =	simm.s32 $_size__tile_overlayer_lowered;
	s5 =	simm.s32 $_tile_overlayer_lowered  }
0x9b: {  	s22 =	simm.s32 $0x1BFF;
	s21 =	sshll.u32 s5, $0x1;
	s2 =	sadd.s32 s19, s18  }
0x9c: {  	s6 =	simm.s32 $0x0;
	s20 =	sshll.u32 s4, $0x1;
	s4 =	sadd.s32 s21, s2  }
0x9d: {  	[timem:s6], [sflag:s22] =	dma.local [hbm:s4], s20  }
0x9e: {  	_ =	swait.ge [sflag:s22], s20  }
0x9f: {  	s3 =	ssub.s32 $0x0, s20;
	[sflag:s22] =	ssyncset.done $0x0  }
0xa0: {  	[sflag:s22] =	ssyncadd.s32 s3;
	_ =	sdelay $0x1  }
0xa1: {  	s23 =	simm.s32 $0x1B8B  }
0xa2: {  	_ =	swait.ge [sflag:s23], $0x1  }
0xa3: {  	[sflag:s23] =	ssyncset.done $0x0  }
0xa4: {  	s25 =	simm.s32 $0x1B8E;
	s24 =	sld [smem:$0x3FFE];
	[sflag:s23] =	ssyncadd.s32 $0xFFFFFFFF  }
0xa5: {  	s26 =	simm.s32 $execute0_lowered;
	[smem:$0x3FD2] =	sst s25  }
0xa6: {  	s4 =	sshll.u32 s26, $0x1;
	_ =	strace $0x80000046;
	[dreg:$0x1] =	wrdreg $0xFFFFFFFF  }
0xa7: {  	s28 =	simm.s32 $_size_execute0_lowered;
	s2 =	sadd.s32 s2, s4;
	[dreg:$0x0] =	wrdreg $0x0  }
0xa8: {  	s4 =	sshll.u32 s28, $0x1;
	[dreg:$0x2] =	wrdreg s2  }
0xa9: {  	[dreg:$0x3] =	wrdreg s4  }
0xaa: {  	[dreg:$0x4] =	wrdreg $0xC0  }
0xab: {  	_ =	task [dreg:s6], $0x5FFFF  }
0xac: {  	[dreg:$0x1] =	wrdreg $0xFFFFFFFF  }
0xad: {  	[dreg:$0x0] =	wrdreg $0x60  }
0xae: {  	[dreg:$0x2] =	wrdreg s24  }
0xaf: {  	[dreg:$0x3] =	wrdreg $0x0  }
0xb0: {  	[dreg:$0x4] =	wrdreg $0x9  }
0xb1: {  	_ =	task.clear_ibuf [dreg:s6], $0x5FFFF;
	_ =	strace $0x90000046  }
0xb2: {  	s29 =	simm.s32 $0x9;
	_ =	strace $0x80000048  }
0xb3: {  	_ =	swait.ge [sflag:s29], $0x1  }
0xb4: {  	[sflag:s29] =	ssyncadd.s32 $0xFFFFFFFF  }
0xb5: {  	_ =	strace $0x90000048  }
0xb6: {  	_ =	sfence  }
0xb7: {  	s30 =	sld [smem:$0x0];
	_ =	sdelay $0x2  }
0xb8: {  	s31 =	sshll.u32 s1, $0xD;
	s1 =	sshrl.u32 s1, $0x2  }
0xb9: {  	s3 =	sand.u32 $0x4000, s31;
	s1 =	sadd.s32 s1, s30  }
0xba: {  	s0 =	sor.u32 s3, s0;
	s1 =	sshll.u32 s1, $0x11  }
0xbb: {  	s0 =	sor.u32 s1, s0  }
0xbc: {  	s0 =	sadd.s32 $0x8F2B, s0  }
0xbd: {  	[sflag:s0] =	ssyncadd.remote.s32 $0x1  }
0xbe: {  	_ =	sfence.sel $0xFFFF  }
0xbf: {  	[dreg:$0x0] =	wrdreg $0xFFFFFFFF;
	(pc) =	sbr.abs _section_cstart, $3  }
0xc0: {  	[dreg:$0x1] =	wrdreg $0xFFFFFFFF  }
0xc1: {  	_ =	task.clear_ibuf [dreg:s6], $0x2FFFF;
	_ =	strace $0x9FFFFFFF  }
0xc2: {  	(tm) =	ssettm $0x7FFFFFFF  }
0xc3: {  	_ =	shalt  }
tec
execute0_lowered:
.L_overlay_start_1:
0x0: {  	(tag) =	ssettag $0x1  }
0x1: {  	s0 =	srdreg.scid  }
0x2: {  	s1 =	rddreg [dreg:$0x0];
	s10 =	stileid.u32  }
0x3: {  	s2 =	rddreg [dreg:$0x1];
	s11 =	simm.s32 $0x70;
	s13 =	simm.s32 $0x3E80  }
0x4: {  	s15 =	simm.s32 $0x1;
	s17 =	simm.s32 $0x2;
	s19 =	simm.s32 $0x3  }
0x5: {  	s25 =	simm.s32 $0x0;
	s0 =	sand.u32 $0x1, s0;
	s5 =	smul.u32 $0x500, s10  }
0x6: {  	s6 =	smul.u32 $0x280, s10;
	s31 =	sshll.u32 s10, $0x6;
	s3 =	sshll.u32 s0, $0x4  }
0x7: {  	s7 =	sshll.u32 s0, $0x7;
	s0 =	ssub.s32 $0x2, s0;
	s4 =	sor.u32 s10, s3  }
0x8: {  	s3 =	simm.s32 $0x0;
	s26 =	sor.u32 s7, s5;
	s28 =	sshrl.u32 s6, $0x3  }
0x9: {  	s29 =	sshrl.u32 s0, $0x1;
	s9 =	sadd.s32 s6, s2;
	s10 =	simm.s32 $0x4  }
0xa: {  	s4 =	smul.u32 $0x780, s4;
	[smem:$0x7FF] =	sst s3;
	s5 =	sadd.s32 s28, s1  }
0xb: {  	s0 =	ssub.s32 s0, s29;
	s9 =	sshrl.u32 s9, $0x3;
	_ =	strace $0x80000047  }
0xc: {  	s30 =	sadd.s32 $0x11800, s5;
	s5 =	sor.u32 $0x1C04, s31;
	s0 =	smax.u32 s0, $0x1  }
0xd: {  	s8 =	sadd.s32 s4, s1;
	s4 =	sshrl.u32 s26, $0x3;
	[dreg:$0x3] =	wrdreg s30  }
0xe: {  	[dreg:$0x5] =	wrdreg s0;
	s1 =	sadd.s32 s4, s1;
	s6 =	sadd.s32 $0x2800, s8  }
0xf: {  	s1 =	sadd.s32 $0x11E00, s1;
	s12 =	sadd.s32 $0x80, s6;
	s14 =	sadd.s32 $0x100, s6  }
0x10: {  	s16 =	sadd.s32 $0x180, s6;
	s18 =	sadd.s32 $0x200, s6;
	s20 =	sadd.s32 $0x280, s6  }
0x11: {  	v0 =	vimm.f32 $1.000000000e+00;
	s22 =	sadd.s32 $0x300, s6;
	s24 =	sadd.s32 $0x380, s6;
	[dreg:$0x4] =	wrdreg s1  }
.LBB2_1:
0x12: {  	s0 =	rddreg [dreg:$0x3]  }
0x13: {  	[spmem:s9], [sflag:s5] =	dma.local [hbm:s0], $0x50  }
0x14: {  	_ =	swait.ge [sflag:s10], $0x50  }
0x15: {  	[sflag:s10] =	ssyncset.done $0x0  }
0x16: {  	s4 =	simm.s32 $0x280;
	[sflag:s10] =	ssyncadd.s32 $0xFFFFFFB0  }
0x17: {  	[tilespmem:s4], [sflag:$0x4] =	stream.linear.gather [hbm4b:s6+s3], $0x300, $0x38;
	[tilespmem:$0x3F00] =	vst v63  }
0x18: {  	s7 =	simm.s32 $0x680  }
0x19: {  	[tilespmem:s7], [sflag:$0x4] =	stream.linear.gather [hbm4b:s12+s3], $0x300, $0x38;
	[tilespmem:$0x3F00] =	vst v63  }
0x1a: {  	s8 =	simm.s32 $0xA80  }
0x1b: {  	[tilespmem:s8], [sflag:$0x4] =	stream.linear.gather [hbm4b:s14+s3], $0x300, $0x38;
	[tilespmem:$0x3F00] =	vst v63  }
0x1c: {  	s21 =	simm.s32 $0xE80  }
0x1d: {  	[tilespmem:s21], [sflag:$0x4] =	stream.linear.gather [hbm4b:s16+s3], $0x300, $0x38;
	[tilespmem:$0x3F00] =	vst v63  }
0x1e: {  	s23 =	simm.s32 $0x1280  }
0x1f: {  	[tilespmem:s23], [sflag:$0x4] =	stream.linear.gather [hbm4b:s18+s3], $0x300, $0x38;
	[tilespmem:$0x3F00] =	vst v63  }
0x20: {  	s26 =	simm.s32 $0x1680  }
0x21: {  	[tilespmem:s26], [sflag:$0x4] =	stream.linear.gather [hbm4b:s20+s3], $0x300, $0x38;
	[tilespmem:$0x3F00] =	vst v63  }
0x22: {  	s31 =	simm.s32 $0x1A80  }
0x23: {  	[tilespmem:s31], [sflag:$0x4] =	stream.linear.gather [hbm4b:s22+s3], $0x300, $0x38;
	[tilespmem:$0x3F00] =	vst v63  }
0x24: {  	s1 =	simm.s32 $0x1E80  }
0x25: {  	[tilespmem:s1], [sflag:$0x4] =	stream.linear.gather [hbm4b:s24+s3], $0x300, $0x38;
	[tilespmem:$0x3F00] =	vst v63  }
0x26: {  	s4 =	sadd.s32 $0x400, s6;
	s1 =	simm.s32 $0x2280  }
0x27: {  	[tilespmem:s1], [sflag:$0x4] =	stream.linear.gather [hbm4b:s4+s3], $0x300, $0x38;
	[tilespmem:$0x3F00] =	vst v63  }
0x28: {  	s7 =	sadd.s32 $0x480, s6;
	s8 =	simm.s32 $0x2680  }
0x29: {  	[tilespmem:s8], [sflag:$0x4] =	stream.linear.gather [hbm4b:s7+s3], $0x300, $0x38;
	[tilespmem:$0x3F00] =	vst v63  }
0x2a: {  	s21 =	sadd.s32 $0x500, s6;
	s23 =	simm.s32 $0x2A80  }
0x2b: {  	[tilespmem:s23], [sflag:$0x4] =	stream.linear.gather [hbm4b:s21+s3], $0x300, $0x38;
	[tilespmem:$0x3F00] =	vst v63  }
0x2c: {  	s26 =	sadd.s32 $0x580, s6;
	s31 =	simm.s32 $0x2E80  }
0x2d: {  	[tilespmem:s31], [sflag:$0x4] =	stream.linear.gather [hbm4b:s26+s3], $0x300, $0x38;
	[tilespmem:$0x3F00] =	vst v63  }
0x2e: {  	s4 =	sadd.s32 $0x600, s6;
	s7 =	simm.s32 $0x3280  }
0x2f: {  	[tilespmem:s7], [sflag:$0x4] =	stream.linear.gather [hbm4b:s4+s3], $0x300, $0x38;
	[tilespmem:$0x3F00] =	vst v63  }
0x30: {  	s8 =	sadd.s32 $0x680, s6;
	s21 =	simm.s32 $0x3680  }
0x31: {  	[tilespmem:s21], [sflag:$0x4] =	stream.linear.gather [hbm4b:s8+s3], $0x300, $0x38;
	[tilespmem:$0x3F00] =	vst v63  }
0x32: {  	s23 =	sadd.s32 $0x700, s6;
	s26 =	simm.s32 $0x3A80;
	s31 =	smul.u32 $0x3, s3  }
0x33: {  	[tilespmem:s26], [sflag:$0x4] =	stream.linear.gather [hbm4b:s23+s3], $0x300, $0x38;
	[tilespmem:$0x3F00] =	vst v63  }
0x34: {  	s4 =	sand.u32 $0xFF, s31;
	_ =	swait.ge [sflag:s10], $0x2D00  }
0x35: {  	s1 =	smul.u32 $0xAB, s4;
	[sflag:s10] =	ssyncset.done $0x0  }
0x36: {  	[sflag:s10] =	ssyncadd.s32 $0xFFFFD300  }
0x37: {  	s21 =	sadd.s32 $0x1, s31;
	s1 =	sshrl.u32 s1, $0xA;
	[tilespmem:$0x3E80] =	vst v0  }
0x38: {  	s23 =	sand.u32 $0xFF, s21;
	s26 =	sadd.s32 $0x2, s31;
	s1 =	smul.u32 $0x6, s1;
	[tilespmem:$0x3E90] =	vst v0  }
0x39: {  	s23 =	smul.u32 $0xAB, s23;
	s28 =	sand.u32 $0xFF, s26;
	[tilespmem:$0x3EA0] =	vst v0  }
0x3a: {  	s28 =	smul.u32 $0xAB, s28;
	[tilespmem:$0x3EB0] =	vst v0  }
0x3b: {  	s30 =	sand.u32 $0xF000, s3;
	s0 =	ssub.s32 s31, s1;
	s29 =	sshrl.u32 s23, $0xA;
	[tilespmem:$0x3EC0] =	vst v0  }
0x3c: {  	s0 =	sand.u32 $0xFF, s0;
	[tilespmem:$0x3ED0] =	vst v0;
	s7 =	smul.u32 $0x6, s29;
	s29 =	sshrl.u32 s28, $0xA  }
0x3d: {  	s23 =	sand.u32 $0xFC00, s23;
	[tilespmem:$0x3EE0] =	vst v0;
	s0 =	sshll.u32 s0, $0x7;
	s8 =	smul.u32 $0x6, s29  }
0x3e: {  	[bflag:$0x0] =	sbarrier.arrive $0xFFFF;
	s29 =	sshrl.u32 s30, $0x2;
	s1 =	ssub.s32 s21, s7  }
0x3f: {  	s0 =	sor.u32 s0, s29;
	s1 =	sand.u32 $0xFF, s1;
	s21 =	ssub.s32 s26, s8  }
0x40: {  	s0 =	sadd.s32 $0x280, s0;
	s1 =	sshll.u32 s1, $0x7;
	s21 =	sand.u32 $0xFF, s21  }
0x41: {  	[spmem:s2] =	stream.indirect.scatter.add.f32 [tilespmem:s13], [sflag:$0x1], $0x1, s0, s11, $0xb8;
	[tilespmem:$0x3F00] =	vst v63  }
0x42: {  	s31 =	sand.u32 $0xFC00, s28;
	s1 =	sor.u32 s1, s23;
	s21 =	sshll.u32 s21, $0x7  }
0x43: {  	s4 =	sadd.s32 $0x280, s1;
	s7 =	sor.u32 s21, s31  }
0x44: {  	[spmem:s2] =	stream.indirect.scatter.add.f32 [tilespmem:s13], [sflag:$0x2], $0x1, s4, s11, $0xb8;
	[tilespmem:$0x3F00] =	vst v63  }
0x45: {  	s8 =	simm.s32 $0x1;
	s1 =	sadd.s32 $0x280, s7  }
0x46: {  	[spmem:s2] =	stream.indirect.scatter.add.f32 [tilespmem:s13], [sflag:$0x3], $0x1, s1, s11, $0xb8;
	[tilespmem:$0x3F00] =	vst v63  }
0x47: {  	s0 =	smul.u32 $0x3, s8;
	_ =	swait.ge [sflag:s15], $0x70  }
0x48: {  	s28 =	simm.s32 $0x2;
	s26 =	simm.s32 $0x800;
	[sflag:s15] =	ssyncset.done $0x0  }
0x49: {  	s21 =	sand.u32 $0xFF, s0;
	s30 =	sadd.s32 $0x1, s0;
	[sflag:s15] =	ssyncadd.s32 $0xFFFFFF90  }
0x4a: {  	s29 =	sadd.s32 $0x2, s0;
	s23 =	smul.u32 $0xAB, s21;
	_ =	swait.ge [sflag:s17], $0x70  }
0x4b: {  	s31 =	sand.u32 $0xFF, s30;
	s21 =	sand.u32 $0xFF, s29;
	[sflag:s17] =	ssyncset.done $0x0  }
0x4c: {  	s1 =	smul.u32 $0xAB, s31;
	s23 =	sshrl.u32 s23, $0xA;
	[sflag:s17] =	ssyncadd.s32 $0xFFFFFF90  }
.LBB2_2:
0x4d: {  	s23 =	smul.u32 $0x6, s23  }
0x4e: {  	_ =	swait.ge [sflag:s19], $0x70;
	s4 =	smov.u32 s28;
	s31 =	sadd.s32 $0x1, s28  }
0x4f: {  	s7 =	sshrl.u32 s1, $0xA;
	s21 =	smul.u32 $0xAB, s21;
	[sflag:s19] =	ssyncset.done $0x0  }
0x50: {  	s7 =	smul.u32 $0x6, s7;
	s0 =	ssub.s32 s0, s23;
	[sflag:s19] =	ssyncadd.s32 $0xFFFFFF90  }
0x51: {  	s23 =	sand.u32 $0xF000, s26;
	s8 =	sshrl.u32 s21, $0xA;
	s0 =	sand.u32 $0xFF, s0  }
0x52: {  	s7 =	ssub.s32 s30, s7;
	s8 =	smul.u32 $0x6, s8;
	s0 =	sshll.u32 s0, $0x7  }
0x53: {  	s1 =	sand.u32 $0xFC00, s1;
	s23 =	sshrl.u32 s23, $0x2;
	s7 =	sand.u32 $0xFF, s7  }
0x54: {  	s0 =	sor.u32 s0, s23;
	s7 =	sshll.u32 s7, $0x7;
	s8 =	ssub.s32 s29, s8  }
0x55: {  	s0 =	sadd.s32 $0x280, s0;
	s1 =	sor.u32 s7, s1;
	s7 =	sand.u32 $0xFF, s8  }
0x56: {  	s8 =	sand.u32 $0xFC00, s21;
	s1 =	sadd.s32 $0x280, s1;
	s7 =	sshll.u32 s7, $0x7  }
0x57: {  	[spmem:s2] =	stream.indirect.scatter.add.f32 [tilespmem:s13], [sflag:$0x1], $0x1, s0, s11, $0xb8;
	[tilespmem:$0x3F00] =	vst v63  }
0x58: {  	p0 =	sne.s32 s28, $0x1D;
	s0 =	sor.u32 s7, s8  }
0x59: {  	[spmem:s2] =	stream.indirect.scatter.add.f32 [tilespmem:s13], [sflag:$0x2], $0x1, s1, s11, $0xb8;
	[tilespmem:$0x3F00] =	vst v63  }
0x5a: {  	s0 =	sadd.s32 $0x280, s0  }
0x5b: {  	[spmem:s2] =	stream.indirect.scatter.add.f32 [tilespmem:s13], [sflag:$0x3], $0x1, s0, s11, $0xb8;
	[tilespmem:$0x3F00] =	vst v63  }
0x5c: {  	s28 =	smov.u32 s31;
	s0 =	smul.u32 $0x3, s4;
	_ =	swait.ge [sflag:s15], $0x70  }
.Ltmp0:
0x5d: {  	s26 =	sadd.s32 $0x800, s26;
	[sflag:s15] =	ssyncset.done $0x0;
	(pc) =	sbr.rel @p0 .LBB2_2-.Ltmp0, $4  }
0x5e: {  	s1 =	sand.u32 $0xFF, s0;
	s30 =	sadd.s32 $0x1, s0;
	[sflag:s15] =	ssyncadd.s32 $0xFFFFFF90  }
0x5f: {  	s4 =	smul.u32 $0xAB, s1;
	s1 =	sand.u32 $0xFF, s30;
	_ =	swait.ge [sflag:s17], $0x70  }
0x60: {  	s29 =	sadd.s32 $0x2, s0;
	s1 =	smul.u32 $0xAB, s1;
	[sflag:s17] =	ssyncset.done $0x0  }
0x61: {  	s21 =	sand.u32 $0xFF, s29;
	s23 =	sshrl.u32 s4, $0xA;
	[sflag:s17] =	ssyncadd.s32 $0xFFFFFF90  }
0x62: {  	s4 =	smul.u32 $0x6, s23  }
0x63: {  	_ =	swait.ge [sflag:s19], $0x70;
	s7 =	sshrl.u32 s1, $0xA;
	s8 =	smul.u32 $0xAB, s21  }
0x64: {  	s28 =	sand.u32 $0xF000, s26;
	s31 =	sand.u32 $0xFC00, s1;
	[sflag:s19] =	ssyncset.done $0x0  }
0x65: {  	s21 =	smul.u32 $0x6, s7;
	s0 =	ssub.s32 s0, s4;
	s23 =	sshrl.u32 s8, $0xA  }
0x66: {  	[sflag:s19] =	ssyncadd.s32 $0xFFFFFF90;
	s8 =	sand.u32 $0xFC00, s8;
	s7 =	smul.u32 $0x6, s23  }
0x67: {  	s0 =	sand.u32 $0xFF, s0;
	s4 =	ssub.s32 s30, s21;
	s21 =	sshrl.u32 s28, $0x2  }
0x68: {  	s0 =	sshll.u32 s0, $0x7;
	s4 =	sand.u32 $0xFF, s4;
	s7 =	ssub.s32 s29, s7  }
0x69: {  	s0 =	sor.u32 s0, s21;
	s4 =	sshll.u32 s4, $0x7;
	s7 =	sand.u32 $0xFF, s7  }
0x6a: {  	s0 =	sadd.s32 $0x280, s0;
	s1 =	sor.u32 s4, s31;
	s7 =	sshll.u32 s7, $0x7  }
0x6b: {  	[spmem:s2] =	stream.indirect.scatter.add.f32 [tilespmem:s13], [sflag:$0x1], $0x1, s0, s11, $0xb8;
	[tilespmem:$0x3F00] =	vst v63  }
0x6c: {  	s21 =	sadd.s32 $0x280, s1;
	s23 =	sor.u32 s7, s8  }
0x6d: {  	[spmem:s2] =	stream.indirect.scatter.add.f32 [tilespmem:s13], [sflag:$0x2], $0x1, s21, s11, $0xb8;
	[tilespmem:$0x3F00] =	vst v63  }
0x6e: {  	s26 =	sadd.s32 $0x280, s23  }
0x6f: {  	[spmem:s2] =	stream.indirect.scatter.add.f32 [tilespmem:s13], [sflag:$0x3], $0x1, s26, s11, $0xb8;
	[tilespmem:$0x3F00] =	vst v63  }
0x70: {  	_ =	swait.ge [sflag:s15], $0x70  }
0x71: {  	[sflag:s15] =	ssyncset.done $0x0  }
0x72: {  	[sflag:s15] =	ssyncadd.s32 $0xFFFFFF90  }
0x73: {  	_ =	swait.ge [sflag:s17], $0x70  }
0x74: {  	[sflag:s17] =	ssyncset.done $0x0  }
0x75: {  	[sflag:s17] =	ssyncadd.s32 $0xFFFFFF90  }
0x76: {  	_ =	swait.ge [sflag:s19], $0x70  }
0x77: {  	[sflag:s19] =	ssyncset.done $0x0  }
0x78: {  	[sflag:s19] =	ssyncadd.s32 $0xFFFFFF90  }
0x79: {  	[bflag:$0x0] =	sbarrier.arrive $0xFFFF  }
0x7a: {  	s30 =	simm.s32 $0x10;
	s29 =	simm.s32 $0x20;
	s28 =	rddreg [dreg:$0x4]  }
0x7b: {  	[hbm:s28@s29], [sflag:s5] =	dma.strided [spmem:s9@s30], $0x50, s15, $0x10   }
0x7c: {  	_ =	swait.ge [sflag:s10], $0x50  }
0x7d: {  	s25 =	sadd.s32 $0x1, s25;
	s31 =	rddreg [dreg:$0x5]  }
0x7e: {  	p0 =	sne.s32 s25, s31  }
.Ltmp1:
0x7f: {  	_ = 	snop;
	(pc) =	sbr.rel @p0 .LBB2_1-.Ltmp1, $3  }
0x80: {  	_ =	sdelay $0x1  }
0x81: {  	[sflag:s10] =	ssyncset.done $0x0  }
0x82: {  	[sflag:s10] =	ssyncadd.s32 $0xFFFFFFB0  }
0x83: {  	_ =	sfence.sel $0x180000  }
0x84: {  	[bflag:$0x0] =	sbarrier.arrive $0xFFFF  }
0x85: {  	_ =	strace $0x90000047  }
0x86: {  	s0 =	stileid.u32;
	[bflag:$0x2] =	sbarrier.arrive $0xFFFF  }
0x87: {  	p0 =	sne.s32 s0, $0x0;
	s0 =	rddreg [dreg:$0x2]  }
0x88: {  	s0 =	sadd.s32 @!p0 $0x100000, s0  }
0x89: {  	[sflag:s0] =	ssyncadd.tile.s32 @!p0 $0x1;
	_ =	shalt  }
.Lfunc_end2:
_tile_overlayer_lowered:
.L_overlay_start_2:
0x8a: {  	(tag) =	ssettag $0x2  }
0x8b: {  	s0 =	rddreg [dreg:$0x0];
	s2 =	stileid.u32  }
0x8c: {  	s1 =	rddreg [dreg:$0x1];
	p0 =	sne.s32 s2, $0x0  }
0x8d: {  	s3 =	rddreg [dreg:$0x2];
	[bflag:$0x3] =	sbarrier.arrive $0xFFFF;
	s2 =	simm.s32 @!p0 $0x1C04  }
0x8e: {  	[timem:s3], [sflag:s2] =	dma.local @!p0 [hbm:s0], s1  }
0x8f: {  	s0 =	simm.s32 @!p0 $0x4  }
0x90: {  	_ =	swait.ge @!p0 [sflag:s0], s1  }
0x91: {  	s1 =	ssub.s32 @!p0 $0x0, s1;
	[sflag:s0] =	ssyncset.done @!p0 $0x0  }
0x92: {  	[sflag:s0] =	ssyncadd.s32 @!p0 s1  }
0x93: {  	[bflag:$0x3] =	sbarrier.arrive $0xFFFF  }
0x94: {  	_ =	shalt  }

// kernel: kernel.13.cloned.1.call-start
scs
__scs_entry_jumppad:
0x0: {  	(pc) =	sbr.rel $0x88, $3  }
0x1: {  	(tag) =	ssettag $0x0;
	lr =	simm.s32 $0x1  }
0x2: {  	[smem:$0x3F98] =	sst lr;
	_ =	strace $0xD0000000  }
0x3: {  	_ = 	snop  }
0x4: {  	_ = 	snop  }
0x5: {  	_ = 	snop  }
0x6: {  	_ = 	snop  }
0x7: {  	_ = 	snop  }
__scs_overlays_trampoline_lowered:
0x8: {  	[smem:$0x3FA7] =	sst s0  }
0x9: {  	[smem:$0x3FA8] =	sst s1  }
0xa: {  	[smem:$0x3FA9] =	sst s2  }
0xb: {  	[smem:$0x3FAA] =	sst s3  }
0xc: {  	[smem:$0x3FAB] =	sst s4  }
0xd: {  	[smem:$0x3FAC] =	sst s5  }
0xe: {  	[smem:$0x3FAD] =	sst s6  }
0xf: {  	[smem:$0x3FAE] =	sst s7  }
0x10: {  	[smem:$0x3FAF] =	sst s8  }
0x11: {  	[smem:$0x3FB0] =	sst s9;
	s0 =	simm.s32 @!p0 $0x0  }
0x12: {  	s1 =	sld [smem:$0x3F96];
	s0 =	simm.s32 @p0 $0x1  }
0x13: {  	[smem:$0x3FB1] =	sst s0;
	s0 =	simm.s32 @!p1 $0x0  }
0x14: {  	s2 =	sld [smem:$0x3F95];
	s0 =	simm.s32 @p1 $0x1  }
0x15: {  	[smem:$0x3FB2] =	sst s0;
	s0 =	simm.s32 @!p2 $0x0  }
0x16: {  	s3 =	sld [smem:$0x3FDB];
	s0 =	simm.s32 @p2 $0x1  }
0x17: {  	s4 =	simm.s32 $0x1BF5;
	[smem:$0x3FB4] =	sst s0  }
0x18: {  	s0 =	sld [smem:$0x3F97];
	_ =	swait.ge [sflag:s4], $0x0  }
0x19: {  	s7 =	sld [smem:$0x3F98]  }
0x1a: {  	s8 =	sadd.s32 $0xFFFFE003, lr  }
0x1b: {  	s9 =	sadd.s32 $0xFFFFFEF7, lr;
	s5 =	simm.s32 $0xFFFFFFFF;
	p2 =	slt.u32 s8, $0xFFFFF086  }
0x1c: {  	p1 =	slt.u32 s9, $0xF7A;
	s5 =	simm.s32 @!p2 $0x0  }
0x1d: {  	s5 =	simm.s32 @p1 $0x1;
	p0 =	seq.s32 s7, s2  }
0x1e: {  	s7 =	smul.u32 @!p0 $0xF7A, s2;
	p2 =	seq.s32 @!p0 s5, $0x0  }
0x1f: {  	s9 =	smul.u32 $0xF7A, s1;
	s8 =	simm.s32 @!p0 $0x1BF5;
	p2 =	por !p2, p0  }
0x20: {  	[sflag:s8] =	ssyncset.s32 @!p0 $0xFFFFF086;
	s6 =	sadd.s32 @!p0 s3, s7;
	s7 =	simm.s32 @!p0 $0x108  }
0x21: {  	s3 =	sadd.s32 s3, s9;
	s6 =	sadd.s32 @!p0 $0x88, s6;
	s7 =	simm.s32 @p2 $0x1082  }
0x22: {  	[simem:s7], [sflag:s8] =	dma.local @!p0 [hbm:s6], $0xF7A  }
0x23: {  	s9 =	sor.u32 $0xD0000000, s2;
	s6 =	simm.s32 $0x108;
	_ =	swait.ge @!p0 [sflag:s8], $0x0  }
0x24: {  	s3 =	sadd.s32 $0x88, s3;
	s6 =	simm.s32 @!p1 $0x1082;
	[sflag:s4] =	ssyncset.s32 $0xFFFFF086  }
0x25: {  	[simem:s6], [sflag:s4] =	dma.local [hbm:s3], $0xF7A  }
0x26: {  	[smem:$0x3F98] =	sst s1;
	(tag) =	ssettag s2;
	_ =	strace s9  }
0x27: {  	s1 =	sld [smem:$0x3FA8]  }
0x28: {  	s2 =	sld [smem:$0x3FA9]  }
0x29: {  	s4 =	sld [smem:$0x3FAB]  }
0x2a: {  	p0 =	seq.s32 s5, $0x0;
	s5 =	sld [smem:$0x3FAC]  }
0x2b: {  	s6 =	sld [smem:$0x3FAD]  }
0x2c: {  	s7 =	sld [smem:$0x3FAE]  }
0x2d: {  	s3 =	simm.s32 $0x108;
	s8 =	sld [smem:$0x3FAF]  }
0x2e: {  	s3 =	simm.s32 @!p0 $0x1082;
	s9 =	sld [smem:$0x3FB0]  }
0x2f: {  	lr =	sadd.s32 s0, s3;
	s0 =	sld [smem:$0x3FA7]  }
0x30: {  	s3 =	sld [smem:$0x3FAA]  }
0x31: {  	[smem:$0x3FB3] =	sst s10  }
0x32: {  	s10 =	sld [smem:$0x3FB1];
	_ =	sdelay $0x3  }
0x33: {  	p0 =	seq.s32 s10, $0x1;
	s10 =	sld [smem:$0x3FB3];
	_ =	sdelay $0x3  }
0x34: {  	[smem:$0x3FB3] =	sst s10  }
0x35: {  	s10 =	sld [smem:$0x3FB2];
	_ =	sdelay $0x3  }
0x36: {  	p1 =	seq.s32 s10, $0x1;
	s10 =	sld [smem:$0x3FB3];
	_ =	sdelay $0x3  }
0x37: {  	[smem:$0x3FB3] =	sst s10  }
0x38: {  	s10 =	sld [smem:$0x3FB4]  }
0x39: {  	_ = 	snop;
	(pc) =	sbr.ind lr, $3  }
0x3a: {  	_ = 	snop  }
0x3b: {  	_ = 	snop  }
0x3c: {  	p2 =	seq.s32 s10, $0x1;
	s10 =	sld [smem:$0x3FB3]  }
0x3d: {  	_ =	shalt  }
0x3e: {  	_ =	shalt  }
0x3f: {  	_ =	shalt  }
0x40: {  	_ =	shalt  }
0x41: {  	_ =	shalt  }
0x42: {  	_ =	shalt  }
0x43: {  	_ =	shalt  }
0x44: {  	_ =	shalt  }
0x45: {  	_ =	shalt  }
0x46: {  	_ =	shalt  }
0x47: {  	_ =	shalt  }
0x48: {  	_ =	shalt  }
0x49: {  	_ =	shalt  }
0x4a: {  	_ =	shalt  }
0x4b: {  	_ =	shalt  }
0x4c: {  	_ =	shalt  }
0x4d: {  	_ =	shalt  }
0x4e: {  	_ =	shalt  }
0x4f: {  	_ =	shalt  }
0x50: {  	_ =	shalt  }
0x51: {  	_ =	shalt  }
0x52: {  	_ =	shalt  }
0x53: {  	_ =	shalt  }
0x54: {  	_ =	shalt  }
0x55: {  	_ =	shalt  }
0x56: {  	_ =	shalt  }
0x57: {  	_ =	shalt  }
0x58: {  	_ =	shalt  }
0x59: {  	_ =	shalt  }
0x5a: {  	_ =	shalt  }
0x5b: {  	_ =	shalt  }
0x5c: {  	_ =	shalt  }
0x5d: {  	_ =	shalt  }
0x5e: {  	_ =	shalt  }
0x5f: {  	_ =	shalt  }
0x60: {  	_ =	shalt  }
0x61: {  	_ =	shalt  }
0x62: {  	_ =	shalt  }
0x63: {  	_ =	shalt  }
0x64: {  	_ =	shalt  }
0x65: {  	_ =	shalt  }
0x66: {  	_ =	shalt  }
0x67: {  	_ =	shalt  }
0x68: {  	_ =	shalt  }
0x69: {  	_ =	shalt  }
0x6a: {  	_ =	shalt  }
0x6b: {  	_ =	shalt  }
0x6c: {  	_ =	shalt  }
0x6d: {  	_ =	shalt  }
0x6e: {  	_ =	shalt  }
0x6f: {  	_ =	shalt  }
0x70: {  	_ =	shalt  }
0x71: {  	_ =	shalt  }
0x72: {  	_ =	shalt  }
0x73: {  	_ =	shalt  }
0x74: {  	_ =	shalt  }
0x75: {  	_ =	shalt  }
0x76: {  	_ =	shalt  }
0x77: {  	_ =	shalt  }
0x78: {  	_ =	shalt  }
0x79: {  	_ =	shalt  }
0x7a: {  	_ =	shalt  }
0x7b: {  	_ =	shalt  }
0x7c: {  	_ =	shalt  }
0x7d: {  	_ =	shalt  }
0x7e: {  	_ =	shalt  }
0x7f: {  	_ =	shalt  }
0x80: {  	_ =	shalt  }
0x81: {  	_ =	shalt  }
0x82: {  	_ =	shalt  }
0x83: {  	_ =	shalt  }
0x84: {  	_ =	shalt  }
0x85: {  	_ =	shalt  }
0x86: {  	_ =	shalt  }
0x87: {  	_ =	shalt  }
.Lfunc_end0:
.L_simem_size_0:
called_computation.1_lowered:
.L_overlay_start_0:
0x88: {  	s2 =	sld [smem:$0x3FD9]  }
0x89: {  	s3 =	sld [smem:$0x3FFE];
	_ =	sdelay $0x1  }
0x8a: {  	s1 =	srdreg.scid  }
0x8b: {  	s0 =	sand.u32 $0x1, s1  }
0x8c: {  	s16 =	sshll.u32 s0, $0xA;
	s2 =	sadd.s32 s3, s2  }
0x8d: {  	s2 =	sadd.s32 s2, s16  }
0x8e: {  	[smem:$0x3FBF] =	sst s2  }
0x8f: {  	_ = 	snop  }
0x90: {  	(tm) =	ssettm $0x1  }
0x91: {  	s17 =	sld [smem:$0x3FFB];
	_ =	sdelay $0x3  }
0x92: {  	_ =	strace s17  }
0x93: {  	s2 =	sld [smem:$0x3FFC];
	_ =	sdelay $0x3  }
0x94: {  	_ =	strace s2  }
0x95: {  	s2 =	sld [smem:$0x3FFD];
	_ =	sdelay $0x3  }
0x96: {  	_ =	strace s2  }
0x97: {  	_ =	strace $0x8FFFFFFF  }
0x98: {  	s18 =	sld [smem:$0x3FDB];
	_ =	sdelay $0x1  }
0x99: {  	s19 =	simm.s32 $_scs_section_size  }
0x9a: {  	s4 =	simm.s32 $_size__tile_overlayer_lowered;
	s5 =	simm.s32 $_tile_overlayer_lowered  }
0x9b: {  	s22 =	simm.s32 $0x1BFF;
	s21 =	sshll.u32 s5, $0x1;
	s2 =	sadd.s32 s19, s18  }
0x9c: {  	s6 =	simm.s32 $0x0;
	s20 =	sshll.u32 s4, $0x1;
	s4 =	sadd.s32 s21, s2  }
0x9d: {  	[timem:s6], [sflag:s22] =	dma.local [hbm:s4], s20  }
0x9e: {  	_ =	swait.ge [sflag:s22], s20  }
0x9f: {  	s3 =	ssub.s32 $0x0, s20;
	[sflag:s22] =	ssyncset.done $0x0  }
0xa0: {  	[sflag:s22] =	ssyncadd.s32 s3;
	_ =	sdelay $0x1  }
0xa1: {  	s23 =	simm.s32 $0x1B8B  }
0xa2: {  	_ =	swait.ge [sflag:s23], $0x1  }
0xa3: {  	[sflag:s23] =	ssyncset.done $0x0  }
0xa4: {  	s25 =	simm.s32 $0x1B8E;
	s24 =	sld [smem:$0x3FFE];
	[sflag:s23] =	ssyncadd.s32 $0xFFFFFFFF  }
0xa5: {  	s26 =	simm.s32 $execute0_lowered;
	[smem:$0x3FD2] =	sst s25  }
0xa6: {  	s4 =	sshll.u32 s26, $0x1;
	_ =	strace $0x80000049;
	[dreg:$0x1] =	wrdreg $0xFFFFFFFF  }
0xa7: {  	s28 =	simm.s32 $_size_execute0_lowered;
	s2 =	sadd.s32 s2, s4;
	[dreg:$0x0] =	wrdreg $0x0  }
0xa8: {  	s4 =	sshll.u32 s28, $0x1;
	[dreg:$0x2] =	wrdreg s2  }
0xa9: {  	[dreg:$0x3] =	wrdreg s4  }
0xaa: {  	[dreg:$0x4] =	wrdreg $0xC0  }
0xab: {  	_ =	task [dreg:s6], $0x5FFFF  }
0xac: {  	[dreg:$0x1] =	wrdreg $0xFFFFFFFF  }
0xad: {  	[dreg:$0x0] =	wrdreg $0x60  }
0xae: {  	[dreg:$0x2] =	wrdreg s24  }
0xaf: {  	[dreg:$0x3] =	wrdreg $0x0  }
0xb0: {  	[dreg:$0x4] =	wrdreg $0x9  }
0xb1: {  	_ =	task.clear_ibuf [dreg:s6], $0x5FFFF;
	_ =	strace $0x90000049  }
0xb2: {  	s29 =	simm.s32 $0x9;
	_ =	strace $0x8000004B  }
0xb3: {  	_ =	swait.ge [sflag:s29], $0x1  }
0xb4: {  	[sflag:s29] =	ssyncadd.s32 $0xFFFFFFFF  }
0xb5: {  	_ =	strace $0x9000004B  }
0xb6: {  	_ =	sfence  }
0xb7: {  	s30 =	sld [smem:$0x0];
	_ =	sdelay $0x2  }
0xb8: {  	s31 =	sshll.u32 s1, $0xD;
	s1 =	sshrl.u32 s1, $0x2  }
0xb9: {  	s3 =	sand.u32 $0x4000, s31;
	s1 =	sadd.s32 s1, s30  }
0xba: {  	s0 =	sor.u32 s3, s0;
	s1 =	sshll.u32 s1, $0x11  }
0xbb: {  	s0 =	sor.u32 s1, s0  }
0xbc: {  	s0 =	sadd.s32 $0x8F2B, s0  }
0xbd: {  	[sflag:s0] =	ssyncadd.remote.s32 $0x1  }
0xbe: {  	_ =	sfence.sel $0xFFFF  }
0xbf: {  	[dreg:$0x0] =	wrdreg $0xFFFFFFFF;
	(pc) =	sbr.abs _section_cstart, $3  }
0xc0: {  	[dreg:$0x1] =	wrdreg $0xFFFFFFFF  }
0xc1: {  	_ =	task.clear_ibuf [dreg:s6], $0x2FFFF;
	_ =	strace $0x9FFFFFFF  }
0xc2: {  	(tm) =	ssettm $0x7FFFFFFF  }
0xc3: {  	_ =	shalt  }
tec
execute0_lowered:
.L_overlay_start_1:
0x0: {  	(tag) =	ssettag $0x1  }
0x1: {  	s0 =	rddreg [dreg:$0x0]  }
0x2: {  	s1 =	rddreg [dreg:$0x1]  }
0x3: {  	s2 =	srdreg.scid;
	s3 =	simm.s32 $0x0;
	s13 =	stileid.u32  }
0x4: {  	s19 =	simm.s32 $0x8;
	s28 =	simm.s32 $0x18800;
	s30 =	simm.s32 $0x1C000  }
0x5: {  	s31 =	simm.s32 $0x1;
	s18 =	simm.s32 $0x4;
	s2 =	sand.u32 $0x1, s2  }
0x6: {  	[smem:$0x7FF] =	sst s3;
	s8 =	smul.u32 $0x14000, s13;
	s4 =	sadd.s32 $0x21800, s0  }
0x7: {  	s5 =	sadd.s32 $0x12800, s0;
	s6 =	sadd.s32 $0x2800, s0;
	s11 =	smul.u32 $0x50000, s13  }
0x8: {  	s10 =	sadd.s32 $0x49800, s0;
	s22 =	smul.u32 $0x2800, s13;
	s26 =	sshll.u32 s13, $0x6  }
0x9: {  	s7 =	smul.u32 $0x140000, s2;
	_ =	strace $0x8000004A;
	s20 =	sshll.u32 s2, $0x4  }
0xa: {  	s9 =	ssub.s32 $0x2, s2;
	p0 =	seq.s32 s2, $0x0;
	[dreg:$0x6] =	wrdreg s26  }
0xb: {  	s12 =	sshrl.u32 s9, $0x1;
	s21 =	sshrl.u32 s11, $0x2;
	s10 =	smov.u32 @p0 s4  }
0xc: {  	s7 =	sadd.s32 s8, s7;
	s8 =	sor.u32 s13, s20;
	s12 =	ssub.s32 s9, s12  }
0xd: {  	s2 =	sadd.s32 s21, s1;
	s10 =	sadd.s32 s10, s22;
	s20 =	simm.s32 $0x5  }
0xe: {  	s22 =	simm.s32 $0x6;
	s7 =	sshrl.u32 s7, $0x3;
	s25 =	smax.u32 s12, $0x1  }
0xf: {  	[dreg:$0x7] =	wrdreg s10;
	s0 =	sadd.s32 s7, s0;
	s7 =	smul.u32 $0x3C00, s8  }
0x10: {  	s15 =	sshrl.u32 s2, $0x3;
	s2 =	simm.s32 $0x3;
	[dreg:$0x5] =	wrdreg s25  }
0x11: {  	s25 =	simm.s32 $0x15000;
	s0 =	sadd.s32 $0x71800, s0;
	s23 =	sshrl.u32 s7, $0x3  }
.Ltmp0:
0x12: {  	[dreg:$0x4] =	wrdreg s0;
	s0 =	sor.u32 $0x1C07, s26;
	(pc) =	sbr.rel .LBB2_1-.Ltmp0, $4  }
0x13: {  	s26 =	simm.s32 $0x0;
	s24 =	sadd.s32 s5, s23;
	s9 =	sadd.s32 s6, s23  }
0x14: {  	[dreg:$0x8] =	wrdreg s0;
	s23 =	simm.s32 $0x7;
	s0 =	simm.s32 $0x2  }
0x15: {  	[dreg:$0x3] =	wrdreg s24;
	s29 =	sadd.s32 $0x80, s24;
	s12 =	smov.u32 s9  }
0x16: {  	s21 =	sadd.s32 $0x80, s9;
	s24 =	simm.s32 $0x70;
	[dreg:$0x9] =	wrdreg s29  }
.LBB2_6:
0x17: {  	_ =	swait.ge [sflag:s18], $0x3800  }
0x18: {  	[sflag:s18] =	ssyncset.done $0x0  }
0x19: {  	[sflag:s18] =	ssyncadd.s32 $0xFFFFC800  }
0x1a: {  	_ =	swait.ge [sflag:s20], $0x3800  }
0x1b: {  	[sflag:s20] =	ssyncset.done $0x0  }
0x1c: {  	[sflag:s20] =	ssyncadd.s32 $0xFFFFC800  }
0x1d: {  	_ =	swait.ge [sflag:s22], $0x3800  }
0x1e: {  	[sflag:s22] =	ssyncset.done $0x0  }
0x1f: {  	[sflag:s22] =	ssyncadd.s32 $0xFFFFC800  }
0x20: {  	[bflag:$0x0] =	sbarrier.arrive $0xFFFF  }
0x21: {  	s8 =	rddreg [dreg:$0x6]  }
0x22: {  	s9 =	rddreg [dreg:$0x4];
	s8 =	sor.u32 $0x1C08, s8  }
0x23: {  	[hbm:s9], [sflag:s8] =	dma.local [spmem:s15], $0x2800  }
0x24: {  	_ =	swait.ge [sflag:s19], $0x2800  }
0x25: {  	s26 =	sadd.s32 $0x1, s26;
	s29 =	rddreg [dreg:$0x5]  }
0x26: {  	p0 =	sne.s32 s26, s29  }
.Ltmp1:
0x27: {  	_ = 	snop;
	(pc) =	sbr.rel @!p0 .LBB2_7-.Ltmp1, $3  }
0x28: {  	_ =	sdelay $0x1  }
0x29: {  	[sflag:s19] =	ssyncset.done $0x0  }
0x2a: {  	[sflag:s19] =	ssyncadd.s32 $0xFFFFD800  }
.LBB2_1:
0x2b: {  	s8 =	rddreg [dreg:$0x7]  }
0x2c: {  	s9 =	rddreg [dreg:$0x8]  }
0x2d: {  	[spmem:s15], [sflag:s9] =	dma.local [hbm:s8], $0x2800  }
0x2e: {  	s17 =	simm.s32 $0x14000;
	s8 =	rddreg [dreg:$0x3]  }
0x2f: {  	[tilespmem:s17], [sflag:$0x8] =	stream.linear.gather [hbm4b:s8+s3], $0x300, $0x38;
	[tilespmem:$0x1F800] =	vst v63  }
0x30: {  	s10 =	simm.s32 $0x14400;
	s11 =	rddreg [dreg:$0x9]  }
0x31: {  	[tilespmem:s10], [sflag:$0x8] =	stream.linear.gather [hbm4b:s11+s3], $0x300, $0x38;
	[tilespmem:$0x1F800] =	vst v63  }
0x32: {  	_ =	swait.ge [sflag:s19], $0x600  }
0x33: {  	[sflag:s19] =	ssyncset.done $0x0  }
0x34: {  	s13 =	simm.s32 $0x14800;
	[sflag:s19] =	ssyncadd.s32 $0xFFFFFA00  }
0x35: {  	[tilespmem:s13], [sflag:$0x8] =	stream.linear.gather [hbm4b:s12+s3], $0x300, $0x38;
	[tilespmem:$0x1F800] =	vst v63  }
0x36: {  	s14 =	simm.s32 $0x14C00  }
0x37: {  	[tilespmem:s14], [sflag:$0x8] =	stream.linear.gather [hbm4b:s21+s3], $0x300, $0x38;
	[tilespmem:$0x1F800] =	vst v63  }
0x38: {  	_ =	swait.ge [sflag:s19], $0x600  }
0x39: {  	[sflag:s19] =	ssyncset.done $0x0  }
0x3a: {  	[sflag:s19] =	ssyncadd.s32 $0xFFFFFA00  }
0x3b: {  	_ =	swait.ge [sflag:s23], $0x2800  }
0x3c: {  	[sflag:s23] =	ssyncset.done $0x0  }
0x3d: {  	[sflag:s23] =	ssyncadd.s32 $0xFFFFD800  }
0x3e: {  	[bflag:$0x0] =	sbarrier.arrive $0xFFFF  }
0x3f: {  	[tilespmem:s25], [sflag:$0x1] =	stream.indirect.gather [hbm4b:s4+s24], $0x80, s17, s24, $0xb8;
	[tilespmem:$0x1F800] =	vst v63  }
.Ltmp2:
0x40: {  	_ = 	snop;
	(pc) =	sbr.rel .LBB2_2-.Ltmp2, $4  }
0x41: {  	s16 =	simm.s32 $0x14080  }
0x42: {  	[tilespmem:s28], [sflag:$0x2] =	stream.indirect.gather [hbm4b:s4+s24], $0x80, s16, s24, $0xb8;
	[tilespmem:$0x1F800] =	vst v63  }
0x43: {  	s29 =	simm.s32 $0x0;
	s10 =	simm.s32 $0x0;
	s17 =	simm.s32 $0x14100  }
0x44: {  	[tilespmem:s30], [sflag:$0x3] =	stream.indirect.gather [hbm4b:s4+s24], $0x80, s17, s24, $0xb8;
	[tilespmem:$0x1F800] =	vst v63  }
.LBB2_4:
0x45: {  	s13 =	smul.u32 $0xAB, s11;
	_ =	sdelay $0x1  }
0x46: {  	s13 =	sshrl.u32 s13, $0xA  }
0x47: {  	s13 =	sand.u32 $0x3F, s13  }
0x48: {  	s14 =	smul.u32 $0x6, s13;
	_ =	sdelay $0x1  }
0x49: {  	p0 =	slt.u32 s10, $0x4;
	s14 =	ssub.s32 s11, s14  }
0x4a: {  	s8 =	sand.u32 @!p0 $0xFF, s14  }
0x4b: {  	_ =	swait.ge [sflag:s22], $0x3800;
	p1 =	sne.s32 @!p0 s8, $0x0  }
0x4c: {  	[sflag:s22] =	ssyncset.done $0x0;
	p0 =	por p1, p0  }
0x4d: {  	[sflag:s22] =	ssyncadd.s32 $0xFFFFC800;
	s8 =	simm.s32 @!p0 $0x7  }
0x4e: {  	_ =	swait.ge @!p0 [sflag:s8], $0x300  }
0x4f: {  	[sflag:s8] =	ssyncset.done @!p0 $0x0  }
0x50: {  	s13 =	sshll.u32 s13, $0xA;
	s14 =	sand.u32 $0xFF, s14;
	[sflag:s8] =	ssyncadd.s32 @!p0 $0xFFFFFD00  }
0x51: {  	s13 =	sand.u32 $0x400, s13;
	s14 =	sshll.u32 s14, $0x7;
	_ =	swait.ge @!p0 [sflag:s8], $0x300  }
0x52: {  	s13 =	sadd.s32 s14, s13;
	[sflag:s8] =	ssyncset.done @!p0 $0x0  }
0x53: {  	s17 =	sadd.s32 $0x14000, s13;
	[sflag:s8] =	ssyncadd.s32 @!p0 $0xFFFFFD00;
	s8 =	sadd.s32 $0xFFFFFFFE, s10  }
0x54: {  	[tilespmem:s30], [sflag:$0x3] =	stream.indirect.gather [hbm4b:s4+s24], $0x80, s17, s24, $0xb8;
	[tilespmem:$0x1F800] =	vst v63  }
0x55: {  	p0 =	sgt.u32 s8, $0x19  }
0x56: {  	s13 =	sand.u32 @!p0 $0xFF, s16  }
0x57: {  	p1 =	sne.s32 @!p0 s13, $0x0  }
0x58: {  	s13 =	sshrl.u32 s10, $0x1;
	p2 =	por p1, p0  }
0x59: {  	s13 =	sshll.u32 @!p2 s13, $0xA  }
0x5a: {  	s13 =	sadd.s32 @!p2 $0x400, s13  }
0x5b: {  	s14 =	sadd.s32 @!p2 s7, s13  }
0x5c: {  	s13 =	sand.u32 @!p2 $0x400, s13;
	s14 =	sshrl.u32 @!p2 s14, $0x3  }
0x5d: {  	s17 =	simm.s32 @!p2 $0x0;
	s16 =	sor.u32 @!p2 $0x14000, s13;
	s9 =	sadd.s32 @!p2 s5, s14  }
0x5e: {  	[tilespmem:s16], [sflag:$0x7] =	stream.linear.gather @!p2 [hbm4b:s9+s17], $0x300, $0x38;
	[tilespmem:$0x1F800] =	vst v63  }
0x5f: {  	s9 =	sor.u32 @!p2 $0x14800, s13;
	s13 =	sadd.s32 @!p2 s6, s14  }
0x60: {  	[tilespmem:s9], [sflag:$0x7] =	stream.linear.gather @!p2 [hbm4b:s13+s17], $0x300, $0x38;
	[tilespmem:$0x1F800] =	vst v63  }
0x61: {  	p3 =	slt.u32 s8, $0x1A;
	p1 =	por !p1, p0;
	p2 =	por @!p2 $0x1, $0x1  }
0x62: {  	p2 =	por @!p1 p3, p3  }
0x63: {  	p3 =	por @!p0 p2, p2  }
.LBB2_5:
0x64: {  	s8 =	sadd.s32 $0x1, s29  }
0x65: {  	s9 =	sand.u32 $0xFF, s8  }
0x66: {  	s9 =	smul.u32 $0xAB, s9;
	_ =	sdelay $0x1  }
0x67: {  	s13 =	sshrl.u32 s9, $0xA  }
0x68: {  	s14 =	smul.u32 $0x6, s13;
	_ =	sdelay $0x1  }
0x69: {  	s8 =	ssub.s32 s8, s14  }
0x6a: {  	_ =	swait.ge [sflag:s0], $0x3800;
	p0 =	seq.s32 s10, $0x1D;
	s14 =	sand.u32 $0x6F, s8  }
0x6b: {  	s16 =	sadd.s32 @!p0 $0x3, s29;
	s9 =	sand.u32 $0x400, s9;
	s14 =	sshll.u32 s14, $0x7  }
0x6c: {  	[sflag:s0] =	ssyncset.done $0x0;
	s9 =	sor.u32 s14, s9;
	s14 =	sand.u32 @!p0 $0xFF, s16  }
0x6d: {  	[sflag:s0] =	ssyncadd.s32 $0xFFFFC800;
	s9 =	sor.u32 $0x14800, s9;
	s14 =	smul.u32 @!p0 $0xAB, s14  }
0x6e: {  	[spmem:s1] =	stream.indirect.scatter.add.f32 [tilespmem:s28], [sflag:$0x5], $0x80, s9, s24, $0xb8;
	[tilespmem:$0x1F800] =	vst v63  }
0x6f: {  	s9 =	sshrl.u32 @!p0 s14, $0xA  }
0x70: {  	s14 =	smul.u32 @!p0 $0x6, s9  }
0x71: {  	p1 =	slt.u32 @!p0 s10, $0x3  }
0x72: {  	p2 =	por p1, p0;
	s14 =	ssub.s32 @!p0 s16, s14  }
0x73: {  	s16 =	sand.u32 @!p2 $0xFF, s14  }
0x74: {  	s17 =	simm.s32 @!p0 $0x4;
	p4 =	sne.s32 @!p2 s16, $0x0  }
0x75: {  	_ =	swait.ge @!p0 [sflag:s17], $0x3800;
	p4 =	por @!p0 p4, p1  }
0x76: {  	[sflag:s17] =	ssyncset.done @!p0 $0x0;
	p4 =	por p4, p0  }
0x77: {  	[sflag:s17] =	ssyncadd.s32 @!p0 $0xFFFFC800;
	s16 =	simm.s32 @!p4 $0x7  }
0x78: {  	p3 =	por !p3, !p3;
	s8 =	sand.u32 $0xFF, s8;
	_ =	swait.ge @!p4 [sflag:s16], $0x300  }
0x79: {  	s9 =	sshll.u32 @!p0 s9, $0xA;
	s14 =	sand.u32 @!p0 $0xFF, s14;
	[sflag:s16] =	ssyncset.done @!p4 $0x0  }
0x7a: {  	s9 =	sand.u32 @!p0 $0x400, s9;
	s14 =	sshll.u32 @!p0 s14, $0x7;
	[sflag:s16] =	ssyncadd.s32 @!p4 $0xFFFFFD00  }
0x7b: {  	p5 =	sne.s32 s8, $0x0;
	s9 =	sadd.s32 @!p0 s14, s9;
	_ =	swait.ge @!p4 [sflag:s16], $0x300  }
0x7c: {  	s14 =	simm.s32 @!p0 $0x70;
	s9 =	sadd.s32 @!p0 $0x14000, s9;
	[sflag:s16] =	ssyncset.done @!p4 $0x0  }
0x7d: {  	[sflag:s16] =	ssyncadd.s32 @!p4 $0xFFFFFD00;
	s16 =	simm.s32 @!p0 $0x15000;
	p4 =	por p5, p3  }
0x7e: {  	[tilespmem:s16], [sflag:$0x1] =	stream.indirect.gather @!p0 [hbm4b:s4+s14], $0x80, s9, s14, $0xb8;
	[tilespmem:$0x1F800] =	vst v63  }
0x7f: {  	s8 =	sshll.u32 @!p4 s13, $0xA  }
0x80: {  	s8 =	sadd.s32 @!p4 $0x400, s8  }
0x81: {  	s9 =	sadd.s32 @!p4 s7, s8  }
0x82: {  	s8 =	sand.u32 @!p4 $0x400, s8;
	s9 =	sshrl.u32 @!p4 s9, $0x3  }
0x83: {  	s17 =	simm.s32 @!p4 $0x0;
	s13 =	sor.u32 @!p4 $0x14000, s8;
	s16 =	sadd.s32 @!p4 s5, s9  }
0x84: {  	[tilespmem:s13], [sflag:$0x7] =	stream.linear.gather @!p4 [hbm4b:s16+s17], $0x300, $0x38;
	[tilespmem:$0x1F800] =	vst v63  }
0x85: {  	s8 =	sor.u32 @!p4 $0x14800, s8;
	s9 =	sadd.s32 @!p4 s6, s9;
	s13 =	smul.u32 $0xAB, s11  }
0x86: {  	[tilespmem:s8], [sflag:$0x7] =	stream.linear.gather @!p4 [hbm4b:s9+s17], $0x300, $0x38;
	[tilespmem:$0x1F800] =	vst v63  }
0x87: {  	s16 =	sshrl.u32 s13, $0xA  }
0x88: {  	s8 =	sand.u32 $0x3F, s16  }
0x89: {  	s17 =	smul.u32 $0x6, s8  }
0x8a: {  	s16 =	sadd.s32 @!p0 $0x4, s29  }
0x8b: {  	s9 =	ssub.s32 s11, s17;
	s11 =	sand.u32 @!p0 $0xFF, s16  }
0x8c: {  	s17 =	sand.u32 $0x6F, s9;
	s11 =	smul.u32 @!p0 $0xAB, s11  }
0x8d: {  	s13 =	sand.u32 $0x400, s13;
	_ =	swait.ge [sflag:s2], $0x3800;
	s17 =	sshll.u32 s17, $0x7  }
0x8e: {  	[sflag:s2] =	ssyncset.done $0x0;
	s13 =	sor.u32 s17, s13;
	s11 =	sshrl.u32 @!p0 s11, $0xA  }
0x8f: {  	[sflag:s2] =	ssyncadd.s32 $0xFFFFC800;
	s13 =	sor.u32 $0x14800, s13;
	s17 =	smul.u32 @!p0 $0x6, s11  }
0x90: {  	[spmem:s1] =	stream.indirect.scatter.add.f32 [tilespmem:s30], [sflag:$0x6], $0x80, s13, s24, $0xb8;
	[tilespmem:$0x1F800] =	vst v63  }
0x91: {  	s13 =	ssub.s32 @!p0 s16, s17  }
0x92: {  	s16 =	sand.u32 @!p2 $0xFF, s13  }
0x93: {  	s17 =	simm.s32 @!p0 $0x5;
	p2 =	sne.s32 @!p2 s16, $0x0  }
0x94: {  	_ =	swait.ge @!p0 [sflag:s17], $0x3800;
	p1 =	por @!p0 p2, p1  }
0x95: {  	[sflag:s17] =	ssyncset.done @!p0 $0x0;
	p1 =	por p1, p0  }
0x96: {  	[sflag:s17] =	ssyncadd.s32 @!p0 $0xFFFFC800;
	s16 =	simm.s32 @!p1 $0x7  }
0x97: {  	_ =	swait.ge @!p1 [sflag:s16], $0x300  }
0x98: {  	s9 =	sand.u32 $0xFF, s9;
	[sflag:s16] =	ssyncset.done @!p1 $0x0  }
0x99: {  	s11 =	sshll.u32 @!p0 s11, $0xA;
	s13 =	sand.u32 @!p0 $0xFF, s13;
	[sflag:s16] =	ssyncadd.s32 @!p1 $0xFFFFFD00  }
0x9a: {  	s11 =	sand.u32 @!p0 $0x400, s11;
	s13 =	sshll.u32 @!p0 s13, $0x7;
	_ =	swait.ge @!p1 [sflag:s16], $0x300  }
0x9b: {  	p6 =	sne.s32 s9, $0x0;
	s11 =	sadd.s32 @!p0 s13, s11;
	[sflag:s16] =	ssyncset.done @!p1 $0x0  }
0x9c: {  	s13 =	simm.s32 @!p0 $0x18800;
	s11 =	sadd.s32 @!p0 $0x14000, s11;
	[sflag:s16] =	ssyncadd.s32 @!p1 $0xFFFFFD00  }
0x9d: {  	[tilespmem:s13], [sflag:$0x2] =	stream.indirect.gather @!p0 [hbm4b:s4+s14], $0x80, s11, s14, $0xb8;
	[tilespmem:$0x1F800] =	vst v63  }
0x9e: {  	p0 =	por p6, p3  }
0x9f: {  	s8 =	sshll.u32 @!p0 s8, $0xA  }
0xa0: {  	s8 =	sadd.s32 @!p0 $0x400, s8  }
0xa1: {  	s9 =	sadd.s32 @!p0 s7, s8  }
0xa2: {  	s8 =	sand.u32 @!p0 $0x400, s8;
	s9 =	sshrl.u32 @!p0 s9, $0x3  }
0xa3: {  	s14 =	simm.s32 @!p0 $0x0;
	s11 =	sor.u32 @!p0 $0x14000, s8;
	s13 =	sadd.s32 @!p0 s5, s9  }
0xa4: {  	[tilespmem:s11], [sflag:$0x7] =	stream.linear.gather @!p0 [hbm4b:s13+s14], $0x300, $0x38;
	[tilespmem:$0x1F800] =	vst v63  }
0xa5: {  	s10 =	sadd.s32 $0x1, s10;
	s8 =	sor.u32 @!p0 $0x14800, s8;
	s9 =	sadd.s32 @!p0 s6, s9  }
0xa6: {  	[tilespmem:s8], [sflag:$0x7] =	stream.linear.gather @!p0 [hbm4b:s9+s14], $0x300, $0x38;
	[tilespmem:$0x1F800] =	vst v63  }
0xa7: {  	p0 =	sne.s32 s10, $0x1E  }
.Ltmp3:
0xa8: {  	_ = 	snop;
	(pc) =	sbr.rel @!p0 .LBB2_6-.Ltmp3, $2  }
0xa9: {  	_ =	sdelay $0x2  }
0xaa: {  	s29 =	sadd.s32 $0x3, s29  }
.LBB2_2:
0xab: {  	s11 =	sand.u32 $0xFF, s29  }
0xac: {  	s11 =	smul.u32 $0xAB, s11;
	_ =	sdelay $0x1  }
0xad: {  	s11 =	sshrl.u32 s11, $0xA  }
0xae: {  	s11 =	smul.u32 $0x6, s11;
	_ =	sdelay $0x1  }
0xaf: {  	s13 =	sshll.u32 s10, $0x9;
	s16 =	ssub.s32 s29, s11  }
0xb0: {  	_ =	swait.ge [sflag:s31], $0x3800;
	p0 =	seq.s32 s10, $0x0;
	s11 =	sand.u32 $0x6F, s16  }
.Ltmp4:
0xb1: {  	s13 =	sand.u32 $0x400, s13;
	s11 =	sshll.u32 s11, $0x7;
	(pc) =	sbr.rel @!p0 .LBB2_4-.Ltmp4, $4  }
0xb2: {  	[sflag:s31] =	ssyncset.done $0x0;
	s11 =	sor.u32 s11, s13  }
0xb3: {  	[sflag:s31] =	ssyncadd.s32 $0xFFFFC800;
	s11 =	sor.u32 $0x14800, s11  }
0xb4: {  	[spmem:s1] =	stream.indirect.scatter.add.f32 [tilespmem:s25], [sflag:$0x4], $0x80, s11, s24, $0xb8;
	[tilespmem:$0x1F800] =	vst v63  }
0xb5: {  	s11 =	sadd.s32 $0x2, s29  }
.Ltmp5:
0xb6: {  	(pc) =	sbr.rel .LBB2_5-.Ltmp5, $2  }
0xb7: {  	_ =	sdelay $0x2  }
0xb8: {  	p3 =	por $0x0, $0x0  }
.LBB2_7:
0xb9: {  	_ =	sfence.sel $0x180000  }
0xba: {  	[bflag:$0x0] =	sbarrier.arrive $0xFFFF  }
0xbb: {  	_ =	strace $0x9000004A  }
0xbc: {  	s0 =	stileid.u32;
	[bflag:$0x2] =	sbarrier.arrive $0xFFFF  }
0xbd: {  	p0 =	sne.s32 s0, $0x0;
	s0 =	rddreg [dreg:$0x2]  }
0xbe: {  	s0 =	sadd.s32 @!p0 $0x100000, s0  }
0xbf: {  	[sflag:s0] =	ssyncadd.tile.s32 @!p0 $0x1;
	_ =	shalt  }
.Lfunc_end2:
_tile_overlayer_lowered:
.L_overlay_start_2:
0xc0: {  	(tag) =	ssettag $0x2  }
0xc1: {  	s0 =	rddreg [dreg:$0x0];
	s2 =	stileid.u32  }
0xc2: {  	s1 =	rddreg [dreg:$0x1];
	p0 =	sne.s32 s2, $0x0  }
0xc3: {  	s3 =	rddreg [dreg:$0x2];
	[bflag:$0x3] =	sbarrier.arrive $0xFFFF;
	s2 =	simm.s32 @!p0 $0x1C08  }
0xc4: {  	[timem:s3], [sflag:s2] =	dma.local @!p0 [hbm:s0], s1  }
0xc5: {  	s0 =	simm.s32 @!p0 $0x8  }
0xc6: {  	_ =	swait.ge @!p0 [sflag:s0], s1  }
0xc7: {  	s1 =	ssub.s32 @!p0 $0x0, s1;
	[sflag:s0] =	ssyncset.done @!p0 $0x0  }
0xc8: {  	[sflag:s0] =	ssyncadd.s32 @!p0 s1  }
0xc9: {  	[bflag:$0x3] =	sbarrier.arrive $0xFFFF  }
0xca: {  	_ =	shalt  }

// kernel: kernel.16.cloned.1.call-start
scs
__scs_entry_jumppad:
0x0: {  	(pc) =	sbr.rel $0x88, $3  }
0x1: {  	(tag) =	ssettag $0x0;
	lr =	simm.s32 $0x1  }
0x2: {  	[smem:$0x3F98] =	sst lr;
	_ =	strace $0xD0000000  }
0x3: {  	_ = 	snop  }
0x4: {  	_ = 	snop  }
0x5: {  	_ = 	snop  }
0x6: {  	_ = 	snop  }
0x7: {  	_ = 	snop  }
__scs_overlays_trampoline_lowered:
0x8: {  	[smem:$0x3FA7] =	sst s0  }
0x9: {  	[smem:$0x3FA8] =	sst s1  }
0xa: {  	[smem:$0x3FA9] =	sst s2  }
0xb: {  	[smem:$0x3FAA] =	sst s3  }
0xc: {  	[smem:$0x3FAB] =	sst s4  }
0xd: {  	[smem:$0x3FAC] =	sst s5  }
0xe: {  	[smem:$0x3FAD] =	sst s6  }
0xf: {  	[smem:$0x3FAE] =	sst s7  }
0x10: {  	[smem:$0x3FAF] =	sst s8  }
0x11: {  	[smem:$0x3FB0] =	sst s9;
	s0 =	simm.s32 @!p0 $0x0  }
0x12: {  	s1 =	sld [smem:$0x3F96];
	s0 =	simm.s32 @p0 $0x1  }
0x13: {  	[smem:$0x3FB1] =	sst s0;
	s0 =	simm.s32 @!p1 $0x0  }
0x14: {  	s2 =	sld [smem:$0x3F95];
	s0 =	simm.s32 @p1 $0x1  }
0x15: {  	[smem:$0x3FB2] =	sst s0;
	s0 =	simm.s32 @!p2 $0x0  }
0x16: {  	s3 =	sld [smem:$0x3FDB];
	s0 =	simm.s32 @p2 $0x1  }
0x17: {  	s4 =	simm.s32 $0x1BF5;
	[smem:$0x3FB4] =	sst s0  }
0x18: {  	s0 =	sld [smem:$0x3F97];
	_ =	swait.ge [sflag:s4], $0x0  }
0x19: {  	s7 =	sld [smem:$0x3F98]  }
0x1a: {  	s8 =	sadd.s32 $0xFFFFE003, lr  }
0x1b: {  	s9 =	sadd.s32 $0xFFFFFEF7, lr;
	s5 =	simm.s32 $0xFFFFFFFF;
	p2 =	slt.u32 s8, $0xFFFFF086  }
0x1c: {  	p1 =	slt.u32 s9, $0xF7A;
	s5 =	simm.s32 @!p2 $0x0  }
0x1d: {  	s5 =	simm.s32 @p1 $0x1;
	p0 =	seq.s32 s7, s2  }
0x1e: {  	s7 =	smul.u32 @!p0 $0xF7A, s2;
	p2 =	seq.s32 @!p0 s5, $0x0  }
0x1f: {  	s9 =	smul.u32 $0xF7A, s1;
	s8 =	simm.s32 @!p0 $0x1BF5;
	p2 =	por !p2, p0  }
0x20: {  	[sflag:s8] =	ssyncset.s32 @!p0 $0xFFFFF086;
	s6 =	sadd.s32 @!p0 s3, s7;
	s7 =	simm.s32 @!p0 $0x108  }
0x21: {  	s3 =	sadd.s32 s3, s9;
	s6 =	sadd.s32 @!p0 $0x88, s6;
	s7 =	simm.s32 @p2 $0x1082  }
0x22: {  	[simem:s7], [sflag:s8] =	dma.local @!p0 [hbm:s6], $0xF7A  }
0x23: {  	s9 =	sor.u32 $0xD0000000, s2;
	s6 =	simm.s32 $0x108;
	_ =	swait.ge @!p0 [sflag:s8], $0x0  }
0x24: {  	s3 =	sadd.s32 $0x88, s3;
	s6 =	simm.s32 @!p1 $0x1082;
	[sflag:s4] =	ssyncset.s32 $0xFFFFF086  }
0x25: {  	[simem:s6], [sflag:s4] =	dma.local [hbm:s3], $0xF7A  }
0x26: {  	[smem:$0x3F98] =	sst s1;
	(tag) =	ssettag s2;
	_ =	strace s9  }
0x27: {  	s1 =	sld [smem:$0x3FA8]  }
0x28: {  	s2 =	sld [smem:$0x3FA9]  }
0x29: {  	s4 =	sld [smem:$0x3FAB]  }
0x2a: {  	p0 =	seq.s32 s5, $0x0;
	s5 =	sld [smem:$0x3FAC]  }
0x2b: {  	s6 =	sld [smem:$0x3FAD]  }
0x2c: {  	s7 =	sld [smem:$0x3FAE]  }
0x2d: {  	s3 =	simm.s32 $0x108;
	s8 =	sld [smem:$0x3FAF]  }
0x2e: {  	s3 =	simm.s32 @!p0 $0x1082;
	s9 =	sld [smem:$0x3FB0]  }
0x2f: {  	lr =	sadd.s32 s0, s3;
	s0 =	sld [smem:$0x3FA7]  }
0x30: {  	s3 =	sld [smem:$0x3FAA]  }
0x31: {  	[smem:$0x3FB3] =	sst s10  }
0x32: {  	s10 =	sld [smem:$0x3FB1];
	_ =	sdelay $0x3  }
0x33: {  	p0 =	seq.s32 s10, $0x1;
	s10 =	sld [smem:$0x3FB3];
	_ =	sdelay $0x3  }
0x34: {  	[smem:$0x3FB3] =	sst s10  }
0x35: {  	s10 =	sld [smem:$0x3FB2];
	_ =	sdelay $0x3  }
0x36: {  	p1 =	seq.s32 s10, $0x1;
	s10 =	sld [smem:$0x3FB3];
	_ =	sdelay $0x3  }
0x37: {  	[smem:$0x3FB3] =	sst s10  }
0x38: {  	s10 =	sld [smem:$0x3FB4]  }
0x39: {  	_ = 	snop;
	(pc) =	sbr.ind lr, $3  }
0x3a: {  	_ = 	snop  }
0x3b: {  	_ = 	snop  }
0x3c: {  	p2 =	seq.s32 s10, $0x1;
	s10 =	sld [smem:$0x3FB3]  }
0x3d: {  	_ =	shalt  }
0x3e: {  	_ =	shalt  }
0x3f: {  	_ =	shalt  }
0x40: {  	_ =	shalt  }
0x41: {  	_ =	shalt  }
0x42: {  	_ =	shalt  }
0x43: {  	_ =	shalt  }
0x44: {  	_ =	shalt  }
0x45: {  	_ =	shalt  }
0x46: {  	_ =	shalt  }
0x47: {  	_ =	shalt  }
0x48: {  	_ =	shalt  }
0x49: {  	_ =	shalt  }
0x4a: {  	_ =	shalt  }
0x4b: {  	_ =	shalt  }
0x4c: {  	_ =	shalt  }
0x4d: {  	_ =	shalt  }
0x4e: {  	_ =	shalt  }
0x4f: {  	_ =	shalt  }
0x50: {  	_ =	shalt  }
0x51: {  	_ =	shalt  }
0x52: {  	_ =	shalt  }
0x53: {  	_ =	shalt  }
0x54: {  	_ =	shalt  }
0x55: {  	_ =	shalt  }
0x56: {  	_ =	shalt  }
0x57: {  	_ =	shalt  }
0x58: {  	_ =	shalt  }
0x59: {  	_ =	shalt  }
0x5a: {  	_ =	shalt  }
0x5b: {  	_ =	shalt  }
0x5c: {  	_ =	shalt  }
0x5d: {  	_ =	shalt  }
0x5e: {  	_ =	shalt  }
0x5f: {  	_ =	shalt  }
0x60: {  	_ =	shalt  }
0x61: {  	_ =	shalt  }
0x62: {  	_ =	shalt  }
0x63: {  	_ =	shalt  }
0x64: {  	_ =	shalt  }
0x65: {  	_ =	shalt  }
0x66: {  	_ =	shalt  }
0x67: {  	_ =	shalt  }
0x68: {  	_ =	shalt  }
0x69: {  	_ =	shalt  }
0x6a: {  	_ =	shalt  }
0x6b: {  	_ =	shalt  }
0x6c: {  	_ =	shalt  }
0x6d: {  	_ =	shalt  }
0x6e: {  	_ =	shalt  }
0x6f: {  	_ =	shalt  }
0x70: {  	_ =	shalt  }
0x71: {  	_ =	shalt  }
0x72: {  	_ =	shalt  }
0x73: {  	_ =	shalt  }
0x74: {  	_ =	shalt  }
0x75: {  	_ =	shalt  }
0x76: {  	_ =	shalt  }
0x77: {  	_ =	shalt  }
0x78: {  	_ =	shalt  }
0x79: {  	_ =	shalt  }
0x7a: {  	_ =	shalt  }
0x7b: {  	_ =	shalt  }
0x7c: {  	_ =	shalt  }
0x7d: {  	_ =	shalt  }
0x7e: {  	_ =	shalt  }
0x7f: {  	_ =	shalt  }
0x80: {  	_ =	shalt  }
0x81: {  	_ =	shalt  }
0x82: {  	_ =	shalt  }
0x83: {  	_ =	shalt  }
0x84: {  	_ =	shalt  }
0x85: {  	_ =	shalt  }
0x86: {  	_ =	shalt  }
0x87: {  	_ =	shalt  }
.Lfunc_end0:
.L_simem_size_0:
called_computation.2_lowered:
.L_overlay_start_0:
0x88: {  	s2 =	sld [smem:$0x3FD9]  }
0x89: {  	s3 =	sld [smem:$0x3FFE];
	_ =	sdelay $0x1  }
0x8a: {  	s1 =	srdreg.scid  }
0x8b: {  	s0 =	sand.u32 $0x1, s1  }
0x8c: {  	s16 =	sshll.u32 s0, $0xA;
	s2 =	sadd.s32 s3, s2  }
0x8d: {  	s2 =	sadd.s32 s2, s16  }
0x8e: {  	[smem:$0x3FBF] =	sst s2  }
0x8f: {  	_ = 	snop  }
0x90: {  	(tm) =	ssettm $0x1  }
0x91: {  	s17 =	sld [smem:$0x3FFB];
	_ =	sdelay $0x3  }
0x92: {  	_ =	strace s17  }
0x93: {  	s2 =	sld [smem:$0x3FFC];
	_ =	sdelay $0x3  }
0x94: {  	_ =	strace s2  }
0x95: {  	s2 =	sld [smem:$0x3FFD];
	_ =	sdelay $0x3  }
0x96: {  	_ =	strace s2  }
0x97: {  	_ =	strace $0x8FFFFFFF  }
0x98: {  	s18 =	sld [smem:$0x3FDB];
	_ =	sdelay $0x1  }
0x99: {  	s19 =	simm.s32 $_scs_section_size  }
0x9a: {  	s4 =	simm.s32 $_size__tile_overlayer_lowered;
	s5 =	simm.s32 $_tile_overlayer_lowered  }
0x9b: {  	s22 =	simm.s32 $0x1BFF;
	s21 =	sshll.u32 s5, $0x1;
	s2 =	sadd.s32 s19, s18  }
0x9c: {  	s6 =	simm.s32 $0x0;
	s20 =	sshll.u32 s4, $0x1;
	s4 =	sadd.s32 s21, s2  }
0x9d: {  	[timem:s6], [sflag:s22] =	dma.local [hbm:s4], s20  }
0x9e: {  	_ =	swait.ge [sflag:s22], s20  }
0x9f: {  	s3 =	ssub.s32 $0x0, s20;
	[sflag:s22] =	ssyncset.done $0x0  }
0xa0: {  	[sflag:s22] =	ssyncadd.s32 s3;
	_ =	sdelay $0x1  }
0xa1: {  	s23 =	simm.s32 $0x1B8B  }
0xa2: {  	_ =	swait.ge [sflag:s23], $0x1  }
0xa3: {  	[sflag:s23] =	ssyncset.done $0x0  }
0xa4: {  	s25 =	simm.s32 $0x1B8E;
	s24 =	sld [smem:$0x3FFE];
	[sflag:s23] =	ssyncadd.s32 $0xFFFFFFFF  }
0xa5: {  	s26 =	simm.s32 $execute0_lowered;
	[smem:$0x3FD2] =	sst s25  }
0xa6: {  	s4 =	sshll.u32 s26, $0x1;
	_ =	strace $0x8000004C;
	[dreg:$0x1] =	wrdreg $0xFFFFFFFF  }
0xa7: {  	s28 =	simm.s32 $_size_execute0_lowered;
	s2 =	sadd.s32 s2, s4;
	[dreg:$0x0] =	wrdreg $0x0  }
0xa8: {  	s4 =	sshll.u32 s28, $0x1;
	[dreg:$0x2] =	wrdreg s2  }
0xa9: {  	[dreg:$0x3] =	wrdreg s4  }
0xaa: {  	[dreg:$0x4] =	wrdreg $0xC0  }
0xab: {  	_ =	task [dreg:s6], $0x5FFFF  }
0xac: {  	[dreg:$0x1] =	wrdreg $0xFFFFFFFF  }
0xad: {  	[dreg:$0x0] =	wrdreg $0x60  }
0xae: {  	[dreg:$0x2] =	wrdreg s24  }
0xaf: {  	[dreg:$0x3] =	wrdreg $0x0  }
0xb0: {  	[dreg:$0x4] =	wrdreg $0x9  }
0xb1: {  	_ =	task.clear_ibuf [dreg:s6], $0x5FFFF;
	_ =	strace $0x9000004C  }
0xb2: {  	s29 =	simm.s32 $0x9;
	_ =	strace $0x8000004E  }
0xb3: {  	_ =	swait.ge [sflag:s29], $0x1  }
0xb4: {  	[sflag:s29] =	ssyncadd.s32 $0xFFFFFFFF  }
0xb5: {  	_ =	strace $0x9000004E  }
0xb6: {  	_ =	sfence  }
0xb7: {  	s30 =	sld [smem:$0x0];
	_ =	sdelay $0x2  }
0xb8: {  	s31 =	sshll.u32 s1, $0xD;
	s1 =	sshrl.u32 s1, $0x2  }
0xb9: {  	s3 =	sand.u32 $0x4000, s31;
	s1 =	sadd.s32 s1, s30  }
0xba: {  	s0 =	sor.u32 s3, s0;
	s1 =	sshll.u32 s1, $0x11  }
0xbb: {  	s0 =	sor.u32 s1, s0  }
0xbc: {  	s0 =	sadd.s32 $0x8F2B, s0  }
0xbd: {  	[sflag:s0] =	ssyncadd.remote.s32 $0x1  }
0xbe: {  	_ =	sfence.sel $0xFFFF  }
0xbf: {  	[dreg:$0x0] =	wrdreg $0xFFFFFFFF;
	(pc) =	sbr.abs _section_cstart, $3  }
0xc0: {  	[dreg:$0x1] =	wrdreg $0xFFFFFFFF  }
0xc1: {  	_ =	task.clear_ibuf [dreg:s6], $0x2FFFF;
	_ =	strace $0x9FFFFFFF  }
0xc2: {  	(tm) =	ssettm $0x7FFFFFFF  }
0xc3: {  	_ =	shalt  }
tec
execute0_lowered:
.L_overlay_start_1:
0x0: {  	(tag) =	ssettag $0x1  }
0x1: {  	s0 =	rddreg [dreg:$0x0]  }
0x2: {  	s1 =	rddreg [dreg:$0x1]  }
0x3: {  	s2 =	srdreg.scid;
	s3 =	simm.s32 $0x0;
	s13 =	stileid.u32  }
0x4: {  	s19 =	simm.s32 $0x8;
	s28 =	simm.s32 $0x18800;
	s30 =	simm.s32 $0x1C000  }
0x5: {  	s31 =	simm.s32 $0x1;
	s18 =	simm.s32 $0x4;
	s2 =	sand.u32 $0x1, s2  }
0x6: {  	[smem:$0x7FF] =	sst s3;
	s8 =	smul.u32 $0x14000, s13;
	s4 =	sadd.s32 $0x21800, s0  }
0x7: {  	s5 =	sadd.s32 $0x12800, s0;
	s6 =	sadd.s32 $0x2800, s0;
	s11 =	smul.u32 $0x50000, s13  }
0x8: {  	s10 =	sadd.s32 $0x49800, s0;
	s22 =	smul.u32 $0x2800, s13;
	s26 =	sshll.u32 s13, $0x6  }
0x9: {  	s7 =	smul.u32 $0x140000, s2;
	_ =	strace $0x8000004D;
	s20 =	sshll.u32 s2, $0x4  }
0xa: {  	s9 =	ssub.s32 $0x2, s2;
	p0 =	seq.s32 s2, $0x0;
	[dreg:$0x6] =	wrdreg s26  }
0xb: {  	s12 =	sshrl.u32 s9, $0x1;
	s21 =	sshrl.u32 s11, $0x2;
	s10 =	smov.u32 @p0 s4  }
0xc: {  	s7 =	sadd.s32 s8, s7;
	s8 =	sor.u32 s13, s20;
	s12 =	ssub.s32 s9, s12  }
0xd: {  	s2 =	sadd.s32 s21, s1;
	s10 =	sadd.s32 s10, s22;
	s20 =	simm.s32 $0x5  }
0xe: {  	s22 =	simm.s32 $0x6;
	s7 =	sshrl.u32 s7, $0x3;
	s25 =	smax.u32 s12, $0x1  }
0xf: {  	[dreg:$0x7] =	wrdreg s10;
	s0 =	sadd.s32 s7, s0;
	s7 =	smul.u32 $0x3C00, s8  }
0x10: {  	s15 =	sshrl.u32 s2, $0x3;
	s2 =	simm.s32 $0x3;
	[dreg:$0x5] =	wrdreg s25  }
0x11: {  	s25 =	simm.s32 $0x15000;
	s0 =	sadd.s32 $0x71800, s0;
	s23 =	sshrl.u32 s7, $0x3  }
.Ltmp0:
0x12: {  	[dreg:$0x4] =	wrdreg s0;
	s0 =	sor.u32 $0x1C07, s26;
	(pc) =	sbr.rel .LBB2_1-.Ltmp0, $4  }
0x13: {  	s26 =	simm.s32 $0x0;
	s24 =	sadd.s32 s5, s23;
	s9 =	sadd.s32 s6, s23  }
0x14: {  	[dreg:$0x8] =	wrdreg s0;
	s23 =	simm.s32 $0x7;
	s0 =	simm.s32 $0x2  }
0x15: {  	[dreg:$0x3] =	wrdreg s24;
	s29 =	sadd.s32 $0x80, s24;
	s12 =	smov.u32 s9  }
0x16: {  	s21 =	sadd.s32 $0x80, s9;
	s24 =	simm.s32 $0x70;
	[dreg:$0x9] =	wrdreg s29  }
.LBB2_6:
0x17: {  	_ =	swait.ge [sflag:s18], $0x3800  }
0x18: {  	[sflag:s18] =	ssyncset.done $0x0  }
0x19: {  	[sflag:s18] =	ssyncadd.s32 $0xFFFFC800  }
0x1a: {  	_ =	swait.ge [sflag:s20], $0x3800  }
0x1b: {  	[sflag:s20] =	ssyncset.done $0x0  }
0x1c: {  	[sflag:s20] =	ssyncadd.s32 $0xFFFFC800  }
0x1d: {  	_ =	swait.ge [sflag:s22], $0x3800  }
0x1e: {  	[sflag:s22] =	ssyncset.done $0x0  }
0x1f: {  	[sflag:s22] =	ssyncadd.s32 $0xFFFFC800  }
0x20: {  	[bflag:$0x0] =	sbarrier.arrive $0xFFFF  }
0x21: {  	s8 =	rddreg [dreg:$0x6]  }
0x22: {  	s9 =	rddreg [dreg:$0x4];
	s8 =	sor.u32 $0x1C08, s8  }
0x23: {  	[hbm:s9], [sflag:s8] =	dma.local [spmem:s15], $0x2800  }
0x24: {  	_ =	swait.ge [sflag:s19], $0x2800  }
0x25: {  	s26 =	sadd.s32 $0x1, s26;
	s29 =	rddreg [dreg:$0x5]  }
0x26: {  	p0 =	sne.s32 s26, s29  }
.Ltmp1:
0x27: {  	_ = 	snop;
	(pc) =	sbr.rel @!p0 .LBB2_7-.Ltmp1, $3  }
0x28: {  	_ =	sdelay $0x1  }
0x29: {  	[sflag:s19] =	ssyncset.done $0x0  }
0x2a: {  	[sflag:s19] =	ssyncadd.s32 $0xFFFFD800  }
.LBB2_1:
0x2b: {  	s8 =	rddreg [dreg:$0x7]  }
0x2c: {  	s9 =	rddreg [dreg:$0x8]  }
0x2d: {  	[spmem:s15], [sflag:s9] =	dma.local [hbm:s8], $0x2800  }
0x2e: {  	s17 =	simm.s32 $0x14000;
	s8 =	rddreg [dreg:$0x3]  }
0x2f: {  	[tilespmem:s17], [sflag:$0x8] =	stream.linear.gather [hbm4b:s8+s3], $0x300, $0x38;
	[tilespmem:$0x1F800] =	vst v63  }
0x30: {  	s10 =	simm.s32 $0x14400;
	s11 =	rddreg [dreg:$0x9]  }
0x31: {  	[tilespmem:s10], [sflag:$0x8] =	stream.linear.gather [hbm4b:s11+s3], $0x300, $0x38;
	[tilespmem:$0x1F800] =	vst v63  }
0x32: {  	_ =	swait.ge [sflag:s19], $0x600  }
0x33: {  	[sflag:s19] =	ssyncset.done $0x0  }
0x34: {  	s13 =	simm.s32 $0x14800;
	[sflag:s19] =	ssyncadd.s32 $0xFFFFFA00  }
0x35: {  	[tilespmem:s13], [sflag:$0x8] =	stream.linear.gather [hbm4b:s12+s3], $0x300, $0x38;
	[tilespmem:$0x1F800] =	vst v63  }
0x36: {  	s14 =	simm.s32 $0x14C00  }
0x37: {  	[tilespmem:s14], [sflag:$0x8] =	stream.linear.gather [hbm4b:s21+s3], $0x300, $0x38;
	[tilespmem:$0x1F800] =	vst v63  }
0x38: {  	_ =	swait.ge [sflag:s19], $0x600  }
0x39: {  	[sflag:s19] =	ssyncset.done $0x0  }
0x3a: {  	[sflag:s19] =	ssyncadd.s32 $0xFFFFFA00  }
0x3b: {  	_ =	swait.ge [sflag:s23], $0x2800  }
0x3c: {  	[sflag:s23] =	ssyncset.done $0x0  }
0x3d: {  	[sflag:s23] =	ssyncadd.s32 $0xFFFFD800  }
0x3e: {  	[bflag:$0x0] =	sbarrier.arrive $0xFFFF  }
0x3f: {  	[tilespmem:s25], [sflag:$0x1] =	stream.indirect.gather [hbm4b:s4+s24], $0x80, s17, s24, $0xb8;
	[tilespmem:$0x1F800] =	vst v63  }
.Ltmp2:
0x40: {  	_ = 	snop;
	(pc) =	sbr.rel .LBB2_2-.Ltmp2, $4  }
0x41: {  	s16 =	simm.s32 $0x14080  }
0x42: {  	[tilespmem:s28], [sflag:$0x2] =	stream.indirect.gather [hbm4b:s4+s24], $0x80, s16, s24, $0xb8;
	[tilespmem:$0x1F800] =	vst v63  }
0x43: {  	s29 =	simm.s32 $0x0;
	s10 =	simm.s32 $0x0;
	s17 =	simm.s32 $0x14100  }
0x44: {  	[tilespmem:s30], [sflag:$0x3] =	stream.indirect.gather [hbm4b:s4+s24], $0x80, s17, s24, $0xb8;
	[tilespmem:$0x1F800] =	vst v63  }
.LBB2_4:
0x45: {  	s13 =	smul.u32 $0xAB, s11;
	_ =	sdelay $0x1  }
0x46: {  	s13 =	sshrl.u32 s13, $0xA  }
0x47: {  	s13 =	sand.u32 $0x3F, s13  }
0x48: {  	s14 =	smul.u32 $0x6, s13;
	_ =	sdelay $0x1  }
0x49: {  	p0 =	slt.u32 s10, $0x4;
	s14 =	ssub.s32 s11, s14  }
0x4a: {  	s8 =	sand.u32 @!p0 $0xFF, s14  }
0x4b: {  	_ =	swait.ge [sflag:s22], $0x3800;
	p1 =	sne.s32 @!p0 s8, $0x0  }
0x4c: {  	[sflag:s22] =	ssyncset.done $0x0;
	p0 =	por p1, p0  }
0x4d: {  	[sflag:s22] =	ssyncadd.s32 $0xFFFFC800;
	s8 =	simm.s32 @!p0 $0x7  }
0x4e: {  	_ =	swait.ge @!p0 [sflag:s8], $0x300  }
0x4f: {  	[sflag:s8] =	ssyncset.done @!p0 $0x0  }
0x50: {  	s13 =	sshll.u32 s13, $0xA;
	s14 =	sand.u32 $0xFF, s14;
	[sflag:s8] =	ssyncadd.s32 @!p0 $0xFFFFFD00  }
0x51: {  	s13 =	sand.u32 $0x400, s13;
	s14 =	sshll.u32 s14, $0x7;
	_ =	swait.ge @!p0 [sflag:s8], $0x300  }
0x52: {  	s13 =	sadd.s32 s14, s13;
	[sflag:s8] =	ssyncset.done @!p0 $0x0  }
0x53: {  	s17 =	sadd.s32 $0x14000, s13;
	[sflag:s8] =	ssyncadd.s32 @!p0 $0xFFFFFD00;
	s8 =	sadd.s32 $0xFFFFFFFE, s10  }
0x54: {  	[tilespmem:s30], [sflag:$0x3] =	stream.indirect.gather [hbm4b:s4+s24], $0x80, s17, s24, $0xb8;
	[tilespmem:$0x1F800] =	vst v63  }
0x55: {  	p0 =	sgt.u32 s8, $0x19  }
0x56: {  	s13 =	sand.u32 @!p0 $0xFF, s16  }
0x57: {  	p1 =	sne.s32 @!p0 s13, $0x0  }
0x58: {  	s13 =	sshrl.u32 s10, $0x1;
	p2 =	por p1, p0  }
0x59: {  	s13 =	sshll.u32 @!p2 s13, $0xA  }
0x5a: {  	s13 =	sadd.s32 @!p2 $0x400, s13  }
0x5b: {  	s14 =	sadd.s32 @!p2 s7, s13  }
0x5c: {  	s13 =	sand.u32 @!p2 $0x400, s13;
	s14 =	sshrl.u32 @!p2 s14, $0x3  }
0x5d: {  	s17 =	simm.s32 @!p2 $0x0;
	s16 =	sor.u32 @!p2 $0x14000, s13;
	s9 =	sadd.s32 @!p2 s5, s14  }
0x5e: {  	[tilespmem:s16], [sflag:$0x7] =	stream.linear.gather @!p2 [hbm4b:s9+s17], $0x300, $0x38;
	[tilespmem:$0x1F800] =	vst v63  }
0x5f: {  	s9 =	sor.u32 @!p2 $0x14800, s13;
	s13 =	sadd.s32 @!p2 s6, s14  }
0x60: {  	[tilespmem:s9], [sflag:$0x7] =	stream.linear.gather @!p2 [hbm4b:s13+s17], $0x300, $0x38;
	[tilespmem:$0x1F800] =	vst v63  }
0x61: {  	p3 =	slt.u32 s8, $0x1A;
	p1 =	por !p1, p0;
	p2 =	por @!p2 $0x1, $0x1  }
0x62: {  	p2 =	por @!p1 p3, p3  }
0x63: {  	p3 =	por @!p0 p2, p2  }
.LBB2_5:
0x64: {  	s8 =	sadd.s32 $0x1, s29  }
0x65: {  	s9 =	sand.u32 $0xFF, s8  }
0x66: {  	s9 =	smul.u32 $0xAB, s9;
	_ =	sdelay $0x1  }
0x67: {  	s13 =	sshrl.u32 s9, $0xA  }
0x68: {  	s14 =	smul.u32 $0x6, s13;
	_ =	sdelay $0x1  }
0x69: {  	s8 =	ssub.s32 s8, s14  }
0x6a: {  	_ =	swait.ge [sflag:s0], $0x3800;
	p0 =	seq.s32 s10, $0x1D;
	s14 =	sand.u32 $0x6F, s8  }
0x6b: {  	s16 =	sadd.s32 @!p0 $0x3, s29;
	s9 =	sand.u32 $0x400, s9;
	s14 =	sshll.u32 s14, $0x7  }
0x6c: {  	[sflag:s0] =	ssyncset.done $0x0;
	s9 =	sor.u32 s14, s9;
	s14 =	sand.u32 @!p0 $0xFF, s16  }
0x6d: {  	[sflag:s0] =	ssyncadd.s32 $0xFFFFC800;
	s9 =	sor.u32 $0x14800, s9;
	s14 =	smul.u32 @!p0 $0xAB, s14  }
0x6e: {  	[spmem:s1] =	stream.indirect.scatter.add.f32 [tilespmem:s28], [sflag:$0x5], $0x80, s9, s24, $0xb8;
	[tilespmem:$0x1F800] =	vst v63  }
0x6f: {  	s9 =	sshrl.u32 @!p0 s14, $0xA  }
0x70: {  	s14 =	smul.u32 @!p0 $0x6, s9  }
0x71: {  	p1 =	slt.u32 @!p0 s10, $0x3  }
0x72: {  	p2 =	por p1, p0;
	s14 =	ssub.s32 @!p0 s16, s14  }
0x73: {  	s16 =	sand.u32 @!p2 $0xFF, s14  }
0x74: {  	s17 =	simm.s32 @!p0 $0x4;
	p4 =	sne.s32 @!p2 s16, $0x0  }
0x75: {  	_ =	swait.ge @!p0 [sflag:s17], $0x3800;
	p4 =	por @!p0 p4, p1  }
0x76: {  	[sflag:s17] =	ssyncset.done @!p0 $0x0;
	p4 =	por p4, p0  }
0x77: {  	[sflag:s17] =	ssyncadd.s32 @!p0 $0xFFFFC800;
	s16 =	simm.s32 @!p4 $0x7  }
0x78: {  	p3 =	por !p3, !p3;
	s8 =	sand.u32 $0xFF, s8;
	_ =	swait.ge @!p4 [sflag:s16], $0x300  }
0x79: {  	s9 =	sshll.u32 @!p0 s9, $0xA;
	s14 =	sand.u32 @!p0 $0xFF, s14;
	[sflag:s16] =	ssyncset.done @!p4 $0x0  }
0x7a: {  	s9 =	sand.u32 @!p0 $0x400, s9;
	s14 =	sshll.u32 @!p0 s14, $0x7;
	[sflag:s16] =	ssyncadd.s32 @!p4 $0xFFFFFD00  }
0x7b: {  	p5 =	sne.s32 s8, $0x0;
	s9 =	sadd.s32 @!p0 s14, s9;
	_ =	swait.ge @!p4 [sflag:s16], $0x300  }
0x7c: {  	s14 =	simm.s32 @!p0 $0x70;
	s9 =	sadd.s32 @!p0 $0x14000, s9;
	[sflag:s16] =	ssyncset.done @!p4 $0x0  }
0x7d: {  	[sflag:s16] =	ssyncadd.s32 @!p4 $0xFFFFFD00;
	s16 =	simm.s32 @!p0 $0x15000;
	p4 =	por p5, p3  }
0x7e: {  	[tilespmem:s16], [sflag:$0x1] =	stream.indirect.gather @!p0 [hbm4b:s4+s14], $0x80, s9, s14, $0xb8;
	[tilespmem:$0x1F800] =	vst v63  }
0x7f: {  	s8 =	sshll.u32 @!p4 s13, $0xA  }
0x80: {  	s8 =	sadd.s32 @!p4 $0x400, s8  }
0x81: {  	s9 =	sadd.s32 @!p4 s7, s8  }
0x82: {  	s8 =	sand.u32 @!p4 $0x400, s8;
	s9 =	sshrl.u32 @!p4 s9, $0x3  }
0x83: {  	s17 =	simm.s32 @!p4 $0x0;
	s13 =	sor.u32 @!p4 $0x14000, s8;
	s16 =	sadd.s32 @!p4 s5, s9  }
0x84: {  	[tilespmem:s13], [sflag:$0x7] =	stream.linear.gather @!p4 [hbm4b:s16+s17], $0x300, $0x38;
	[tilespmem:$0x1F800] =	vst v63  }
0x85: {  	s8 =	sor.u32 @!p4 $0x14800, s8;
	s9 =	sadd.s32 @!p4 s6, s9;
	s13 =	smul.u32 $0xAB, s11  }
0x86: {  	[tilespmem:s8], [sflag:$0x7] =	stream.linear.gather @!p4 [hbm4b:s9+s17], $0x300, $0x38;
	[tilespmem:$0x1F800] =	vst v63  }
0x87: {  	s16 =	sshrl.u32 s13, $0xA  }
0x88: {  	s8 =	sand.u32 $0x3F, s16  }
0x89: {  	s17 =	smul.u32 $0x6, s8  }
0x8a: {  	s16 =	sadd.s32 @!p0 $0x4, s29  }
0x8b: {  	s9 =	ssub.s32 s11, s17;
	s11 =	sand.u32 @!p0 $0xFF, s16  }
0x8c: {  	s17 =	sand.u32 $0x6F, s9;
	s11 =	smul.u32 @!p0 $0xAB, s11  }
0x8d: {  	s13 =	sand.u32 $0x400, s13;
	_ =	swait.ge [sflag:s2], $0x3800;
	s17 =	sshll.u32 s17, $0x7  }
0x8e: {  	[sflag:s2] =	ssyncset.done $0x0;
	s13 =	sor.u32 s17, s13;
	s11 =	sshrl.u32 @!p0 s11, $0xA  }
0x8f: {  	[sflag:s2] =	ssyncadd.s32 $0xFFFFC800;
	s13 =	sor.u32 $0x14800, s13;
	s17 =	smul.u32 @!p0 $0x6, s11  }
0x90: {  	[spmem:s1] =	stream.indirect.scatter.add.f32 [tilespmem:s30], [sflag:$0x6], $0x80, s13, s24, $0xb8;
	[tilespmem:$0x1F800] =	vst v63  }
0x91: {  	s13 =	ssub.s32 @!p0 s16, s17  }
0x92: {  	s16 =	sand.u32 @!p2 $0xFF, s13  }
0x93: {  	s17 =	simm.s32 @!p0 $0x5;
	p2 =	sne.s32 @!p2 s16, $0x0  }
0x94: {  	_ =	swait.ge @!p0 [sflag:s17], $0x3800;
	p1 =	por @!p0 p2, p1  }
0x95: {  	[sflag:s17] =	ssyncset.done @!p0 $0x0;
	p1 =	por p1, p0  }
0x96: {  	[sflag:s17] =	ssyncadd.s32 @!p0 $0xFFFFC800;
	s16 =	simm.s32 @!p1 $0x7  }
0x97: {  	_ =	swait.ge @!p1 [sflag:s16], $0x300  }
0x98: {  	s9 =	sand.u32 $0xFF, s9;
	[sflag:s16] =	ssyncset.done @!p1 $0x0  }
0x99: {  	s11 =	sshll.u32 @!p0 s11, $0xA;
	s13 =	sand.u32 @!p0 $0xFF, s13;
	[sflag:s16] =	ssyncadd.s32 @!p1 $0xFFFFFD00  }
0x9a: {  	s11 =	sand.u32 @!p0 $0x400, s11;
	s13 =	sshll.u32 @!p0 s13, $0x7;
	_ =	swait.ge @!p1 [sflag:s16], $0x300  }
0x9b: {  	p6 =	sne.s32 s9, $0x0;
	s11 =	sadd.s32 @!p0 s13, s11;
	[sflag:s16] =	ssyncset.done @!p1 $0x0  }
0x9c: {  	s13 =	simm.s32 @!p0 $0x18800;
	s11 =	sadd.s32 @!p0 $0x14000, s11;
	[sflag:s16] =	ssyncadd.s32 @!p1 $0xFFFFFD00  }
0x9d: {  	[tilespmem:s13], [sflag:$0x2] =	stream.indirect.gather @!p0 [hbm4b:s4+s14], $0x80, s11, s14, $0xb8;
	[tilespmem:$0x1F800] =	vst v63  }
0x9e: {  	p0 =	por p6, p3  }
0x9f: {  	s8 =	sshll.u32 @!p0 s8, $0xA  }
0xa0: {  	s8 =	sadd.s32 @!p0 $0x400, s8  }
0xa1: {  	s9 =	sadd.s32 @!p0 s7, s8  }
0xa2: {  	s8 =	sand.u32 @!p0 $0x400, s8;
	s9 =	sshrl.u32 @!p0 s9, $0x3  }
0xa3: {  	s14 =	simm.s32 @!p0 $0x0;
	s11 =	sor.u32 @!p0 $0x14000, s8;
	s13 =	sadd.s32 @!p0 s5, s9  }
0xa4: {  	[tilespmem:s11], [sflag:$0x7] =	stream.linear.gather @!p0 [hbm4b:s13+s14], $0x300, $0x38;
	[tilespmem:$0x1F800] =	vst v63  }
0xa5: {  	s10 =	sadd.s32 $0x1, s10;
	s8 =	sor.u32 @!p0 $0x14800, s8;
	s9 =	sadd.s32 @!p0 s6, s9  }
0xa6: {  	[tilespmem:s8], [sflag:$0x7] =	stream.linear.gather @!p0 [hbm4b:s9+s14], $0x300, $0x38;
	[tilespmem:$0x1F800] =	vst v63  }
0xa7: {  	p0 =	sne.s32 s10, $0x1E  }
.Ltmp3:
0xa8: {  	_ = 	snop;
	(pc) =	sbr.rel @!p0 .LBB2_6-.Ltmp3, $2  }
0xa9: {  	_ =	sdelay $0x2  }
0xaa: {  	s29 =	sadd.s32 $0x3, s29  }
.LBB2_2:
0xab: {  	s11 =	sand.u32 $0xFF, s29  }
0xac: {  	s11 =	smul.u32 $0xAB, s11;
	_ =	sdelay $0x1  }
0xad: {  	s11 =	sshrl.u32 s11, $0xA  }
0xae: {  	s11 =	smul.u32 $0x6, s11;
	_ =	sdelay $0x1  }
0xaf: {  	s13 =	sshll.u32 s10, $0x9;
	s16 =	ssub.s32 s29, s11  }
0xb0: {  	_ =	swait.ge [sflag:s31], $0x3800;
	p0 =	seq.s32 s10, $0x0;
	s11 =	sand.u32 $0x6F, s16  }
.Ltmp4:
0xb1: {  	s13 =	sand.u32 $0x400, s13;
	s11 =	sshll.u32 s11, $0x7;
	(pc) =	sbr.rel @!p0 .LBB2_4-.Ltmp4, $4  }
0xb2: {  	[sflag:s31] =	ssyncset.done $0x0;
	s11 =	sor.u32 s11, s13  }
0xb3: {  	[sflag:s31] =	ssyncadd.s32 $0xFFFFC800;
	s11 =	sor.u32 $0x14800, s11  }
0xb4: {  	[spmem:s1] =	stream.indirect.scatter.add.f32 [tilespmem:s25], [sflag:$0x4], $0x80, s11, s24, $0xb8;
	[tilespmem:$0x1F800] =	vst v63  }
0xb5: {  	s11 =	sadd.s32 $0x2, s29  }
.Ltmp5:
0xb6: {  	(pc) =	sbr.rel .LBB2_5-.Ltmp5, $2  }
0xb7: {  	_ =	sdelay $0x2  }
0xb8: {  	p3 =	por $0x0, $0x0  }
.LBB2_7:
0xb9: {  	_ =	sfence.sel $0x180000  }
0xba: {  	[bflag:$0x0] =	sbarrier.arrive $0xFFFF  }
0xbb: {  	_ =	strace $0x9000004D  }
0xbc: {  	s0 =	stileid.u32;
	[bflag:$0x2] =	sbarrier.arrive $0xFFFF  }
0xbd: {  	p0 =	sne.s32 s0, $0x0;
	s0 =	rddreg [dreg:$0x2]  }
0xbe: {  	s0 =	sadd.s32 @!p0 $0x100000, s0  }
0xbf: {  	[sflag:s0] =	ssyncadd.tile.s32 @!p0 $0x1;
	_ =	shalt  }
.Lfunc_end2:
_tile_overlayer_lowered:
.L_overlay_start_2:
0xc0: {  	(tag) =	ssettag $0x2  }
0xc1: {  	s0 =	rddreg [dreg:$0x0];
	s2 =	stileid.u32  }
0xc2: {  	s1 =	rddreg [dreg:$0x1];
	p0 =	sne.s32 s2, $0x0  }
0xc3: {  	s3 =	rddreg [dreg:$0x2];
	[bflag:$0x3] =	sbarrier.arrive $0xFFFF;
	s2 =	simm.s32 @!p0 $0x1C08  }
0xc4: {  	[timem:s3], [sflag:s2] =	dma.local @!p0 [hbm:s0], s1  }
0xc5: {  	s0 =	simm.s32 @!p0 $0x8  }
0xc6: {  	_ =	swait.ge @!p0 [sflag:s0], s1  }
0xc7: {  	s1 =	ssub.s32 @!p0 $0x0, s1;
	[sflag:s0] =	ssyncset.done @!p0 $0x0  }
0xc8: {  	[sflag:s0] =	ssyncadd.s32 @!p0 s1  }
0xc9: {  	[bflag:$0x3] =	sbarrier.arrive $0xFFFF  }
0xca: {  	_ =	shalt  }

// kernel: kernel.19.cloned.1.call-start
scs
__scs_entry_jumppad:
0x0: {  	(pc) =	sbr.rel $0x88, $3  }
0x1: {  	(tag) =	ssettag $0x0;
	lr =	simm.s32 $0x1  }
0x2: {  	[smem:$0x3F98] =	sst lr;
	_ =	strace $0xD0000000  }
0x3: {  	_ = 	snop  }
0x4: {  	_ = 	snop  }
0x5: {  	_ = 	snop  }
0x6: {  	_ = 	snop  }
0x7: {  	_ = 	snop  }
__scs_overlays_trampoline_lowered:
0x8: {  	[smem:$0x3FA7] =	sst s0  }
0x9: {  	[smem:$0x3FA8] =	sst s1  }
0xa: {  	[smem:$0x3FA9] =	sst s2  }
0xb: {  	[smem:$0x3FAA] =	sst s3  }
0xc: {  	[smem:$0x3FAB] =	sst s4  }
0xd: {  	[smem:$0x3FAC] =	sst s5  }
0xe: {  	[smem:$0x3FAD] =	sst s6  }
0xf: {  	[smem:$0x3FAE] =	sst s7  }
0x10: {  	[smem:$0x3FAF] =	sst s8  }
0x11: {  	[smem:$0x3FB0] =	sst s9;
	s0 =	simm.s32 @!p0 $0x0  }
0x12: {  	s1 =	sld [smem:$0x3F96];
	s0 =	simm.s32 @p0 $0x1  }
0x13: {  	[smem:$0x3FB1] =	sst s0;
	s0 =	simm.s32 @!p1 $0x0  }
0x14: {  	s2 =	sld [smem:$0x3F95];
	s0 =	simm.s32 @p1 $0x1  }
0x15: {  	[smem:$0x3FB2] =	sst s0;
	s0 =	simm.s32 @!p2 $0x0  }
0x16: {  	s3 =	sld [smem:$0x3FDB];
	s0 =	simm.s32 @p2 $0x1  }
0x17: {  	s4 =	simm.s32 $0x1BF5;
	[smem:$0x3FB4] =	sst s0  }
0x18: {  	s0 =	sld [smem:$0x3F97];
	_ =	swait.ge [sflag:s4], $0x0  }
0x19: {  	s7 =	sld [smem:$0x3F98]  }
0x1a: {  	s8 =	sadd.s32 $0xFFFFE003, lr  }
0x1b: {  	s9 =	sadd.s32 $0xFFFFFEF7, lr;
	s5 =	simm.s32 $0xFFFFFFFF;
	p2 =	slt.u32 s8, $0xFFFFF086  }
0x1c: {  	p1 =	slt.u32 s9, $0xF7A;
	s5 =	simm.s32 @!p2 $0x0  }
0x1d: {  	s5 =	simm.s32 @p1 $0x1;
	p0 =	seq.s32 s7, s2  }
0x1e: {  	s7 =	smul.u32 @!p0 $0xF7A, s2;
	p2 =	seq.s32 @!p0 s5, $0x0  }
0x1f: {  	s9 =	smul.u32 $0xF7A, s1;
	s8 =	simm.s32 @!p0 $0x1BF5;
	p2 =	por !p2, p0  }
0x20: {  	[sflag:s8] =	ssyncset.s32 @!p0 $0xFFFFF086;
	s6 =	sadd.s32 @!p0 s3, s7;
	s7 =	simm.s32 @!p0 $0x108  }
0x21: {  	s3 =	sadd.s32 s3, s9;
	s6 =	sadd.s32 @!p0 $0x88, s6;
	s7 =	simm.s32 @p2 $0x1082  }
0x22: {  	[simem:s7], [sflag:s8] =	dma.local @!p0 [hbm:s6], $0xF7A  }
0x23: {  	s9 =	sor.u32 $0xD0000000, s2;
	s6 =	simm.s32 $0x108;
	_ =	swait.ge @!p0 [sflag:s8], $0x0  }
0x24: {  	s3 =	sadd.s32 $0x88, s3;
	s6 =	simm.s32 @!p1 $0x1082;
	[sflag:s4] =	ssyncset.s32 $0xFFFFF086  }
0x25: {  	[simem:s6], [sflag:s4] =	dma.local [hbm:s3], $0xF7A  }
0x26: {  	[smem:$0x3F98] =	sst s1;
	(tag) =	ssettag s2;
	_ =	strace s9  }
0x27: {  	s1 =	sld [smem:$0x3FA8]  }
0x28: {  	s2 =	sld [smem:$0x3FA9]  }
0x29: {  	s4 =	sld [smem:$0x3FAB]  }
0x2a: {  	p0 =	seq.s32 s5, $0x0;
	s5 =	sld [smem:$0x3FAC]  }
0x2b: {  	s6 =	sld [smem:$0x3FAD]  }
0x2c: {  	s7 =	sld [smem:$0x3FAE]  }
0x2d: {  	s3 =	simm.s32 $0x108;
	s8 =	sld [smem:$0x3FAF]  }
0x2e: {  	s3 =	simm.s32 @!p0 $0x1082;
	s9 =	sld [smem:$0x3FB0]  }
0x2f: {  	lr =	sadd.s32 s0, s3;
	s0 =	sld [smem:$0x3FA7]  }
0x30: {  	s3 =	sld [smem:$0x3FAA]  }
0x31: {  	[smem:$0x3FB3] =	sst s10  }
0x32: {  	s10 =	sld [smem:$0x3FB1];
	_ =	sdelay $0x3  }
0x33: {  	p0 =	seq.s32 s10, $0x1;
	s10 =	sld [smem:$0x3FB3];
	_ =	sdelay $0x3  }
0x34: {  	[smem:$0x3FB3] =	sst s10  }
0x35: {  	s10 =	sld [smem:$0x3FB2];
	_ =	sdelay $0x3  }
0x36: {  	p1 =	seq.s32 s10, $0x1;
	s10 =	sld [smem:$0x3FB3];
	_ =	sdelay $0x3  }
0x37: {  	[smem:$0x3FB3] =	sst s10  }
0x38: {  	s10 =	sld [smem:$0x3FB4]  }
0x39: {  	_ = 	snop;
	(pc) =	sbr.ind lr, $3  }
0x3a: {  	_ = 	snop  }
0x3b: {  	_ = 	snop  }
0x3c: {  	p2 =	seq.s32 s10, $0x1;
	s10 =	sld [smem:$0x3FB3]  }
0x3d: {  	_ =	shalt  }
0x3e: {  	_ =	shalt  }
0x3f: {  	_ =	shalt  }
0x40: {  	_ =	shalt  }
0x41: {  	_ =	shalt  }
0x42: {  	_ =	shalt  }
0x43: {  	_ =	shalt  }
0x44: {  	_ =	shalt  }
0x45: {  	_ =	shalt  }
0x46: {  	_ =	shalt  }
0x47: {  	_ =	shalt  }
0x48: {  	_ =	shalt  }
0x49: {  	_ =	shalt  }
0x4a: {  	_ =	shalt  }
0x4b: {  	_ =	shalt  }
0x4c: {  	_ =	shalt  }
0x4d: {  	_ =	shalt  }
0x4e: {  	_ =	shalt  }
0x4f: {  	_ =	shalt  }
0x50: {  	_ =	shalt  }
0x51: {  	_ =	shalt  }
0x52: {  	_ =	shalt  }
0x53: {  	_ =	shalt  }
0x54: {  	_ =	shalt  }
0x55: {  	_ =	shalt  }
0x56: {  	_ =	shalt  }
0x57: {  	_ =	shalt  }
0x58: {  	_ =	shalt  }
0x59: {  	_ =	shalt  }
0x5a: {  	_ =	shalt  }
0x5b: {  	_ =	shalt  }
0x5c: {  	_ =	shalt  }
0x5d: {  	_ =	shalt  }
0x5e: {  	_ =	shalt  }
0x5f: {  	_ =	shalt  }
0x60: {  	_ =	shalt  }
0x61: {  	_ =	shalt  }
0x62: {  	_ =	shalt  }
0x63: {  	_ =	shalt  }
0x64: {  	_ =	shalt  }
0x65: {  	_ =	shalt  }
0x66: {  	_ =	shalt  }
0x67: {  	_ =	shalt  }
0x68: {  	_ =	shalt  }
0x69: {  	_ =	shalt  }
0x6a: {  	_ =	shalt  }
0x6b: {  	_ =	shalt  }
0x6c: {  	_ =	shalt  }
0x6d: {  	_ =	shalt  }
0x6e: {  	_ =	shalt  }
0x6f: {  	_ =	shalt  }
0x70: {  	_ =	shalt  }
0x71: {  	_ =	shalt  }
0x72: {  	_ =	shalt  }
0x73: {  	_ =	shalt  }
0x74: {  	_ =	shalt  }
0x75: {  	_ =	shalt  }
0x76: {  	_ =	shalt  }
0x77: {  	_ =	shalt  }
0x78: {  	_ =	shalt  }
0x79: {  	_ =	shalt  }
0x7a: {  	_ =	shalt  }
0x7b: {  	_ =	shalt  }
0x7c: {  	_ =	shalt  }
0x7d: {  	_ =	shalt  }
0x7e: {  	_ =	shalt  }
0x7f: {  	_ =	shalt  }
0x80: {  	_ =	shalt  }
0x81: {  	_ =	shalt  }
0x82: {  	_ =	shalt  }
0x83: {  	_ =	shalt  }
0x84: {  	_ =	shalt  }
0x85: {  	_ =	shalt  }
0x86: {  	_ =	shalt  }
0x87: {  	_ =	shalt  }
.Lfunc_end0:
.L_simem_size_0:
called_computation.3_lowered:
.L_overlay_start_0:
0x88: {  	s2 =	sld [smem:$0x3FD9]  }
0x89: {  	s3 =	sld [smem:$0x3FFE];
	_ =	sdelay $0x1  }
0x8a: {  	s1 =	srdreg.scid  }
0x8b: {  	s0 =	sand.u32 $0x1, s1  }
0x8c: {  	s16 =	sshll.u32 s0, $0xA;
	s2 =	sadd.s32 s3, s2  }
0x8d: {  	s2 =	sadd.s32 s2, s16  }
0x8e: {  	[smem:$0x3FBF] =	sst s2  }
0x8f: {  	_ = 	snop  }
0x90: {  	(tm) =	ssettm $0x1  }
0x91: {  	s17 =	sld [smem:$0x3FFB];
	_ =	sdelay $0x3  }
0x92: {  	_ =	strace s17  }
0x93: {  	s2 =	sld [smem:$0x3FFC];
	_ =	sdelay $0x3  }
0x94: {  	_ =	strace s2  }
0x95: {  	s2 =	sld [smem:$0x3FFD];
	_ =	sdelay $0x3  }
0x96: {  	_ =	strace s2  }
0x97: {  	_ =	strace $0x8FFFFFFF  }
0x98: {  	s18 =	sld [smem:$0x3FDB];
	_ =	sdelay $0x1  }
0x99: {  	s19 =	simm.s32 $_scs_section_size  }
0x9a: {  	s4 =	simm.s32 $_size__tile_overlayer_lowered;
	s5 =	simm.s32 $_tile_overlayer_lowered  }
0x9b: {  	s22 =	simm.s32 $0x1BFF;
	s21 =	sshll.u32 s5, $0x1;
	s2 =	sadd.s32 s19, s18  }
0x9c: {  	s6 =	simm.s32 $0x0;
	s20 =	sshll.u32 s4, $0x1;
	s4 =	sadd.s32 s21, s2  }
0x9d: {  	[timem:s6], [sflag:s22] =	dma.local [hbm:s4], s20  }
0x9e: {  	_ =	swait.ge [sflag:s22], s20  }
0x9f: {  	s3 =	ssub.s32 $0x0, s20;
	[sflag:s22] =	ssyncset.done $0x0  }
0xa0: {  	[sflag:s22] =	ssyncadd.s32 s3;
	_ =	sdelay $0x1  }
0xa1: {  	s23 =	simm.s32 $0x1B8B  }
0xa2: {  	_ =	swait.ge [sflag:s23], $0x1  }
0xa3: {  	[sflag:s23] =	ssyncset.done $0x0  }
0xa4: {  	s25 =	simm.s32 $0x1B8E;
	s24 =	sld [smem:$0x3FFE];
	[sflag:s23] =	ssyncadd.s32 $0xFFFFFFFF  }
0xa5: {  	s26 =	simm.s32 $execute0_lowered;
	[smem:$0x3FD2] =	sst s25  }
0xa6: {  	s4 =	sshll.u32 s26, $0x1;
	_ =	strace $0x8000004F;
	[dreg:$0x1] =	wrdreg $0xFFFFFFFF  }
0xa7: {  	s28 =	simm.s32 $_size_execute0_lowered;
	s2 =	sadd.s32 s2, s4;
	[dreg:$0x0] =	wrdreg $0x0  }
0xa8: {  	s4 =	sshll.u32 s28, $0x1;
	[dreg:$0x2] =	wrdreg s2  }
0xa9: {  	[dreg:$0x3] =	wrdreg s4  }
0xaa: {  	[dreg:$0x4] =	wrdreg $0xC0  }
0xab: {  	_ =	task [dreg:s6], $0x5FFFF  }
0xac: {  	[dreg:$0x1] =	wrdreg $0xFFFFFFFF  }
0xad: {  	[dreg:$0x0] =	wrdreg $0x60  }
0xae: {  	[dreg:$0x2] =	wrdreg s24  }
0xaf: {  	[dreg:$0x3] =	wrdreg $0x0  }
0xb0: {  	[dreg:$0x4] =	wrdreg $0x9  }
0xb1: {  	_ =	task.clear_ibuf [dreg:s6], $0x5FFFF;
	_ =	strace $0x9000004F  }
0xb2: {  	s29 =	simm.s32 $0x9;
	_ =	strace $0x80000051  }
0xb3: {  	_ =	swait.ge [sflag:s29], $0x1  }
0xb4: {  	[sflag:s29] =	ssyncadd.s32 $0xFFFFFFFF  }
0xb5: {  	_ =	strace $0x90000051  }
0xb6: {  	_ =	sfence  }
0xb7: {  	s30 =	sld [smem:$0x0];
	_ =	sdelay $0x2  }
0xb8: {  	s31 =	sshll.u32 s1, $0xD;
	s1 =	sshrl.u32 s1, $0x2  }
0xb9: {  	s3 =	sand.u32 $0x4000, s31;
	s1 =	sadd.s32 s1, s30  }
0xba: {  	s0 =	sor.u32 s3, s0;
	s1 =	sshll.u32 s1, $0x11  }
0xbb: {  	s0 =	sor.u32 s1, s0  }
0xbc: {  	s0 =	sadd.s32 $0x8F2B, s0  }
0xbd: {  	[sflag:s0] =	ssyncadd.remote.s32 $0x1  }
0xbe: {  	_ =	sfence.sel $0xFFFF  }
0xbf: {  	[dreg:$0x0] =	wrdreg $0xFFFFFFFF;
	(pc) =	sbr.abs _section_cstart, $3  }
0xc0: {  	[dreg:$0x1] =	wrdreg $0xFFFFFFFF  }
0xc1: {  	_ =	task.clear_ibuf [dreg:s6], $0x2FFFF;
	_ =	strace $0x9FFFFFFF  }
0xc2: {  	(tm) =	ssettm $0x7FFFFFFF  }
0xc3: {  	_ =	shalt  }
tec
execute0_lowered:
.L_overlay_start_1:
0x0: {  	(tag) =	ssettag $0x1  }
0x1: {  	s0 =	rddreg [dreg:$0x0]  }
0x2: {  	s1 =	rddreg [dreg:$0x1]  }
0x3: {  	s2 =	srdreg.scid;
	s3 =	simm.s32 $0x0;
	s13 =	stileid.u32  }
0x4: {  	s19 =	simm.s32 $0x8;
	s28 =	simm.s32 $0x18800;
	s30 =	simm.s32 $0x1C000  }
0x5: {  	s31 =	simm.s32 $0x1;
	s18 =	simm.s32 $0x4;
	s2 =	sand.u32 $0x1, s2  }
0x6: {  	[smem:$0x7FF] =	sst s3;
	s8 =	smul.u32 $0x14000, s13;
	s4 =	sadd.s32 $0x21800, s0  }
0x7: {  	s5 =	sadd.s32 $0x12800, s0;
	s6 =	sadd.s32 $0x2800, s0;
	s11 =	smul.u32 $0x50000, s13  }
0x8: {  	s10 =	sadd.s32 $0x49800, s0;
	s22 =	smul.u32 $0x2800, s13;
	s26 =	sshll.u32 s13, $0x6  }
0x9: {  	s7 =	smul.u32 $0x140000, s2;
	_ =	strace $0x80000050;
	s20 =	sshll.u32 s2, $0x4  }
0xa: {  	s9 =	ssub.s32 $0x2, s2;
	p0 =	seq.s32 s2, $0x0;
	[dreg:$0x6] =	wrdreg s26  }
0xb: {  	s12 =	sshrl.u32 s9, $0x1;
	s21 =	sshrl.u32 s11, $0x2;
	s10 =	smov.u32 @p0 s4  }
0xc: {  	s7 =	sadd.s32 s8, s7;
	s8 =	sor.u32 s13, s20;
	s12 =	ssub.s32 s9, s12  }
0xd: {  	s2 =	sadd.s32 s21, s1;
	s10 =	sadd.s32 s10, s22;
	s20 =	simm.s32 $0x5  }
0xe: {  	s22 =	simm.s32 $0x6;
	s7 =	sshrl.u32 s7, $0x3;
	s25 =	smax.u32 s12, $0x1  }
0xf: {  	[dreg:$0x7] =	wrdreg s10;
	s0 =	sadd.s32 s7, s0;
	s7 =	smul.u32 $0x3C00, s8  }
0x10: {  	s15 =	sshrl.u32 s2, $0x3;
	s2 =	simm.s32 $0x3;
	[dreg:$0x5] =	wrdreg s25  }
0x11: {  	s25 =	simm.s32 $0x15000;
	s0 =	sadd.s32 $0x71800, s0;
	s23 =	sshrl.u32 s7, $0x3  }
.Ltmp0:
0x12: {  	[dreg:$0x4] =	wrdreg s0;
	s0 =	sor.u32 $0x1C07, s26;
	(pc) =	sbr.rel .LBB2_1-.Ltmp0, $4  }
0x13: {  	s26 =	simm.s32 $0x0;
	s24 =	sadd.s32 s5, s23;
	s9 =	sadd.s32 s6, s23  }
0x14: {  	[dreg:$0x8] =	wrdreg s0;
	s23 =	simm.s32 $0x7;
	s0 =	simm.s32 $0x2  }
0x15: {  	[dreg:$0x3] =	wrdreg s24;
	s29 =	sadd.s32 $0x80, s24;
	s12 =	smov.u32 s9  }
0x16: {  	s21 =	sadd.s32 $0x80, s9;
	s24 =	simm.s32 $0x70;
	[dreg:$0x9] =	wrdreg s29  }
.LBB2_6:
0x17: {  	_ =	swait.ge [sflag:s18], $0x3800  }
0x18: {  	[sflag:s18] =	ssyncset.done $0x0  }
0x19: {  	[sflag:s18] =	ssyncadd.s32 $0xFFFFC800  }
0x1a: {  	_ =	swait.ge [sflag:s20], $0x3800  }
0x1b: {  	[sflag:s20] =	ssyncset.done $0x0  }
0x1c: {  	[sflag:s20] =	ssyncadd.s32 $0xFFFFC800  }
0x1d: {  	_ =	swait.ge [sflag:s22], $0x3800  }
0x1e: {  	[sflag:s22] =	ssyncset.done $0x0  }
0x1f: {  	[sflag:s22] =	ssyncadd.s32 $0xFFFFC800  }
0x20: {  	[bflag:$0x0] =	sbarrier.arrive $0xFFFF  }
0x21: {  	s8 =	rddreg [dreg:$0x6]  }
0x22: {  	s9 =	rddreg [dreg:$0x4];
	s8 =	sor.u32 $0x1C08, s8  }
0x23: {  	[hbm:s9], [sflag:s8] =	dma.local [spmem:s15], $0x2800  }
0x24: {  	_ =	swait.ge [sflag:s19], $0x2800  }
0x25: {  	s26 =	sadd.s32 $0x1, s26;
	s29 =	rddreg [dreg:$0x5]  }
0x26: {  	p0 =	sne.s32 s26, s29  }
.Ltmp1:
0x27: {  	_ = 	snop;
	(pc) =	sbr.rel @!p0 .LBB2_7-.Ltmp1, $3  }
0x28: {  	_ =	sdelay $0x1  }
0x29: {  	[sflag:s19] =	ssyncset.done $0x0  }
0x2a: {  	[sflag:s19] =	ssyncadd.s32 $0xFFFFD800  }
.LBB2_1:
0x2b: {  	s8 =	rddreg [dreg:$0x7]  }
0x2c: {  	s9 =	rddreg [dreg:$0x8]  }
0x2d: {  	[spmem:s15], [sflag:s9] =	dma.local [hbm:s8], $0x2800  }
0x2e: {  	s17 =	simm.s32 $0x14000;
	s8 =	rddreg [dreg:$0x3]  }
0x2f: {  	[tilespmem:s17], [sflag:$0x8] =	stream.linear.gather [hbm4b:s8+s3], $0x300, $0x38;
	[tilespmem:$0x1F800] =	vst v63  }
0x30: {  	s10 =	simm.s32 $0x14400;
	s11 =	rddreg [dreg:$0x9]  }
0x31: {  	[tilespmem:s10], [sflag:$0x8] =	stream.linear.gather [hbm4b:s11+s3], $0x300, $0x38;
	[tilespmem:$0x1F800] =	vst v63  }
0x32: {  	_ =	swait.ge [sflag:s19], $0x600  }
0x33: {  	[sflag:s19] =	ssyncset.done $0x0  }
0x34: {  	s13 =	simm.s32 $0x14800;
	[sflag:s19] =	ssyncadd.s32 $0xFFFFFA00  }
0x35: {  	[tilespmem:s13], [sflag:$0x8] =	stream.linear.gather [hbm4b:s12+s3], $0x300, $0x38;
	[tilespmem:$0x1F800] =	vst v63  }
0x36: {  	s14 =	simm.s32 $0x14C00  }
0x37: {  	[tilespmem:s14], [sflag:$0x8] =	stream.linear.gather [hbm4b:s21+s3], $0x300, $0x38;
	[tilespmem:$0x1F800] =	vst v63  }
0x38: {  	_ =	swait.ge [sflag:s19], $0x600  }
0x39: {  	[sflag:s19] =	ssyncset.done $0x0  }
0x3a: {  	[sflag:s19] =	ssyncadd.s32 $0xFFFFFA00  }
0x3b: {  	_ =	swait.ge [sflag:s23], $0x2800  }
0x3c: {  	[sflag:s23] =	ssyncset.done $0x0  }
0x3d: {  	[sflag:s23] =	ssyncadd.s32 $0xFFFFD800  }
0x3e: {  	[bflag:$0x0] =	sbarrier.arrive $0xFFFF  }
0x3f: {  	[tilespmem:s25], [sflag:$0x1] =	stream.indirect.gather [hbm4b:s4+s24], $0x80, s17, s24, $0xb8;
	[tilespmem:$0x1F800] =	vst v63  }
.Ltmp2:
0x40: {  	_ = 	snop;
	(pc) =	sbr.rel .LBB2_2-.Ltmp2, $4  }
0x41: {  	s16 =	simm.s32 $0x14080  }
0x42: {  	[tilespmem:s28], [sflag:$0x2] =	stream.indirect.gather [hbm4b:s4+s24], $0x80, s16, s24, $0xb8;
	[tilespmem:$0x1F800] =	vst v63  }
0x43: {  	s29 =	simm.s32 $0x0;
	s10 =	simm.s32 $0x0;
	s17 =	simm.s32 $0x14100  }
0x44: {  	[tilespmem:s30], [sflag:$0x3] =	stream.indirect.gather [hbm4b:s4+s24], $0x80, s17, s24, $0xb8;
	[tilespmem:$0x1F800] =	vst v63  }
.LBB2_4:
0x45: {  	s13 =	smul.u32 $0xAB, s11;
	_ =	sdelay $0x1  }
0x46: {  	s13 =	sshrl.u32 s13, $0xA  }
0x47: {  	s13 =	sand.u32 $0x3F, s13  }
0x48: {  	s14 =	smul.u32 $0x6, s13;
	_ =	sdelay $0x1  }
0x49: {  	p0 =	slt.u32 s10, $0x4;
	s14 =	ssub.s32 s11, s14  }
0x4a: {  	s8 =	sand.u32 @!p0 $0xFF, s14  }
0x4b: {  	_ =	swait.ge [sflag:s22], $0x3800;
	p1 =	sne.s32 @!p0 s8, $0x0  }
0x4c: {  	[sflag:s22] =	ssyncset.done $0x0;
	p0 =	por p1, p0  }
0x4d: {  	[sflag:s22] =	ssyncadd.s32 $0xFFFFC800;
	s8 =	simm.s32 @!p0 $0x7  }
0x4e: {  	_ =	swait.ge @!p0 [sflag:s8], $0x300  }
0x4f: {  	[sflag:s8] =	ssyncset.done @!p0 $0x0  }
0x50: {  	s13 =	sshll.u32 s13, $0xA;
	s14 =	sand.u32 $0xFF, s14;
	[sflag:s8] =	ssyncadd.s32 @!p0 $0xFFFFFD00  }
0x51: {  	s13 =	sand.u32 $0x400, s13;
	s14 =	sshll.u32 s14, $0x7;
	_ =	swait.ge @!p0 [sflag:s8], $0x300  }
0x52: {  	s13 =	sadd.s32 s14, s13;
	[sflag:s8] =	ssyncset.done @!p0 $0x0  }
0x53: {  	s17 =	sadd.s32 $0x14000, s13;
	[sflag:s8] =	ssyncadd.s32 @!p0 $0xFFFFFD00;
	s8 =	sadd.s32 $0xFFFFFFFE, s10  }
0x54: {  	[tilespmem:s30], [sflag:$0x3] =	stream.indirect.gather [hbm4b:s4+s24], $0x80, s17, s24, $0xb8;
	[tilespmem:$0x1F800] =	vst v63  }
0x55: {  	p0 =	sgt.u32 s8, $0x19  }
0x56: {  	s13 =	sand.u32 @!p0 $0xFF, s16  }
0x57: {  	p1 =	sne.s32 @!p0 s13, $0x0  }
0x58: {  	s13 =	sshrl.u32 s10, $0x1;
	p2 =	por p1, p0  }
0x59: {  	s13 =	sshll.u32 @!p2 s13, $0xA  }
0x5a: {  	s13 =	sadd.s32 @!p2 $0x400, s13  }
0x5b: {  	s14 =	sadd.s32 @!p2 s7, s13  }
0x5c: {  	s13 =	sand.u32 @!p2 $0x400, s13;
	s14 =	sshrl.u32 @!p2 s14, $0x3  }
0x5d: {  	s17 =	simm.s32 @!p2 $0x0;
	s16 =	sor.u32 @!p2 $0x14000, s13;
	s9 =	sadd.s32 @!p2 s5, s14  }
0x5e: {  	[tilespmem:s16], [sflag:$0x7] =	stream.linear.gather @!p2 [hbm4b:s9+s17], $0x300, $0x38;
	[tilespmem:$0x1F800] =	vst v63  }
0x5f: {  	s9 =	sor.u32 @!p2 $0x14800, s13;
	s13 =	sadd.s32 @!p2 s6, s14  }
0x60: {  	[tilespmem:s9], [sflag:$0x7] =	stream.linear.gather @!p2 [hbm4b:s13+s17], $0x300, $0x38;
	[tilespmem:$0x1F800] =	vst v63  }
0x61: {  	p3 =	slt.u32 s8, $0x1A;
	p1 =	por !p1, p0;
	p2 =	por @!p2 $0x1, $0x1  }
0x62: {  	p2 =	por @!p1 p3, p3  }
0x63: {  	p3 =	por @!p0 p2, p2  }
.LBB2_5:
0x64: {  	s8 =	sadd.s32 $0x1, s29  }
0x65: {  	s9 =	sand.u32 $0xFF, s8  }
0x66: {  	s9 =	smul.u32 $0xAB, s9;
	_ =	sdelay $0x1  }
0x67: {  	s13 =	sshrl.u32 s9, $0xA  }
0x68: {  	s14 =	smul.u32 $0x6, s13;
	_ =	sdelay $0x1  }
0x69: {  	s8 =	ssub.s32 s8, s14  }
0x6a: {  	_ =	swait.ge [sflag:s0], $0x3800;
	p0 =	seq.s32 s10, $0x1D;
	s14 =	sand.u32 $0x6F, s8  }
0x6b: {  	s16 =	sadd.s32 @!p0 $0x3, s29;
	s9 =	sand.u32 $0x400, s9;
	s14 =	sshll.u32 s14, $0x7  }
0x6c: {  	[sflag:s0] =	ssyncset.done $0x0;
	s9 =	sor.u32 s14, s9;
	s14 =	sand.u32 @!p0 $0xFF, s16  }
0x6d: {  	[sflag:s0] =	ssyncadd.s32 $0xFFFFC800;
	s9 =	sor.u32 $0x14800, s9;
	s14 =	smul.u32 @!p0 $0xAB, s14  }
0x6e: {  	[spmem:s1] =	stream.indirect.scatter.add.f32 [tilespmem:s28], [sflag:$0x5], $0x80, s9, s24, $0xb8;
	[tilespmem:$0x1F800] =	vst v63  }
0x6f: {  	s9 =	sshrl.u32 @!p0 s14, $0xA  }
0x70: {  	s14 =	smul.u32 @!p0 $0x6, s9  }
0x71: {  	p1 =	slt.u32 @!p0 s10, $0x3  }
0x72: {  	p2 =	por p1, p0;
	s14 =	ssub.s32 @!p0 s16, s14  }
0x73: {  	s16 =	sand.u32 @!p2 $0xFF, s14  }
0x74: {  	s17 =	simm.s32 @!p0 $0x4;
	p4 =	sne.s32 @!p2 s16, $0x0  }
0x75: {  	_ =	swait.ge @!p0 [sflag:s17], $0x3800;
	p4 =	por @!p0 p4, p1  }
0x76: {  	[sflag:s17] =	ssyncset.done @!p0 $0x0;
	p4 =	por p4, p0  }
0x77: {  	[sflag:s17] =	ssyncadd.s32 @!p0 $0xFFFFC800;
	s16 =	simm.s32 @!p4 $0x7  }
0x78: {  	p3 =	por !p3, !p3;
	s8 =	sand.u32 $0xFF, s8;
	_ =	swait.ge @!p4 [sflag:s16], $0x300  }
0x79: {  	s9 =	sshll.u32 @!p0 s9, $0xA;
	s14 =	sand.u32 @!p0 $0xFF, s14;
	[sflag:s16] =	ssyncset.done @!p4 $0x0  }
0x7a: {  	s9 =	sand.u32 @!p0 $0x400, s9;
	s14 =	sshll.u32 @!p0 s14, $0x7;
	[sflag:s16] =	ssyncadd.s32 @!p4 $0xFFFFFD00  }
0x7b: {  	p5 =	sne.s32 s8, $0x0;
	s9 =	sadd.s32 @!p0 s14, s9;
	_ =	swait.ge @!p4 [sflag:s16], $0x300  }
0x7c: {  	s14 =	simm.s32 @!p0 $0x70;
	s9 =	sadd.s32 @!p0 $0x14000, s9;
	[sflag:s16] =	ssyncset.done @!p4 $0x0  }
0x7d: {  	[sflag:s16] =	ssyncadd.s32 @!p4 $0xFFFFFD00;
	s16 =	simm.s32 @!p0 $0x15000;
	p4 =	por p5, p3  }
0x7e: {  	[tilespmem:s16], [sflag:$0x1] =	stream.indirect.gather @!p0 [hbm4b:s4+s14], $0x80, s9, s14, $0xb8;
	[tilespmem:$0x1F800] =	vst v63  }
0x7f: {  	s8 =	sshll.u32 @!p4 s13, $0xA  }
0x80: {  	s8 =	sadd.s32 @!p4 $0x400, s8  }
0x81: {  	s9 =	sadd.s32 @!p4 s7, s8  }
0x82: {  	s8 =	sand.u32 @!p4 $0x400, s8;
	s9 =	sshrl.u32 @!p4 s9, $0x3  }
0x83: {  	s17 =	simm.s32 @!p4 $0x0;
	s13 =	sor.u32 @!p4 $0x14000, s8;
	s16 =	sadd.s32 @!p4 s5, s9  }
0x84: {  	[tilespmem:s13], [sflag:$0x7] =	stream.linear.gather @!p4 [hbm4b:s16+s17], $0x300, $0x38;
	[tilespmem:$0x1F800] =	vst v63  }
0x85: {  	s8 =	sor.u32 @!p4 $0x14800, s8;
	s9 =	sadd.s32 @!p4 s6, s9;
	s13 =	smul.u32 $0xAB, s11  }
0x86: {  	[tilespmem:s8], [sflag:$0x7] =	stream.linear.gather @!p4 [hbm4b:s9+s17], $0x300, $0x38;
	[tilespmem:$0x1F800] =	vst v63  }
0x87: {  	s16 =	sshrl.u32 s13, $0xA  }
0x88: {  	s8 =	sand.u32 $0x3F, s16  }
0x89: {  	s17 =	smul.u32 $0x6, s8  }
0x8a: {  	s16 =	sadd.s32 @!p0 $0x4, s29  }
0x8b: {  	s9 =	ssub.s32 s11, s17;
	s11 =	sand.u32 @!p0 $0xFF, s16  }
0x8c: {  	s17 =	sand.u32 $0x6F, s9;
	s11 =	smul.u32 @!p0 $0xAB, s11  }
0x8d: {  	s13 =	sand.u32 $0x400, s13;
	_ =	swait.ge [sflag:s2], $0x3800;
	s17 =	sshll.u32 s17, $0x7  }
0x8e: {  	[sflag:s2] =	ssyncset.done $0x0;
	s13 =	sor.u32 s17, s13;
	s11 =	sshrl.u32 @!p0 s11, $0xA  }
0x8f: {  	[sflag:s2] =	ssyncadd.s32 $0xFFFFC800;
	s13 =	sor.u32 $0x14800, s13;
	s17 =	smul.u32 @!p0 $0x6, s11  }
0x90: {  	[spmem:s1] =	stream.indirect.scatter.add.f32 [tilespmem:s30], [sflag:$0x6], $0x80, s13, s24, $0xb8;
	[tilespmem:$0x1F800] =	vst v63  }
0x91: {  	s13 =	ssub.s32 @!p0 s16, s17  }
0x92: {  	s16 =	sand.u32 @!p2 $0xFF, s13  }
0x93: {  	s17 =	simm.s32 @!p0 $0x5;
	p2 =	sne.s32 @!p2 s16, $0x0  }
0x94: {  	_ =	swait.ge @!p0 [sflag:s17], $0x3800;
	p1 =	por @!p0 p2, p1  }
0x95: {  	[sflag:s17] =	ssyncset.done @!p0 $0x0;
	p1 =	por p1, p0  }
0x96: {  	[sflag:s17] =	ssyncadd.s32 @!p0 $0xFFFFC800;
	s16 =	simm.s32 @!p1 $0x7  }
0x97: {  	_ =	swait.ge @!p1 [sflag:s16], $0x300  }
0x98: {  	s9 =	sand.u32 $0xFF, s9;
	[sflag:s16] =	ssyncset.done @!p1 $0x0  }
0x99: {  	s11 =	sshll.u32 @!p0 s11, $0xA;
	s13 =	sand.u32 @!p0 $0xFF, s13;
	[sflag:s16] =	ssyncadd.s32 @!p1 $0xFFFFFD00  }
0x9a: {  	s11 =	sand.u32 @!p0 $0x400, s11;
	s13 =	sshll.u32 @!p0 s13, $0x7;
	_ =	swait.ge @!p1 [sflag:s16], $0x300  }
0x9b: {  	p6 =	sne.s32 s9, $0x0;
	s11 =	sadd.s32 @!p0 s13, s11;
	[sflag:s16] =	ssyncset.done @!p1 $0x0  }
0x9c: {  	s13 =	simm.s32 @!p0 $0x18800;
	s11 =	sadd.s32 @!p0 $0x14000, s11;
	[sflag:s16] =	ssyncadd.s32 @!p1 $0xFFFFFD00  }
0x9d: {  	[tilespmem:s13], [sflag:$0x2] =	stream.indirect.gather @!p0 [hbm4b:s4+s14], $0x80, s11, s14, $0xb8;
	[tilespmem:$0x1F800] =	vst v63  }
0x9e: {  	p0 =	por p6, p3  }
0x9f: {  	s8 =	sshll.u32 @!p0 s8, $0xA  }
0xa0: {  	s8 =	sadd.s32 @!p0 $0x400, s8  }
0xa1: {  	s9 =	sadd.s32 @!p0 s7, s8  }
0xa2: {  	s8 =	sand.u32 @!p0 $0x400, s8;
	s9 =	sshrl.u32 @!p0 s9, $0x3  }
0xa3: {  	s14 =	simm.s32 @!p0 $0x0;
	s11 =	sor.u32 @!p0 $0x14000, s8;
	s13 =	sadd.s32 @!p0 s5, s9  }
0xa4: {  	[tilespmem:s11], [sflag:$0x7] =	stream.linear.gather @!p0 [hbm4b:s13+s14], $0x300, $0x38;
	[tilespmem:$0x1F800] =	vst v63  }
0xa5: {  	s10 =	sadd.s32 $0x1, s10;
	s8 =	sor.u32 @!p0 $0x14800, s8;
	s9 =	sadd.s32 @!p0 s6, s9  }
0xa6: {  	[tilespmem:s8], [sflag:$0x7] =	stream.linear.gather @!p0 [hbm4b:s9+s14], $0x300, $0x38;
	[tilespmem:$0x1F800] =	vst v63  }
0xa7: {  	p0 =	sne.s32 s10, $0x1E  }
.Ltmp3:
0xa8: {  	_ = 	snop;
	(pc) =	sbr.rel @!p0 .LBB2_6-.Ltmp3, $2  }
0xa9: {  	_ =	sdelay $0x2  }
0xaa: {  	s29 =	sadd.s32 $0x3, s29  }
.LBB2_2:
0xab: {  	s11 =	sand.u32 $0xFF, s29  }
0xac: {  	s11 =	smul.u32 $0xAB, s11;
	_ =	sdelay $0x1  }
0xad: {  	s11 =	sshrl.u32 s11, $0xA  }
0xae: {  	s11 =	smul.u32 $0x6, s11;
	_ =	sdelay $0x1  }
0xaf: {  	s13 =	sshll.u32 s10, $0x9;
	s16 =	ssub.s32 s29, s11  }
0xb0: {  	_ =	swait.ge [sflag:s31], $0x3800;
	p0 =	seq.s32 s10, $0x0;
	s11 =	sand.u32 $0x6F, s16  }
.Ltmp4:
0xb1: {  	s13 =	sand.u32 $0x400, s13;
	s11 =	sshll.u32 s11, $0x7;
	(pc) =	sbr.rel @!p0 .LBB2_4-.Ltmp4, $4  }
0xb2: {  	[sflag:s31] =	ssyncset.done $0x0;
	s11 =	sor.u32 s11, s13  }
0xb3: {  	[sflag:s31] =	ssyncadd.s32 $0xFFFFC800;
	s11 =	sor.u32 $0x14800, s11  }
0xb4: {  	[spmem:s1] =	stream.indirect.scatter.add.f32 [tilespmem:s25], [sflag:$0x4], $0x80, s11, s24, $0xb8;
	[tilespmem:$0x1F800] =	vst v63  }
0xb5: {  	s11 =	sadd.s32 $0x2, s29  }
.Ltmp5:
0xb6: {  	(pc) =	sbr.rel .LBB2_5-.Ltmp5, $2  }
0xb7: {  	_ =	sdelay $0x2  }
0xb8: {  	p3 =	por $0x0, $0x0  }
.LBB2_7:
0xb9: {  	_ =	sfence.sel $0x180000  }
0xba: {  	[bflag:$0x0] =	sbarrier.arrive $0xFFFF  }
0xbb: {  	_ =	strace $0x90000050  }
0xbc: {  	s0 =	stileid.u32;
	[bflag:$0x2] =	sbarrier.arrive $0xFFFF  }
0xbd: {  	p0 =	sne.s32 s0, $0x0;
	s0 =	rddreg [dreg:$0x2]  }
0xbe: {  	s0 =	sadd.s32 @!p0 $0x100000, s0  }
0xbf: {  	[sflag:s0] =	ssyncadd.tile.s32 @!p0 $0x1;
	_ =	shalt  }
.Lfunc_end2:
_tile_overlayer_lowered:
.L_overlay_start_2:
0xc0: {  	(tag) =	ssettag $0x2  }
0xc1: {  	s0 =	rddreg [dreg:$0x0];
	s2 =	stileid.u32  }
0xc2: {  	s1 =	rddreg [dreg:$0x1];
	p0 =	sne.s32 s2, $0x0  }
0xc3: {  	s3 =	rddreg [dreg:$0x2];
	[bflag:$0x3] =	sbarrier.arrive $0xFFFF;
	s2 =	simm.s32 @!p0 $0x1C08  }
0xc4: {  	[timem:s3], [sflag:s2] =	dma.local @!p0 [hbm:s0], s1  }
0xc5: {  	s0 =	simm.s32 @!p0 $0x8  }
0xc6: {  	_ =	swait.ge @!p0 [sflag:s0], s1  }
0xc7: {  	s1 =	ssub.s32 @!p0 $0x0, s1;
	[sflag:s0] =	ssyncset.done @!p0 $0x0  }
0xc8: {  	[sflag:s0] =	ssyncadd.s32 @!p0 s1  }
0xc9: {  	[bflag:$0x3] =	sbarrier.arrive $0xFFFF  }
0xca: {  	_ =	shalt  }

</sc_bundles>
